<compile_context>
chip_gen: v7x
topology: tpu7x:2x2x1
jax: 0.10.2.dev20260603
libtpu: 0.0.44.dev20260713+nightly
codegen_flags: <defaults>
</compile_context>

<pallas_src>
import functools

import jax
import jax.numpy as jnp
from jax import lax
from jax.experimental import pallas as pl
from jax.experimental.pallas import tpu as pltpu
from jax.experimental.pallas import tpu_sc as plsc

B = 4
C = 96
H = 512
W = 512
HW = H * W
NW = 32
GROUPS = NW // B
CPG = C // GROUPS
LANES = 16
CROWS = 8
CCOLS = 256
NCH = H // CROWS
NCW = W // CCOLS
NCHUNK = NCH * NCW
NACC = 1 + 2 * CPG


def _sc_partials(feat4, mask3):
    mesh = plsc.VectorSubcoreMesh(core_axis_name="c", subcore_axis_name="s")

    @functools.partial(
        pl.kernel,
        mesh=mesh,
        out_type=jax.ShapeDtypeStruct((NW, NACC, LANES), jnp.float32),
        scratch_types=[
            pltpu.VMEM((2, CPG, CROWS, CCOLS), jnp.float32),
            pltpu.VMEM((2, CROWS, CCOLS), jnp.float32),
            pltpu.VMEM((NACC, LANES), jnp.float32),
            pltpu.SemaphoreType.DMA,
            pltpu.SemaphoreType.DMA,
        ],
        compiler_params=pltpu.CompilerParams(use_tc_tiling_on_sc=True),
    )
    def kern(feat_h, mask_h, out_h, fbuf, mbuf, obuf, sem0, sem1):
        wid = lax.axis_index("s") * 2 + lax.axis_index("c")
        b = wid // GROUPS
        ch0 = (wid % GROUPS) * CPG
        sems = (sem0, sem1)

        def dma_descs(slot, j):
            r0 = (j // NCW) * CROWS
            w0 = (j % NCW) * CCOLS
            ds = [
                pltpu.make_async_copy(
                    mask_h.at[b, pl.ds(r0, CROWS), pl.ds(w0, CCOLS)],
                    mbuf.at[slot],
                    sems[slot],
                )
            ]
            for c in range(CPG):
                ds.append(
                    pltpu.make_async_copy(
                        feat_h.at[b, ch0 + c, pl.ds(r0, CROWS), pl.ds(w0, CCOLS)],
                        fbuf.at[slot, c],
                        sems[slot],
                    )
                )
            return ds

        def issue(slot, j):
            for d in dma_descs(slot, j):
                d.start()

        def drain(slot, j):
            for d in dma_descs(slot, j):
                d.wait()

        def compute_slot(slot, acc):
            def inner(i, acc):
                base = pl.multiple_of(i * LANES, LANES)
                for r in range(CROWS):
                    cnt = acc[0]
                    m = mbuf[slot, r, pl.ds(base, LANES)]
                    indf = jnp.where(m > 0.5, 1.0, 0.0)
                    cnt = cnt + indf
                    new_fg = []
                    new_tot = []
                    for c in range(CPG):
                        f = fbuf[slot, c, r, pl.ds(base, LANES)]
                        new_fg.append(acc[1 + c] + f * indf)
                        new_tot.append(acc[1 + CPG + c] + f)
                    acc = (cnt, *new_fg, *new_tot)
                return acc

            return lax.fori_loop(0, CCOLS // LANES, inner, acc)

        zero = jnp.zeros((LANES,), jnp.float32)
        acc = (zero,) * NACC

        issue(0, 0)

        def body(k, acc):
            j1 = 2 * k + 1
            issue(1, j1)
            drain(0, 2 * k)
            acc = compute_slot(0, acc)
            j2 = lax.rem(2 * k + 2, NCHUNK)
            issue(0, j2)
            drain(1, j1)
            acc = compute_slot(1, acc)
            return acc

        acc = lax.fori_loop(0, NCHUNK // 2, body, acc)
        drain(0, 0)

        for r in range(NACC):
            obuf[r, :] = acc[r]
        pltpu.sync_copy(obuf, out_h.at[wid])

    return kern(feat4, mask3)


def kernel(feat_hw, mask_hw, pf, pb, init_f, init_b):
    m = 0.9

    part = _sc_partials(feat_hw, mask_hw).sum(-1)
    part = part.reshape(B, GROUPS, NACC)

    cnt_fg = part[:, 0, 0].sum()
    cnt_bg = jnp.float32(B * HW) - cnt_fg
    s_fg = part[:, :, 1 : 1 + CPG].reshape(B, C).sum(0)
    s_tot = part[:, :, 1 + CPG :].reshape(B, C).sum(0)

    mf = s_fg / jnp.maximum(cnt_fg, 1.0)
    mb = (s_tot - s_fg) / jnp.maximum(cnt_bg, 1.0)

    pf_upd = jnp.where(init_f == 0, mf, pf * m + mf * (1.0 - m))
    pf_new = jnp.where(cnt_fg > 0, pf_upd, pf)
    pb_upd = jnp.where(init_b == 0, mb, pb * m + mb * (1.0 - m))
    pb_new = jnp.where(cnt_bg > 0, pb_upd, pb)
    return jnp.stack([pf_new, pb_new])

# --- scband reference (transcript-rebuilt; emitter-appended) ---
"""Pipeline reference for scband-proto-bank-ema-55714315764083 (READ-ONLY COPY).

The authoritative reference and input builder live on the scoring server;
editing this copy changes nothing except your own understanding.
"""

import jax, jax.numpy as jnp
import numpy as np


def setup_inputs(seed: int = 0) -> dict:
    key = jax.random.key(seed)
    k1, k2, k3, k4 = jax.random.split(key, 4)
    feat_hw = jax.random.normal(k1, (4, 96, 512, 512), dtype=jnp.float32)
    mask_hw = jax.random.uniform(k2, (4, 512, 512), dtype=jnp.float32)
    pf = jax.random.normal(k3, (96,), dtype=jnp.float32)
    pb = jax.random.normal(k4, (96,), dtype=jnp.float32)
    return {"feat_hw": feat_hw, "mask_hw": mask_hw, "pf": pf, "pb": pb, "init_f": 1, "init_b": 1}


def reference(feat_hw, mask_hw, pf, pb, init_f, init_b):
    m = 0.9
    B, C, H, W = feat_hw.shape
    # x = feat_hw.permute(0,2,3,1).reshape(-1, C)
    x = jnp.transpose(feat_hw, (0, 2, 3, 1)).reshape(-1, C)
    # y = (mask_hw > 0.5).float().view(-1)
    y = (mask_hw > 0.5).reshape(-1)
    seg = y.astype(jnp.int32)  # 0 = background, 1 = foreground
    # masked class means via segment reduction over all pixels
    sums = jax.ops.segment_sum(x, seg, num_segments=2)
    counts = jax.ops.segment_sum(jnp.ones((x.shape[0],), dtype=x.dtype), seg, num_segments=2)
    mf = sums[1] / jnp.maximum(counts[1], 1.0)
    mb = sums[0] / jnp.maximum(counts[0], 1.0)
    # foreground prototype update (Eq. 9): copy if uninitialized else EMA
    pf_upd = jnp.where(init_f == 0, mf, pf * m + mf * (1.0 - m))
    pf_new = jnp.where(counts[1] > 0, pf_upd, pf)
    # background prototype update
    pb_upd = jnp.where(init_b == 0, mb, pb * m + mb * (1.0 - m))
    pb_new = jnp.where(counts[0] > 0, pb_upd, pb)
    return jnp.stack([pf_new, pb_new])

if __name__ == "__main__":
    import jax
    _d = setup_inputs()
    print(jax.jit(kernel)(*tuple(_d.values())))

</pallas_src>

<mosaic_0001>
#map = affine_map<(d0, d1) -> (0, 0, 0, 0)>
#map1 = affine_map<(d0, d1) -> (0, 0, 0)>
module attributes {stable_mosaic.version = 14 : i64} {
  func.func @kern(%arg0: i32, %arg1: i32, %arg2: memref<4x96x512x512xf32, #tpu.memory_space<hbm>>, %arg3: memref<4x512x512xf32, #tpu.memory_space<hbm>>, %arg4: memref<32x25x16xf32, #tpu.memory_space<hbm>>, %arg5: memref<2x12x8x256xf32, #tpu.memory_space<vmem>>, %arg6: memref<2x8x256xf32, #tpu.memory_space<vmem>>, %arg7: memref<25x16xf32, #tpu.memory_space<vmem>>, %arg8: memref<!tpu.dma_semaphore, #tpu.memory_space<semaphore_mem>>, %arg9: memref<!tpu.dma_semaphore, #tpu.memory_space<semaphore_mem>>) attributes {dimension_semantics = [#tpu.dimension_semantics<core_parallel>, #tpu.dimension_semantics<subcore_parallel>], iteration_bounds = array<i64: 2, 16>, scalar_prefetch = 0 : i64, scratch_operands = 5 : i64, tpu.core_type = #tpu.core_type<sc_vector_subcore>, window_params = [{transform_indices = #map}, {transform_indices = #map1}, {transform_indices = #map1}]} {
    %mul3A = arith.constant 2 : i32
    %mul3A_0 = arith.muli %arg1, %mul3A : i32
    %add3A = arith.addi %mul3A_0, %arg0 : i32
    %jit3A = arith.constant 8 : i32
    %div3A = arith.divsi %add3A, %jit3A : i32
    %sign3A = arith.constant 0 : i32
    %sign3A_1 = arith.cmpi sgt, %add3A, %sign3A : i32
    %sign3A_2 = arith.extui %sign3A_1 : i1 to i32
    %sign3A_3 = arith.constant 0 : i32
    %sign3A_4 = arith.cmpi slt, %add3A, %sign3A_3 : i32
    %sign3A_5 = arith.extui %sign3A_4 : i1 to i32
    %sign3A_6 = arith.subi %sign3A_2, %sign3A_5 : i32
    %sign3A_7 = arith.constant 0 : i32
    %sign3A_8 = arith.cmpi sgt, %jit3A, %sign3A_7 : i32
    %sign3A_9 = arith.extui %sign3A_8 : i1 to i32
    %sign3A_10 = arith.constant 0 : i32
    %sign3A_11 = arith.cmpi slt, %jit3A, %sign3A_10 : i32
    %sign3A_12 = arith.extui %sign3A_11 : i1 to i32
    %sign3A_13 = arith.subi %sign3A_9, %sign3A_12 : i32
    %ne3A = arith.cmpi ne, %sign3A_6, %sign3A_13 : i32
    %rem3A = arith.remsi %add3A, %jit3A : i32
    %ne3A_14 = arith.constant 0 : i32
    %ne3A_15 = arith.cmpi ne, %rem3A, %ne3A_14 : i32
    %and3A = arith.andi %ne3A, %ne3A_15 : i1
    %sub3A = arith.constant 1 : i32
    %sub3A_16 = arith.subi %div3A, %sub3A : i32
    %select_n3A = arith.select %and3A, %sub3A_16, %div3A : i32
    %jit3A_17 = arith.constant 8 : i32
    %eq3A = arith.constant 0 : i32
    %eq3A_18 = arith.cmpi eq, %jit3A_17, %eq3A : i32
    %jit3A_19 = arith.constant 1 : i32
    %select_n3A_20 = arith.select %eq3A_18, %jit3A_19, %jit3A_17 : i32
    %rem3A_21 = arith.remsi %add3A, %select_n3A_20 : i32
    %ne3A_22 = arith.constant 0 : i32
    %ne3A_23 = arith.cmpi ne, %rem3A_21, %ne3A_22 : i32
    %lt3A = arith.constant 0 : i32
    %lt3A_24 = arith.cmpi slt, %rem3A_21, %lt3A : i32
    %lt3A_25 = arith.constant 0 : i32
    %lt3A_26 = arith.cmpi slt, %select_n3A_20, %lt3A_25 : i32
    %ne3A_27 = arith.xori %lt3A_24, %lt3A_26 : i1
    %and3A_28 = arith.andi %ne3A_27, %ne3A_23 : i1
    %add3A_29 = arith.addi %rem3A_21, %select_n3A_20 : i32
    %select_n3A_30 = arith.select %and3A_28, %add3A_29, %rem3A_21 : i32
    %mul3A_31 = arith.constant 12 : i32
    %mul3A_32 = arith.muli %select_n3A_30, %mul3A_31 : i32
    %broadcast_in_dim3A = arith.constant 0.000000e+00 : f32
    %broadcast_in_dim3A_33 = vector.broadcast %broadcast_in_dim3A : f32 to vector<16xf32>
    %add3A_34 = arith.constant 0 : i32
    %add3A_35 = arith.addi %mul3A_32, %add3A_34 : i32
    %add3A_36 = arith.constant 1 : i32
    %add3A_37 = arith.addi %mul3A_32, %add3A_36 : i32
    %add3A_38 = arith.constant 2 : i32
    %add3A_39 = arith.addi %mul3A_32, %add3A_38 : i32
    %add3A_40 = arith.constant 3 : i32
    %add3A_41 = arith.addi %mul3A_32, %add3A_40 : i32
    %add3A_42 = arith.constant 4 : i32
    %add3A_43 = arith.addi %mul3A_32, %add3A_42 : i32
    %add3A_44 = arith.constant 5 : i32
    %add3A_45 = arith.addi %mul3A_32, %add3A_44 : i32
    %add3A_46 = arith.constant 6 : i32
    %add3A_47 = arith.addi %mul3A_32, %add3A_46 : i32
    %add3A_48 = arith.constant 7 : i32
    %add3A_49 = arith.addi %mul3A_32, %add3A_48 : i32
    %add3A_50 = arith.constant 8 : i32
    %add3A_51 = arith.addi %mul3A_32, %add3A_50 : i32
    %add3A_52 = arith.constant 9 : i32
    %add3A_53 = arith.addi %mul3A_32, %add3A_52 : i32
    %add3A_54 = arith.constant 10 : i32
    %add3A_55 = arith.addi %mul3A_32, %add3A_54 : i32
    %add3A_56 = arith.constant 11 : i32
    %add3A_57 = arith.addi %mul3A_32, %add3A_56 : i32
    %dma_start3A = arith.constant 0 : i32
    %dma_start3A_58 = arith.constant 0 : i32
    %dma_start3A_59 = arith.constant 0 : i32
    %dma_start3A_60 = tpu.memref_slice %arg6[%dma_start3A, %dma_start3A_58, %dma_start3A_59] : memref<2x8x256xf32, #tpu.memory_space<vmem>> -> memref<1x8x256xf32, #tpu.memory_space<vmem>>
    %dma_start3A_61 = tpu.memref_squeeze %dma_start3A_60 : memref<1x8x256xf32, #tpu.memory_space<vmem>> -> memref<8x256xf32, #tpu.memory_space<vmem>>
    %dma_start3A_62 = arith.constant 0 : i32
    %dma_start3A_63 = arith.constant 0 : i32
    %dma_start3A_64 = tpu.memref_slice %arg3[%select_n3A, %dma_start3A_62, %dma_start3A_63] : memref<4x512x512xf32, #tpu.memory_space<hbm>> -> memref<1x8x256xf32, #tpu.memory_space<hbm>>
    %dma_start3A_65 = tpu.memref_squeeze %dma_start3A_64 : memref<1x8x256xf32, #tpu.memory_space<hbm>> -> memref<8x256xf32, #tpu.memory_space<hbm>>
    %dma_start3A_66 = arith.constant 0 : i32
    %dma_start3A_67 = arith.constant 0 : i32
    %dma_start3A_68 = tpu.memref_slice %arg6[%dma_start3A, %dma_start3A_66, %dma_start3A_67] : memref<2x8x256xf32, #tpu.memory_space<vmem>> -> memref<1x8x256xf32, #tpu.memory_space<vmem>>
    %dma_start3A_69 = tpu.memref_squeeze %dma_start3A_68 : memref<1x8x256xf32, #tpu.memory_space<vmem>> -> memref<8x256xf32, #tpu.memory_space<vmem>>
    %dma_start3A_70 = arith.constant 0 : i32
    %dma_start3A_71 = arith.constant 0 : i32
    %dma_start3A_72 = tpu.memref_slice %arg3[%select_n3A, %dma_start3A_70, %dma_start3A_71] : memref<4x512x512xf32, #tpu.memory_space<hbm>> -> memref<1x8x256xf32, #tpu.memory_space<hbm>>
    %dma_start3A_73 = tpu.memref_squeeze %dma_start3A_72 : memref<1x8x256xf32, #tpu.memory_space<hbm>> -> memref<8x256xf32, #tpu.memory_space<hbm>>
    tpu.enqueue_dma source(%dma_start3A_73 : memref<8x256xf32, #tpu.memory_space<hbm>>) target(%dma_start3A_69 : memref<8x256xf32, #tpu.memory_space<vmem>>) target_semaphore(%arg8 : memref<!tpu.dma_semaphore, #tpu.memory_space<semaphore_mem>>)
    %dma_start3A_74 = arith.constant 0 : i32
    %dma_start3A_75 = arith.constant 0 : i32
    %dma_start3A_76 = arith.constant 0 : i32
    %dma_start3A_77 = arith.constant 0 : i32
    %dma_start3A_78 = tpu.memref_slice %arg5[%dma_start3A_74, %dma_start3A_75, %dma_start3A_76, %dma_start3A_77] : memref<2x12x8x256xf32, #tpu.memory_space<vmem>> -> memref<1x1x8x256xf32, #tpu.memory_space<vmem>>
    %dma_start3A_79 = tpu.memref_squeeze %dma_start3A_78 : memref<1x1x8x256xf32, #tpu.memory_space<vmem>> -> memref<8x256xf32, #tpu.memory_space<vmem>>
    %dma_start3A_80 = arith.constant 0 : i32
    %dma_start3A_81 = arith.constant 0 : i32
    %dma_start3A_82 = tpu.memref_slice %arg2[%select_n3A, %add3A_35, %dma_start3A_80, %dma_start3A_81] : memref<4x96x512x512xf32, #tpu.memory_space<hbm>> -> memref<1x1x8x256xf32, #tpu.memory_space<hbm>>
    %dma_start3A_83 = tpu.memref_squeeze %dma_start3A_82 : memref<1x1x8x256xf32, #tpu.memory_space<hbm>> -> memref<8x256xf32, #tpu.memory_space<hbm>>
    %dma_start3A_84 = arith.constant 0 : i32
    %dma_start3A_85 = arith.constant 0 : i32
    %dma_start3A_86 = tpu.memref_slice %arg5[%dma_start3A_74, %dma_start3A_75, %dma_start3A_84, %dma_start3A_85] : memref<2x12x8x256xf32, #tpu.memory_space<vmem>> -> memref<1x1x8x256xf32, #tpu.memory_space<vmem>>
    %dma_start3A_87 = tpu.memref_squeeze %dma_start3A_86 : memref<1x1x8x256xf32, #tpu.memory_space<vmem>> -> memref<8x256xf32, #tpu.memory_space<vmem>>
    %dma_start3A_88 = arith.constant 0 : i32
    %dma_start3A_89 = arith.constant 0 : i32
    %dma_start3A_90 = tpu.memref_slice %arg2[%select_n3A, %add3A_35, %dma_start3A_88, %dma_start3A_89] : memref<4x96x512x512xf32, #tpu.memory_space<hbm>> -> memref<1x1x8x256xf32, #tpu.memory_space<hbm>>
    %dma_start3A_91 = tpu.memref_squeeze %dma_start3A_90 : memref<1x1x8x256xf32, #tpu.memory_space<hbm>> -> memref<8x256xf32, #tpu.memory_space<hbm>>
    tpu.enqueue_dma source(%dma_start3A_91 : memref<8x256xf32, #tpu.memory_space<hbm>>) target(%dma_start3A_87 : memref<8x256xf32, #tpu.memory_space<vmem>>) target_semaphore(%arg8 : memref<!tpu.dma_semaphore, #tpu.memory_space<semaphore_mem>>)
    %dma_start3A_92 = arith.constant 0 : i32
    %dma_start3A_93 = arith.constant 1 : i32
    %dma_start3A_94 = arith.constant 0 : i32
    %dma_start3A_95 = arith.constant 0 : i32
    %dma_start3A_96 = tpu.memref_slice %arg5[%dma_start3A_92, %dma_start3A_93, %dma_start3A_94, %dma_start3A_95] : memref<2x12x8x256xf32, #tpu.memory_space<vmem>> -> memref<1x1x8x256xf32, #tpu.memory_space<vmem>>
    %dma_start3A_97 = tpu.memref_squeeze %dma_start3A_96 : memref<1x1x8x256xf32, #tpu.memory_space<vmem>> -> memref<8x256xf32, #tpu.memory_space<vmem>>
    %dma_start3A_98 = arith.constant 0 : i32
    %dma_start3A_99 = arith.constant 0 : i32
    %dma_start3A_100 = tpu.memref_slice %arg2[%select_n3A, %add3A_37, %dma_start3A_98, %dma_start3A_99] : memref<4x96x512x512xf32, #tpu.memory_space<hbm>> -> memref<1x1x8x256xf32, #tpu.memory_space<hbm>>
    %dma_start3A_101 = tpu.memref_squeeze %dma_start3A_100 : memref<1x1x8x256xf32, #tpu.memory_space<hbm>> -> memref<8x256xf32, #tpu.memory_space<hbm>>
    %dma_start3A_102 = arith.constant 0 : i32
    %dma_start3A_103 = arith.constant 0 : i32
    %dma_start3A_104 = tpu.memref_slice %arg5[%dma_start3A_92, %dma_start3A_93, %dma_start3A_102, %dma_start3A_103] : memref<2x12x8x256xf32, #tpu.memory_space<vmem>> -> memref<1x1x8x256xf32, #tpu.memory_space<vmem>>
    %dma_start3A_105 = tpu.memref_squeeze %dma_start3A_104 : memref<1x1x8x256xf32, #tpu.memory_space<vmem>> -> memref<8x256xf32, #tpu.memory_space<vmem>>
    %dma_start3A_106 = arith.constant 0 : i32
    %dma_start3A_107 = arith.constant 0 : i32
    %dma_start3A_108 = tpu.memref_slice %arg2[%select_n3A, %add3A_37, %dma_start3A_106, %dma_start3A_107] : memref<4x96x512x512xf32, #tpu.memory_space<hbm>> -> memref<1x1x8x256xf32, #tpu.memory_space<hbm>>
    %dma_start3A_109 = tpu.memref_squeeze %dma_start3A_108 : memref<1x1x8x256xf32, #tpu.memory_space<hbm>> -> memref<8x256xf32, #tpu.memory_space<hbm>>
    tpu.enqueue_dma source(%dma_start3A_109 : memref<8x256xf32, #tpu.memory_space<hbm>>) target(%dma_start3A_105 : memref<8x256xf32, #tpu.memory_space<vmem>>) target_semaphore(%arg8 : memref<!tpu.dma_semaphore, #tpu.memory_space<semaphore_mem>>)
    %dma_start3A_110 = arith.constant 0 : i32
    %dma_start3A_111 = arith.constant 2 : i32
    %dma_start3A_112 = arith.constant 0 : i32
    %dma_start3A_113 = arith.constant 0 : i32
    %dma_start3A_114 = tpu.memref_slice %arg5[%dma_start3A_110, %dma_start3A_111, %dma_start3A_112, %dma_start3A_113] : memref<2x12x8x256xf32, #tpu.memory_space<vmem>> -> memref<1x1x8x256xf32, #tpu.memory_space<vmem>>
    %dma_start3A_115 = tpu.memref_squeeze %dma_start3A_114 : memref<1x1x8x256xf32, #tpu.memory_space<vmem>> -> memref<8x256xf32, #tpu.memory_space<vmem>>
    %dma_start3A_116 = arith.constant 0 : i32
    %dma_start3A_117 = arith.constant 0 : i32
    %dma_start3A_118 = tpu.memref_slice %arg2[%select_n3A, %add3A_39, %dma_start3A_116, %dma_start3A_117] : memref<4x96x512x512xf32, #tpu.memory_space<hbm>> -> memref<1x1x8x256xf32, #tpu.memory_space<hbm>>
    %dma_start3A_119 = tpu.memref_squeeze %dma_start3A_118 : memref<1x1x8x256xf32, #tpu.memory_space<hbm>> -> memref<8x256xf32, #tpu.memory_space<hbm>>
    %dma_start3A_120 = arith.constant 0 : i32
    %dma_start3A_121 = arith.constant 0 : i32
    %dma_start3A_122 = tpu.memref_slice %arg5[%dma_start3A_110, %dma_start3A_111, %dma_start3A_120, %dma_start3A_121] : memref<2x12x8x256xf32, #tpu.memory_space<vmem>> -> memref<1x1x8x256xf32, #tpu.memory_space<vmem>>
    %dma_start3A_123 = tpu.memref_squeeze %dma_start3A_122 : memref<1x1x8x256xf32, #tpu.memory_space<vmem>> -> memref<8x256xf32, #tpu.memory_space<vmem>>
    %dma_start3A_124 = arith.constant 0 : i32
    %dma_start3A_125 = arith.constant 0 : i32
    %dma_start3A_126 = tpu.memref_slice %arg2[%select_n3A, %add3A_39, %dma_start3A_124, %dma_start3A_125] : memref<4x96x512x512xf32, #tpu.memory_space<hbm>> -> memref<1x1x8x256xf32, #tpu.memory_space<hbm>>
    %dma_start3A_127 = tpu.memref_squeeze %dma_start3A_126 : memref<1x1x8x256xf32, #tpu.memory_space<hbm>> -> memref<8x256xf32, #tpu.memory_space<hbm>>
    tpu.enqueue_dma source(%dma_start3A_127 : memref<8x256xf32, #tpu.memory_space<hbm>>) target(%dma_start3A_123 : memref<8x256xf32, #tpu.memory_space<vmem>>) target_semaphore(%arg8 : memref<!tpu.dma_semaphore, #tpu.memory_space<semaphore_mem>>)
    %dma_start3A_128 = arith.constant 0 : i32
    %dma_start3A_129 = arith.constant 3 : i32
    %dma_start3A_130 = arith.constant 0 : i32
    %dma_start3A_131 = arith.constant 0 : i32
    %dma_start3A_132 = tpu.memref_slice %arg5[%dma_start3A_128, %dma_start3A_129, %dma_start3A_130, %dma_start3A_131] : memref<2x12x8x256xf32, #tpu.memory_space<vmem>> -> memref<1x1x8x256xf32, #tpu.memory_space<vmem>>
    %dma_start3A_133 = tpu.memref_squeeze %dma_start3A_132 : memref<1x1x8x256xf32, #tpu.memory_space<vmem>> -> memref<8x256xf32, #tpu.memory_space<vmem>>
    %dma_start3A_134 = arith.constant 0 : i32
    %dma_start3A_135 = arith.constant 0 : i32
    %dma_start3A_136 = tpu.memref_slice %arg2[%select_n3A, %add3A_41, %dma_start3A_134, %dma_start3A_135] : memref<4x96x512x512xf32, #tpu.memory_space<hbm>> -> memref<1x1x8x256xf32, #tpu.memory_space<hbm>>
    %dma_start3A_137 = tpu.memref_squeeze %dma_start3A_136 : memref<1x1x8x256xf32, #tpu.memory_space<hbm>> -> memref<8x256xf32, #tpu.memory_space<hbm>>
    %dma_start3A_138 = arith.constant 0 : i32
    %dma_start3A_139 = arith.constant 0 : i32
    %dma_start3A_140 = tpu.memref_slice %arg5[%dma_start3A_128, %dma_start3A_129, %dma_start3A_138, %dma_start3A_139] : memref<2x12x8x256xf32, #tpu.memory_space<vmem>> -> memref<1x1x8x256xf32, #tpu.memory_space<vmem>>
    %dma_start3A_141 = tpu.memref_squeeze %dma_start3A_140 : memref<1x1x8x256xf32, #tpu.memory_space<vmem>> -> memref<8x256xf32, #tpu.memory_space<vmem>>
    %dma_start3A_142 = arith.constant 0 : i32
    %dma_start3A_143 = arith.constant 0 : i32
    %dma_start3A_144 = tpu.memref_slice %arg2[%select_n3A, %add3A_41, %dma_start3A_142, %dma_start3A_143] : memref<4x96x512x512xf32, #tpu.memory_space<hbm>> -> memref<1x1x8x256xf32, #tpu.memory_space<hbm>>
    %dma_start3A_145 = tpu.memref_squeeze %dma_start3A_144 : memref<1x1x8x256xf32, #tpu.memory_space<hbm>> -> memref<8x256xf32, #tpu.memory_space<hbm>>
    tpu.enqueue_dma source(%dma_start3A_145 : memref<8x256xf32, #tpu.memory_space<hbm>>) target(%dma_start3A_141 : memref<8x256xf32, #tpu.memory_space<vmem>>) target_semaphore(%arg8 : memref<!tpu.dma_semaphore, #tpu.memory_space<semaphore_mem>>)
    %dma_start3A_146 = arith.constant 0 : i32
    %dma_start3A_147 = arith.constant 4 : i32
    %dma_start3A_148 = arith.constant 0 : i32
    %dma_start3A_149 = arith.constant 0 : i32
    %dma_start3A_150 = tpu.memref_slice %arg5[%dma_start3A_146, %dma_start3A_147, %dma_start3A_148, %dma_start3A_149] : memref<2x12x8x256xf32, #tpu.memory_space<vmem>> -> memref<1x1x8x256xf32, #tpu.memory_space<vmem>>
    %dma_start3A_151 = tpu.memref_squeeze %dma_start3A_150 : memref<1x1x8x256xf32, #tpu.memory_space<vmem>> -> memref<8x256xf32, #tpu.memory_space<vmem>>
    %dma_start3A_152 = arith.constant 0 : i32
    %dma_start3A_153 = arith.constant 0 : i32
    %dma_start3A_154 = tpu.memref_slice %arg2[%select_n3A, %add3A_43, %dma_start3A_152, %dma_start3A_153] : memref<4x96x512x512xf32, #tpu.memory_space<hbm>> -> memref<1x1x8x256xf32, #tpu.memory_space<hbm>>
    %dma_start3A_155 = tpu.memref_squeeze %dma_start3A_154 : memref<1x1x8x256xf32, #tpu.memory_space<hbm>> -> memref<8x256xf32, #tpu.memory_space<hbm>>
    %dma_start3A_156 = arith.constant 0 : i32
    %dma_start3A_157 = arith.constant 0 : i32
    %dma_start3A_158 = tpu.memref_slice %arg5[%dma_start3A_146, %dma_start3A_147, %dma_start3A_156, %dma_start3A_157] : memref<2x12x8x256xf32, #tpu.memory_space<vmem>> -> memref<1x1x8x256xf32, #tpu.memory_space<vmem>>
    %dma_start3A_159 = tpu.memref_squeeze %dma_start3A_158 : memref<1x1x8x256xf32, #tpu.memory_space<vmem>> -> memref<8x256xf32, #tpu.memory_space<vmem>>
    %dma_start3A_160 = arith.constant 0 : i32
    %dma_start3A_161 = arith.constant 0 : i32
    %dma_start3A_162 = tpu.memref_slice %arg2[%select_n3A, %add3A_43, %dma_start3A_160, %dma_start3A_161] : memref<4x96x512x512xf32, #tpu.memory_space<hbm>> -> memref<1x1x8x256xf32, #tpu.memory_space<hbm>>
    %dma_start3A_163 = tpu.memref_squeeze %dma_start3A_162 : memref<1x1x8x256xf32, #tpu.memory_space<hbm>> -> memref<8x256xf32, #tpu.memory_space<hbm>>
    tpu.enqueue_dma source(%dma_start3A_163 : memref<8x256xf32, #tpu.memory_space<hbm>>) target(%dma_start3A_159 : memref<8x256xf32, #tpu.memory_space<vmem>>) target_semaphore(%arg8 : memref<!tpu.dma_semaphore, #tpu.memory_space<semaphore_mem>>)
    %dma_start3A_164 = arith.constant 0 : i32
    %dma_start3A_165 = arith.constant 5 : i32
    %dma_start3A_166 = arith.constant 0 : i32
    %dma_start3A_167 = arith.constant 0 : i32
    %dma_start3A_168 = tpu.memref_slice %arg5[%dma_start3A_164, %dma_start3A_165, %dma_start3A_166, %dma_start3A_167] : memref<2x12x8x256xf32, #tpu.memory_space<vmem>> -> memref<1x1x8x256xf32, #tpu.memory_space<vmem>>
    %dma_start3A_169 = tpu.memref_squeeze %dma_start3A_168 : memref<1x1x8x256xf32, #tpu.memory_space<vmem>> -> memref<8x256xf32, #tpu.memory_space<vmem>>
    %dma_start3A_170 = arith.constant 0 : i32
    %dma_start3A_171 = arith.constant 0 : i32
    %dma_start3A_172 = tpu.memref_slice %arg2[%select_n3A, %add3A_45, %dma_start3A_170, %dma_start3A_171] : memref<4x96x512x512xf32, #tpu.memory_space<hbm>> -> memref<1x1x8x256xf32, #tpu.memory_space<hbm>>
    %dma_start3A_173 = tpu.memref_squeeze %dma_start3A_172 : memref<1x1x8x256xf32, #tpu.memory_space<hbm>> -> memref<8x256xf32, #tpu.memory_space<hbm>>
    %dma_start3A_174 = arith.constant 0 : i32
    %dma_start3A_175 = arith.constant 0 : i32
    %dma_start3A_176 = tpu.memref_slice %arg5[%dma_start3A_164, %dma_start3A_165, %dma_start3A_174, %dma_start3A_175] : memref<2x12x8x256xf32, #tpu.memory_space<vmem>> -> memref<1x1x8x256xf32, #tpu.memory_space<vmem>>
    %dma_start3A_177 = tpu.memref_squeeze %dma_start3A_176 : memref<1x1x8x256xf32, #tpu.memory_space<vmem>> -> memref<8x256xf32, #tpu.memory_space<vmem>>
    %dma_start3A_178 = arith.constant 0 : i32
    %dma_start3A_179 = arith.constant 0 : i32
    %dma_start3A_180 = tpu.memref_slice %arg2[%select_n3A, %add3A_45, %dma_start3A_178, %dma_start3A_179] : memref<4x96x512x512xf32, #tpu.memory_space<hbm>> -> memref<1x1x8x256xf32, #tpu.memory_space<hbm>>
    %dma_start3A_181 = tpu.memref_squeeze %dma_start3A_180 : memref<1x1x8x256xf32, #tpu.memory_space<hbm>> -> memref<8x256xf32, #tpu.memory_space<hbm>>
    tpu.enqueue_dma source(%dma_start3A_181 : memref<8x256xf32, #tpu.memory_space<hbm>>) target(%dma_start3A_177 : memref<8x256xf32, #tpu.memory_space<vmem>>) target_semaphore(%arg8 : memref<!tpu.dma_semaphore, #tpu.memory_space<semaphore_mem>>)
    %dma_start3A_182 = arith.constant 0 : i32
    %dma_start3A_183 = arith.constant 6 : i32
    %dma_start3A_184 = arith.constant 0 : i32
    %dma_start3A_185 = arith.constant 0 : i32
    %dma_start3A_186 = tpu.memref_slice %arg5[%dma_start3A_182, %dma_start3A_183, %dma_start3A_184, %dma_start3A_185] : memref<2x12x8x256xf32, #tpu.memory_space<vmem>> -> memref<1x1x8x256xf32, #tpu.memory_space<vmem>>
    %dma_start3A_187 = tpu.memref_squeeze %dma_start3A_186 : memref<1x1x8x256xf32, #tpu.memory_space<vmem>> -> memref<8x256xf32, #tpu.memory_space<vmem>>
    %dma_start3A_188 = arith.constant 0 : i32
    %dma_start3A_189 = arith.constant 0 : i32
    %dma_start3A_190 = tpu.memref_slice %arg2[%select_n3A, %add3A_47, %dma_start3A_188, %dma_start3A_189] : memref<4x96x512x512xf32, #tpu.memory_space<hbm>> -> memref<1x1x8x256xf32, #tpu.memory_space<hbm>>
    %dma_start3A_191 = tpu.memref_squeeze %dma_start3A_190 : memref<1x1x8x256xf32, #tpu.memory_space<hbm>> -> memref<8x256xf32, #tpu.memory_space<hbm>>
    %dma_start3A_192 = arith.constant 0 : i32
    %dma_start3A_193 = arith.constant 0 : i32
    %dma_start3A_194 = tpu.memref_slice %arg5[%dma_start3A_182, %dma_start3A_183, %dma_start3A_192, %dma_start3A_193] : memref<2x12x8x256xf32, #tpu.memory_space<vmem>> -> memref<1x1x8x256xf32, #tpu.memory_space<vmem>>
    %dma_start3A_195 = tpu.memref_squeeze %dma_start3A_194 : memref<1x1x8x256xf32, #tpu.memory_space<vmem>> -> memref<8x256xf32, #tpu.memory_space<vmem>>
    %dma_start3A_196 = arith.constant 0 : i32
    %dma_start3A_197 = arith.constant 0 : i32
    %dma_start3A_198 = tpu.memref_slice %arg2[%select_n3A, %add3A_47, %dma_start3A_196, %dma_start3A_197] : memref<4x96x512x512xf32, #tpu.memory_space<hbm>> -> memref<1x1x8x256xf32, #tpu.memory_space<hbm>>
    %dma_start3A_199 = tpu.memref_squeeze %dma_start3A_198 : memref<1x1x8x256xf32, #tpu.memory_space<hbm>> -> memref<8x256xf32, #tpu.memory_space<hbm>>
    tpu.enqueue_dma source(%dma_start3A_199 : memref<8x256xf32, #tpu.memory_space<hbm>>) target(%dma_start3A_195 : memref<8x256xf32, #tpu.memory_space<vmem>>) target_semaphore(%arg8 : memref<!tpu.dma_semaphore, #tpu.memory_space<semaphore_mem>>)
    %dma_start3A_200 = arith.constant 0 : i32
    %dma_start3A_201 = arith.constant 7 : i32
    %dma_start3A_202 = arith.constant 0 : i32
    %dma_start3A_203 = arith.constant 0 : i32
    %dma_start3A_204 = tpu.memref_slice %arg5[%dma_start3A_200, %dma_start3A_201, %dma_start3A_202, %dma_start3A_203] : memref<2x12x8x256xf32, #tpu.memory_space<vmem>> -> memref<1x1x8x256xf32, #tpu.memory_space<vmem>>
    %dma_start3A_205 = tpu.memref_squeeze %dma_start3A_204 : memref<1x1x8x256xf32, #tpu.memory_space<vmem>> -> memref<8x256xf32, #tpu.memory_space<vmem>>
    %dma_start3A_206 = arith.constant 0 : i32
    %dma_start3A_207 = arith.constant 0 : i32
    %dma_start3A_208 = tpu.memref_slice %arg2[%select_n3A, %add3A_49, %dma_start3A_206, %dma_start3A_207] : memref<4x96x512x512xf32, #tpu.memory_space<hbm>> -> memref<1x1x8x256xf32, #tpu.memory_space<hbm>>
    %dma_start3A_209 = tpu.memref_squeeze %dma_start3A_208 : memref<1x1x8x256xf32, #tpu.memory_space<hbm>> -> memref<8x256xf32, #tpu.memory_space<hbm>>
    %dma_start3A_210 = arith.constant 0 : i32
    %dma_start3A_211 = arith.constant 0 : i32
    %dma_start3A_212 = tpu.memref_slice %arg5[%dma_start3A_200, %dma_start3A_201, %dma_start3A_210, %dma_start3A_211] : memref<2x12x8x256xf32, #tpu.memory_space<vmem>> -> memref<1x1x8x256xf32, #tpu.memory_space<vmem>>
    %dma_start3A_213 = tpu.memref_squeeze %dma_start3A_212 : memref<1x1x8x256xf32, #tpu.memory_space<vmem>> -> memref<8x256xf32, #tpu.memory_space<vmem>>
    %dma_start3A_214 = arith.constant 0 : i32
    %dma_start3A_215 = arith.constant 0 : i32
    %dma_start3A_216 = tpu.memref_slice %arg2[%select_n3A, %add3A_49, %dma_start3A_214, %dma_start3A_215] : memref<4x96x512x512xf32, #tpu.memory_space<hbm>> -> memref<1x1x8x256xf32, #tpu.memory_space<hbm>>
    %dma_start3A_217 = tpu.memref_squeeze %dma_start3A_216 : memref<1x1x8x256xf32, #tpu.memory_space<hbm>> -> memref<8x256xf32, #tpu.memory_space<hbm>>
    tpu.enqueue_dma source(%dma_start3A_217 : memref<8x256xf32, #tpu.memory_space<hbm>>) target(%dma_start3A_213 : memref<8x256xf32, #tpu.memory_space<vmem>>) target_semaphore(%arg8 : memref<!tpu.dma_semaphore, #tpu.memory_space<semaphore_mem>>)
    %dma_start3A_218 = arith.constant 0 : i32
    %dma_start3A_219 = arith.constant 8 : i32
    %dma_start3A_220 = arith.constant 0 : i32
    %dma_start3A_221 = arith.constant 0 : i32
    %dma_start3A_222 = tpu.memref_slice %arg5[%dma_start3A_218, %dma_start3A_219, %dma_start3A_220, %dma_start3A_221] : memref<2x12x8x256xf32, #tpu.memory_space<vmem>> -> memref<1x1x8x256xf32, #tpu.memory_space<vmem>>
    %dma_start3A_223 = tpu.memref_squeeze %dma_start3A_222 : memref<1x1x8x256xf32, #tpu.memory_space<vmem>> -> memref<8x256xf32, #tpu.memory_space<vmem>>
    %dma_start3A_224 = arith.constant 0 : i32
    %dma_start3A_225 = arith.constant 0 : i32
    %dma_start3A_226 = tpu.memref_slice %arg2[%select_n3A, %add3A_51, %dma_start3A_224, %dma_start3A_225] : memref<4x96x512x512xf32, #tpu.memory_space<hbm>> -> memref<1x1x8x256xf32, #tpu.memory_space<hbm>>
    %dma_start3A_227 = tpu.memref_squeeze %dma_start3A_226 : memref<1x1x8x256xf32, #tpu.memory_space<hbm>> -> memref<8x256xf32, #tpu.memory_space<hbm>>
    %dma_start3A_228 = arith.constant 0 : i32
    %dma_start3A_229 = arith.constant 0 : i32
    %dma_start3A_230 = tpu.memref_slice %arg5[%dma_start3A_218, %dma_start3A_219, %dma_start3A_228, %dma_start3A_229] : memref<2x12x8x256xf32, #tpu.memory_space<vmem>> -> memref<1x1x8x256xf32, #tpu.memory_space<vmem>>
    %dma_start3A_231 = tpu.memref_squeeze %dma_start3A_230 : memref<1x1x8x256xf32, #tpu.memory_space<vmem>> -> memref<8x256xf32, #tpu.memory_space<vmem>>
    %dma_start3A_232 = arith.constant 0 : i32
    %dma_start3A_233 = arith.constant 0 : i32
    %dma_start3A_234 = tpu.memref_slice %arg2[%select_n3A, %add3A_51, %dma_start3A_232, %dma_start3A_233] : memref<4x96x512x512xf32, #tpu.memory_space<hbm>> -> memref<1x1x8x256xf32, #tpu.memory_space<hbm>>
    %dma_start3A_235 = tpu.memref_squeeze %dma_start3A_234 : memref<1x1x8x256xf32, #tpu.memory_space<hbm>> -> memref<8x256xf32, #tpu.memory_space<hbm>>
    tpu.enqueue_dma source(%dma_start3A_235 : memref<8x256xf32, #tpu.memory_space<hbm>>) target(%dma_start3A_231 : memref<8x256xf32, #tpu.memory_space<vmem>>) target_semaphore(%arg8 : memref<!tpu.dma_semaphore, #tpu.memory_space<semaphore_mem>>)
    %dma_start3A_236 = arith.constant 0 : i32
    %dma_start3A_237 = arith.constant 9 : i32
    %dma_start3A_238 = arith.constant 0 : i32
    %dma_start3A_239 = arith.constant 0 : i32
    %dma_start3A_240 = tpu.memref_slice %arg5[%dma_start3A_236, %dma_start3A_237, %dma_start3A_238, %dma_start3A_239] : memref<2x12x8x256xf32, #tpu.memory_space<vmem>> -> memref<1x1x8x256xf32, #tpu.memory_space<vmem>>
    %dma_start3A_241 = tpu.memref_squeeze %dma_start3A_240 : memref<1x1x8x256xf32, #tpu.memory_space<vmem>> -> memref<8x256xf32, #tpu.memory_space<vmem>>
    %dma_start3A_242 = arith.constant 0 : i32
    %dma_start3A_243 = arith.constant 0 : i32
    %dma_start3A_244 = tpu.memref_slice %arg2[%select_n3A, %add3A_53, %dma_start3A_242, %dma_start3A_243] : memref<4x96x512x512xf32, #tpu.memory_space<hbm>> -> memref<1x1x8x256xf32, #tpu.memory_space<hbm>>
    %dma_start3A_245 = tpu.memref_squeeze %dma_start3A_244 : memref<1x1x8x256xf32, #tpu.memory_space<hbm>> -> memref<8x256xf32, #tpu.memory_space<hbm>>
    %dma_start3A_246 = arith.constant 0 : i32
    %dma_start3A_247 = arith.constant 0 : i32
    %dma_start3A_248 = tpu.memref_slice %arg5[%dma_start3A_236, %dma_start3A_237, %dma_start3A_246, %dma_start3A_247] : memref<2x12x8x256xf32, #tpu.memory_space<vmem>> -> memref<1x1x8x256xf32, #tpu.memory_space<vmem>>
    %dma_start3A_249 = tpu.memref_squeeze %dma_start3A_248 : memref<1x1x8x256xf32, #tpu.memory_space<vmem>> -> memref<8x256xf32, #tpu.memory_space<vmem>>
    %dma_start3A_250 = arith.constant 0 : i32
    %dma_start3A_251 = arith.constant 0 : i32
    %dma_start3A_252 = tpu.memref_slice %arg2[%select_n3A, %add3A_53, %dma_start3A_250, %dma_start3A_251] : memref<4x96x512x512xf32, #tpu.memory_space<hbm>> -> memref<1x1x8x256xf32, #tpu.memory_space<hbm>>
    %dma_start3A_253 = tpu.memref_squeeze %dma_start3A_252 : memref<1x1x8x256xf32, #tpu.memory_space<hbm>> -> memref<8x256xf32, #tpu.memory_space<hbm>>
    tpu.enqueue_dma source(%dma_start3A_253 : memref<8x256xf32, #tpu.memory_space<hbm>>) target(%dma_start3A_249 : memref<8x256xf32, #tpu.memory_space<vmem>>) target_semaphore(%arg8 : memref<!tpu.dma_semaphore, #tpu.memory_space<semaphore_mem>>)
    %dma_start3A_254 = arith.constant 0 : i32
    %dma_start3A_255 = arith.constant 10 : i32
    %dma_start3A_256 = arith.constant 0 : i32
    %dma_start3A_257 = arith.constant 0 : i32
    %dma_start3A_258 = tpu.memref_slice %arg5[%dma_start3A_254, %dma_start3A_255, %dma_start3A_256, %dma_start3A_257] : memref<2x12x8x256xf32, #tpu.memory_space<vmem>> -> memref<1x1x8x256xf32, #tpu.memory_space<vmem>>
    %dma_start3A_259 = tpu.memref_squeeze %dma_start3A_258 : memref<1x1x8x256xf32, #tpu.memory_space<vmem>> -> memref<8x256xf32, #tpu.memory_space<vmem>>
    %dma_start3A_260 = arith.constant 0 : i32
    %dma_start3A_261 = arith.constant 0 : i32
    %dma_start3A_262 = tpu.memref_slice %arg2[%select_n3A, %add3A_55, %dma_start3A_260, %dma_start3A_261] : memref<4x96x512x512xf32, #tpu.memory_space<hbm>> -> memref<1x1x8x256xf32, #tpu.memory_space<hbm>>
    %dma_start3A_263 = tpu.memref_squeeze %dma_start3A_262 : memref<1x1x8x256xf32, #tpu.memory_space<hbm>> -> memref<8x256xf32, #tpu.memory_space<hbm>>
    %dma_start3A_264 = arith.constant 0 : i32
    %dma_start3A_265 = arith.constant 0 : i32
    %dma_start3A_266 = tpu.memref_slice %arg5[%dma_start3A_254, %dma_start3A_255, %dma_start3A_264, %dma_start3A_265] : memref<2x12x8x256xf32, #tpu.memory_space<vmem>> -> memref<1x1x8x256xf32, #tpu.memory_space<vmem>>
    %dma_start3A_267 = tpu.memref_squeeze %dma_start3A_266 : memref<1x1x8x256xf32, #tpu.memory_space<vmem>> -> memref<8x256xf32, #tpu.memory_space<vmem>>
    %dma_start3A_268 = arith.constant 0 : i32
    %dma_start3A_269 = arith.constant 0 : i32
    %dma_start3A_270 = tpu.memref_slice %arg2[%select_n3A, %add3A_55, %dma_start3A_268, %dma_start3A_269] : memref<4x96x512x512xf32, #tpu.memory_space<hbm>> -> memref<1x1x8x256xf32, #tpu.memory_space<hbm>>
    %dma_start3A_271 = tpu.memref_squeeze %dma_start3A_270 : memref<1x1x8x256xf32, #tpu.memory_space<hbm>> -> memref<8x256xf32, #tpu.memory_space<hbm>>
    tpu.enqueue_dma source(%dma_start3A_271 : memref<8x256xf32, #tpu.memory_space<hbm>>) target(%dma_start3A_267 : memref<8x256xf32, #tpu.memory_space<vmem>>) target_semaphore(%arg8 : memref<!tpu.dma_semaphore, #tpu.memory_space<semaphore_mem>>)
    %dma_start3A_272 = arith.constant 0 : i32
    %dma_start3A_273 = arith.constant 11 : i32
    %dma_start3A_274 = arith.constant 0 : i32
    %dma_start3A_275 = arith.constant 0 : i32
    %dma_start3A_276 = tpu.memref_slice %arg5[%dma_start3A_272, %dma_start3A_273, %dma_start3A_274, %dma_start3A_275] : memref<2x12x8x256xf32, #tpu.memory_space<vmem>> -> memref<1x1x8x256xf32, #tpu.memory_space<vmem>>
    %dma_start3A_277 = tpu.memref_squeeze %dma_start3A_276 : memref<1x1x8x256xf32, #tpu.memory_space<vmem>> -> memref<8x256xf32, #tpu.memory_space<vmem>>
    %dma_start3A_278 = arith.constant 0 : i32
    %dma_start3A_279 = arith.constant 0 : i32
    %dma_start3A_280 = tpu.memref_slice %arg2[%select_n3A, %add3A_57, %dma_start3A_278, %dma_start3A_279] : memref<4x96x512x512xf32, #tpu.memory_space<hbm>> -> memref<1x1x8x256xf32, #tpu.memory_space<hbm>>
    %dma_start3A_281 = tpu.memref_squeeze %dma_start3A_280 : memref<1x1x8x256xf32, #tpu.memory_space<hbm>> -> memref<8x256xf32, #tpu.memory_space<hbm>>
    %dma_start3A_282 = arith.constant 0 : i32
    %dma_start3A_283 = arith.constant 0 : i32
    %dma_start3A_284 = tpu.memref_slice %arg5[%dma_start3A_272, %dma_start3A_273, %dma_start3A_282, %dma_start3A_283] : memref<2x12x8x256xf32, #tpu.memory_space<vmem>> -> memref<1x1x8x256xf32, #tpu.memory_space<vmem>>
    %dma_start3A_285 = tpu.memref_squeeze %dma_start3A_284 : memref<1x1x8x256xf32, #tpu.memory_space<vmem>> -> memref<8x256xf32, #tpu.memory_space<vmem>>
    %dma_start3A_286 = arith.constant 0 : i32
    %dma_start3A_287 = arith.constant 0 : i32
    %dma_start3A_288 = tpu.memref_slice %arg2[%select_n3A, %add3A_57, %dma_start3A_286, %dma_start3A_287] : memref<4x96x512x512xf32, #tpu.memory_space<hbm>> -> memref<1x1x8x256xf32, #tpu.memory_space<hbm>>
    %dma_start3A_289 = tpu.memref_squeeze %dma_start3A_288 : memref<1x1x8x256xf32, #tpu.memory_space<hbm>> -> memref<8x256xf32, #tpu.memory_space<hbm>>
    tpu.enqueue_dma source(%dma_start3A_289 : memref<8x256xf32, #tpu.memory_space<hbm>>) target(%dma_start3A_285 : memref<8x256xf32, #tpu.memory_space<vmem>>) target_semaphore(%arg8 : memref<!tpu.dma_semaphore, #tpu.memory_space<semaphore_mem>>)
    %scan3A = arith.constant 0 : i32
    %scan3A_290 = arith.constant 64 : i32
    %scan3A_291 = arith.addi %scan3A, %scan3A_290 : i32
    %scan3A_292 = arith.constant 1 : i32
    %scan3A_293:25 = scf.for %scan3A_700 = %scan3A to %scan3A_291 step %scan3A_292 iter_args(%scan3A_701 = %broadcast_in_dim3A_33, %scan3A_702 = %broadcast_in_dim3A_33, %scan3A_703 = %broadcast_in_dim3A_33, %scan3A_704 = %broadcast_in_dim3A_33, %scan3A_705 = %broadcast_in_dim3A_33, %scan3A_706 = %broadcast_in_dim3A_33, %scan3A_707 = %broadcast_in_dim3A_33, %scan3A_708 = %broadcast_in_dim3A_33, %scan3A_709 = %broadcast_in_dim3A_33, %scan3A_710 = %broadcast_in_dim3A_33, %scan3A_711 = %broadcast_in_dim3A_33, %scan3A_712 = %broadcast_in_dim3A_33, %scan3A_713 = %broadcast_in_dim3A_33, %scan3A_714 = %broadcast_in_dim3A_33, %scan3A_715 = %broadcast_in_dim3A_33, %scan3A_716 = %broadcast_in_dim3A_33, %scan3A_717 = %broadcast_in_dim3A_33, %scan3A_718 = %broadcast_in_dim3A_33, %scan3A_719 = %broadcast_in_dim3A_33, %scan3A_720 = %broadcast_in_dim3A_33, %scan3A_721 = %broadcast_in_dim3A_33, %scan3A_722 = %broadcast_in_dim3A_33, %scan3A_723 = %broadcast_in_dim3A_33, %scan3A_724 = %broadcast_in_dim3A_33, %scan3A_725 = %broadcast_in_dim3A_33) -> (vector<16xf32>, vector<16xf32>, vector<16xf32>, vector<16xf32>, vector<16xf32>, vector<16xf32>, vector<16xf32>, vector<16xf32>, vector<16xf32>, vector<16xf32>, vector<16xf32>, vector<16xf32>, vector<16xf32>, vector<16xf32>, vector<16xf32>, vector<16xf32>, vector<16xf32>, vector<16xf32>, vector<16xf32>, vector<16xf32>, vector<16xf32>, vector<16xf32>, vector<16xf32>, vector<16xf32>, vector<16xf32>)  : i32 {
      %mul3A_726 = arith.constant 2 : i32
      %mul3A_727 = arith.muli %mul3A_726, %scan3A_700 : i32
      %add3A_728 = arith.constant 1 : i32
      %add3A_729 = arith.addi %mul3A_727, %add3A_728 : i32
      %jit3A_730 = arith.constant 2 : i32
      %div3A_731 = arith.divsi %add3A_729, %jit3A_730 : i32
      %sign3A_732 = arith.constant 0 : i32
      %sign3A_733 = arith.cmpi sgt, %add3A_729, %sign3A_732 : i32
      %sign3A_734 = arith.extui %sign3A_733 : i1 to i32
      %sign3A_735 = arith.constant 0 : i32
      %sign3A_736 = arith.cmpi slt, %add3A_729, %sign3A_735 : i32
      %sign3A_737 = arith.extui %sign3A_736 : i1 to i32
      %sign3A_738 = arith.subi %sign3A_734, %sign3A_737 : i32
      %sign3A_739 = arith.constant 0 : i32
      %sign3A_740 = arith.cmpi sgt, %jit3A_730, %sign3A_739 : i32
      %sign3A_741 = arith.extui %sign3A_740 : i1 to i32
      %sign3A_742 = arith.constant 0 : i32
      %sign3A_743 = arith.cmpi slt, %jit3A_730, %sign3A_742 : i32
      %sign3A_744 = arith.extui %sign3A_743 : i1 to i32
      %sign3A_745 = arith.subi %sign3A_741, %sign3A_744 : i32
      %ne3A_746 = arith.cmpi ne, %sign3A_738, %sign3A_745 : i32
      %rem3A_747 = arith.remsi %add3A_729, %jit3A_730 : i32
      %ne3A_748 = arith.constant 0 : i32
      %ne3A_749 = arith.cmpi ne, %rem3A_747, %ne3A_748 : i32
      %and3A_750 = arith.andi %ne3A_746, %ne3A_749 : i1
      %sub3A_751 = arith.constant 1 : i32
      %sub3A_752 = arith.subi %div3A_731, %sub3A_751 : i32
      %select_n3A_753 = arith.select %and3A_750, %sub3A_752, %div3A_731 : i32
      %mul3A_754 = arith.constant 8 : i32
      %mul3A_755 = arith.muli %select_n3A_753, %mul3A_754 : i32
      %jit3A_756 = arith.constant 2 : i32
      %eq3A_757 = arith.constant 0 : i32
      %eq3A_758 = arith.cmpi eq, %jit3A_756, %eq3A_757 : i32
      %jit3A_759 = arith.constant 1 : i32
      %select_n3A_760 = arith.select %eq3A_758, %jit3A_759, %jit3A_756 : i32
      %rem3A_761 = arith.remsi %add3A_729, %select_n3A_760 : i32
      %ne3A_762 = arith.constant 0 : i32
      %ne3A_763 = arith.cmpi ne, %rem3A_761, %ne3A_762 : i32
      %lt3A_764 = arith.constant 0 : i32
      %lt3A_765 = arith.cmpi slt, %rem3A_761, %lt3A_764 : i32
      %lt3A_766 = arith.constant 0 : i32
      %lt3A_767 = arith.cmpi slt, %select_n3A_760, %lt3A_766 : i32
      %ne3A_768 = arith.xori %lt3A_765, %lt3A_767 : i1
      %and3A_769 = arith.andi %ne3A_768, %ne3A_763 : i1
      %add3A_770 = arith.addi %rem3A_761, %select_n3A_760 : i32
      %select_n3A_771 = arith.select %and3A_769, %add3A_770, %rem3A_761 : i32
      %mul3A_772 = arith.constant 256 : i32
      %mul3A_773 = arith.muli %select_n3A_771, %mul3A_772 : i32
      %add3A_774 = arith.constant 0 : i32
      %add3A_775 = arith.addi %mul3A_32, %add3A_774 : i32
      %add3A_776 = arith.constant 1 : i32
      %add3A_777 = arith.addi %mul3A_32, %add3A_776 : i32
      %add3A_778 = arith.constant 2 : i32
      %add3A_779 = arith.addi %mul3A_32, %add3A_778 : i32
      %add3A_780 = arith.constant 3 : i32
      %add3A_781 = arith.addi %mul3A_32, %add3A_780 : i32
      %add3A_782 = arith.constant 4 : i32
      %add3A_783 = arith.addi %mul3A_32, %add3A_782 : i32
      %add3A_784 = arith.constant 5 : i32
      %add3A_785 = arith.addi %mul3A_32, %add3A_784 : i32
      %add3A_786 = arith.constant 6 : i32
      %add3A_787 = arith.addi %mul3A_32, %add3A_786 : i32
      %add3A_788 = arith.constant 7 : i32
      %add3A_789 = arith.addi %mul3A_32, %add3A_788 : i32
      %add3A_790 = arith.constant 8 : i32
      %add3A_791 = arith.addi %mul3A_32, %add3A_790 : i32
      %add3A_792 = arith.constant 9 : i32
      %add3A_793 = arith.addi %mul3A_32, %add3A_792 : i32
      %add3A_794 = arith.constant 10 : i32
      %add3A_795 = arith.addi %mul3A_32, %add3A_794 : i32
      %add3A_796 = arith.constant 11 : i32
      %add3A_797 = arith.addi %mul3A_32, %add3A_796 : i32
      %dma_start3A_798 = arith.constant 1 : i32
      %dma_start3A_799 = arith.constant 0 : i32
      %dma_start3A_800 = arith.constant 0 : i32
      %dma_start3A_801 = tpu.memref_slice %arg6[%dma_start3A_798, %dma_start3A_799, %dma_start3A_800] : memref<2x8x256xf32, #tpu.memory_space<vmem>> -> memref<1x8x256xf32, #tpu.memory_space<vmem>>
      %dma_start3A_802 = tpu.memref_squeeze %dma_start3A_801 : memref<1x8x256xf32, #tpu.memory_space<vmem>> -> memref<8x256xf32, #tpu.memory_space<vmem>>
      %dma_start3A_803 = tpu.memref_slice %arg3[%select_n3A, %mul3A_755, %mul3A_773] : memref<4x512x512xf32, #tpu.memory_space<hbm>> -> memref<1x8x256xf32, #tpu.memory_space<hbm>>
      %dma_start3A_804 = tpu.memref_squeeze %dma_start3A_803 : memref<1x8x256xf32, #tpu.memory_space<hbm>> -> memref<8x256xf32, #tpu.memory_space<hbm>>
      %dma_start3A_805 = arith.constant 0 : i32
      %dma_start3A_806 = arith.constant 0 : i32
      %dma_start3A_807 = tpu.memref_slice %arg6[%dma_start3A_798, %dma_start3A_805, %dma_start3A_806] : memref<2x8x256xf32, #tpu.memory_space<vmem>> -> memref<1x8x256xf32, #tpu.memory_space<vmem>>
      %dma_start3A_808 = tpu.memref_squeeze %dma_start3A_807 : memref<1x8x256xf32, #tpu.memory_space<vmem>> -> memref<8x256xf32, #tpu.memory_space<vmem>>
      %dma_start3A_809 = tpu.memref_slice %arg3[%select_n3A, %mul3A_755, %mul3A_773] : memref<4x512x512xf32, #tpu.memory_space<hbm>> -> memref<1x8x256xf32, #tpu.memory_space<hbm>>
      %dma_start3A_810 = tpu.memref_squeeze %dma_start3A_809 : memref<1x8x256xf32, #tpu.memory_space<hbm>> -> memref<8x256xf32, #tpu.memory_space<hbm>>
      tpu.enqueue_dma source(%dma_start3A_810 : memref<8x256xf32, #tpu.memory_space<hbm>>) target(%dma_start3A_808 : memref<8x256xf32, #tpu.memory_space<vmem>>) target_semaphore(%arg9 : memref<!tpu.dma_semaphore, #tpu.memory_space<semaphore_mem>>)
      %dma_start3A_811 = arith.constant 1 : i32
      %dma_start3A_812 = arith.constant 0 : i32
      %dma_start3A_813 = arith.constant 0 : i32
      %dma_start3A_814 = arith.constant 0 : i32
      %dma_start3A_815 = tpu.memref_slice %arg5[%dma_start3A_811, %dma_start3A_812, %dma_start3A_813, %dma_start3A_814] : memref<2x12x8x256xf32, #tpu.memory_space<vmem>> -> memref<1x1x8x256xf32, #tpu.memory_space<vmem>>
      %dma_start3A_816 = tpu.memref_squeeze %dma_start3A_815 : memref<1x1x8x256xf32, #tpu.memory_space<vmem>> -> memref<8x256xf32, #tpu.memory_space<vmem>>
      %dma_start3A_817 = tpu.memref_slice %arg2[%select_n3A, %add3A_775, %mul3A_755, %mul3A_773] : memref<4x96x512x512xf32, #tpu.memory_space<hbm>> -> memref<1x1x8x256xf32, #tpu.memory_space<hbm>>
      %dma_start3A_818 = tpu.memref_squeeze %dma_start3A_817 : memref<1x1x8x256xf32, #tpu.memory_space<hbm>> -> memref<8x256xf32, #tpu.memory_space<hbm>>
      %dma_start3A_819 = arith.constant 0 : i32
      %dma_start3A_820 = arith.constant 0 : i32
      %dma_start3A_821 = tpu.memref_slice %arg5[%dma_start3A_811, %dma_start3A_812, %dma_start3A_819, %dma_start3A_820] : memref<2x12x8x256xf32, #tpu.memory_space<vmem>> -> memref<1x1x8x256xf32, #tpu.memory_space<vmem>>
      %dma_start3A_822 = tpu.memref_squeeze %dma_start3A_821 : memref<1x1x8x256xf32, #tpu.memory_space<vmem>> -> memref<8x256xf32, #tpu.memory_space<vmem>>
      %dma_start3A_823 = tpu.memref_slice %arg2[%select_n3A, %add3A_775, %mul3A_755, %mul3A_773] : memref<4x96x512x512xf32, #tpu.memory_space<hbm>> -> memref<1x1x8x256xf32, #tpu.memory_space<hbm>>
      %dma_start3A_824 = tpu.memref_squeeze %dma_start3A_823 : memref<1x1x8x256xf32, #tpu.memory_space<hbm>> -> memref<8x256xf32, #tpu.memory_space<hbm>>
      tpu.enqueue_dma source(%dma_start3A_824 : memref<8x256xf32, #tpu.memory_space<hbm>>) target(%dma_start3A_822 : memref<8x256xf32, #tpu.memory_space<vmem>>) target_semaphore(%arg9 : memref<!tpu.dma_semaphore, #tpu.memory_space<semaphore_mem>>)
      %dma_start3A_825 = arith.constant 1 : i32
      %dma_start3A_826 = arith.constant 1 : i32
      %dma_start3A_827 = arith.constant 0 : i32
      %dma_start3A_828 = arith.constant 0 : i32
      %dma_start3A_829 = tpu.memref_slice %arg5[%dma_start3A_825, %dma_start3A_826, %dma_start3A_827, %dma_start3A_828] : memref<2x12x8x256xf32, #tpu.memory_space<vmem>> -> memref<1x1x8x256xf32, #tpu.memory_space<vmem>>
      %dma_start3A_830 = tpu.memref_squeeze %dma_start3A_829 : memref<1x1x8x256xf32, #tpu.memory_space<vmem>> -> memref<8x256xf32, #tpu.memory_space<vmem>>
      %dma_start3A_831 = tpu.memref_slice %arg2[%select_n3A, %add3A_777, %mul3A_755, %mul3A_773] : memref<4x96x512x512xf32, #tpu.memory_space<hbm>> -> memref<1x1x8x256xf32, #tpu.memory_space<hbm>>
      %dma_start3A_832 = tpu.memref_squeeze %dma_start3A_831 : memref<1x1x8x256xf32, #tpu.memory_space<hbm>> -> memref<8x256xf32, #tpu.memory_space<hbm>>
      %dma_start3A_833 = arith.constant 0 : i32
      %dma_start3A_834 = arith.constant 0 : i32
      %dma_start3A_835 = tpu.memref_slice %arg5[%dma_start3A_825, %dma_start3A_826, %dma_start3A_833, %dma_start3A_834] : memref<2x12x8x256xf32, #tpu.memory_space<vmem>> -> memref<1x1x8x256xf32, #tpu.memory_space<vmem>>
      %dma_start3A_836 = tpu.memref_squeeze %dma_start3A_835 : memref<1x1x8x256xf32, #tpu.memory_space<vmem>> -> memref<8x256xf32, #tpu.memory_space<vmem>>
      %dma_start3A_837 = tpu.memref_slice %arg2[%select_n3A, %add3A_777, %mul3A_755, %mul3A_773] : memref<4x96x512x512xf32, #tpu.memory_space<hbm>> -> memref<1x1x8x256xf32, #tpu.memory_space<hbm>>
      %dma_start3A_838 = tpu.memref_squeeze %dma_start3A_837 : memref<1x1x8x256xf32, #tpu.memory_space<hbm>> -> memref<8x256xf32, #tpu.memory_space<hbm>>
      tpu.enqueue_dma source(%dma_start3A_838 : memref<8x256xf32, #tpu.memory_space<hbm>>) target(%dma_start3A_836 : memref<8x256xf32, #tpu.memory_space<vmem>>) target_semaphore(%arg9 : memref<!tpu.dma_semaphore, #tpu.memory_space<semaphore_mem>>)
      %dma_start3A_839 = arith.constant 1 : i32
      %dma_start3A_840 = arith.constant 2 : i32
      %dma_start3A_841 = arith.constant 0 : i32
      %dma_start3A_842 = arith.constant 0 : i32
      %dma_start3A_843 = tpu.memref_slice %arg5[%dma_start3A_839, %dma_start3A_840, %dma_start3A_841, %dma_start3A_842] : memref<2x12x8x256xf32, #tpu.memory_space<vmem>> -> memref<1x1x8x256xf32, #tpu.memory_space<vmem>>
      %dma_start3A_844 = tpu.memref_squeeze %dma_start3A_843 : memref<1x1x8x256xf32, #tpu.memory_space<vmem>> -> memref<8x256xf32, #tpu.memory_space<vmem>>
      %dma_start3A_845 = tpu.memref_slice %arg2[%select_n3A, %add3A_779, %mul3A_755, %mul3A_773] : memref<4x96x512x512xf32, #tpu.memory_space<hbm>> -> memref<1x1x8x256xf32, #tpu.memory_space<hbm>>
      %dma_start3A_846 = tpu.memref_squeeze %dma_start3A_845 : memref<1x1x8x256xf32, #tpu.memory_space<hbm>> -> memref<8x256xf32, #tpu.memory_space<hbm>>
      %dma_start3A_847 = arith.constant 0 : i32
      %dma_start3A_848 = arith.constant 0 : i32
      %dma_start3A_849 = tpu.memref_slice %arg5[%dma_start3A_839, %dma_start3A_840, %dma_start3A_847, %dma_start3A_848] : memref<2x12x8x256xf32, #tpu.memory_space<vmem>> -> memref<1x1x8x256xf32, #tpu.memory_space<vmem>>
      %dma_start3A_850 = tpu.memref_squeeze %dma_start3A_849 : memref<1x1x8x256xf32, #tpu.memory_space<vmem>> -> memref<8x256xf32, #tpu.memory_space<vmem>>
      %dma_start3A_851 = tpu.memref_slice %arg2[%select_n3A, %add3A_779, %mul3A_755, %mul3A_773] : memref<4x96x512x512xf32, #tpu.memory_space<hbm>> -> memref<1x1x8x256xf32, #tpu.memory_space<hbm>>
      %dma_start3A_852 = tpu.memref_squeeze %dma_start3A_851 : memref<1x1x8x256xf32, #tpu.memory_space<hbm>> -> memref<8x256xf32, #tpu.memory_space<hbm>>
      tpu.enqueue_dma source(%dma_start3A_852 : memref<8x256xf32, #tpu.memory_space<hbm>>) target(%dma_start3A_850 : memref<8x256xf32, #tpu.memory_space<vmem>>) target_semaphore(%arg9 : memref<!tpu.dma_semaphore, #tpu.memory_space<semaphore_mem>>)
      %dma_start3A_853 = arith.constant 1 : i32
      %dma_start3A_854 = arith.constant 3 : i32
      %dma_start3A_855 = arith.constant 0 : i32
      %dma_start3A_856 = arith.constant 0 : i32
      %dma_start3A_857 = tpu.memref_slice %arg5[%dma_start3A_853, %dma_start3A_854, %dma_start3A_855, %dma_start3A_856] : memref<2x12x8x256xf32, #tpu.memory_space<vmem>> -> memref<1x1x8x256xf32, #tpu.memory_space<vmem>>
      %dma_start3A_858 = tpu.memref_squeeze %dma_start3A_857 : memref<1x1x8x256xf32, #tpu.memory_space<vmem>> -> memref<8x256xf32, #tpu.memory_space<vmem>>
      %dma_start3A_859 = tpu.memref_slice %arg2[%select_n3A, %add3A_781, %mul3A_755, %mul3A_773] : memref<4x96x512x512xf32, #tpu.memory_space<hbm>> -> memref<1x1x8x256xf32, #tpu.memory_space<hbm>>
      %dma_start3A_860 = tpu.memref_squeeze %dma_start3A_859 : memref<1x1x8x256xf32, #tpu.memory_space<hbm>> -> memref<8x256xf32, #tpu.memory_space<hbm>>
      %dma_start3A_861 = arith.constant 0 : i32
      %dma_start3A_862 = arith.constant 0 : i32
      %dma_start3A_863 = tpu.memref_slice %arg5[%dma_start3A_853, %dma_start3A_854, %dma_start3A_861, %dma_start3A_862] : memref<2x12x8x256xf32, #tpu.memory_space<vmem>> -> memref<1x1x8x256xf32, #tpu.memory_space<vmem>>
      %dma_start3A_864 = tpu.memref_squeeze %dma_start3A_863 : memref<1x1x8x256xf32, #tpu.memory_space<vmem>> -> memref<8x256xf32, #tpu.memory_space<vmem>>
      %dma_start3A_865 = tpu.memref_slice %arg2[%select_n3A, %add3A_781, %mul3A_755, %mul3A_773] : memref<4x96x512x512xf32, #tpu.memory_space<hbm>> -> memref<1x1x8x256xf32, #tpu.memory_space<hbm>>
      %dma_start3A_866 = tpu.memref_squeeze %dma_start3A_865 : memref<1x1x8x256xf32, #tpu.memory_space<hbm>> -> memref<8x256xf32, #tpu.memory_space<hbm>>
      tpu.enqueue_dma source(%dma_start3A_866 : memref<8x256xf32, #tpu.memory_space<hbm>>) target(%dma_start3A_864 : memref<8x256xf32, #tpu.memory_space<vmem>>) target_semaphore(%arg9 : memref<!tpu.dma_semaphore, #tpu.memory_space<semaphore_mem>>)
      %dma_start3A_867 = arith.constant 1 : i32
      %dma_start3A_868 = arith.constant 4 : i32
      %dma_start3A_869 = arith.constant 0 : i32
      %dma_start3A_870 = arith.constant 0 : i32
      %dma_start3A_871 = tpu.memref_slice %arg5[%dma_start3A_867, %dma_start3A_868, %dma_start3A_869, %dma_start3A_870] : memref<2x12x8x256xf32, #tpu.memory_space<vmem>> -> memref<1x1x8x256xf32, #tpu.memory_space<vmem>>
      %dma_start3A_872 = tpu.memref_squeeze %dma_start3A_871 : memref<1x1x8x256xf32, #tpu.memory_space<vmem>> -> memref<8x256xf32, #tpu.memory_space<vmem>>
      %dma_start3A_873 = tpu.memref_slice %arg2[%select_n3A, %add3A_783, %mul3A_755, %mul3A_773] : memref<4x96x512x512xf32, #tpu.memory_space<hbm>> -> memref<1x1x8x256xf32, #tpu.memory_space<hbm>>
      %dma_start3A_874 = tpu.memref_squeeze %dma_start3A_873 : memref<1x1x8x256xf32, #tpu.memory_space<hbm>> -> memref<8x256xf32, #tpu.memory_space<hbm>>
      %dma_start3A_875 = arith.constant 0 : i32
      %dma_start3A_876 = arith.constant 0 : i32
      %dma_start3A_877 = tpu.memref_slice %arg5[%dma_start3A_867, %dma_start3A_868, %dma_start3A_875, %dma_start3A_876] : memref<2x12x8x256xf32, #tpu.memory_space<vmem>> -> memref<1x1x8x256xf32, #tpu.memory_space<vmem>>
      %dma_start3A_878 = tpu.memref_squeeze %dma_start3A_877 : memref<1x1x8x256xf32, #tpu.memory_space<vmem>> -> memref<8x256xf32, #tpu.memory_space<vmem>>
      %dma_start3A_879 = tpu.memref_slice %arg2[%select_n3A, %add3A_783, %mul3A_755, %mul3A_773] : memref<4x96x512x512xf32, #tpu.memory_space<hbm>> -> memref<1x1x8x256xf32, #tpu.memory_space<hbm>>
      %dma_start3A_880 = tpu.memref_squeeze %dma_start3A_879 : memref<1x1x8x256xf32, #tpu.memory_space<hbm>> -> memref<8x256xf32, #tpu.memory_space<hbm>>
      tpu.enqueue_dma source(%dma_start3A_880 : memref<8x256xf32, #tpu.memory_space<hbm>>) target(%dma_start3A_878 : memref<8x256xf32, #tpu.memory_space<vmem>>) target_semaphore(%arg9 : memref<!tpu.dma_semaphore, #tpu.memory_space<semaphore_mem>>)
      %dma_start3A_881 = arith.constant 1 : i32
      %dma_start3A_882 = arith.constant 5 : i32
      %dma_start3A_883 = arith.constant 0 : i32
      %dma_start3A_884 = arith.constant 0 : i32
      %dma_start3A_885 = tpu.memref_slice %arg5[%dma_start3A_881, %dma_start3A_882, %dma_start3A_883, %dma_start3A_884] : memref<2x12x8x256xf32, #tpu.memory_space<vmem>> -> memref<1x1x8x256xf32, #tpu.memory_space<vmem>>
      %dma_start3A_886 = tpu.memref_squeeze %dma_start3A_885 : memref<1x1x8x256xf32, #tpu.memory_space<vmem>> -> memref<8x256xf32, #tpu.memory_space<vmem>>
      %dma_start3A_887 = tpu.memref_slice %arg2[%select_n3A, %add3A_785, %mul3A_755, %mul3A_773] : memref<4x96x512x512xf32, #tpu.memory_space<hbm>> -> memref<1x1x8x256xf32, #tpu.memory_space<hbm>>
      %dma_start3A_888 = tpu.memref_squeeze %dma_start3A_887 : memref<1x1x8x256xf32, #tpu.memory_space<hbm>> -> memref<8x256xf32, #tpu.memory_space<hbm>>
      %dma_start3A_889 = arith.constant 0 : i32
      %dma_start3A_890 = arith.constant 0 : i32
      %dma_start3A_891 = tpu.memref_slice %arg5[%dma_start3A_881, %dma_start3A_882, %dma_start3A_889, %dma_start3A_890] : memref<2x12x8x256xf32, #tpu.memory_space<vmem>> -> memref<1x1x8x256xf32, #tpu.memory_space<vmem>>
      %dma_start3A_892 = tpu.memref_squeeze %dma_start3A_891 : memref<1x1x8x256xf32, #tpu.memory_space<vmem>> -> memref<8x256xf32, #tpu.memory_space<vmem>>
      %dma_start3A_893 = tpu.memref_slice %arg2[%select_n3A, %add3A_785, %mul3A_755, %mul3A_773] : memref<4x96x512x512xf32, #tpu.memory_space<hbm>> -> memref<1x1x8x256xf32, #tpu.memory_space<hbm>>
      %dma_start3A_894 = tpu.memref_squeeze %dma_start3A_893 : memref<1x1x8x256xf32, #tpu.memory_space<hbm>> -> memref<8x256xf32, #tpu.memory_space<hbm>>
      tpu.enqueue_dma source(%dma_start3A_894 : memref<8x256xf32, #tpu.memory_space<hbm>>) target(%dma_start3A_892 : memref<8x256xf32, #tpu.memory_space<vmem>>) target_semaphore(%arg9 : memref<!tpu.dma_semaphore, #tpu.memory_space<semaphore_mem>>)
      %dma_start3A_895 = arith.constant 1 : i32
      %dma_start3A_896 = arith.constant 6 : i32
      %dma_start3A_897 = arith.constant 0 : i32
      %dma_start3A_898 = arith.constant 0 : i32
      %dma_start3A_899 = tpu.memref_slice %arg5[%dma_start3A_895, %dma_start3A_896, %dma_start3A_897, %dma_start3A_898] : memref<2x12x8x256xf32, #tpu.memory_space<vmem>> -> memref<1x1x8x256xf32, #tpu.memory_space<vmem>>
      %dma_start3A_900 = tpu.memref_squeeze %dma_start3A_899 : memref<1x1x8x256xf32, #tpu.memory_space<vmem>> -> memref<8x256xf32, #tpu.memory_space<vmem>>
      %dma_start3A_901 = tpu.memref_slice %arg2[%select_n3A, %add3A_787, %mul3A_755, %mul3A_773] : memref<4x96x512x512xf32, #tpu.memory_space<hbm>> -> memref<1x1x8x256xf32, #tpu.memory_space<hbm>>
      %dma_start3A_902 = tpu.memref_squeeze %dma_start3A_901 : memref<1x1x8x256xf32, #tpu.memory_space<hbm>> -> memref<8x256xf32, #tpu.memory_space<hbm>>
      %dma_start3A_903 = arith.constant 0 : i32
      %dma_start3A_904 = arith.constant 0 : i32
      %dma_start3A_905 = tpu.memref_slice %arg5[%dma_start3A_895, %dma_start3A_896, %dma_start3A_903, %dma_start3A_904] : memref<2x12x8x256xf32, #tpu.memory_space<vmem>> -> memref<1x1x8x256xf32, #tpu.memory_space<vmem>>
      %dma_start3A_906 = tpu.memref_squeeze %dma_start3A_905 : memref<1x1x8x256xf32, #tpu.memory_space<vmem>> -> memref<8x256xf32, #tpu.memory_space<vmem>>
      %dma_start3A_907 = tpu.memref_slice %arg2[%select_n3A, %add3A_787, %mul3A_755, %mul3A_773] : memref<4x96x512x512xf32, #tpu.memory_space<hbm>> -> memref<1x1x8x256xf32, #tpu.memory_space<hbm>>
      %dma_start3A_908 = tpu.memref_squeeze %dma_start3A_907 : memref<1x1x8x256xf32, #tpu.memory_space<hbm>> -> memref<8x256xf32, #tpu.memory_space<hbm>>
      tpu.enqueue_dma source(%dma_start3A_908 : memref<8x256xf32, #tpu.memory_space<hbm>>) target(%dma_start3A_906 : memref<8x256xf32, #tpu.memory_space<vmem>>) target_semaphore(%arg9 : memref<!tpu.dma_semaphore, #tpu.memory_space<semaphore_mem>>)
      %dma_start3A_909 = arith.constant 1 : i32
      %dma_start3A_910 = arith.constant 7 : i32
      %dma_start3A_911 = arith.constant 0 : i32
      %dma_start3A_912 = arith.constant 0 : i32
      %dma_start3A_913 = tpu.memref_slice %arg5[%dma_start3A_909, %dma_start3A_910, %dma_start3A_911, %dma_start3A_912] : memref<2x12x8x256xf32, #tpu.memory_space<vmem>> -> memref<1x1x8x256xf32, #tpu.memory_space<vmem>>
      %dma_start3A_914 = tpu.memref_squeeze %dma_start3A_913 : memref<1x1x8x256xf32, #tpu.memory_space<vmem>> -> memref<8x256xf32, #tpu.memory_space<vmem>>
      %dma_start3A_915 = tpu.memref_slice %arg2[%select_n3A, %add3A_789, %mul3A_755, %mul3A_773] : memref<4x96x512x512xf32, #tpu.memory_space<hbm>> -> memref<1x1x8x256xf32, #tpu.memory_space<hbm>>
      %dma_start3A_916 = tpu.memref_squeeze %dma_start3A_915 : memref<1x1x8x256xf32, #tpu.memory_space<hbm>> -> memref<8x256xf32, #tpu.memory_space<hbm>>
      %dma_start3A_917 = arith.constant 0 : i32
      %dma_start3A_918 = arith.constant 0 : i32
      %dma_start3A_919 = tpu.memref_slice %arg5[%dma_start3A_909, %dma_start3A_910, %dma_start3A_917, %dma_start3A_918] : memref<2x12x8x256xf32, #tpu.memory_space<vmem>> -> memref<1x1x8x256xf32, #tpu.memory_space<vmem>>
      %dma_start3A_920 = tpu.memref_squeeze %dma_start3A_919 : memref<1x1x8x256xf32, #tpu.memory_space<vmem>> -> memref<8x256xf32, #tpu.memory_space<vmem>>
      %dma_start3A_921 = tpu.memref_slice %arg2[%select_n3A, %add3A_789, %mul3A_755, %mul3A_773] : memref<4x96x512x512xf32, #tpu.memory_space<hbm>> -> memref<1x1x8x256xf32, #tpu.memory_space<hbm>>
      %dma_start3A_922 = tpu.memref_squeeze %dma_start3A_921 : memref<1x1x8x256xf32, #tpu.memory_space<hbm>> -> memref<8x256xf32, #tpu.memory_space<hbm>>
      tpu.enqueue_dma source(%dma_start3A_922 : memref<8x256xf32, #tpu.memory_space<hbm>>) target(%dma_start3A_920 : memref<8x256xf32, #tpu.memory_space<vmem>>) target_semaphore(%arg9 : memref<!tpu.dma_semaphore, #tpu.memory_space<semaphore_mem>>)
      %dma_start3A_923 = arith.constant 1 : i32
      %dma_start3A_924 = arith.constant 8 : i32
      %dma_start3A_925 = arith.constant 0 : i32
      %dma_start3A_926 = arith.constant 0 : i32
      %dma_start3A_927 = tpu.memref_slice %arg5[%dma_start3A_923, %dma_start3A_924, %dma_start3A_925, %dma_start3A_926] : memref<2x12x8x256xf32, #tpu.memory_space<vmem>> -> memref<1x1x8x256xf32, #tpu.memory_space<vmem>>
      %dma_start3A_928 = tpu.memref_squeeze %dma_start3A_927 : memref<1x1x8x256xf32, #tpu.memory_space<vmem>> -> memref<8x256xf32, #tpu.memory_space<vmem>>
      %dma_start3A_929 = tpu.memref_slice %arg2[%select_n3A, %add3A_791, %mul3A_755, %mul3A_773] : memref<4x96x512x512xf32, #tpu.memory_space<hbm>> -> memref<1x1x8x256xf32, #tpu.memory_space<hbm>>
      %dma_start3A_930 = tpu.memref_squeeze %dma_start3A_929 : memref<1x1x8x256xf32, #tpu.memory_space<hbm>> -> memref<8x256xf32, #tpu.memory_space<hbm>>
      %dma_start3A_931 = arith.constant 0 : i32
      %dma_start3A_932 = arith.constant 0 : i32
      %dma_start3A_933 = tpu.memref_slice %arg5[%dma_start3A_923, %dma_start3A_924, %dma_start3A_931, %dma_start3A_932] : memref<2x12x8x256xf32, #tpu.memory_space<vmem>> -> memref<1x1x8x256xf32, #tpu.memory_space<vmem>>
      %dma_start3A_934 = tpu.memref_squeeze %dma_start3A_933 : memref<1x1x8x256xf32, #tpu.memory_space<vmem>> -> memref<8x256xf32, #tpu.memory_space<vmem>>
      %dma_start3A_935 = tpu.memref_slice %arg2[%select_n3A, %add3A_791, %mul3A_755, %mul3A_773] : memref<4x96x512x512xf32, #tpu.memory_space<hbm>> -> memref<1x1x8x256xf32, #tpu.memory_space<hbm>>
      %dma_start3A_936 = tpu.memref_squeeze %dma_start3A_935 : memref<1x1x8x256xf32, #tpu.memory_space<hbm>> -> memref<8x256xf32, #tpu.memory_space<hbm>>
      tpu.enqueue_dma source(%dma_start3A_936 : memref<8x256xf32, #tpu.memory_space<hbm>>) target(%dma_start3A_934 : memref<8x256xf32, #tpu.memory_space<vmem>>) target_semaphore(%arg9 : memref<!tpu.dma_semaphore, #tpu.memory_space<semaphore_mem>>)
      %dma_start3A_937 = arith.constant 1 : i32
      %dma_start3A_938 = arith.constant 9 : i32
      %dma_start3A_939 = arith.constant 0 : i32
      %dma_start3A_940 = arith.constant 0 : i32
      %dma_start3A_941 = tpu.memref_slice %arg5[%dma_start3A_937, %dma_start3A_938, %dma_start3A_939, %dma_start3A_940] : memref<2x12x8x256xf32, #tpu.memory_space<vmem>> -> memref<1x1x8x256xf32, #tpu.memory_space<vmem>>
      %dma_start3A_942 = tpu.memref_squeeze %dma_start3A_941 : memref<1x1x8x256xf32, #tpu.memory_space<vmem>> -> memref<8x256xf32, #tpu.memory_space<vmem>>
      %dma_start3A_943 = tpu.memref_slice %arg2[%select_n3A, %add3A_793, %mul3A_755, %mul3A_773] : memref<4x96x512x512xf32, #tpu.memory_space<hbm>> -> memref<1x1x8x256xf32, #tpu.memory_space<hbm>>
      %dma_start3A_944 = tpu.memref_squeeze %dma_start3A_943 : memref<1x1x8x256xf32, #tpu.memory_space<hbm>> -> memref<8x256xf32, #tpu.memory_space<hbm>>
      %dma_start3A_945 = arith.constant 0 : i32
      %dma_start3A_946 = arith.constant 0 : i32
      %dma_start3A_947 = tpu.memref_slice %arg5[%dma_start3A_937, %dma_start3A_938, %dma_start3A_945, %dma_start3A_946] : memref<2x12x8x256xf32, #tpu.memory_space<vmem>> -> memref<1x1x8x256xf32, #tpu.memory_space<vmem>>
      %dma_start3A_948 = tpu.memref_squeeze %dma_start3A_947 : memref<1x1x8x256xf32, #tpu.memory_space<vmem>> -> memref<8x256xf32, #tpu.memory_space<vmem>>
      %dma_start3A_949 = tpu.memref_slice %arg2[%select_n3A, %add3A_793, %mul3A_755, %mul3A_773] : memref<4x96x512x512xf32, #tpu.memory_space<hbm>> -> memref<1x1x8x256xf32, #tpu.memory_space<hbm>>
      %dma_start3A_950 = tpu.memref_squeeze %dma_start3A_949 : memref<1x1x8x256xf32, #tpu.memory_space<hbm>> -> memref<8x256xf32, #tpu.memory_space<hbm>>
      tpu.enqueue_dma source(%dma_start3A_950 : memref<8x256xf32, #tpu.memory_space<hbm>>) target(%dma_start3A_948 : memref<8x256xf32, #tpu.memory_space<vmem>>) target_semaphore(%arg9 : memref<!tpu.dma_semaphore, #tpu.memory_space<semaphore_mem>>)
      %dma_start3A_951 = arith.constant 1 : i32
      %dma_start3A_952 = arith.constant 10 : i32
      %dma_start3A_953 = arith.constant 0 : i32
      %dma_start3A_954 = arith.constant 0 : i32
      %dma_start3A_955 = tpu.memref_slice %arg5[%dma_start3A_951, %dma_start3A_952, %dma_start3A_953, %dma_start3A_954] : memref<2x12x8x256xf32, #tpu.memory_space<vmem>> -> memref<1x1x8x256xf32, #tpu.memory_space<vmem>>
      %dma_start3A_956 = tpu.memref_squeeze %dma_start3A_955 : memref<1x1x8x256xf32, #tpu.memory_space<vmem>> -> memref<8x256xf32, #tpu.memory_space<vmem>>
      %dma_start3A_957 = tpu.memref_slice %arg2[%select_n3A, %add3A_795, %mul3A_755, %mul3A_773] : memref<4x96x512x512xf32, #tpu.memory_space<hbm>> -> memref<1x1x8x256xf32, #tpu.memory_space<hbm>>
      %dma_start3A_958 = tpu.memref_squeeze %dma_start3A_957 : memref<1x1x8x256xf32, #tpu.memory_space<hbm>> -> memref<8x256xf32, #tpu.memory_space<hbm>>
      %dma_start3A_959 = arith.constant 0 : i32
      %dma_start3A_960 = arith.constant 0 : i32
      %dma_start3A_961 = tpu.memref_slice %arg5[%dma_start3A_951, %dma_start3A_952, %dma_start3A_959, %dma_start3A_960] : memref<2x12x8x256xf32, #tpu.memory_space<vmem>> -> memref<1x1x8x256xf32, #tpu.memory_space<vmem>>
      %dma_start3A_962 = tpu.memref_squeeze %dma_start3A_961 : memref<1x1x8x256xf32, #tpu.memory_space<vmem>> -> memref<8x256xf32, #tpu.memory_space<vmem>>
      %dma_start3A_963 = tpu.memref_slice %arg2[%select_n3A, %add3A_795, %mul3A_755, %mul3A_773] : memref<4x96x512x512xf32, #tpu.memory_space<hbm>> -> memref<1x1x8x256xf32, #tpu.memory_space<hbm>>
      %dma_start3A_964 = tpu.memref_squeeze %dma_start3A_963 : memref<1x1x8x256xf32, #tpu.memory_space<hbm>> -> memref<8x256xf32, #tpu.memory_space<hbm>>
      tpu.enqueue_dma source(%dma_start3A_964 : memref<8x256xf32, #tpu.memory_space<hbm>>) target(%dma_start3A_962 : memref<8x256xf32, #tpu.memory_space<vmem>>) target_semaphore(%arg9 : memref<!tpu.dma_semaphore, #tpu.memory_space<semaphore_mem>>)
      %dma_start3A_965 = arith.constant 1 : i32
      %dma_start3A_966 = arith.constant 11 : i32
      %dma_start3A_967 = arith.constant 0 : i32
      %dma_start3A_968 = arith.constant 0 : i32
      %dma_start3A_969 = tpu.memref_slice %arg5[%dma_start3A_965, %dma_start3A_966, %dma_start3A_967, %dma_start3A_968] : memref<2x12x8x256xf32, #tpu.memory_space<vmem>> -> memref<1x1x8x256xf32, #tpu.memory_space<vmem>>
      %dma_start3A_970 = tpu.memref_squeeze %dma_start3A_969 : memref<1x1x8x256xf32, #tpu.memory_space<vmem>> -> memref<8x256xf32, #tpu.memory_space<vmem>>
      %dma_start3A_971 = tpu.memref_slice %arg2[%select_n3A, %add3A_797, %mul3A_755, %mul3A_773] : memref<4x96x512x512xf32, #tpu.memory_space<hbm>> -> memref<1x1x8x256xf32, #tpu.memory_space<hbm>>
      %dma_start3A_972 = tpu.memref_squeeze %dma_start3A_971 : memref<1x1x8x256xf32, #tpu.memory_space<hbm>> -> memref<8x256xf32, #tpu.memory_space<hbm>>
      %dma_start3A_973 = arith.constant 0 : i32
      %dma_start3A_974 = arith.constant 0 : i32
      %dma_start3A_975 = tpu.memref_slice %arg5[%dma_start3A_965, %dma_start3A_966, %dma_start3A_973, %dma_start3A_974] : memref<2x12x8x256xf32, #tpu.memory_space<vmem>> -> memref<1x1x8x256xf32, #tpu.memory_space<vmem>>
      %dma_start3A_976 = tpu.memref_squeeze %dma_start3A_975 : memref<1x1x8x256xf32, #tpu.memory_space<vmem>> -> memref<8x256xf32, #tpu.memory_space<vmem>>
      %dma_start3A_977 = tpu.memref_slice %arg2[%select_n3A, %add3A_797, %mul3A_755, %mul3A_773] : memref<4x96x512x512xf32, #tpu.memory_space<hbm>> -> memref<1x1x8x256xf32, #tpu.memory_space<hbm>>
      %dma_start3A_978 = tpu.memref_squeeze %dma_start3A_977 : memref<1x1x8x256xf32, #tpu.memory_space<hbm>> -> memref<8x256xf32, #tpu.memory_space<hbm>>
      tpu.enqueue_dma source(%dma_start3A_978 : memref<8x256xf32, #tpu.memory_space<hbm>>) target(%dma_start3A_976 : memref<8x256xf32, #tpu.memory_space<vmem>>) target_semaphore(%arg9 : memref<!tpu.dma_semaphore, #tpu.memory_space<semaphore_mem>>)
      %mul3A_979 = arith.constant 2 : i32
      %mul3A_980 = arith.muli %mul3A_979, %scan3A_700 : i32
      %jit3A_981 = arith.constant 2 : i32
      %div3A_982 = arith.divsi %mul3A_980, %jit3A_981 : i32
      %sign3A_983 = arith.constant 0 : i32
      %sign3A_984 = arith.cmpi sgt, %mul3A_980, %sign3A_983 : i32
      %sign3A_985 = arith.extui %sign3A_984 : i1 to i32
      %sign3A_986 = arith.constant 0 : i32
      %sign3A_987 = arith.cmpi slt, %mul3A_980, %sign3A_986 : i32
      %sign3A_988 = arith.extui %sign3A_987 : i1 to i32
      %sign3A_989 = arith.subi %sign3A_985, %sign3A_988 : i32
      %sign3A_990 = arith.constant 0 : i32
      %sign3A_991 = arith.cmpi sgt, %jit3A_981, %sign3A_990 : i32
      %sign3A_992 = arith.extui %sign3A_991 : i1 to i32
      %sign3A_993 = arith.constant 0 : i32
      %sign3A_994 = arith.cmpi slt, %jit3A_981, %sign3A_993 : i32
      %sign3A_995 = arith.extui %sign3A_994 : i1 to i32
      %sign3A_996 = arith.subi %sign3A_992, %sign3A_995 : i32
      %ne3A_997 = arith.cmpi ne, %sign3A_989, %sign3A_996 : i32
      %rem3A_998 = arith.remsi %mul3A_980, %jit3A_981 : i32
      %ne3A_999 = arith.constant 0 : i32
      %ne3A_1000 = arith.cmpi ne, %rem3A_998, %ne3A_999 : i32
      %and3A_1001 = arith.andi %ne3A_997, %ne3A_1000 : i1
      %sub3A_1002 = arith.constant 1 : i32
      %sub3A_1003 = arith.subi %div3A_982, %sub3A_1002 : i32
      %select_n3A_1004 = arith.select %and3A_1001, %sub3A_1003, %div3A_982 : i32
      %mul3A_1005 = arith.constant 8 : i32
      %mul3A_1006 = arith.muli %select_n3A_1004, %mul3A_1005 : i32
      %jit3A_1007 = arith.constant 2 : i32
      %eq3A_1008 = arith.constant 0 : i32
      %eq3A_1009 = arith.cmpi eq, %jit3A_1007, %eq3A_1008 : i32
      %jit3A_1010 = arith.constant 1 : i32
      %select_n3A_1011 = arith.select %eq3A_1009, %jit3A_1010, %jit3A_1007 : i32
      %rem3A_1012 = arith.remsi %mul3A_980, %select_n3A_1011 : i32
      %ne3A_1013 = arith.constant 0 : i32
      %ne3A_1014 = arith.cmpi ne, %rem3A_1012, %ne3A_1013 : i32
      %lt3A_1015 = arith.constant 0 : i32
      %lt3A_1016 = arith.cmpi slt, %rem3A_1012, %lt3A_1015 : i32
      %lt3A_1017 = arith.constant 0 : i32
      %lt3A_1018 = arith.cmpi slt, %select_n3A_1011, %lt3A_1017 : i32
      %ne3A_1019 = arith.xori %lt3A_1016, %lt3A_1018 : i1
      %and3A_1020 = arith.andi %ne3A_1019, %ne3A_1014 : i1
      %add3A_1021 = arith.addi %rem3A_1012, %select_n3A_1011 : i32
      %select_n3A_1022 = arith.select %and3A_1020, %add3A_1021, %rem3A_1012 : i32
      %mul3A_1023 = arith.constant 256 : i32
      %mul3A_1024 = arith.muli %select_n3A_1022, %mul3A_1023 : i32
      %add3A_1025 = arith.constant 0 : i32
      %add3A_1026 = arith.addi %mul3A_32, %add3A_1025 : i32
      %add3A_1027 = arith.constant 1 : i32
      %add3A_1028 = arith.addi %mul3A_32, %add3A_1027 : i32
      %add3A_1029 = arith.constant 2 : i32
      %add3A_1030 = arith.addi %mul3A_32, %add3A_1029 : i32
      %add3A_1031 = arith.constant 3 : i32
      %add3A_1032 = arith.addi %mul3A_32, %add3A_1031 : i32
      %add3A_1033 = arith.constant 4 : i32
      %add3A_1034 = arith.addi %mul3A_32, %add3A_1033 : i32
      %add3A_1035 = arith.constant 5 : i32
      %add3A_1036 = arith.addi %mul3A_32, %add3A_1035 : i32
      %add3A_1037 = arith.constant 6 : i32
      %add3A_1038 = arith.addi %mul3A_32, %add3A_1037 : i32
      %add3A_1039 = arith.constant 7 : i32
      %add3A_1040 = arith.addi %mul3A_32, %add3A_1039 : i32
      %add3A_1041 = arith.constant 8 : i32
      %add3A_1042 = arith.addi %mul3A_32, %add3A_1041 : i32
      %add3A_1043 = arith.constant 9 : i32
      %add3A_1044 = arith.addi %mul3A_32, %add3A_1043 : i32
      %add3A_1045 = arith.constant 10 : i32
      %add3A_1046 = arith.addi %mul3A_32, %add3A_1045 : i32
      %add3A_1047 = arith.constant 11 : i32
      %add3A_1048 = arith.addi %mul3A_32, %add3A_1047 : i32
      %dma_wait3A_1049 = arith.constant 0 : i32
      %dma_wait3A_1050 = arith.constant 0 : i32
      %dma_wait3A_1051 = arith.constant 0 : i32
      %dma_wait3A_1052 = tpu.memref_slice %arg6[%dma_wait3A_1049, %dma_wait3A_1050, %dma_wait3A_1051] : memref<2x8x256xf32, #tpu.memory_space<vmem>> -> memref<1x8x256xf32, #tpu.memory_space<vmem>>
      %dma_wait3A_1053 = tpu.memref_squeeze %dma_wait3A_1052 : memref<1x8x256xf32, #tpu.memory_space<vmem>> -> memref<8x256xf32, #tpu.memory_space<vmem>>
      %dma_wait3A_1054 = tpu.memref_slice %arg3[%select_n3A, %mul3A_1006, %mul3A_1024] : memref<4x512x512xf32, #tpu.memory_space<hbm>> -> memref<1x8x256xf32, #tpu.memory_space<hbm>>
      %dma_wait3A_1055 = tpu.memref_squeeze %dma_wait3A_1054 : memref<1x8x256xf32, #tpu.memory_space<hbm>> -> memref<8x256xf32, #tpu.memory_space<hbm>>
      %dma_wait3A_1056 = arith.constant 0 : i32
      %dma_wait3A_1057 = arith.constant 0 : i32
      %dma_wait3A_1058 = tpu.memref_slice %arg6[%dma_wait3A_1049, %dma_wait3A_1056, %dma_wait3A_1057] : memref<2x8x256xf32, #tpu.memory_space<vmem>> -> memref<1x8x256xf32, #tpu.memory_space<vmem>>
      %dma_wait3A_1059 = tpu.memref_squeeze %dma_wait3A_1058 : memref<1x8x256xf32, #tpu.memory_space<vmem>> -> memref<8x256xf32, #tpu.memory_space<vmem>>
      %dma_wait3A_1060 = tpu.memref_slice %arg3[%select_n3A, %mul3A_1006, %mul3A_1024] : memref<4x512x512xf32, #tpu.memory_space<hbm>> -> memref<1x8x256xf32, #tpu.memory_space<hbm>>
      %dma_wait3A_1061 = tpu.memref_squeeze %dma_wait3A_1060 : memref<1x8x256xf32, #tpu.memory_space<hbm>> -> memref<8x256xf32, #tpu.memory_space<hbm>>
      tpu.wait_dma2 semaphore(%arg8 : memref<!tpu.dma_semaphore, #tpu.memory_space<semaphore_mem>>) src(%dma_wait3A_1061 : memref<8x256xf32, #tpu.memory_space<hbm>>) dst(%dma_wait3A_1059 : memref<8x256xf32, #tpu.memory_space<vmem>>)
      %dma_wait3A_1062 = arith.constant 0 : i32
      %dma_wait3A_1063 = arith.constant 0 : i32
      %dma_wait3A_1064 = arith.constant 0 : i32
      %dma_wait3A_1065 = arith.constant 0 : i32
      %dma_wait3A_1066 = tpu.memref_slice %arg5[%dma_wait3A_1062, %dma_wait3A_1063, %dma_wait3A_1064, %dma_wait3A_1065] : memref<2x12x8x256xf32, #tpu.memory_space<vmem>> -> memref<1x1x8x256xf32, #tpu.memory_space<vmem>>
      %dma_wait3A_1067 = tpu.memref_squeeze %dma_wait3A_1066 : memref<1x1x8x256xf32, #tpu.memory_space<vmem>> -> memref<8x256xf32, #tpu.memory_space<vmem>>
      %dma_wait3A_1068 = tpu.memref_slice %arg2[%select_n3A, %add3A_1026, %mul3A_1006, %mul3A_1024] : memref<4x96x512x512xf32, #tpu.memory_space<hbm>> -> memref<1x1x8x256xf32, #tpu.memory_space<hbm>>
      %dma_wait3A_1069 = tpu.memref_squeeze %dma_wait3A_1068 : memref<1x1x8x256xf32, #tpu.memory_space<hbm>> -> memref<8x256xf32, #tpu.memory_space<hbm>>
      %dma_wait3A_1070 = arith.constant 0 : i32
      %dma_wait3A_1071 = arith.constant 0 : i32
      %dma_wait3A_1072 = tpu.memref_slice %arg5[%dma_wait3A_1062, %dma_wait3A_1063, %dma_wait3A_1070, %dma_wait3A_1071] : memref<2x12x8x256xf32, #tpu.memory_space<vmem>> -> memref<1x1x8x256xf32, #tpu.memory_space<vmem>>
      %dma_wait3A_1073 = tpu.memref_squeeze %dma_wait3A_1072 : memref<1x1x8x256xf32, #tpu.memory_space<vmem>> -> memref<8x256xf32, #tpu.memory_space<vmem>>
      %dma_wait3A_1074 = tpu.memref_slice %arg2[%select_n3A, %add3A_1026, %mul3A_1006, %mul3A_1024] : memref<4x96x512x512xf32, #tpu.memory_space<hbm>> -> memref<1x1x8x256xf32, #tpu.memory_space<hbm>>
      %dma_wait3A_1075 = tpu.memref_squeeze %dma_wait3A_1074 : memref<1x1x8x256xf32, #tpu.memory_space<hbm>> -> memref<8x256xf32, #tpu.memory_space<hbm>>
      tpu.wait_dma2 semaphore(%arg8 : memref<!tpu.dma_semaphore, #tpu.memory_space<semaphore_mem>>) src(%dma_wait3A_1075 : memref<8x256xf32, #tpu.memory_space<hbm>>) dst(%dma_wait3A_1073 : memref<8x256xf32, #tpu.memory_space<vmem>>)
      %dma_wait3A_1076 = arith.constant 0 : i32
      %dma_wait3A_1077 = arith.constant 1 : i32
      %dma_wait3A_1078 = arith.constant 0 : i32
      %dma_wait3A_1079 = arith.constant 0 : i32
      %dma_wait3A_1080 = tpu.memref_slice %arg5[%dma_wait3A_1076, %dma_wait3A_1077, %dma_wait3A_1078, %dma_wait3A_1079] : memref<2x12x8x256xf32, #tpu.memory_space<vmem>> -> memref<1x1x8x256xf32, #tpu.memory_space<vmem>>
      %dma_wait3A_1081 = tpu.memref_squeeze %dma_wait3A_1080 : memref<1x1x8x256xf32, #tpu.memory_space<vmem>> -> memref<8x256xf32, #tpu.memory_space<vmem>>
      %dma_wait3A_1082 = tpu.memref_slice %arg2[%select_n3A, %add3A_1028, %mul3A_1006, %mul3A_1024] : memref<4x96x512x512xf32, #tpu.memory_space<hbm>> -> memref<1x1x8x256xf32, #tpu.memory_space<hbm>>
      %dma_wait3A_1083 = tpu.memref_squeeze %dma_wait3A_1082 : memref<1x1x8x256xf32, #tpu.memory_space<hbm>> -> memref<8x256xf32, #tpu.memory_space<hbm>>
      %dma_wait3A_1084 = arith.constant 0 : i32
      %dma_wait3A_1085 = arith.constant 0 : i32
      %dma_wait3A_1086 = tpu.memref_slice %arg5[%dma_wait3A_1076, %dma_wait3A_1077, %dma_wait3A_1084, %dma_wait3A_1085] : memref<2x12x8x256xf32, #tpu.memory_space<vmem>> -> memref<1x1x8x256xf32, #tpu.memory_space<vmem>>
      %dma_wait3A_1087 = tpu.memref_squeeze %dma_wait3A_1086 : memref<1x1x8x256xf32, #tpu.memory_space<vmem>> -> memref<8x256xf32, #tpu.memory_space<vmem>>
      %dma_wait3A_1088 = tpu.memref_slice %arg2[%select_n3A, %add3A_1028, %mul3A_1006, %mul3A_1024] : memref<4x96x512x512xf32, #tpu.memory_space<hbm>> -> memref<1x1x8x256xf32, #tpu.memory_space<hbm>>
      %dma_wait3A_1089 = tpu.memref_squeeze %dma_wait3A_1088 : memref<1x1x8x256xf32, #tpu.memory_space<hbm>> -> memref<8x256xf32, #tpu.memory_space<hbm>>
      tpu.wait_dma2 semaphore(%arg8 : memref<!tpu.dma_semaphore, #tpu.memory_space<semaphore_mem>>) src(%dma_wait3A_1089 : memref<8x256xf32, #tpu.memory_space<hbm>>) dst(%dma_wait3A_1087 : memref<8x256xf32, #tpu.memory_space<vmem>>)
      %dma_wait3A_1090 = arith.constant 0 : i32
      %dma_wait3A_1091 = arith.constant 2 : i32
      %dma_wait3A_1092 = arith.constant 0 : i32
      %dma_wait3A_1093 = arith.constant 0 : i32
      %dma_wait3A_1094 = tpu.memref_slice %arg5[%dma_wait3A_1090, %dma_wait3A_1091, %dma_wait3A_1092, %dma_wait3A_1093] : memref<2x12x8x256xf32, #tpu.memory_space<vmem>> -> memref<1x1x8x256xf32, #tpu.memory_space<vmem>>
      %dma_wait3A_1095 = tpu.memref_squeeze %dma_wait3A_1094 : memref<1x1x8x256xf32, #tpu.memory_space<vmem>> -> memref<8x256xf32, #tpu.memory_space<vmem>>
      %dma_wait3A_1096 = tpu.memref_slice %arg2[%select_n3A, %add3A_1030, %mul3A_1006, %mul3A_1024] : memref<4x96x512x512xf32, #tpu.memory_space<hbm>> -> memref<1x1x8x256xf32, #tpu.memory_space<hbm>>
      %dma_wait3A_1097 = tpu.memref_squeeze %dma_wait3A_1096 : memref<1x1x8x256xf32, #tpu.memory_space<hbm>> -> memref<8x256xf32, #tpu.memory_space<hbm>>
      %dma_wait3A_1098 = arith.constant 0 : i32
      %dma_wait3A_1099 = arith.constant 0 : i32
      %dma_wait3A_1100 = tpu.memref_slice %arg5[%dma_wait3A_1090, %dma_wait3A_1091, %dma_wait3A_1098, %dma_wait3A_1099] : memref<2x12x8x256xf32, #tpu.memory_space<vmem>> -> memref<1x1x8x256xf32, #tpu.memory_space<vmem>>
      %dma_wait3A_1101 = tpu.memref_squeeze %dma_wait3A_1100 : memref<1x1x8x256xf32, #tpu.memory_space<vmem>> -> memref<8x256xf32, #tpu.memory_space<vmem>>
      %dma_wait3A_1102 = tpu.memref_slice %arg2[%select_n3A, %add3A_1030, %mul3A_1006, %mul3A_1024] : memref<4x96x512x512xf32, #tpu.memory_space<hbm>> -> memref<1x1x8x256xf32, #tpu.memory_space<hbm>>
      %dma_wait3A_1103 = tpu.memref_squeeze %dma_wait3A_1102 : memref<1x1x8x256xf32, #tpu.memory_space<hbm>> -> memref<8x256xf32, #tpu.memory_space<hbm>>
      tpu.wait_dma2 semaphore(%arg8 : memref<!tpu.dma_semaphore, #tpu.memory_space<semaphore_mem>>) src(%dma_wait3A_1103 : memref<8x256xf32, #tpu.memory_space<hbm>>) dst(%dma_wait3A_1101 : memref<8x256xf32, #tpu.memory_space<vmem>>)
      %dma_wait3A_1104 = arith.constant 0 : i32
      %dma_wait3A_1105 = arith.constant 3 : i32
      %dma_wait3A_1106 = arith.constant 0 : i32
      %dma_wait3A_1107 = arith.constant 0 : i32
      %dma_wait3A_1108 = tpu.memref_slice %arg5[%dma_wait3A_1104, %dma_wait3A_1105, %dma_wait3A_1106, %dma_wait3A_1107] : memref<2x12x8x256xf32, #tpu.memory_space<vmem>> -> memref<1x1x8x256xf32, #tpu.memory_space<vmem>>
      %dma_wait3A_1109 = tpu.memref_squeeze %dma_wait3A_1108 : memref<1x1x8x256xf32, #tpu.memory_space<vmem>> -> memref<8x256xf32, #tpu.memory_space<vmem>>
      %dma_wait3A_1110 = tpu.memref_slice %arg2[%select_n3A, %add3A_1032, %mul3A_1006, %mul3A_1024] : memref<4x96x512x512xf32, #tpu.memory_space<hbm>> -> memref<1x1x8x256xf32, #tpu.memory_space<hbm>>
      %dma_wait3A_1111 = tpu.memref_squeeze %dma_wait3A_1110 : memref<1x1x8x256xf32, #tpu.memory_space<hbm>> -> memref<8x256xf32, #tpu.memory_space<hbm>>
      %dma_wait3A_1112 = arith.constant 0 : i32
      %dma_wait3A_1113 = arith.constant 0 : i32
      %dma_wait3A_1114 = tpu.memref_slice %arg5[%dma_wait3A_1104, %dma_wait3A_1105, %dma_wait3A_1112, %dma_wait3A_1113] : memref<2x12x8x256xf32, #tpu.memory_space<vmem>> -> memref<1x1x8x256xf32, #tpu.memory_space<vmem>>
      %dma_wait3A_1115 = tpu.memref_squeeze %dma_wait3A_1114 : memref<1x1x8x256xf32, #tpu.memory_space<vmem>> -> memref<8x256xf32, #tpu.memory_space<vmem>>
      %dma_wait3A_1116 = tpu.memref_slice %arg2[%select_n3A, %add3A_1032, %mul3A_1006, %mul3A_1024] : memref<4x96x512x512xf32, #tpu.memory_space<hbm>> -> memref<1x1x8x256xf32, #tpu.memory_space<hbm>>
      %dma_wait3A_1117 = tpu.memref_squeeze %dma_wait3A_1116 : memref<1x1x8x256xf32, #tpu.memory_space<hbm>> -> memref<8x256xf32, #tpu.memory_space<hbm>>
      tpu.wait_dma2 semaphore(%arg8 : memref<!tpu.dma_semaphore, #tpu.memory_space<semaphore_mem>>) src(%dma_wait3A_1117 : memref<8x256xf32, #tpu.memory_space<hbm>>) dst(%dma_wait3A_1115 : memref<8x256xf32, #tpu.memory_space<vmem>>)
      %dma_wait3A_1118 = arith.constant 0 : i32
      %dma_wait3A_1119 = arith.constant 4 : i32
      %dma_wait3A_1120 = arith.constant 0 : i32
      %dma_wait3A_1121 = arith.constant 0 : i32
      %dma_wait3A_1122 = tpu.memref_slice %arg5[%dma_wait3A_1118, %dma_wait3A_1119, %dma_wait3A_1120, %dma_wait3A_1121] : memref<2x12x8x256xf32, #tpu.memory_space<vmem>> -> memref<1x1x8x256xf32, #tpu.memory_space<vmem>>
      %dma_wait3A_1123 = tpu.memref_squeeze %dma_wait3A_1122 : memref<1x1x8x256xf32, #tpu.memory_space<vmem>> -> memref<8x256xf32, #tpu.memory_space<vmem>>
      %dma_wait3A_1124 = tpu.memref_slice %arg2[%select_n3A, %add3A_1034, %mul3A_1006, %mul3A_1024] : memref<4x96x512x512xf32, #tpu.memory_space<hbm>> -> memref<1x1x8x256xf32, #tpu.memory_space<hbm>>
      %dma_wait3A_1125 = tpu.memref_squeeze %dma_wait3A_1124 : memref<1x1x8x256xf32, #tpu.memory_space<hbm>> -> memref<8x256xf32, #tpu.memory_space<hbm>>
      %dma_wait3A_1126 = arith.constant 0 : i32
      %dma_wait3A_1127 = arith.constant 0 : i32
      %dma_wait3A_1128 = tpu.memref_slice %arg5[%dma_wait3A_1118, %dma_wait3A_1119, %dma_wait3A_1126, %dma_wait3A_1127] : memref<2x12x8x256xf32, #tpu.memory_space<vmem>> -> memref<1x1x8x256xf32, #tpu.memory_space<vmem>>
      %dma_wait3A_1129 = tpu.memref_squeeze %dma_wait3A_1128 : memref<1x1x8x256xf32, #tpu.memory_space<vmem>> -> memref<8x256xf32, #tpu.memory_space<vmem>>
      %dma_wait3A_1130 = tpu.memref_slice %arg2[%select_n3A, %add3A_1034, %mul3A_1006, %mul3A_1024] : memref<4x96x512x512xf32, #tpu.memory_space<hbm>> -> memref<1x1x8x256xf32, #tpu.memory_space<hbm>>
      %dma_wait3A_1131 = tpu.memref_squeeze %dma_wait3A_1130 : memref<1x1x8x256xf32, #tpu.memory_space<hbm>> -> memref<8x256xf32, #tpu.memory_space<hbm>>
      tpu.wait_dma2 semaphore(%arg8 : memref<!tpu.dma_semaphore, #tpu.memory_space<semaphore_mem>>) src(%dma_wait3A_1131 : memref<8x256xf32, #tpu.memory_space<hbm>>) dst(%dma_wait3A_1129 : memref<8x256xf32, #tpu.memory_space<vmem>>)
      %dma_wait3A_1132 = arith.constant 0 : i32
      %dma_wait3A_1133 = arith.constant 5 : i32
      %dma_wait3A_1134 = arith.constant 0 : i32
      %dma_wait3A_1135 = arith.constant 0 : i32
      %dma_wait3A_1136 = tpu.memref_slice %arg5[%dma_wait3A_1132, %dma_wait3A_1133, %dma_wait3A_1134, %dma_wait3A_1135] : memref<2x12x8x256xf32, #tpu.memory_space<vmem>> -> memref<1x1x8x256xf32, #tpu.memory_space<vmem>>
      %dma_wait3A_1137 = tpu.memref_squeeze %dma_wait3A_1136 : memref<1x1x8x256xf32, #tpu.memory_space<vmem>> -> memref<8x256xf32, #tpu.memory_space<vmem>>
      %dma_wait3A_1138 = tpu.memref_slice %arg2[%select_n3A, %add3A_1036, %mul3A_1006, %mul3A_1024] : memref<4x96x512x512xf32, #tpu.memory_space<hbm>> -> memref<1x1x8x256xf32, #tpu.memory_space<hbm>>
      %dma_wait3A_1139 = tpu.memref_squeeze %dma_wait3A_1138 : memref<1x1x8x256xf32, #tpu.memory_space<hbm>> -> memref<8x256xf32, #tpu.memory_space<hbm>>
      %dma_wait3A_1140 = arith.constant 0 : i32
      %dma_wait3A_1141 = arith.constant 0 : i32
      %dma_wait3A_1142 = tpu.memref_slice %arg5[%dma_wait3A_1132, %dma_wait3A_1133, %dma_wait3A_1140, %dma_wait3A_1141] : memref<2x12x8x256xf32, #tpu.memory_space<vmem>> -> memref<1x1x8x256xf32, #tpu.memory_space<vmem>>
      %dma_wait3A_1143 = tpu.memref_squeeze %dma_wait3A_1142 : memref<1x1x8x256xf32, #tpu.memory_space<vmem>> -> memref<8x256xf32, #tpu.memory_space<vmem>>
      %dma_wait3A_1144 = tpu.memref_slice %arg2[%select_n3A, %add3A_1036, %mul3A_1006, %mul3A_1024] : memref<4x96x512x512xf32, #tpu.memory_space<hbm>> -> memref<1x1x8x256xf32, #tpu.memory_space<hbm>>
      %dma_wait3A_1145 = tpu.memref_squeeze %dma_wait3A_1144 : memref<1x1x8x256xf32, #tpu.memory_space<hbm>> -> memref<8x256xf32, #tpu.memory_space<hbm>>
      tpu.wait_dma2 semaphore(%arg8 : memref<!tpu.dma_semaphore, #tpu.memory_space<semaphore_mem>>) src(%dma_wait3A_1145 : memref<8x256xf32, #tpu.memory_space<hbm>>) dst(%dma_wait3A_1143 : memref<8x256xf32, #tpu.memory_space<vmem>>)
      %dma_wait3A_1146 = arith.constant 0 : i32
      %dma_wait3A_1147 = arith.constant 6 : i32
      %dma_wait3A_1148 = arith.constant 0 : i32
      %dma_wait3A_1149 = arith.constant 0 : i32
      %dma_wait3A_1150 = tpu.memref_slice %arg5[%dma_wait3A_1146, %dma_wait3A_1147, %dma_wait3A_1148, %dma_wait3A_1149] : memref<2x12x8x256xf32, #tpu.memory_space<vmem>> -> memref<1x1x8x256xf32, #tpu.memory_space<vmem>>
      %dma_wait3A_1151 = tpu.memref_squeeze %dma_wait3A_1150 : memref<1x1x8x256xf32, #tpu.memory_space<vmem>> -> memref<8x256xf32, #tpu.memory_space<vmem>>
      %dma_wait3A_1152 = tpu.memref_slice %arg2[%select_n3A, %add3A_1038, %mul3A_1006, %mul3A_1024] : memref<4x96x512x512xf32, #tpu.memory_space<hbm>> -> memref<1x1x8x256xf32, #tpu.memory_space<hbm>>
      %dma_wait3A_1153 = tpu.memref_squeeze %dma_wait3A_1152 : memref<1x1x8x256xf32, #tpu.memory_space<hbm>> -> memref<8x256xf32, #tpu.memory_space<hbm>>
      %dma_wait3A_1154 = arith.constant 0 : i32
      %dma_wait3A_1155 = arith.constant 0 : i32
      %dma_wait3A_1156 = tpu.memref_slice %arg5[%dma_wait3A_1146, %dma_wait3A_1147, %dma_wait3A_1154, %dma_wait3A_1155] : memref<2x12x8x256xf32, #tpu.memory_space<vmem>> -> memref<1x1x8x256xf32, #tpu.memory_space<vmem>>
      %dma_wait3A_1157 = tpu.memref_squeeze %dma_wait3A_1156 : memref<1x1x8x256xf32, #tpu.memory_space<vmem>> -> memref<8x256xf32, #tpu.memory_space<vmem>>
      %dma_wait3A_1158 = tpu.memref_slice %arg2[%select_n3A, %add3A_1038, %mul3A_1006, %mul3A_1024] : memref<4x96x512x512xf32, #tpu.memory_space<hbm>> -> memref<1x1x8x256xf32, #tpu.memory_space<hbm>>
      %dma_wait3A_1159 = tpu.memref_squeeze %dma_wait3A_1158 : memref<1x1x8x256xf32, #tpu.memory_space<hbm>> -> memref<8x256xf32, #tpu.memory_space<hbm>>
      tpu.wait_dma2 semaphore(%arg8 : memref<!tpu.dma_semaphore, #tpu.memory_space<semaphore_mem>>) src(%dma_wait3A_1159 : memref<8x256xf32, #tpu.memory_space<hbm>>) dst(%dma_wait3A_1157 : memref<8x256xf32, #tpu.memory_space<vmem>>)
      %dma_wait3A_1160 = arith.constant 0 : i32
      %dma_wait3A_1161 = arith.constant 7 : i32
      %dma_wait3A_1162 = arith.constant 0 : i32
      %dma_wait3A_1163 = arith.constant 0 : i32
      %dma_wait3A_1164 = tpu.memref_slice %arg5[%dma_wait3A_1160, %dma_wait3A_1161, %dma_wait3A_1162, %dma_wait3A_1163] : memref<2x12x8x256xf32, #tpu.memory_space<vmem>> -> memref<1x1x8x256xf32, #tpu.memory_space<vmem>>
      %dma_wait3A_1165 = tpu.memref_squeeze %dma_wait3A_1164 : memref<1x1x8x256xf32, #tpu.memory_space<vmem>> -> memref<8x256xf32, #tpu.memory_space<vmem>>
      %dma_wait3A_1166 = tpu.memref_slice %arg2[%select_n3A, %add3A_1040, %mul3A_1006, %mul3A_1024] : memref<4x96x512x512xf32, #tpu.memory_space<hbm>> -> memref<1x1x8x256xf32, #tpu.memory_space<hbm>>
      %dma_wait3A_1167 = tpu.memref_squeeze %dma_wait3A_1166 : memref<1x1x8x256xf32, #tpu.memory_space<hbm>> -> memref<8x256xf32, #tpu.memory_space<hbm>>
      %dma_wait3A_1168 = arith.constant 0 : i32
      %dma_wait3A_1169 = arith.constant 0 : i32
      %dma_wait3A_1170 = tpu.memref_slice %arg5[%dma_wait3A_1160, %dma_wait3A_1161, %dma_wait3A_1168, %dma_wait3A_1169] : memref<2x12x8x256xf32, #tpu.memory_space<vmem>> -> memref<1x1x8x256xf32, #tpu.memory_space<vmem>>
      %dma_wait3A_1171 = tpu.memref_squeeze %dma_wait3A_1170 : memref<1x1x8x256xf32, #tpu.memory_space<vmem>> -> memref<8x256xf32, #tpu.memory_space<vmem>>
      %dma_wait3A_1172 = tpu.memref_slice %arg2[%select_n3A, %add3A_1040, %mul3A_1006, %mul3A_1024] : memref<4x96x512x512xf32, #tpu.memory_space<hbm>> -> memref<1x1x8x256xf32, #tpu.memory_space<hbm>>
      %dma_wait3A_1173 = tpu.memref_squeeze %dma_wait3A_1172 : memref<1x1x8x256xf32, #tpu.memory_space<hbm>> -> memref<8x256xf32, #tpu.memory_space<hbm>>
      tpu.wait_dma2 semaphore(%arg8 : memref<!tpu.dma_semaphore, #tpu.memory_space<semaphore_mem>>) src(%dma_wait3A_1173 : memref<8x256xf32, #tpu.memory_space<hbm>>) dst(%dma_wait3A_1171 : memref<8x256xf32, #tpu.memory_space<vmem>>)
      %dma_wait3A_1174 = arith.constant 0 : i32
      %dma_wait3A_1175 = arith.constant 8 : i32
      %dma_wait3A_1176 = arith.constant 0 : i32
      %dma_wait3A_1177 = arith.constant 0 : i32
      %dma_wait3A_1178 = tpu.memref_slice %arg5[%dma_wait3A_1174, %dma_wait3A_1175, %dma_wait3A_1176, %dma_wait3A_1177] : memref<2x12x8x256xf32, #tpu.memory_space<vmem>> -> memref<1x1x8x256xf32, #tpu.memory_space<vmem>>
      %dma_wait3A_1179 = tpu.memref_squeeze %dma_wait3A_1178 : memref<1x1x8x256xf32, #tpu.memory_space<vmem>> -> memref<8x256xf32, #tpu.memory_space<vmem>>
      %dma_wait3A_1180 = tpu.memref_slice %arg2[%select_n3A, %add3A_1042, %mul3A_1006, %mul3A_1024] : memref<4x96x512x512xf32, #tpu.memory_space<hbm>> -> memref<1x1x8x256xf32, #tpu.memory_space<hbm>>
      %dma_wait3A_1181 = tpu.memref_squeeze %dma_wait3A_1180 : memref<1x1x8x256xf32, #tpu.memory_space<hbm>> -> memref<8x256xf32, #tpu.memory_space<hbm>>
      %dma_wait3A_1182 = arith.constant 0 : i32
      %dma_wait3A_1183 = arith.constant 0 : i32
      %dma_wait3A_1184 = tpu.memref_slice %arg5[%dma_wait3A_1174, %dma_wait3A_1175, %dma_wait3A_1182, %dma_wait3A_1183] : memref<2x12x8x256xf32, #tpu.memory_space<vmem>> -> memref<1x1x8x256xf32, #tpu.memory_space<vmem>>
      %dma_wait3A_1185 = tpu.memref_squeeze %dma_wait3A_1184 : memref<1x1x8x256xf32, #tpu.memory_space<vmem>> -> memref<8x256xf32, #tpu.memory_space<vmem>>
      %dma_wait3A_1186 = tpu.memref_slice %arg2[%select_n3A, %add3A_1042, %mul3A_1006, %mul3A_1024] : memref<4x96x512x512xf32, #tpu.memory_space<hbm>> -> memref<1x1x8x256xf32, #tpu.memory_space<hbm>>
      %dma_wait3A_1187 = tpu.memref_squeeze %dma_wait3A_1186 : memref<1x1x8x256xf32, #tpu.memory_space<hbm>> -> memref<8x256xf32, #tpu.memory_space<hbm>>
      tpu.wait_dma2 semaphore(%arg8 : memref<!tpu.dma_semaphore, #tpu.memory_space<semaphore_mem>>) src(%dma_wait3A_1187 : memref<8x256xf32, #tpu.memory_space<hbm>>) dst(%dma_wait3A_1185 : memref<8x256xf32, #tpu.memory_space<vmem>>)
      %dma_wait3A_1188 = arith.constant 0 : i32
      %dma_wait3A_1189 = arith.constant 9 : i32
      %dma_wait3A_1190 = arith.constant 0 : i32
      %dma_wait3A_1191 = arith.constant 0 : i32
      %dma_wait3A_1192 = tpu.memref_slice %arg5[%dma_wait3A_1188, %dma_wait3A_1189, %dma_wait3A_1190, %dma_wait3A_1191] : memref<2x12x8x256xf32, #tpu.memory_space<vmem>> -> memref<1x1x8x256xf32, #tpu.memory_space<vmem>>
      %dma_wait3A_1193 = tpu.memref_squeeze %dma_wait3A_1192 : memref<1x1x8x256xf32, #tpu.memory_space<vmem>> -> memref<8x256xf32, #tpu.memory_space<vmem>>
      %dma_wait3A_1194 = tpu.memref_slice %arg2[%select_n3A, %add3A_1044, %mul3A_1006, %mul3A_1024] : memref<4x96x512x512xf32, #tpu.memory_space<hbm>> -> memref<1x1x8x256xf32, #tpu.memory_space<hbm>>
      %dma_wait3A_1195 = tpu.memref_squeeze %dma_wait3A_1194 : memref<1x1x8x256xf32, #tpu.memory_space<hbm>> -> memref<8x256xf32, #tpu.memory_space<hbm>>
      %dma_wait3A_1196 = arith.constant 0 : i32
      %dma_wait3A_1197 = arith.constant 0 : i32
      %dma_wait3A_1198 = tpu.memref_slice %arg5[%dma_wait3A_1188, %dma_wait3A_1189, %dma_wait3A_1196, %dma_wait3A_1197] : memref<2x12x8x256xf32, #tpu.memory_space<vmem>> -> memref<1x1x8x256xf32, #tpu.memory_space<vmem>>
      %dma_wait3A_1199 = tpu.memref_squeeze %dma_wait3A_1198 : memref<1x1x8x256xf32, #tpu.memory_space<vmem>> -> memref<8x256xf32, #tpu.memory_space<vmem>>
      %dma_wait3A_1200 = tpu.memref_slice %arg2[%select_n3A, %add3A_1044, %mul3A_1006, %mul3A_1024] : memref<4x96x512x512xf32, #tpu.memory_space<hbm>> -> memref<1x1x8x256xf32, #tpu.memory_space<hbm>>
      %dma_wait3A_1201 = tpu.memref_squeeze %dma_wait3A_1200 : memref<1x1x8x256xf32, #tpu.memory_space<hbm>> -> memref<8x256xf32, #tpu.memory_space<hbm>>
      tpu.wait_dma2 semaphore(%arg8 : memref<!tpu.dma_semaphore, #tpu.memory_space<semaphore_mem>>) src(%dma_wait3A_1201 : memref<8x256xf32, #tpu.memory_space<hbm>>) dst(%dma_wait3A_1199 : memref<8x256xf32, #tpu.memory_space<vmem>>)
      %dma_wait3A_1202 = arith.constant 0 : i32
      %dma_wait3A_1203 = arith.constant 10 : i32
      %dma_wait3A_1204 = arith.constant 0 : i32
      %dma_wait3A_1205 = arith.constant 0 : i32
      %dma_wait3A_1206 = tpu.memref_slice %arg5[%dma_wait3A_1202, %dma_wait3A_1203, %dma_wait3A_1204, %dma_wait3A_1205] : memref<2x12x8x256xf32, #tpu.memory_space<vmem>> -> memref<1x1x8x256xf32, #tpu.memory_space<vmem>>
      %dma_wait3A_1207 = tpu.memref_squeeze %dma_wait3A_1206 : memref<1x1x8x256xf32, #tpu.memory_space<vmem>> -> memref<8x256xf32, #tpu.memory_space<vmem>>
      %dma_wait3A_1208 = tpu.memref_slice %arg2[%select_n3A, %add3A_1046, %mul3A_1006, %mul3A_1024] : memref<4x96x512x512xf32, #tpu.memory_space<hbm>> -> memref<1x1x8x256xf32, #tpu.memory_space<hbm>>
      %dma_wait3A_1209 = tpu.memref_squeeze %dma_wait3A_1208 : memref<1x1x8x256xf32, #tpu.memory_space<hbm>> -> memref<8x256xf32, #tpu.memory_space<hbm>>
      %dma_wait3A_1210 = arith.constant 0 : i32
      %dma_wait3A_1211 = arith.constant 0 : i32
      %dma_wait3A_1212 = tpu.memref_slice %arg5[%dma_wait3A_1202, %dma_wait3A_1203, %dma_wait3A_1210, %dma_wait3A_1211] : memref<2x12x8x256xf32, #tpu.memory_space<vmem>> -> memref<1x1x8x256xf32, #tpu.memory_space<vmem>>
      %dma_wait3A_1213 = tpu.memref_squeeze %dma_wait3A_1212 : memref<1x1x8x256xf32, #tpu.memory_space<vmem>> -> memref<8x256xf32, #tpu.memory_space<vmem>>
      %dma_wait3A_1214 = tpu.memref_slice %arg2[%select_n3A, %add3A_1046, %mul3A_1006, %mul3A_1024] : memref<4x96x512x512xf32, #tpu.memory_space<hbm>> -> memref<1x1x8x256xf32, #tpu.memory_space<hbm>>
      %dma_wait3A_1215 = tpu.memref_squeeze %dma_wait3A_1214 : memref<1x1x8x256xf32, #tpu.memory_space<hbm>> -> memref<8x256xf32, #tpu.memory_space<hbm>>
      tpu.wait_dma2 semaphore(%arg8 : memref<!tpu.dma_semaphore, #tpu.memory_space<semaphore_mem>>) src(%dma_wait3A_1215 : memref<8x256xf32, #tpu.memory_space<hbm>>) dst(%dma_wait3A_1213 : memref<8x256xf32, #tpu.memory_space<vmem>>)
      %dma_wait3A_1216 = arith.constant 0 : i32
      %dma_wait3A_1217 = arith.constant 11 : i32
      %dma_wait3A_1218 = arith.constant 0 : i32
      %dma_wait3A_1219 = arith.constant 0 : i32
      %dma_wait3A_1220 = tpu.memref_slice %arg5[%dma_wait3A_1216, %dma_wait3A_1217, %dma_wait3A_1218, %dma_wait3A_1219] : memref<2x12x8x256xf32, #tpu.memory_space<vmem>> -> memref<1x1x8x256xf32, #tpu.memory_space<vmem>>
      %dma_wait3A_1221 = tpu.memref_squeeze %dma_wait3A_1220 : memref<1x1x8x256xf32, #tpu.memory_space<vmem>> -> memref<8x256xf32, #tpu.memory_space<vmem>>
      %dma_wait3A_1222 = tpu.memref_slice %arg2[%select_n3A, %add3A_1048, %mul3A_1006, %mul3A_1024] : memref<4x96x512x512xf32, #tpu.memory_space<hbm>> -> memref<1x1x8x256xf32, #tpu.memory_space<hbm>>
      %dma_wait3A_1223 = tpu.memref_squeeze %dma_wait3A_1222 : memref<1x1x8x256xf32, #tpu.memory_space<hbm>> -> memref<8x256xf32, #tpu.memory_space<hbm>>
      %dma_wait3A_1224 = arith.constant 0 : i32
      %dma_wait3A_1225 = arith.constant 0 : i32
      %dma_wait3A_1226 = tpu.memref_slice %arg5[%dma_wait3A_1216, %dma_wait3A_1217, %dma_wait3A_1224, %dma_wait3A_1225] : memref<2x12x8x256xf32, #tpu.memory_space<vmem>> -> memref<1x1x8x256xf32, #tpu.memory_space<vmem>>
      %dma_wait3A_1227 = tpu.memref_squeeze %dma_wait3A_1226 : memref<1x1x8x256xf32, #tpu.memory_space<vmem>> -> memref<8x256xf32, #tpu.memory_space<vmem>>
      %dma_wait3A_1228 = tpu.memref_slice %arg2[%select_n3A, %add3A_1048, %mul3A_1006, %mul3A_1024] : memref<4x96x512x512xf32, #tpu.memory_space<hbm>> -> memref<1x1x8x256xf32, #tpu.memory_space<hbm>>
      %dma_wait3A_1229 = tpu.memref_squeeze %dma_wait3A_1228 : memref<1x1x8x256xf32, #tpu.memory_space<hbm>> -> memref<8x256xf32, #tpu.memory_space<hbm>>
      tpu.wait_dma2 semaphore(%arg8 : memref<!tpu.dma_semaphore, #tpu.memory_space<semaphore_mem>>) src(%dma_wait3A_1229 : memref<8x256xf32, #tpu.memory_space<hbm>>) dst(%dma_wait3A_1227 : memref<8x256xf32, #tpu.memory_space<vmem>>)
      %scan3A_1230 = arith.constant 0 : i32
      %scan3A_1231 = arith.constant 16 : i32
      %scan3A_1232 = arith.addi %scan3A_1230, %scan3A_1231 : i32
      %scan3A_1233 = arith.constant 1 : i32
      %scan3A_1234:25 = scf.for %scan3A_1746 = %scan3A_1230 to %scan3A_1232 step %scan3A_1233 iter_args(%scan3A_1747 = %scan3A_701, %scan3A_1748 = %scan3A_702, %scan3A_1749 = %scan3A_703, %scan3A_1750 = %scan3A_704, %scan3A_1751 = %scan3A_705, %scan3A_1752 = %scan3A_706, %scan3A_1753 = %scan3A_707, %scan3A_1754 = %scan3A_708, %scan3A_1755 = %scan3A_709, %scan3A_1756 = %scan3A_710, %scan3A_1757 = %scan3A_711, %scan3A_1758 = %scan3A_712, %scan3A_1759 = %scan3A_713, %scan3A_1760 = %scan3A_714, %scan3A_1761 = %scan3A_715, %scan3A_1762 = %scan3A_716, %scan3A_1763 = %scan3A_717, %scan3A_1764 = %scan3A_718, %scan3A_1765 = %scan3A_719, %scan3A_1766 = %scan3A_720, %scan3A_1767 = %scan3A_721, %scan3A_1768 = %scan3A_722, %scan3A_1769 = %scan3A_723, %scan3A_1770 = %scan3A_724, %scan3A_1771 = %scan3A_725) -> (vector<16xf32>, vector<16xf32>, vector<16xf32>, vector<16xf32>, vector<16xf32>, vector<16xf32>, vector<16xf32>, vector<16xf32>, vector<16xf32>, vector<16xf32>, vector<16xf32>, vector<16xf32>, vector<16xf32>, vector<16xf32>, vector<16xf32>, vector<16xf32>, vector<16xf32>, vector<16xf32>, vector<16xf32>, vector<16xf32>, vector<16xf32>, vector<16xf32>, vector<16xf32>, vector<16xf32>, vector<16xf32>)  : i32 {
        %mul3A_1772 = arith.constant 16 : i32
        %mul3A_1773 = arith.muli %scan3A_1746, %mul3A_1772 : i32
        %multiple_of3A = tpu.assume_multiple %mul3A_1773, 16 : i32
        %get3A = arith.constant 0 : i32
        %get3A_1774 = arith.constant 0 : i32
        %get3A_1775 = arith.index_cast %get3A : i32 to index
        %get3A_1776 = arith.index_cast %get3A_1774 : i32 to index
        %get3A_1777 = arith.index_cast %multiple_of3A : i32 to index
        %get3A_1778 = tpu.vector_load %arg6[%get3A_1775, %get3A_1776, %get3A_1777] {strides = array<i32>} : memref<2x8x256xf32, #tpu.memory_space<vmem>>, vector<1x1x16xf32>,
        %get3A_1779 = vector.shape_cast %get3A_1778 : vector<1x1x16xf32> to vector<16xf32>
        %gt3A = arith.constant 5.000000e-01 : f32
        %gt3A_1780 = vector.broadcast %gt3A : f32 to vector<16xf32>
        %gt3A_1781 = arith.cmpf ogt, %get3A_1779, %gt3A_1780 : vector<16xf32>
        %jit3A_1782 = arith.constant 1.000000e+00 : f32
        %jit3A_1783 = arith.constant 0.000000e+00 : f32
        %broadcast_in_dim3A_1784 = vector.broadcast %jit3A_1782 : f32 to vector<16xf32>
        %broadcast_in_dim3A_1785 = vector.broadcast %jit3A_1783 : f32 to vector<16xf32>
        %select_n3A_1786 = arith.select %gt3A_1781, %broadcast_in_dim3A_1784, %broadcast_in_dim3A_1785 : vector<16xi1>, vector<16xf32>
        %add3A_1787 = arith.addf %scan3A_1747, %select_n3A_1786 : vector<16xf32>
        %get3A_1788 = arith.constant 0 : i32
        %get3A_1789 = arith.constant 0 : i32
        %get3A_1790 = arith.constant 0 : i32
        %get3A_1791 = arith.index_cast %get3A_1788 : i32 to index
        %get3A_1792 = arith.index_cast %get3A_1789 : i32 to index
        %get3A_1793 = arith.index_cast %get3A_1790 : i32 to index
        %get3A_1794 = arith.index_cast %multiple_of3A : i32 to index
        %get3A_1795 = tpu.vector_load %arg5[%get3A_1791, %get3A_1792, %get3A_1793, %get3A_1794] {strides = array<i32>} : memref<2x12x8x256xf32, #tpu.memory_space<vmem>>, vector<1x1x1x16xf32>,
        %get3A_1796 = vector.shape_cast %get3A_1795 : vector<1x1x1x16xf32> to vector<16xf32>
        %mul3A_1797 = arith.mulf %get3A_1796, %select_n3A_1786 : vector<16xf32>
        %add3A_1798 = arith.addf %scan3A_1748, %mul3A_1797 : vector<16xf32>
        %add3A_1799 = arith.addf %scan3A_1760, %get3A_1796 : vector<16xf32>
        %get3A_1800 = arith.constant 0 : i32
        %get3A_1801 = arith.constant 1 : i32
        %get3A_1802 = arith.constant 0 : i32
        %get3A_1803 = arith.index_cast %get3A_1800 : i32 to index
        %get3A_1804 = arith.index_cast %get3A_1801 : i32 to index
        %get3A_1805 = arith.index_cast %get3A_1802 : i32 to index
        %get3A_1806 = arith.index_cast %multiple_of3A : i32 to index
        %get3A_1807 = tpu.vector_load %arg5[%get3A_1803, %get3A_1804, %get3A_1805, %get3A_1806] {strides = array<i32>} : memref<2x12x8x256xf32, #tpu.memory_space<vmem>>, vector<1x1x1x16xf32>,
        %get3A_1808 = vector.shape_cast %get3A_1807 : vector<1x1x1x16xf32> to vector<16xf32>
        %mul3A_1809 = arith.mulf %get3A_1808, %select_n3A_1786 : vector<16xf32>
        %add3A_1810 = arith.addf %scan3A_1749, %mul3A_1809 : vector<16xf32>
        %add3A_1811 = arith.addf %scan3A_1761, %get3A_1808 : vector<16xf32>
        %get3A_1812 = arith.constant 0 : i32
        %get3A_1813 = arith.constant 2 : i32
        %get3A_1814 = arith.constant 0 : i32
        %get3A_1815 = arith.index_cast %get3A_1812 : i32 to index
        %get3A_1816 = arith.index_cast %get3A_1813 : i32 to index
        %get3A_1817 = arith.index_cast %get3A_1814 : i32 to index
        %get3A_1818 = arith.index_cast %multiple_of3A : i32 to index
        %get3A_1819 = tpu.vector_load %arg5[%get3A_1815, %get3A_1816, %get3A_1817, %get3A_1818] {strides = array<i32>} : memref<2x12x8x256xf32, #tpu.memory_space<vmem>>, vector<1x1x1x16xf32>,
        %get3A_1820 = vector.shape_cast %get3A_1819 : vector<1x1x1x16xf32> to vector<16xf32>
        %mul3A_1821 = arith.mulf %get3A_1820, %select_n3A_1786 : vector<16xf32>
        %add3A_1822 = arith.addf %scan3A_1750, %mul3A_1821 : vector<16xf32>
        %add3A_1823 = arith.addf %scan3A_1762, %get3A_1820 : vector<16xf32>
        %get3A_1824 = arith.constant 0 : i32
        %get3A_1825 = arith.constant 3 : i32
        %get3A_1826 = arith.constant 0 : i32
        %get3A_1827 = arith.index_cast %get3A_1824 : i32 to index
        %get3A_1828 = arith.index_cast %get3A_1825 : i32 to index
        %get3A_1829 = arith.index_cast %get3A_1826 : i32 to index
        %get3A_1830 = arith.index_cast %multiple_of3A : i32 to index
        %get3A_1831 = tpu.vector_load %arg5[%get3A_1827, %get3A_1828, %get3A_1829, %get3A_1830] {strides = array<i32>} : memref<2x12x8x256xf32, #tpu.memory_space<vmem>>, vector<1x1x1x16xf32>,
        %get3A_1832 = vector.shape_cast %get3A_1831 : vector<1x1x1x16xf32> to vector<16xf32>
        %mul3A_1833 = arith.mulf %get3A_1832, %select_n3A_1786 : vector<16xf32>
        %add3A_1834 = arith.addf %scan3A_1751, %mul3A_1833 : vector<16xf32>
        %add3A_1835 = arith.addf %scan3A_1763, %get3A_1832 : vector<16xf32>
        %get3A_1836 = arith.constant 0 : i32
        %get3A_1837 = arith.constant 4 : i32
        %get3A_1838 = arith.constant 0 : i32
        %get3A_1839 = arith.index_cast %get3A_1836 : i32 to index
        %get3A_1840 = arith.index_cast %get3A_1837 : i32 to index
        %get3A_1841 = arith.index_cast %get3A_1838 : i32 to index
        %get3A_1842 = arith.index_cast %multiple_of3A : i32 to index
        %get3A_1843 = tpu.vector_load %arg5[%get3A_1839, %get3A_1840, %get3A_1841, %get3A_1842] {strides = array<i32>} : memref<2x12x8x256xf32, #tpu.memory_space<vmem>>, vector<1x1x1x16xf32>,
        %get3A_1844 = vector.shape_cast %get3A_1843 : vector<1x1x1x16xf32> to vector<16xf32>
        %mul3A_1845 = arith.mulf %get3A_1844, %select_n3A_1786 : vector<16xf32>
        %add3A_1846 = arith.addf %scan3A_1752, %mul3A_1845 : vector<16xf32>
        %add3A_1847 = arith.addf %scan3A_1764, %get3A_1844 : vector<16xf32>
        %get3A_1848 = arith.constant 0 : i32
        %get3A_1849 = arith.constant 5 : i32
        %get3A_1850 = arith.constant 0 : i32
        %get3A_1851 = arith.index_cast %get3A_1848 : i32 to index
        %get3A_1852 = arith.index_cast %get3A_1849 : i32 to index
        %get3A_1853 = arith.index_cast %get3A_1850 : i32 to index
        %get3A_1854 = arith.index_cast %multiple_of3A : i32 to index
        %get3A_1855 = tpu.vector_load %arg5[%get3A_1851, %get3A_1852, %get3A_1853, %get3A_1854] {strides = array<i32>} : memref<2x12x8x256xf32, #tpu.memory_space<vmem>>, vector<1x1x1x16xf32>,
        %get3A_1856 = vector.shape_cast %get3A_1855 : vector<1x1x1x16xf32> to vector<16xf32>
        %mul3A_1857 = arith.mulf %get3A_1856, %select_n3A_1786 : vector<16xf32>
        %add3A_1858 = arith.addf %scan3A_1753, %mul3A_1857 : vector<16xf32>
        %add3A_1859 = arith.addf %scan3A_1765, %get3A_1856 : vector<16xf32>
        %get3A_1860 = arith.constant 0 : i32
        %get3A_1861 = arith.constant 6 : i32
        %get3A_1862 = arith.constant 0 : i32
        %get3A_1863 = arith.index_cast %get3A_1860 : i32 to index
        %get3A_1864 = arith.index_cast %get3A_1861 : i32 to index
        %get3A_1865 = arith.index_cast %get3A_1862 : i32 to index
        %get3A_1866 = arith.index_cast %multiple_of3A : i32 to index
        %get3A_1867 = tpu.vector_load %arg5[%get3A_1863, %get3A_1864, %get3A_1865, %get3A_1866] {strides = array<i32>} : memref<2x12x8x256xf32, #tpu.memory_space<vmem>>, vector<1x1x1x16xf32>,
        %get3A_1868 = vector.shape_cast %get3A_1867 : vector<1x1x1x16xf32> to vector<16xf32>
        %mul3A_1869 = arith.mulf %get3A_1868, %select_n3A_1786 : vector<16xf32>
        %add3A_1870 = arith.addf %scan3A_1754, %mul3A_1869 : vector<16xf32>
        %add3A_1871 = arith.addf %scan3A_1766, %get3A_1868 : vector<16xf32>
        %get3A_1872 = arith.constant 0 : i32
        %get3A_1873 = arith.constant 7 : i32
        %get3A_1874 = arith.constant 0 : i32
        %get3A_1875 = arith.index_cast %get3A_1872 : i32 to index
        %get3A_1876 = arith.index_cast %get3A_1873 : i32 to index
        %get3A_1877 = arith.index_cast %get3A_1874 : i32 to index
        %get3A_1878 = arith.index_cast %multiple_of3A : i32 to index
        %get3A_1879 = tpu.vector_load %arg5[%get3A_1875, %get3A_1876, %get3A_1877, %get3A_1878] {strides = array<i32>} : memref<2x12x8x256xf32, #tpu.memory_space<vmem>>, vector<1x1x1x16xf32>,
        %get3A_1880 = vector.shape_cast %get3A_1879 : vector<1x1x1x16xf32> to vector<16xf32>
        %mul3A_1881 = arith.mulf %get3A_1880, %select_n3A_1786 : vector<16xf32>
        %add3A_1882 = arith.addf %scan3A_1755, %mul3A_1881 : vector<16xf32>
        %add3A_1883 = arith.addf %scan3A_1767, %get3A_1880 : vector<16xf32>
        %get3A_1884 = arith.constant 0 : i32
        %get3A_1885 = arith.constant 8 : i32
        %get3A_1886 = arith.constant 0 : i32
        %get3A_1887 = arith.index_cast %get3A_1884 : i32 to index
        %get3A_1888 = arith.index_cast %get3A_1885 : i32 to index
        %get3A_1889 = arith.index_cast %get3A_1886 : i32 to index
        %get3A_1890 = arith.index_cast %multiple_of3A : i32 to index
        %get3A_1891 = tpu.vector_load %arg5[%get3A_1887, %get3A_1888, %get3A_1889, %get3A_1890] {strides = array<i32>} : memref<2x12x8x256xf32, #tpu.memory_space<vmem>>, vector<1x1x1x16xf32>,
        %get3A_1892 = vector.shape_cast %get3A_1891 : vector<1x1x1x16xf32> to vector<16xf32>
        %mul3A_1893 = arith.mulf %get3A_1892, %select_n3A_1786 : vector<16xf32>
        %add3A_1894 = arith.addf %scan3A_1756, %mul3A_1893 : vector<16xf32>
        %add3A_1895 = arith.addf %scan3A_1768, %get3A_1892 : vector<16xf32>
        %get3A_1896 = arith.constant 0 : i32
        %get3A_1897 = arith.constant 9 : i32
        %get3A_1898 = arith.constant 0 : i32
        %get3A_1899 = arith.index_cast %get3A_1896 : i32 to index
        %get3A_1900 = arith.index_cast %get3A_1897 : i32 to index
        %get3A_1901 = arith.index_cast %get3A_1898 : i32 to index
        %get3A_1902 = arith.index_cast %multiple_of3A : i32 to index
        %get3A_1903 = tpu.vector_load %arg5[%get3A_1899, %get3A_1900, %get3A_1901, %get3A_1902] {strides = array<i32>} : memref<2x12x8x256xf32, #tpu.memory_space<vmem>>, vector<1x1x1x16xf32>,
        %get3A_1904 = vector.shape_cast %get3A_1903 : vector<1x1x1x16xf32> to vector<16xf32>
        %mul3A_1905 = arith.mulf %get3A_1904, %select_n3A_1786 : vector<16xf32>
        %add3A_1906 = arith.addf %scan3A_1757, %mul3A_1905 : vector<16xf32>
        %add3A_1907 = arith.addf %scan3A_1769, %get3A_1904 : vector<16xf32>
        %get3A_1908 = arith.constant 0 : i32
        %get3A_1909 = arith.constant 10 : i32
        %get3A_1910 = arith.constant 0 : i32
        %get3A_1911 = arith.index_cast %get3A_1908 : i32 to index
        %get3A_1912 = arith.index_cast %get3A_1909 : i32 to index
        %get3A_1913 = arith.index_cast %get3A_1910 : i32 to index
        %get3A_1914 = arith.index_cast %multiple_of3A : i32 to index
        %get3A_1915 = tpu.vector_load %arg5[%get3A_1911, %get3A_1912, %get3A_1913, %get3A_1914] {strides = array<i32>} : memref<2x12x8x256xf32, #tpu.memory_space<vmem>>, vector<1x1x1x16xf32>,
        %get3A_1916 = vector.shape_cast %get3A_1915 : vector<1x1x1x16xf32> to vector<16xf32>
        %mul3A_1917 = arith.mulf %get3A_1916, %select_n3A_1786 : vector<16xf32>
        %add3A_1918 = arith.addf %scan3A_1758, %mul3A_1917 : vector<16xf32>
        %add3A_1919 = arith.addf %scan3A_1770, %get3A_1916 : vector<16xf32>
        %get3A_1920 = arith.constant 0 : i32
        %get3A_1921 = arith.constant 11 : i32
        %get3A_1922 = arith.constant 0 : i32
        %get3A_1923 = arith.index_cast %get3A_1920 : i32 to index
        %get3A_1924 = arith.index_cast %get3A_1921 : i32 to index
        %get3A_1925 = arith.index_cast %get3A_1922 : i32 to index
        %get3A_1926 = arith.index_cast %multiple_of3A : i32 to index
        %get3A_1927 = tpu.vector_load %arg5[%get3A_1923, %get3A_1924, %get3A_1925, %get3A_1926] {strides = array<i32>} : memref<2x12x8x256xf32, #tpu.memory_space<vmem>>, vector<1x1x1x16xf32>,
        %get3A_1928 = vector.shape_cast %get3A_1927 : vector<1x1x1x16xf32> to vector<16xf32>
        %mul3A_1929 = arith.mulf %get3A_1928, %select_n3A_1786 : vector<16xf32>
        %add3A_1930 = arith.addf %scan3A_1759, %mul3A_1929 : vector<16xf32>
        %add3A_1931 = arith.addf %scan3A_1771, %get3A_1928 : vector<16xf32>
        %get3A_1932 = arith.constant 0 : i32
        %get3A_1933 = arith.constant 1 : i32
        %get3A_1934 = arith.index_cast %get3A_1932 : i32 to index
        %get3A_1935 = arith.index_cast %get3A_1933 : i32 to index
        %get3A_1936 = arith.index_cast %multiple_of3A : i32 to index
        %get3A_1937 = tpu.vector_load %arg6[%get3A_1934, %get3A_1935, %get3A_1936] {strides = array<i32>} : memref<2x8x256xf32, #tpu.memory_space<vmem>>, vector<1x1x16xf32>,
        %get3A_1938 = vector.shape_cast %get3A_1937 : vector<1x1x16xf32> to vector<16xf32>
        %gt3A_1939 = arith.constant 5.000000e-01 : f32
        %gt3A_1940 = vector.broadcast %gt3A_1939 : f32 to vector<16xf32>
        %gt3A_1941 = arith.cmpf ogt, %get3A_1938, %gt3A_1940 : vector<16xf32>
        %jit3A_1942 = arith.constant 1.000000e+00 : f32
        %jit3A_1943 = arith.constant 0.000000e+00 : f32
        %broadcast_in_dim3A_1944 = vector.broadcast %jit3A_1942 : f32 to vector<16xf32>
        %broadcast_in_dim3A_1945 = vector.broadcast %jit3A_1943 : f32 to vector<16xf32>
        %select_n3A_1946 = arith.select %gt3A_1941, %broadcast_in_dim3A_1944, %broadcast_in_dim3A_1945 : vector<16xi1>, vector<16xf32>
        %add3A_1947 = arith.addf %add3A_1787, %select_n3A_1946 : vector<16xf32>
        %get3A_1948 = arith.constant 0 : i32
        %get3A_1949 = arith.constant 0 : i32
        %get3A_1950 = arith.constant 1 : i32
        %get3A_1951 = arith.index_cast %get3A_1948 : i32 to index
        %get3A_1952 = arith.index_cast %get3A_1949 : i32 to index
        %get3A_1953 = arith.index_cast %get3A_1950 : i32 to index
        %get3A_1954 = arith.index_cast %multiple_of3A : i32 to index
        %get3A_1955 = tpu.vector_load %arg5[%get3A_1951, %get3A_1952, %get3A_1953, %get3A_1954] {strides = array<i32>} : memref<2x12x8x256xf32, #tpu.memory_space<vmem>>, vector<1x1x1x16xf32>,
        %get3A_1956 = vector.shape_cast %get3A_1955 : vector<1x1x1x16xf32> to vector<16xf32>
        %mul3A_1957 = arith.mulf %get3A_1956, %select_n3A_1946 : vector<16xf32>
        %add3A_1958 = arith.addf %add3A_1798, %mul3A_1957 : vector<16xf32>
        %add3A_1959 = arith.addf %add3A_1799, %get3A_1956 : vector<16xf32>
        %get3A_1960 = arith.constant 0 : i32
        %get3A_1961 = arith.constant 1 : i32
        %get3A_1962 = arith.constant 1 : i32
        %get3A_1963 = arith.index_cast %get3A_1960 : i32 to index
        %get3A_1964 = arith.index_cast %get3A_1961 : i32 to index
        %get3A_1965 = arith.index_cast %get3A_1962 : i32 to index
        %get3A_1966 = arith.index_cast %multiple_of3A : i32 to index
        %get3A_1967 = tpu.vector_load %arg5[%get3A_1963, %get3A_1964, %get3A_1965, %get3A_1966] {strides = array<i32>} : memref<2x12x8x256xf32, #tpu.memory_space<vmem>>, vector<1x1x1x16xf32>,
        %get3A_1968 = vector.shape_cast %get3A_1967 : vector<1x1x1x16xf32> to vector<16xf32>
        %mul3A_1969 = arith.mulf %get3A_1968, %select_n3A_1946 : vector<16xf32>
        %add3A_1970 = arith.addf %add3A_1810, %mul3A_1969 : vector<16xf32>
        %add3A_1971 = arith.addf %add3A_1811, %get3A_1968 : vector<16xf32>
        %get3A_1972 = arith.constant 0 : i32
        %get3A_1973 = arith.constant 2 : i32
        %get3A_1974 = arith.constant 1 : i32
        %get3A_1975 = arith.index_cast %get3A_1972 : i32 to index
        %get3A_1976 = arith.index_cast %get3A_1973 : i32 to index
        %get3A_1977 = arith.index_cast %get3A_1974 : i32 to index
        %get3A_1978 = arith.index_cast %multiple_of3A : i32 to index
        %get3A_1979 = tpu.vector_load %arg5[%get3A_1975, %get3A_1976, %get3A_1977, %get3A_1978] {strides = array<i32>} : memref<2x12x8x256xf32, #tpu.memory_space<vmem>>, vector<1x1x1x16xf32>,
        %get3A_1980 = vector.shape_cast %get3A_1979 : vector<1x1x1x16xf32> to vector<16xf32>
        %mul3A_1981 = arith.mulf %get3A_1980, %select_n3A_1946 : vector<16xf32>
        %add3A_1982 = arith.addf %add3A_1822, %mul3A_1981 : vector<16xf32>
        %add3A_1983 = arith.addf %add3A_1823, %get3A_1980 : vector<16xf32>
        %get3A_1984 = arith.constant 0 : i32
        %get3A_1985 = arith.constant 3 : i32
        %get3A_1986 = arith.constant 1 : i32
        %get3A_1987 = arith.index_cast %get3A_1984 : i32 to index
        %get3A_1988 = arith.index_cast %get3A_1985 : i32 to index
        %get3A_1989 = arith.index_cast %get3A_1986 : i32 to index
        %get3A_1990 = arith.index_cast %multiple_of3A : i32 to index
        %get3A_1991 = tpu.vector_load %arg5[%get3A_1987, %get3A_1988, %get3A_1989, %get3A_1990] {strides = array<i32>} : memref<2x12x8x256xf32, #tpu.memory_space<vmem>>, vector<1x1x1x16xf32>,
        %get3A_1992 = vector.shape_cast %get3A_1991 : vector<1x1x1x16xf32> to vector<16xf32>
        %mul3A_1993 = arith.mulf %get3A_1992, %select_n3A_1946 : vector<16xf32>
        %add3A_1994 = arith.addf %add3A_1834, %mul3A_1993 : vector<16xf32>
        %add3A_1995 = arith.addf %add3A_1835, %get3A_1992 : vector<16xf32>
        %get3A_1996 = arith.constant 0 : i32
        %get3A_1997 = arith.constant 4 : i32
        %get3A_1998 = arith.constant 1 : i32
        %get3A_1999 = arith.index_cast %get3A_1996 : i32 to index
        %get3A_2000 = arith.index_cast %get3A_1997 : i32 to index
        %get3A_2001 = arith.index_cast %get3A_1998 : i32 to index
        %get3A_2002 = arith.index_cast %multiple_of3A : i32 to index
        %get3A_2003 = tpu.vector_load %arg5[%get3A_1999, %get3A_2000, %get3A_2001, %get3A_2002] {strides = array<i32>} : memref<2x12x8x256xf32, #tpu.memory_space<vmem>>, vector<1x1x1x16xf32>,
        %get3A_2004 = vector.shape_cast %get3A_2003 : vector<1x1x1x16xf32> to vector<16xf32>
        %mul3A_2005 = arith.mulf %get3A_2004, %select_n3A_1946 : vector<16xf32>
        %add3A_2006 = arith.addf %add3A_1846, %mul3A_2005 : vector<16xf32>
        %add3A_2007 = arith.addf %add3A_1847, %get3A_2004 : vector<16xf32>
        %get3A_2008 = arith.constant 0 : i32
        %get3A_2009 = arith.constant 5 : i32
        %get3A_2010 = arith.constant 1 : i32
        %get3A_2011 = arith.index_cast %get3A_2008 : i32 to index
        %get3A_2012 = arith.index_cast %get3A_2009 : i32 to index
        %get3A_2013 = arith.index_cast %get3A_2010 : i32 to index
        %get3A_2014 = arith.index_cast %multiple_of3A : i32 to index
        %get3A_2015 = tpu.vector_load %arg5[%get3A_2011, %get3A_2012, %get3A_2013, %get3A_2014] {strides = array<i32>} : memref<2x12x8x256xf32, #tpu.memory_space<vmem>>, vector<1x1x1x16xf32>,
        %get3A_2016 = vector.shape_cast %get3A_2015 : vector<1x1x1x16xf32> to vector<16xf32>
        %mul3A_2017 = arith.mulf %get3A_2016, %select_n3A_1946 : vector<16xf32>
        %add3A_2018 = arith.addf %add3A_1858, %mul3A_2017 : vector<16xf32>
        %add3A_2019 = arith.addf %add3A_1859, %get3A_2016 : vector<16xf32>
        %get3A_2020 = arith.constant 0 : i32
        %get3A_2021 = arith.constant 6 : i32
        %get3A_2022 = arith.constant 1 : i32
        %get3A_2023 = arith.index_cast %get3A_2020 : i32 to index
        %get3A_2024 = arith.index_cast %get3A_2021 : i32 to index
        %get3A_2025 = arith.index_cast %get3A_2022 : i32 to index
        %get3A_2026 = arith.index_cast %multiple_of3A : i32 to index
        %get3A_2027 = tpu.vector_load %arg5[%get3A_2023, %get3A_2024, %get3A_2025, %get3A_2026] {strides = array<i32>} : memref<2x12x8x256xf32, #tpu.memory_space<vmem>>, vector<1x1x1x16xf32>,
        %get3A_2028 = vector.shape_cast %get3A_2027 : vector<1x1x1x16xf32> to vector<16xf32>
        %mul3A_2029 = arith.mulf %get3A_2028, %select_n3A_1946 : vector<16xf32>
        %add3A_2030 = arith.addf %add3A_1870, %mul3A_2029 : vector<16xf32>
        %add3A_2031 = arith.addf %add3A_1871, %get3A_2028 : vector<16xf32>
        %get3A_2032 = arith.constant 0 : i32
        %get3A_2033 = arith.constant 7 : i32
        %get3A_2034 = arith.constant 1 : i32
        %get3A_2035 = arith.index_cast %get3A_2032 : i32 to index
        %get3A_2036 = arith.index_cast %get3A_2033 : i32 to index
        %get3A_2037 = arith.index_cast %get3A_2034 : i32 to index
        %get3A_2038 = arith.index_cast %multiple_of3A : i32 to index
        %get3A_2039 = tpu.vector_load %arg5[%get3A_2035, %get3A_2036, %get3A_2037, %get3A_2038] {strides = array<i32>} : memref<2x12x8x256xf32, #tpu.memory_space<vmem>>, vector<1x1x1x16xf32>,
        %get3A_2040 = vector.shape_cast %get3A_2039 : vector<1x1x1x16xf32> to vector<16xf32>
        %mul3A_2041 = arith.mulf %get3A_2040, %select_n3A_1946 : vector<16xf32>
        %add3A_2042 = arith.addf %add3A_1882, %mul3A_2041 : vector<16xf32>
        %add3A_2043 = arith.addf %add3A_1883, %get3A_2040 : vector<16xf32>
        %get3A_2044 = arith.constant 0 : i32
        %get3A_2045 = arith.constant 8 : i32
        %get3A_2046 = arith.constant 1 : i32
        %get3A_2047 = arith.index_cast %get3A_2044 : i32 to index
        %get3A_2048 = arith.index_cast %get3A_2045 : i32 to index
        %get3A_2049 = arith.index_cast %get3A_2046 : i32 to index
        %get3A_2050 = arith.index_cast %multiple_of3A : i32 to index
        %get3A_2051 = tpu.vector_load %arg5[%get3A_2047, %get3A_2048, %get3A_2049, %get3A_2050] {strides = array<i32>} : memref<2x12x8x256xf32, #tpu.memory_space<vmem>>, vector<1x1x1x16xf32>,
        %get3A_2052 = vector.shape_cast %get3A_2051 : vector<1x1x1x16xf32> to vector<16xf32>
        %mul3A_2053 = arith.mulf %get3A_2052, %select_n3A_1946 : vector<16xf32>
        %add3A_2054 = arith.addf %add3A_1894, %mul3A_2053 : vector<16xf32>
        %add3A_2055 = arith.addf %add3A_1895, %get3A_2052 : vector<16xf32>
        %get3A_2056 = arith.constant 0 : i32
        %get3A_2057 = arith.constant 9 : i32
        %get3A_2058 = arith.constant 1 : i32
        %get3A_2059 = arith.index_cast %get3A_2056 : i32 to index
        %get3A_2060 = arith.index_cast %get3A_2057 : i32 to index
        %get3A_2061 = arith.index_cast %get3A_2058 : i32 to index
        %get3A_2062 = arith.index_cast %multiple_of3A : i32 to index
        %get3A_2063 = tpu.vector_load %arg5[%get3A_2059, %get3A_2060, %get3A_2061, %get3A_2062] {strides = array<i32>} : memref<2x12x8x256xf32, #tpu.memory_space<vmem>>, vector<1x1x1x16xf32>,
        %get3A_2064 = vector.shape_cast %get3A_2063 : vector<1x1x1x16xf32> to vector<16xf32>
        %mul3A_2065 = arith.mulf %get3A_2064, %select_n3A_1946 : vector<16xf32>
        %add3A_2066 = arith.addf %add3A_1906, %mul3A_2065 : vector<16xf32>
        %add3A_2067 = arith.addf %add3A_1907, %get3A_2064 : vector<16xf32>
        %get3A_2068 = arith.constant 0 : i32
        %get3A_2069 = arith.constant 10 : i32
        %get3A_2070 = arith.constant 1 : i32
        %get3A_2071 = arith.index_cast %get3A_2068 : i32 to index
        %get3A_2072 = arith.index_cast %get3A_2069 : i32 to index
        %get3A_2073 = arith.index_cast %get3A_2070 : i32 to index
        %get3A_2074 = arith.index_cast %multiple_of3A : i32 to index
        %get3A_2075 = tpu.vector_load %arg5[%get3A_2071, %get3A_2072, %get3A_2073, %get3A_2074] {strides = array<i32>} : memref<2x12x8x256xf32, #tpu.memory_space<vmem>>, vector<1x1x1x16xf32>,
        %get3A_2076 = vector.shape_cast %get3A_2075 : vector<1x1x1x16xf32> to vector<16xf32>
        %mul3A_2077 = arith.mulf %get3A_2076, %select_n3A_1946 : vector<16xf32>
        %add3A_2078 = arith.addf %add3A_1918, %mul3A_2077 : vector<16xf32>
        %add3A_2079 = arith.addf %add3A_1919, %get3A_2076 : vector<16xf32>
        %get3A_2080 = arith.constant 0 : i32
        %get3A_2081 = arith.constant 11 : i32
        %get3A_2082 = arith.constant 1 : i32
        %get3A_2083 = arith.index_cast %get3A_2080 : i32 to index
        %get3A_2084 = arith.index_cast %get3A_2081 : i32 to index
        %get3A_2085 = arith.index_cast %get3A_2082 : i32 to index
        %get3A_2086 = arith.index_cast %multiple_of3A : i32 to index
        %get3A_2087 = tpu.vector_load %arg5[%get3A_2083, %get3A_2084, %get3A_2085, %get3A_2086] {strides = array<i32>} : memref<2x12x8x256xf32, #tpu.memory_space<vmem>>, vector<1x1x1x16xf32>,
        %get3A_2088 = vector.shape_cast %get3A_2087 : vector<1x1x1x16xf32> to vector<16xf32>
        %mul3A_2089 = arith.mulf %get3A_2088, %select_n3A_1946 : vector<16xf32>
        %add3A_2090 = arith.addf %add3A_1930, %mul3A_2089 : vector<16xf32>
        %add3A_2091 = arith.addf %add3A_1931, %get3A_2088 : vector<16xf32>
        %get3A_2092 = arith.constant 0 : i32
        %get3A_2093 = arith.constant 2 : i32
        %get3A_2094 = arith.index_cast %get3A_2092 : i32 to index
        %get3A_2095 = arith.index_cast %get3A_2093 : i32 to index
        %get3A_2096 = arith.index_cast %multiple_of3A : i32 to index
        %get3A_2097 = tpu.vector_load %arg6[%get3A_2094, %get3A_2095, %get3A_2096] {strides = array<i32>} : memref<2x8x256xf32, #tpu.memory_space<vmem>>, vector<1x1x16xf32>,
        %get3A_2098 = vector.shape_cast %get3A_2097 : vector<1x1x16xf32> to vector<16xf32>
        %gt3A_2099 = arith.constant 5.000000e-01 : f32
        %gt3A_2100 = vector.broadcast %gt3A_2099 : f32 to vector<16xf32>
        %gt3A_2101 = arith.cmpf ogt, %get3A_2098, %gt3A_2100 : vector<16xf32>
        %jit3A_2102 = arith.constant 1.000000e+00 : f32
        %jit3A_2103 = arith.constant 0.000000e+00 : f32
        %broadcast_in_dim3A_2104 = vector.broadcast %jit3A_2102 : f32 to vector<16xf32>
        %broadcast_in_dim3A_2105 = vector.broadcast %jit3A_2103 : f32 to vector<16xf32>
        %select_n3A_2106 = arith.select %gt3A_2101, %broadcast_in_dim3A_2104, %broadcast_in_dim3A_2105 : vector<16xi1>, vector<16xf32>
        %add3A_2107 = arith.addf %add3A_1947, %select_n3A_2106 : vector<16xf32>
        %get3A_2108 = arith.constant 0 : i32
        %get3A_2109 = arith.constant 0 : i32
        %get3A_2110 = arith.constant 2 : i32
        %get3A_2111 = arith.index_cast %get3A_2108 : i32 to index
        %get3A_2112 = arith.index_cast %get3A_2109 : i32 to index
        %get3A_2113 = arith.index_cast %get3A_2110 : i32 to index
        %get3A_2114 = arith.index_cast %multiple_of3A : i32 to index
        %get3A_2115 = tpu.vector_load %arg5[%get3A_2111, %get3A_2112, %get3A_2113, %get3A_2114] {strides = array<i32>} : memref<2x12x8x256xf32, #tpu.memory_space<vmem>>, vector<1x1x1x16xf32>,
        %get3A_2116 = vector.shape_cast %get3A_2115 : vector<1x1x1x16xf32> to vector<16xf32>
        %mul3A_2117 = arith.mulf %get3A_2116, %select_n3A_2106 : vector<16xf32>
        %add3A_2118 = arith.addf %add3A_1958, %mul3A_2117 : vector<16xf32>
        %add3A_2119 = arith.addf %add3A_1959, %get3A_2116 : vector<16xf32>
        %get3A_2120 = arith.constant 0 : i32
        %get3A_2121 = arith.constant 1 : i32
        %get3A_2122 = arith.constant 2 : i32
        %get3A_2123 = arith.index_cast %get3A_2120 : i32 to index
        %get3A_2124 = arith.index_cast %get3A_2121 : i32 to index
        %get3A_2125 = arith.index_cast %get3A_2122 : i32 to index
        %get3A_2126 = arith.index_cast %multiple_of3A : i32 to index
        %get3A_2127 = tpu.vector_load %arg5[%get3A_2123, %get3A_2124, %get3A_2125, %get3A_2126] {strides = array<i32>} : memref<2x12x8x256xf32, #tpu.memory_space<vmem>>, vector<1x1x1x16xf32>,
        %get3A_2128 = vector.shape_cast %get3A_2127 : vector<1x1x1x16xf32> to vector<16xf32>
        %mul3A_2129 = arith.mulf %get3A_2128, %select_n3A_2106 : vector<16xf32>
        %add3A_2130 = arith.addf %add3A_1970, %mul3A_2129 : vector<16xf32>
        %add3A_2131 = arith.addf %add3A_1971, %get3A_2128 : vector<16xf32>
        %get3A_2132 = arith.constant 0 : i32
        %get3A_2133 = arith.constant 2 : i32
        %get3A_2134 = arith.constant 2 : i32
        %get3A_2135 = arith.index_cast %get3A_2132 : i32 to index
        %get3A_2136 = arith.index_cast %get3A_2133 : i32 to index
        %get3A_2137 = arith.index_cast %get3A_2134 : i32 to index
        %get3A_2138 = arith.index_cast %multiple_of3A : i32 to index
        %get3A_2139 = tpu.vector_load %arg5[%get3A_2135, %get3A_2136, %get3A_2137, %get3A_2138] {strides = array<i32>} : memref<2x12x8x256xf32, #tpu.memory_space<vmem>>, vector<1x1x1x16xf32>,
        %get3A_2140 = vector.shape_cast %get3A_2139 : vector<1x1x1x16xf32> to vector<16xf32>
        %mul3A_2141 = arith.mulf %get3A_2140, %select_n3A_2106 : vector<16xf32>
        %add3A_2142 = arith.addf %add3A_1982, %mul3A_2141 : vector<16xf32>
        %add3A_2143 = arith.addf %add3A_1983, %get3A_2140 : vector<16xf32>
        %get3A_2144 = arith.constant 0 : i32
        %get3A_2145 = arith.constant 3 : i32
        %get3A_2146 = arith.constant 2 : i32
        %get3A_2147 = arith.index_cast %get3A_2144 : i32 to index
        %get3A_2148 = arith.index_cast %get3A_2145 : i32 to index
        %get3A_2149 = arith.index_cast %get3A_2146 : i32 to index
        %get3A_2150 = arith.index_cast %multiple_of3A : i32 to index
        %get3A_2151 = tpu.vector_load %arg5[%get3A_2147, %get3A_2148, %get3A_2149, %get3A_2150] {strides = array<i32>} : memref<2x12x8x256xf32, #tpu.memory_space<vmem>>, vector<1x1x1x16xf32>,
        %get3A_2152 = vector.shape_cast %get3A_2151 : vector<1x1x1x16xf32> to vector<16xf32>
        %mul3A_2153 = arith.mulf %get3A_2152, %select_n3A_2106 : vector<16xf32>
        %add3A_2154 = arith.addf %add3A_1994, %mul3A_2153 : vector<16xf32>
        %add3A_2155 = arith.addf %add3A_1995, %get3A_2152 : vector<16xf32>
        %get3A_2156 = arith.constant 0 : i32
        %get3A_2157 = arith.constant 4 : i32
        %get3A_2158 = arith.constant 2 : i32
        %get3A_2159 = arith.index_cast %get3A_2156 : i32 to index
        %get3A_2160 = arith.index_cast %get3A_2157 : i32 to index
        %get3A_2161 = arith.index_cast %get3A_2158 : i32 to index
        %get3A_2162 = arith.index_cast %multiple_of3A : i32 to index
        %get3A_2163 = tpu.vector_load %arg5[%get3A_2159, %get3A_2160, %get3A_2161, %get3A_2162] {strides = array<i32>} : memref<2x12x8x256xf32, #tpu.memory_space<vmem>>, vector<1x1x1x16xf32>,
        %get3A_2164 = vector.shape_cast %get3A_2163 : vector<1x1x1x16xf32> to vector<16xf32>
        %mul3A_2165 = arith.mulf %get3A_2164, %select_n3A_2106 : vector<16xf32>
        %add3A_2166 = arith.addf %add3A_2006, %mul3A_2165 : vector<16xf32>
        %add3A_2167 = arith.addf %add3A_2007, %get3A_2164 : vector<16xf32>
        %get3A_2168 = arith.constant 0 : i32
        %get3A_2169 = arith.constant 5 : i32
        %get3A_2170 = arith.constant 2 : i32
        %get3A_2171 = arith.index_cast %get3A_2168 : i32 to index
        %get3A_2172 = arith.index_cast %get3A_2169 : i32 to index
        %get3A_2173 = arith.index_cast %get3A_2170 : i32 to index
        %get3A_2174 = arith.index_cast %multiple_of3A : i32 to index
        %get3A_2175 = tpu.vector_load %arg5[%get3A_2171, %get3A_2172, %get3A_2173, %get3A_2174] {strides = array<i32>} : memref<2x12x8x256xf32, #tpu.memory_space<vmem>>, vector<1x1x1x16xf32>,
        %get3A_2176 = vector.shape_cast %get3A_2175 : vector<1x1x1x16xf32> to vector<16xf32>
        %mul3A_2177 = arith.mulf %get3A_2176, %select_n3A_2106 : vector<16xf32>
        %add3A_2178 = arith.addf %add3A_2018, %mul3A_2177 : vector<16xf32>
        %add3A_2179 = arith.addf %add3A_2019, %get3A_2176 : vector<16xf32>
        %get3A_2180 = arith.constant 0 : i32
        %get3A_2181 = arith.constant 6 : i32
        %get3A_2182 = arith.constant 2 : i32
        %get3A_2183 = arith.index_cast %get3A_2180 : i32 to index
        %get3A_2184 = arith.index_cast %get3A_2181 : i32 to index
        %get3A_2185 = arith.index_cast %get3A_2182 : i32 to index
        %get3A_2186 = arith.index_cast %multiple_of3A : i32 to index
        %get3A_2187 = tpu.vector_load %arg5[%get3A_2183, %get3A_2184, %get3A_2185, %get3A_2186] {strides = array<i32>} : memref<2x12x8x256xf32, #tpu.memory_space<vmem>>, vector<1x1x1x16xf32>,
        %get3A_2188 = vector.shape_cast %get3A_2187 : vector<1x1x1x16xf32> to vector<16xf32>
        %mul3A_2189 = arith.mulf %get3A_2188, %select_n3A_2106 : vector<16xf32>
        %add3A_2190 = arith.addf %add3A_2030, %mul3A_2189 : vector<16xf32>
        %add3A_2191 = arith.addf %add3A_2031, %get3A_2188 : vector<16xf32>
        %get3A_2192 = arith.constant 0 : i32
        %get3A_2193 = arith.constant 7 : i32
        %get3A_2194 = arith.constant 2 : i32
        %get3A_2195 = arith.index_cast %get3A_2192 : i32 to index
        %get3A_2196 = arith.index_cast %get3A_2193 : i32 to index
        %get3A_2197 = arith.index_cast %get3A_2194 : i32 to index
        %get3A_2198 = arith.index_cast %multiple_of3A : i32 to index
        %get3A_2199 = tpu.vector_load %arg5[%get3A_2195, %get3A_2196, %get3A_2197, %get3A_2198] {strides = array<i32>} : memref<2x12x8x256xf32, #tpu.memory_space<vmem>>, vector<1x1x1x16xf32>,
        %get3A_2200 = vector.shape_cast %get3A_2199 : vector<1x1x1x16xf32> to vector<16xf32>
        %mul3A_2201 = arith.mulf %get3A_2200, %select_n3A_2106 : vector<16xf32>
        %add3A_2202 = arith.addf %add3A_2042, %mul3A_2201 : vector<16xf32>
        %add3A_2203 = arith.addf %add3A_2043, %get3A_2200 : vector<16xf32>
        %get3A_2204 = arith.constant 0 : i32
        %get3A_2205 = arith.constant 8 : i32
        %get3A_2206 = arith.constant 2 : i32
        %get3A_2207 = arith.index_cast %get3A_2204 : i32 to index
        %get3A_2208 = arith.index_cast %get3A_2205 : i32 to index
        %get3A_2209 = arith.index_cast %get3A_2206 : i32 to index
        %get3A_2210 = arith.index_cast %multiple_of3A : i32 to index
        %get3A_2211 = tpu.vector_load %arg5[%get3A_2207, %get3A_2208, %get3A_2209, %get3A_2210] {strides = array<i32>} : memref<2x12x8x256xf32, #tpu.memory_space<vmem>>, vector<1x1x1x16xf32>,
        %get3A_2212 = vector.shape_cast %get3A_2211 : vector<1x1x1x16xf32> to vector<16xf32>
        %mul3A_2213 = arith.mulf %get3A_2212, %select_n3A_2106 : vector<16xf32>
        %add3A_2214 = arith.addf %add3A_2054, %mul3A_2213 : vector<16xf32>
        %add3A_2215 = arith.addf %add3A_2055, %get3A_2212 : vector<16xf32>
        %get3A_2216 = arith.constant 0 : i32
        %get3A_2217 = arith.constant 9 : i32
        %get3A_2218 = arith.constant 2 : i32
        %get3A_2219 = arith.index_cast %get3A_2216 : i32 to index
        %get3A_2220 = arith.index_cast %get3A_2217 : i32 to index
        %get3A_2221 = arith.index_cast %get3A_2218 : i32 to index
        %get3A_2222 = arith.index_cast %multiple_of3A : i32 to index
        %get3A_2223 = tpu.vector_load %arg5[%get3A_2219, %get3A_2220, %get3A_2221, %get3A_2222] {strides = array<i32>} : memref<2x12x8x256xf32, #tpu.memory_space<vmem>>, vector<1x1x1x16xf32>,
        %get3A_2224 = vector.shape_cast %get3A_2223 : vector<1x1x1x16xf32> to vector<16xf32>
        %mul3A_2225 = arith.mulf %get3A_2224, %select_n3A_2106 : vector<16xf32>
        %add3A_2226 = arith.addf %add3A_2066, %mul3A_2225 : vector<16xf32>
        %add3A_2227 = arith.addf %add3A_2067, %get3A_2224 : vector<16xf32>
        %get3A_2228 = arith.constant 0 : i32
        %get3A_2229 = arith.constant 10 : i32
        %get3A_2230 = arith.constant 2 : i32
        %get3A_2231 = arith.index_cast %get3A_2228 : i32 to index
        %get3A_2232 = arith.index_cast %get3A_2229 : i32 to index
        %get3A_2233 = arith.index_cast %get3A_2230 : i32 to index
        %get3A_2234 = arith.index_cast %multiple_of3A : i32 to index
        %get3A_2235 = tpu.vector_load %arg5[%get3A_2231, %get3A_2232, %get3A_2233, %get3A_2234] {strides = array<i32>} : memref<2x12x8x256xf32, #tpu.memory_space<vmem>>, vector<1x1x1x16xf32>,
        %get3A_2236 = vector.shape_cast %get3A_2235 : vector<1x1x1x16xf32> to vector<16xf32>
        %mul3A_2237 = arith.mulf %get3A_2236, %select_n3A_2106 : vector<16xf32>
        %add3A_2238 = arith.addf %add3A_2078, %mul3A_2237 : vector<16xf32>
        %add3A_2239 = arith.addf %add3A_2079, %get3A_2236 : vector<16xf32>
        %get3A_2240 = arith.constant 0 : i32
        %get3A_2241 = arith.constant 11 : i32
        %get3A_2242 = arith.constant 2 : i32
        %get3A_2243 = arith.index_cast %get3A_2240 : i32 to index
        %get3A_2244 = arith.index_cast %get3A_2241 : i32 to index
        %get3A_2245 = arith.index_cast %get3A_2242 : i32 to index
        %get3A_2246 = arith.index_cast %multiple_of3A : i32 to index
        %get3A_2247 = tpu.vector_load %arg5[%get3A_2243, %get3A_2244, %get3A_2245, %get3A_2246] {strides = array<i32>} : memref<2x12x8x256xf32, #tpu.memory_space<vmem>>, vector<1x1x1x16xf32>,
        %get3A_2248 = vector.shape_cast %get3A_2247 : vector<1x1x1x16xf32> to vector<16xf32>
        %mul3A_2249 = arith.mulf %get3A_2248, %select_n3A_2106 : vector<16xf32>
        %add3A_2250 = arith.addf %add3A_2090, %mul3A_2249 : vector<16xf32>
        %add3A_2251 = arith.addf %add3A_2091, %get3A_2248 : vector<16xf32>
        %get3A_2252 = arith.constant 0 : i32
        %get3A_2253 = arith.constant 3 : i32
        %get3A_2254 = arith.index_cast %get3A_2252 : i32 to index
        %get3A_2255 = arith.index_cast %get3A_2253 : i32 to index
        %get3A_2256 = arith.index_cast %multiple_of3A : i32 to index
        %get3A_2257 = tpu.vector_load %arg6[%get3A_2254, %get3A_2255, %get3A_2256] {strides = array<i32>} : memref<2x8x256xf32, #tpu.memory_space<vmem>>, vector<1x1x16xf32>,
        %get3A_2258 = vector.shape_cast %get3A_2257 : vector<1x1x16xf32> to vector<16xf32>
        %gt3A_2259 = arith.constant 5.000000e-01 : f32
        %gt3A_2260 = vector.broadcast %gt3A_2259 : f32 to vector<16xf32>
        %gt3A_2261 = arith.cmpf ogt, %get3A_2258, %gt3A_2260 : vector<16xf32>
        %jit3A_2262 = arith.constant 1.000000e+00 : f32
        %jit3A_2263 = arith.constant 0.000000e+00 : f32
        %broadcast_in_dim3A_2264 = vector.broadcast %jit3A_2262 : f32 to vector<16xf32>
        %broadcast_in_dim3A_2265 = vector.broadcast %jit3A_2263 : f32 to vector<16xf32>
        %select_n3A_2266 = arith.select %gt3A_2261, %broadcast_in_dim3A_2264, %broadcast_in_dim3A_2265 : vector<16xi1>, vector<16xf32>
        %add3A_2267 = arith.addf %add3A_2107, %select_n3A_2266 : vector<16xf32>
        %get3A_2268 = arith.constant 0 : i32
        %get3A_2269 = arith.constant 0 : i32
        %get3A_2270 = arith.constant 3 : i32
        %get3A_2271 = arith.index_cast %get3A_2268 : i32 to index
        %get3A_2272 = arith.index_cast %get3A_2269 : i32 to index
        %get3A_2273 = arith.index_cast %get3A_2270 : i32 to index
        %get3A_2274 = arith.index_cast %multiple_of3A : i32 to index
        %get3A_2275 = tpu.vector_load %arg5[%get3A_2271, %get3A_2272, %get3A_2273, %get3A_2274] {strides = array<i32>} : memref<2x12x8x256xf32, #tpu.memory_space<vmem>>, vector<1x1x1x16xf32>,
        %get3A_2276 = vector.shape_cast %get3A_2275 : vector<1x1x1x16xf32> to vector<16xf32>
        %mul3A_2277 = arith.mulf %get3A_2276, %select_n3A_2266 : vector<16xf32>
        %add3A_2278 = arith.addf %add3A_2118, %mul3A_2277 : vector<16xf32>
        %add3A_2279 = arith.addf %add3A_2119, %get3A_2276 : vector<16xf32>
        %get3A_2280 = arith.constant 0 : i32
        %get3A_2281 = arith.constant 1 : i32
        %get3A_2282 = arith.constant 3 : i32
        %get3A_2283 = arith.index_cast %get3A_2280 : i32 to index
        %get3A_2284 = arith.index_cast %get3A_2281 : i32 to index
        %get3A_2285 = arith.index_cast %get3A_2282 : i32 to index
        %get3A_2286 = arith.index_cast %multiple_of3A : i32 to index
        %get3A_2287 = tpu.vector_load %arg5[%get3A_2283, %get3A_2284, %get3A_2285, %get3A_2286] {strides = array<i32>} : memref<2x12x8x256xf32, #tpu.memory_space<vmem>>, vector<1x1x1x16xf32>,
        %get3A_2288 = vector.shape_cast %get3A_2287 : vector<1x1x1x16xf32> to vector<16xf32>
        %mul3A_2289 = arith.mulf %get3A_2288, %select_n3A_2266 : vector<16xf32>
        %add3A_2290 = arith.addf %add3A_2130, %mul3A_2289 : vector<16xf32>
        %add3A_2291 = arith.addf %add3A_2131, %get3A_2288 : vector<16xf32>
        %get3A_2292 = arith.constant 0 : i32
        %get3A_2293 = arith.constant 2 : i32
        %get3A_2294 = arith.constant 3 : i32
        %get3A_2295 = arith.index_cast %get3A_2292 : i32 to index
        %get3A_2296 = arith.index_cast %get3A_2293 : i32 to index
        %get3A_2297 = arith.index_cast %get3A_2294 : i32 to index
        %get3A_2298 = arith.index_cast %multiple_of3A : i32 to index
        %get3A_2299 = tpu.vector_load %arg5[%get3A_2295, %get3A_2296, %get3A_2297, %get3A_2298] {strides = array<i32>} : memref<2x12x8x256xf32, #tpu.memory_space<vmem>>, vector<1x1x1x16xf32>,
        %get3A_2300 = vector.shape_cast %get3A_2299 : vector<1x1x1x16xf32> to vector<16xf32>
        %mul3A_2301 = arith.mulf %get3A_2300, %select_n3A_2266 : vector<16xf32>
        %add3A_2302 = arith.addf %add3A_2142, %mul3A_2301 : vector<16xf32>
        %add3A_2303 = arith.addf %add3A_2143, %get3A_2300 : vector<16xf32>
        %get3A_2304 = arith.constant 0 : i32
        %get3A_2305 = arith.constant 3 : i32
        %get3A_2306 = arith.constant 3 : i32
        %get3A_2307 = arith.index_cast %get3A_2304 : i32 to index
        %get3A_2308 = arith.index_cast %get3A_2305 : i32 to index
        %get3A_2309 = arith.index_cast %get3A_2306 : i32 to index
        %get3A_2310 = arith.index_cast %multiple_of3A : i32 to index
        %get3A_2311 = tpu.vector_load %arg5[%get3A_2307, %get3A_2308, %get3A_2309, %get3A_2310] {strides = array<i32>} : memref<2x12x8x256xf32, #tpu.memory_space<vmem>>, vector<1x1x1x16xf32>,
        %get3A_2312 = vector.shape_cast %get3A_2311 : vector<1x1x1x16xf32> to vector<16xf32>
        %mul3A_2313 = arith.mulf %get3A_2312, %select_n3A_2266 : vector<16xf32>
        %add3A_2314 = arith.addf %add3A_2154, %mul3A_2313 : vector<16xf32>
        %add3A_2315 = arith.addf %add3A_2155, %get3A_2312 : vector<16xf32>
        %get3A_2316 = arith.constant 0 : i32
        %get3A_2317 = arith.constant 4 : i32
        %get3A_2318 = arith.constant 3 : i32
        %get3A_2319 = arith.index_cast %get3A_2316 : i32 to index
        %get3A_2320 = arith.index_cast %get3A_2317 : i32 to index
        %get3A_2321 = arith.index_cast %get3A_2318 : i32 to index
        %get3A_2322 = arith.index_cast %multiple_of3A : i32 to index
        %get3A_2323 = tpu.vector_load %arg5[%get3A_2319, %get3A_2320, %get3A_2321, %get3A_2322] {strides = array<i32>} : memref<2x12x8x256xf32, #tpu.memory_space<vmem>>, vector<1x1x1x16xf32>,
        %get3A_2324 = vector.shape_cast %get3A_2323 : vector<1x1x1x16xf32> to vector<16xf32>
        %mul3A_2325 = arith.mulf %get3A_2324, %select_n3A_2266 : vector<16xf32>
        %add3A_2326 = arith.addf %add3A_2166, %mul3A_2325 : vector<16xf32>
        %add3A_2327 = arith.addf %add3A_2167, %get3A_2324 : vector<16xf32>
        %get3A_2328 = arith.constant 0 : i32
        %get3A_2329 = arith.constant 5 : i32
        %get3A_2330 = arith.constant 3 : i32
        %get3A_2331 = arith.index_cast %get3A_2328 : i32 to index
        %get3A_2332 = arith.index_cast %get3A_2329 : i32 to index
        %get3A_2333 = arith.index_cast %get3A_2330 : i32 to index
        %get3A_2334 = arith.index_cast %multiple_of3A : i32 to index
        %get3A_2335 = tpu.vector_load %arg5[%get3A_2331, %get3A_2332, %get3A_2333, %get3A_2334] {strides = array<i32>} : memref<2x12x8x256xf32, #tpu.memory_space<vmem>>, vector<1x1x1x16xf32>,
        %get3A_2336 = vector.shape_cast %get3A_2335 : vector<1x1x1x16xf32> to vector<16xf32>
        %mul3A_2337 = arith.mulf %get3A_2336, %select_n3A_2266 : vector<16xf32>
        %add3A_2338 = arith.addf %add3A_2178, %mul3A_2337 : vector<16xf32>
        %add3A_2339 = arith.addf %add3A_2179, %get3A_2336 : vector<16xf32>
        %get3A_2340 = arith.constant 0 : i32
        %get3A_2341 = arith.constant 6 : i32
        %get3A_2342 = arith.constant 3 : i32
        %get3A_2343 = arith.index_cast %get3A_2340 : i32 to index
        %get3A_2344 = arith.index_cast %get3A_2341 : i32 to index
        %get3A_2345 = arith.index_cast %get3A_2342 : i32 to index
        %get3A_2346 = arith.index_cast %multiple_of3A : i32 to index
        %get3A_2347 = tpu.vector_load %arg5[%get3A_2343, %get3A_2344, %get3A_2345, %get3A_2346] {strides = array<i32>} : memref<2x12x8x256xf32, #tpu.memory_space<vmem>>, vector<1x1x1x16xf32>,
        %get3A_2348 = vector.shape_cast %get3A_2347 : vector<1x1x1x16xf32> to vector<16xf32>
        %mul3A_2349 = arith.mulf %get3A_2348, %select_n3A_2266 : vector<16xf32>
        %add3A_2350 = arith.addf %add3A_2190, %mul3A_2349 : vector<16xf32>
        %add3A_2351 = arith.addf %add3A_2191, %get3A_2348 : vector<16xf32>
        %get3A_2352 = arith.constant 0 : i32
        %get3A_2353 = arith.constant 7 : i32
        %get3A_2354 = arith.constant 3 : i32
        %get3A_2355 = arith.index_cast %get3A_2352 : i32 to index
        %get3A_2356 = arith.index_cast %get3A_2353 : i32 to index
        %get3A_2357 = arith.index_cast %get3A_2354 : i32 to index
        %get3A_2358 = arith.index_cast %multiple_of3A : i32 to index
        %get3A_2359 = tpu.vector_load %arg5[%get3A_2355, %get3A_2356, %get3A_2357, %get3A_2358] {strides = array<i32>} : memref<2x12x8x256xf32, #tpu.memory_space<vmem>>, vector<1x1x1x16xf32>,
        %get3A_2360 = vector.shape_cast %get3A_2359 : vector<1x1x1x16xf32> to vector<16xf32>
        %mul3A_2361 = arith.mulf %get3A_2360, %select_n3A_2266 : vector<16xf32>
        %add3A_2362 = arith.addf %add3A_2202, %mul3A_2361 : vector<16xf32>
        %add3A_2363 = arith.addf %add3A_2203, %get3A_2360 : vector<16xf32>
        %get3A_2364 = arith.constant 0 : i32
        %get3A_2365 = arith.constant 8 : i32
        %get3A_2366 = arith.constant 3 : i32
        %get3A_2367 = arith.index_cast %get3A_2364 : i32 to index
        %get3A_2368 = arith.index_cast %get3A_2365 : i32 to index
        %get3A_2369 = arith.index_cast %get3A_2366 : i32 to index
        %get3A_2370 = arith.index_cast %multiple_of3A : i32 to index
        %get3A_2371 = tpu.vector_load %arg5[%get3A_2367, %get3A_2368, %get3A_2369, %get3A_2370] {strides = array<i32>} : memref<2x12x8x256xf32, #tpu.memory_space<vmem>>, vector<1x1x1x16xf32>,
        %get3A_2372 = vector.shape_cast %get3A_2371 : vector<1x1x1x16xf32> to vector<16xf32>
        %mul3A_2373 = arith.mulf %get3A_2372, %select_n3A_2266 : vector<16xf32>
        %add3A_2374 = arith.addf %add3A_2214, %mul3A_2373 : vector<16xf32>
        %add3A_2375 = arith.addf %add3A_2215, %get3A_2372 : vector<16xf32>
        %get3A_2376 = arith.constant 0 : i32
        %get3A_2377 = arith.constant 9 : i32
        %get3A_2378 = arith.constant 3 : i32
        %get3A_2379 = arith.index_cast %get3A_2376 : i32 to index
        %get3A_2380 = arith.index_cast %get3A_2377 : i32 to index
        %get3A_2381 = arith.index_cast %get3A_2378 : i32 to index
        %get3A_2382 = arith.index_cast %multiple_of3A : i32 to index
        %get3A_2383 = tpu.vector_load %arg5[%get3A_2379, %get3A_2380, %get3A_2381, %get3A_2382] {strides = array<i32>} : memref<2x12x8x256xf32, #tpu.memory_space<vmem>>, vector<1x1x1x16xf32>,
        %get3A_2384 = vector.shape_cast %get3A_2383 : vector<1x1x1x16xf32> to vector<16xf32>
        %mul3A_2385 = arith.mulf %get3A_2384, %select_n3A_2266 : vector<16xf32>
        %add3A_2386 = arith.addf %add3A_2226, %mul3A_2385 : vector<16xf32>
        %add3A_2387 = arith.addf %add3A_2227, %get3A_2384 : vector<16xf32>
        %get3A_2388 = arith.constant 0 : i32
        %get3A_2389 = arith.constant 10 : i32
        %get3A_2390 = arith.constant 3 : i32
        %get3A_2391 = arith.index_cast %get3A_2388 : i32 to index
        %get3A_2392 = arith.index_cast %get3A_2389 : i32 to index
        %get3A_2393 = arith.index_cast %get3A_2390 : i32 to index
        %get3A_2394 = arith.index_cast %multiple_of3A : i32 to index
        %get3A_2395 = tpu.vector_load %arg5[%get3A_2391, %get3A_2392, %get3A_2393, %get3A_2394] {strides = array<i32>} : memref<2x12x8x256xf32, #tpu.memory_space<vmem>>, vector<1x1x1x16xf32>,
        %get3A_2396 = vector.shape_cast %get3A_2395 : vector<1x1x1x16xf32> to vector<16xf32>
        %mul3A_2397 = arith.mulf %get3A_2396, %select_n3A_2266 : vector<16xf32>
        %add3A_2398 = arith.addf %add3A_2238, %mul3A_2397 : vector<16xf32>
        %add3A_2399 = arith.addf %add3A_2239, %get3A_2396 : vector<16xf32>
        %get3A_2400 = arith.constant 0 : i32
        %get3A_2401 = arith.constant 11 : i32
        %get3A_2402 = arith.constant 3 : i32
        %get3A_2403 = arith.index_cast %get3A_2400 : i32 to index
        %get3A_2404 = arith.index_cast %get3A_2401 : i32 to index
        %get3A_2405 = arith.index_cast %get3A_2402 : i32 to index
        %get3A_2406 = arith.index_cast %multiple_of3A : i32 to index
        %get3A_2407 = tpu.vector_load %arg5[%get3A_2403, %get3A_2404, %get3A_2405, %get3A_2406] {strides = array<i32>} : memref<2x12x8x256xf32, #tpu.memory_space<vmem>>, vector<1x1x1x16xf32>,
        %get3A_2408 = vector.shape_cast %get3A_2407 : vector<1x1x1x16xf32> to vector<16xf32>
        %mul3A_2409 = arith.mulf %get3A_2408, %select_n3A_2266 : vector<16xf32>
        %add3A_2410 = arith.addf %add3A_2250, %mul3A_2409 : vector<16xf32>
        %add3A_2411 = arith.addf %add3A_2251, %get3A_2408 : vector<16xf32>
        %get3A_2412 = arith.constant 0 : i32
        %get3A_2413 = arith.constant 4 : i32
        %get3A_2414 = arith.index_cast %get3A_2412 : i32 to index
        %get3A_2415 = arith.index_cast %get3A_2413 : i32 to index
        %get3A_2416 = arith.index_cast %multiple_of3A : i32 to index
        %get3A_2417 = tpu.vector_load %arg6[%get3A_2414, %get3A_2415, %get3A_2416] {strides = array<i32>} : memref<2x8x256xf32, #tpu.memory_space<vmem>>, vector<1x1x16xf32>,
        %get3A_2418 = vector.shape_cast %get3A_2417 : vector<1x1x16xf32> to vector<16xf32>
        %gt3A_2419 = arith.constant 5.000000e-01 : f32
        %gt3A_2420 = vector.broadcast %gt3A_2419 : f32 to vector<16xf32>
        %gt3A_2421 = arith.cmpf ogt, %get3A_2418, %gt3A_2420 : vector<16xf32>
        %jit3A_2422 = arith.constant 1.000000e+00 : f32
        %jit3A_2423 = arith.constant 0.000000e+00 : f32
        %broadcast_in_dim3A_2424 = vector.broadcast %jit3A_2422 : f32 to vector<16xf32>
        %broadcast_in_dim3A_2425 = vector.broadcast %jit3A_2423 : f32 to vector<16xf32>
        %select_n3A_2426 = arith.select %gt3A_2421, %broadcast_in_dim3A_2424, %broadcast_in_dim3A_2425 : vector<16xi1>, vector<16xf32>
        %add3A_2427 = arith.addf %add3A_2267, %select_n3A_2426 : vector<16xf32>
        %get3A_2428 = arith.constant 0 : i32
        %get3A_2429 = arith.constant 0 : i32
        %get3A_2430 = arith.constant 4 : i32
        %get3A_2431 = arith.index_cast %get3A_2428 : i32 to index
        %get3A_2432 = arith.index_cast %get3A_2429 : i32 to index
        %get3A_2433 = arith.index_cast %get3A_2430 : i32 to index
        %get3A_2434 = arith.index_cast %multiple_of3A : i32 to index
        %get3A_2435 = tpu.vector_load %arg5[%get3A_2431, %get3A_2432, %get3A_2433, %get3A_2434] {strides = array<i32>} : memref<2x12x8x256xf32, #tpu.memory_space<vmem>>, vector<1x1x1x16xf32>,
        %get3A_2436 = vector.shape_cast %get3A_2435 : vector<1x1x1x16xf32> to vector<16xf32>
        %mul3A_2437 = arith.mulf %get3A_2436, %select_n3A_2426 : vector<16xf32>
        %add3A_2438 = arith.addf %add3A_2278, %mul3A_2437 : vector<16xf32>
        %add3A_2439 = arith.addf %add3A_2279, %get3A_2436 : vector<16xf32>
        %get3A_2440 = arith.constant 0 : i32
        %get3A_2441 = arith.constant 1 : i32
        %get3A_2442 = arith.constant 4 : i32
        %get3A_2443 = arith.index_cast %get3A_2440 : i32 to index
        %get3A_2444 = arith.index_cast %get3A_2441 : i32 to index
        %get3A_2445 = arith.index_cast %get3A_2442 : i32 to index
        %get3A_2446 = arith.index_cast %multiple_of3A : i32 to index
        %get3A_2447 = tpu.vector_load %arg5[%get3A_2443, %get3A_2444, %get3A_2445, %get3A_2446] {strides = array<i32>} : memref<2x12x8x256xf32, #tpu.memory_space<vmem>>, vector<1x1x1x16xf32>,
        %get3A_2448 = vector.shape_cast %get3A_2447 : vector<1x1x1x16xf32> to vector<16xf32>
        %mul3A_2449 = arith.mulf %get3A_2448, %select_n3A_2426 : vector<16xf32>
        %add3A_2450 = arith.addf %add3A_2290, %mul3A_2449 : vector<16xf32>
        %add3A_2451 = arith.addf %add3A_2291, %get3A_2448 : vector<16xf32>
        %get3A_2452 = arith.constant 0 : i32
        %get3A_2453 = arith.constant 2 : i32
        %get3A_2454 = arith.constant 4 : i32
        %get3A_2455 = arith.index_cast %get3A_2452 : i32 to index
        %get3A_2456 = arith.index_cast %get3A_2453 : i32 to index
        %get3A_2457 = arith.index_cast %get3A_2454 : i32 to index
        %get3A_2458 = arith.index_cast %multiple_of3A : i32 to index
        %get3A_2459 = tpu.vector_load %arg5[%get3A_2455, %get3A_2456, %get3A_2457, %get3A_2458] {strides = array<i32>} : memref<2x12x8x256xf32, #tpu.memory_space<vmem>>, vector<1x1x1x16xf32>,
        %get3A_2460 = vector.shape_cast %get3A_2459 : vector<1x1x1x16xf32> to vector<16xf32>
        %mul3A_2461 = arith.mulf %get3A_2460, %select_n3A_2426 : vector<16xf32>
        %add3A_2462 = arith.addf %add3A_2302, %mul3A_2461 : vector<16xf32>
        %add3A_2463 = arith.addf %add3A_2303, %get3A_2460 : vector<16xf32>
        %get3A_2464 = arith.constant 0 : i32
        %get3A_2465 = arith.constant 3 : i32
        %get3A_2466 = arith.constant 4 : i32
        %get3A_2467 = arith.index_cast %get3A_2464 : i32 to index
        %get3A_2468 = arith.index_cast %get3A_2465 : i32 to index
        %get3A_2469 = arith.index_cast %get3A_2466 : i32 to index
        %get3A_2470 = arith.index_cast %multiple_of3A : i32 to index
        %get3A_2471 = tpu.vector_load %arg5[%get3A_2467, %get3A_2468, %get3A_2469, %get3A_2470] {strides = array<i32>} : memref<2x12x8x256xf32, #tpu.memory_space<vmem>>, vector<1x1x1x16xf32>,
        %get3A_2472 = vector.shape_cast %get3A_2471 : vector<1x1x1x16xf32> to vector<16xf32>
        %mul3A_2473 = arith.mulf %get3A_2472, %select_n3A_2426 : vector<16xf32>
        %add3A_2474 = arith.addf %add3A_2314, %mul3A_2473 : vector<16xf32>
        %add3A_2475 = arith.addf %add3A_2315, %get3A_2472 : vector<16xf32>
        %get3A_2476 = arith.constant 0 : i32
        %get3A_2477 = arith.constant 4 : i32
        %get3A_2478 = arith.constant 4 : i32
        %get3A_2479 = arith.index_cast %get3A_2476 : i32 to index
        %get3A_2480 = arith.index_cast %get3A_2477 : i32 to index
        %get3A_2481 = arith.index_cast %get3A_2478 : i32 to index
        %get3A_2482 = arith.index_cast %multiple_of3A : i32 to index
        %get3A_2483 = tpu.vector_load %arg5[%get3A_2479, %get3A_2480, %get3A_2481, %get3A_2482] {strides = array<i32>} : memref<2x12x8x256xf32, #tpu.memory_space<vmem>>, vector<1x1x1x16xf32>,
        %get3A_2484 = vector.shape_cast %get3A_2483 : vector<1x1x1x16xf32> to vector<16xf32>
        %mul3A_2485 = arith.mulf %get3A_2484, %select_n3A_2426 : vector<16xf32>
        %add3A_2486 = arith.addf %add3A_2326, %mul3A_2485 : vector<16xf32>
        %add3A_2487 = arith.addf %add3A_2327, %get3A_2484 : vector<16xf32>
        %get3A_2488 = arith.constant 0 : i32
        %get3A_2489 = arith.constant 5 : i32
        %get3A_2490 = arith.constant 4 : i32
        %get3A_2491 = arith.index_cast %get3A_2488 : i32 to index
        %get3A_2492 = arith.index_cast %get3A_2489 : i32 to index
        %get3A_2493 = arith.index_cast %get3A_2490 : i32 to index
        %get3A_2494 = arith.index_cast %multiple_of3A : i32 to index
        %get3A_2495 = tpu.vector_load %arg5[%get3A_2491, %get3A_2492, %get3A_2493, %get3A_2494] {strides = array<i32>} : memref<2x12x8x256xf32, #tpu.memory_space<vmem>>, vector<1x1x1x16xf32>,
        %get3A_2496 = vector.shape_cast %get3A_2495 : vector<1x1x1x16xf32> to vector<16xf32>
        %mul3A_2497 = arith.mulf %get3A_2496, %select_n3A_2426 : vector<16xf32>
        %add3A_2498 = arith.addf %add3A_2338, %mul3A_2497 : vector<16xf32>
        %add3A_2499 = arith.addf %add3A_2339, %get3A_2496 : vector<16xf32>
        %get3A_2500 = arith.constant 0 : i32
        %get3A_2501 = arith.constant 6 : i32
        %get3A_2502 = arith.constant 4 : i32
        %get3A_2503 = arith.index_cast %get3A_2500 : i32 to index
        %get3A_2504 = arith.index_cast %get3A_2501 : i32 to index
        %get3A_2505 = arith.index_cast %get3A_2502 : i32 to index
        %get3A_2506 = arith.index_cast %multiple_of3A : i32 to index
        %get3A_2507 = tpu.vector_load %arg5[%get3A_2503, %get3A_2504, %get3A_2505, %get3A_2506] {strides = array<i32>} : memref<2x12x8x256xf32, #tpu.memory_space<vmem>>, vector<1x1x1x16xf32>,
        %get3A_2508 = vector.shape_cast %get3A_2507 : vector<1x1x1x16xf32> to vector<16xf32>
        %mul3A_2509 = arith.mulf %get3A_2508, %select_n3A_2426 : vector<16xf32>
        %add3A_2510 = arith.addf %add3A_2350, %mul3A_2509 : vector<16xf32>
        %add3A_2511 = arith.addf %add3A_2351, %get3A_2508 : vector<16xf32>
        %get3A_2512 = arith.constant 0 : i32
        %get3A_2513 = arith.constant 7 : i32
        %get3A_2514 = arith.constant 4 : i32
        %get3A_2515 = arith.index_cast %get3A_2512 : i32 to index
        %get3A_2516 = arith.index_cast %get3A_2513 : i32 to index
        %get3A_2517 = arith.index_cast %get3A_2514 : i32 to index
        %get3A_2518 = arith.index_cast %multiple_of3A : i32 to index
        %get3A_2519 = tpu.vector_load %arg5[%get3A_2515, %get3A_2516, %get3A_2517, %get3A_2518] {strides = array<i32>} : memref<2x12x8x256xf32, #tpu.memory_space<vmem>>, vector<1x1x1x16xf32>,
        %get3A_2520 = vector.shape_cast %get3A_2519 : vector<1x1x1x16xf32> to vector<16xf32>
        %mul3A_2521 = arith.mulf %get3A_2520, %select_n3A_2426 : vector<16xf32>
        %add3A_2522 = arith.addf %add3A_2362, %mul3A_2521 : vector<16xf32>
        %add3A_2523 = arith.addf %add3A_2363, %get3A_2520 : vector<16xf32>
        %get3A_2524 = arith.constant 0 : i32
        %get3A_2525 = arith.constant 8 : i32
        %get3A_2526 = arith.constant 4 : i32
        %get3A_2527 = arith.index_cast %get3A_2524 : i32 to index
        %get3A_2528 = arith.index_cast %get3A_2525 : i32 to index
        %get3A_2529 = arith.index_cast %get3A_2526 : i32 to index
        %get3A_2530 = arith.index_cast %multiple_of3A : i32 to index
        %get3A_2531 = tpu.vector_load %arg5[%get3A_2527, %get3A_2528, %get3A_2529, %get3A_2530] {strides = array<i32>} : memref<2x12x8x256xf32, #tpu.memory_space<vmem>>, vector<1x1x1x16xf32>,
        %get3A_2532 = vector.shape_cast %get3A_2531 : vector<1x1x1x16xf32> to vector<16xf32>
        %mul3A_2533 = arith.mulf %get3A_2532, %select_n3A_2426 : vector<16xf32>
        %add3A_2534 = arith.addf %add3A_2374, %mul3A_2533 : vector<16xf32>
        %add3A_2535 = arith.addf %add3A_2375, %get3A_2532 : vector<16xf32>
        %get3A_2536 = arith.constant 0 : i32
        %get3A_2537 = arith.constant 9 : i32
        %get3A_2538 = arith.constant 4 : i32
        %get3A_2539 = arith.index_cast %get3A_2536 : i32 to index
        %get3A_2540 = arith.index_cast %get3A_2537 : i32 to index
        %get3A_2541 = arith.index_cast %get3A_2538 : i32 to index
        %get3A_2542 = arith.index_cast %multiple_of3A : i32 to index
        %get3A_2543 = tpu.vector_load %arg5[%get3A_2539, %get3A_2540, %get3A_2541, %get3A_2542] {strides = array<i32>} : memref<2x12x8x256xf32, #tpu.memory_space<vmem>>, vector<1x1x1x16xf32>,
        %get3A_2544 = vector.shape_cast %get3A_2543 : vector<1x1x1x16xf32> to vector<16xf32>
        %mul3A_2545 = arith.mulf %get3A_2544, %select_n3A_2426 : vector<16xf32>
        %add3A_2546 = arith.addf %add3A_2386, %mul3A_2545 : vector<16xf32>
        %add3A_2547 = arith.addf %add3A_2387, %get3A_2544 : vector<16xf32>
        %get3A_2548 = arith.constant 0 : i32
        %get3A_2549 = arith.constant 10 : i32
        %get3A_2550 = arith.constant 4 : i32
        %get3A_2551 = arith.index_cast %get3A_2548 : i32 to index
        %get3A_2552 = arith.index_cast %get3A_2549 : i32 to index
        %get3A_2553 = arith.index_cast %get3A_2550 : i32 to index
        %get3A_2554 = arith.index_cast %multiple_of3A : i32 to index
        %get3A_2555 = tpu.vector_load %arg5[%get3A_2551, %get3A_2552, %get3A_2553, %get3A_2554] {strides = array<i32>} : memref<2x12x8x256xf32, #tpu.memory_space<vmem>>, vector<1x1x1x16xf32>,
        %get3A_2556 = vector.shape_cast %get3A_2555 : vector<1x1x1x16xf32> to vector<16xf32>
        %mul3A_2557 = arith.mulf %get3A_2556, %select_n3A_2426 : vector<16xf32>
        %add3A_2558 = arith.addf %add3A_2398, %mul3A_2557 : vector<16xf32>
        %add3A_2559 = arith.addf %add3A_2399, %get3A_2556 : vector<16xf32>
        %get3A_2560 = arith.constant 0 : i32
        %get3A_2561 = arith.constant 11 : i32
        %get3A_2562 = arith.constant 4 : i32
        %get3A_2563 = arith.index_cast %get3A_2560 : i32 to index
        %get3A_2564 = arith.index_cast %get3A_2561 : i32 to index
        %get3A_2565 = arith.index_cast %get3A_2562 : i32 to index
        %get3A_2566 = arith.index_cast %multiple_of3A : i32 to index
        %get3A_2567 = tpu.vector_load %arg5[%get3A_2563, %get3A_2564, %get3A_2565, %get3A_2566] {strides = array<i32>} : memref<2x12x8x256xf32, #tpu.memory_space<vmem>>, vector<1x1x1x16xf32>,
        %get3A_2568 = vector.shape_cast %get3A_2567 : vector<1x1x1x16xf32> to vector<16xf32>
        %mul3A_2569 = arith.mulf %get3A_2568, %select_n3A_2426 : vector<16xf32>
        %add3A_2570 = arith.addf %add3A_2410, %mul3A_2569 : vector<16xf32>
        %add3A_2571 = arith.addf %add3A_2411, %get3A_2568 : vector<16xf32>
        %get3A_2572 = arith.constant 0 : i32
        %get3A_2573 = arith.constant 5 : i32
        %get3A_2574 = arith.index_cast %get3A_2572 : i32 to index
        %get3A_2575 = arith.index_cast %get3A_2573 : i32 to index
        %get3A_2576 = arith.index_cast %multiple_of3A : i32 to index
        %get3A_2577 = tpu.vector_load %arg6[%get3A_2574, %get3A_2575, %get3A_2576] {strides = array<i32>} : memref<2x8x256xf32, #tpu.memory_space<vmem>>, vector<1x1x16xf32>,
        %get3A_2578 = vector.shape_cast %get3A_2577 : vector<1x1x16xf32> to vector<16xf32>
        %gt3A_2579 = arith.constant 5.000000e-01 : f32
        %gt3A_2580 = vector.broadcast %gt3A_2579 : f32 to vector<16xf32>
        %gt3A_2581 = arith.cmpf ogt, %get3A_2578, %gt3A_2580 : vector<16xf32>
        %jit3A_2582 = arith.constant 1.000000e+00 : f32
        %jit3A_2583 = arith.constant 0.000000e+00 : f32
        %broadcast_in_dim3A_2584 = vector.broadcast %jit3A_2582 : f32 to vector<16xf32>
        %broadcast_in_dim3A_2585 = vector.broadcast %jit3A_2583 : f32 to vector<16xf32>
        %select_n3A_2586 = arith.select %gt3A_2581, %broadcast_in_dim3A_2584, %broadcast_in_dim3A_2585 : vector<16xi1>, vector<16xf32>
        %add3A_2587 = arith.addf %add3A_2427, %select_n3A_2586 : vector<16xf32>
        %get3A_2588 = arith.constant 0 : i32
        %get3A_2589 = arith.constant 0 : i32
        %get3A_2590 = arith.constant 5 : i32
        %get3A_2591 = arith.index_cast %get3A_2588 : i32 to index
        %get3A_2592 = arith.index_cast %get3A_2589 : i32 to index
        %get3A_2593 = arith.index_cast %get3A_2590 : i32 to index
        %get3A_2594 = arith.index_cast %multiple_of3A : i32 to index
        %get3A_2595 = tpu.vector_load %arg5[%get3A_2591, %get3A_2592, %get3A_2593, %get3A_2594] {strides = array<i32>} : memref<2x12x8x256xf32, #tpu.memory_space<vmem>>, vector<1x1x1x16xf32>,
        %get3A_2596 = vector.shape_cast %get3A_2595 : vector<1x1x1x16xf32> to vector<16xf32>
        %mul3A_2597 = arith.mulf %get3A_2596, %select_n3A_2586 : vector<16xf32>
        %add3A_2598 = arith.addf %add3A_2438, %mul3A_2597 : vector<16xf32>
        %add3A_2599 = arith.addf %add3A_2439, %get3A_2596 : vector<16xf32>
        %get3A_2600 = arith.constant 0 : i32
        %get3A_2601 = arith.constant 1 : i32
        %get3A_2602 = arith.constant 5 : i32
        %get3A_2603 = arith.index_cast %get3A_2600 : i32 to index
        %get3A_2604 = arith.index_cast %get3A_2601 : i32 to index
        %get3A_2605 = arith.index_cast %get3A_2602 : i32 to index
        %get3A_2606 = arith.index_cast %multiple_of3A : i32 to index
        %get3A_2607 = tpu.vector_load %arg5[%get3A_2603, %get3A_2604, %get3A_2605, %get3A_2606] {strides = array<i32>} : memref<2x12x8x256xf32, #tpu.memory_space<vmem>>, vector<1x1x1x16xf32>,
        %get3A_2608 = vector.shape_cast %get3A_2607 : vector<1x1x1x16xf32> to vector<16xf32>
        %mul3A_2609 = arith.mulf %get3A_2608, %select_n3A_2586 : vector<16xf32>
        %add3A_2610 = arith.addf %add3A_2450, %mul3A_2609 : vector<16xf32>
        %add3A_2611 = arith.addf %add3A_2451, %get3A_2608 : vector<16xf32>
        %get3A_2612 = arith.constant 0 : i32
        %get3A_2613 = arith.constant 2 : i32
        %get3A_2614 = arith.constant 5 : i32
        %get3A_2615 = arith.index_cast %get3A_2612 : i32 to index
        %get3A_2616 = arith.index_cast %get3A_2613 : i32 to index
        %get3A_2617 = arith.index_cast %get3A_2614 : i32 to index
        %get3A_2618 = arith.index_cast %multiple_of3A : i32 to index
        %get3A_2619 = tpu.vector_load %arg5[%get3A_2615, %get3A_2616, %get3A_2617, %get3A_2618] {strides = array<i32>} : memref<2x12x8x256xf32, #tpu.memory_space<vmem>>, vector<1x1x1x16xf32>,
        %get3A_2620 = vector.shape_cast %get3A_2619 : vector<1x1x1x16xf32> to vector<16xf32>
        %mul3A_2621 = arith.mulf %get3A_2620, %select_n3A_2586 : vector<16xf32>
        %add3A_2622 = arith.addf %add3A_2462, %mul3A_2621 : vector<16xf32>
        %add3A_2623 = arith.addf %add3A_2463, %get3A_2620 : vector<16xf32>
        %get3A_2624 = arith.constant 0 : i32
        %get3A_2625 = arith.constant 3 : i32
        %get3A_2626 = arith.constant 5 : i32
        %get3A_2627 = arith.index_cast %get3A_2624 : i32 to index
        %get3A_2628 = arith.index_cast %get3A_2625 : i32 to index
        %get3A_2629 = arith.index_cast %get3A_2626 : i32 to index
        %get3A_2630 = arith.index_cast %multiple_of3A : i32 to index
        %get3A_2631 = tpu.vector_load %arg5[%get3A_2627, %get3A_2628, %get3A_2629, %get3A_2630] {strides = array<i32>} : memref<2x12x8x256xf32, #tpu.memory_space<vmem>>, vector<1x1x1x16xf32>,
        %get3A_2632 = vector.shape_cast %get3A_2631 : vector<1x1x1x16xf32> to vector<16xf32>
        %mul3A_2633 = arith.mulf %get3A_2632, %select_n3A_2586 : vector<16xf32>
        %add3A_2634 = arith.addf %add3A_2474, %mul3A_2633 : vector<16xf32>
        %add3A_2635 = arith.addf %add3A_2475, %get3A_2632 : vector<16xf32>
        %get3A_2636 = arith.constant 0 : i32
        %get3A_2637 = arith.constant 4 : i32
        %get3A_2638 = arith.constant 5 : i32
        %get3A_2639 = arith.index_cast %get3A_2636 : i32 to index
        %get3A_2640 = arith.index_cast %get3A_2637 : i32 to index
        %get3A_2641 = arith.index_cast %get3A_2638 : i32 to index
        %get3A_2642 = arith.index_cast %multiple_of3A : i32 to index
        %get3A_2643 = tpu.vector_load %arg5[%get3A_2639, %get3A_2640, %get3A_2641, %get3A_2642] {strides = array<i32>} : memref<2x12x8x256xf32, #tpu.memory_space<vmem>>, vector<1x1x1x16xf32>,
        %get3A_2644 = vector.shape_cast %get3A_2643 : vector<1x1x1x16xf32> to vector<16xf32>
        %mul3A_2645 = arith.mulf %get3A_2644, %select_n3A_2586 : vector<16xf32>
        %add3A_2646 = arith.addf %add3A_2486, %mul3A_2645 : vector<16xf32>
        %add3A_2647 = arith.addf %add3A_2487, %get3A_2644 : vector<16xf32>
        %get3A_2648 = arith.constant 0 : i32
        %get3A_2649 = arith.constant 5 : i32
        %get3A_2650 = arith.constant 5 : i32
        %get3A_2651 = arith.index_cast %get3A_2648 : i32 to index
        %get3A_2652 = arith.index_cast %get3A_2649 : i32 to index
        %get3A_2653 = arith.index_cast %get3A_2650 : i32 to index
        %get3A_2654 = arith.index_cast %multiple_of3A : i32 to index
        %get3A_2655 = tpu.vector_load %arg5[%get3A_2651, %get3A_2652, %get3A_2653, %get3A_2654] {strides = array<i32>} : memref<2x12x8x256xf32, #tpu.memory_space<vmem>>, vector<1x1x1x16xf32>,
        %get3A_2656 = vector.shape_cast %get3A_2655 : vector<1x1x1x16xf32> to vector<16xf32>
        %mul3A_2657 = arith.mulf %get3A_2656, %select_n3A_2586 : vector<16xf32>
        %add3A_2658 = arith.addf %add3A_2498, %mul3A_2657 : vector<16xf32>
        %add3A_2659 = arith.addf %add3A_2499, %get3A_2656 : vector<16xf32>
        %get3A_2660 = arith.constant 0 : i32
        %get3A_2661 = arith.constant 6 : i32
        %get3A_2662 = arith.constant 5 : i32
        %get3A_2663 = arith.index_cast %get3A_2660 : i32 to index
        %get3A_2664 = arith.index_cast %get3A_2661 : i32 to index
        %get3A_2665 = arith.index_cast %get3A_2662 : i32 to index
        %get3A_2666 = arith.index_cast %multiple_of3A : i32 to index
        %get3A_2667 = tpu.vector_load %arg5[%get3A_2663, %get3A_2664, %get3A_2665, %get3A_2666] {strides = array<i32>} : memref<2x12x8x256xf32, #tpu.memory_space<vmem>>, vector<1x1x1x16xf32>,
        %get3A_2668 = vector.shape_cast %get3A_2667 : vector<1x1x1x16xf32> to vector<16xf32>
        %mul3A_2669 = arith.mulf %get3A_2668, %select_n3A_2586 : vector<16xf32>
        %add3A_2670 = arith.addf %add3A_2510, %mul3A_2669 : vector<16xf32>
        %add3A_2671 = arith.addf %add3A_2511, %get3A_2668 : vector<16xf32>
        %get3A_2672 = arith.constant 0 : i32
        %get3A_2673 = arith.constant 7 : i32
        %get3A_2674 = arith.constant 5 : i32
        %get3A_2675 = arith.index_cast %get3A_2672 : i32 to index
        %get3A_2676 = arith.index_cast %get3A_2673 : i32 to index
        %get3A_2677 = arith.index_cast %get3A_2674 : i32 to index
        %get3A_2678 = arith.index_cast %multiple_of3A : i32 to index
        %get3A_2679 = tpu.vector_load %arg5[%get3A_2675, %get3A_2676, %get3A_2677, %get3A_2678] {strides = array<i32>} : memref<2x12x8x256xf32, #tpu.memory_space<vmem>>, vector<1x1x1x16xf32>,
        %get3A_2680 = vector.shape_cast %get3A_2679 : vector<1x1x1x16xf32> to vector<16xf32>
        %mul3A_2681 = arith.mulf %get3A_2680, %select_n3A_2586 : vector<16xf32>
        %add3A_2682 = arith.addf %add3A_2522, %mul3A_2681 : vector<16xf32>
        %add3A_2683 = arith.addf %add3A_2523, %get3A_2680 : vector<16xf32>
        %get3A_2684 = arith.constant 0 : i32
        %get3A_2685 = arith.constant 8 : i32
        %get3A_2686 = arith.constant 5 : i32
        %get3A_2687 = arith.index_cast %get3A_2684 : i32 to index
        %get3A_2688 = arith.index_cast %get3A_2685 : i32 to index
        %get3A_2689 = arith.index_cast %get3A_2686 : i32 to index
        %get3A_2690 = arith.index_cast %multiple_of3A : i32 to index
        %get3A_2691 = tpu.vector_load %arg5[%get3A_2687, %get3A_2688, %get3A_2689, %get3A_2690] {strides = array<i32>} : memref<2x12x8x256xf32, #tpu.memory_space<vmem>>, vector<1x1x1x16xf32>,
        %get3A_2692 = vector.shape_cast %get3A_2691 : vector<1x1x1x16xf32> to vector<16xf32>
        %mul3A_2693 = arith.mulf %get3A_2692, %select_n3A_2586 : vector<16xf32>
        %add3A_2694 = arith.addf %add3A_2534, %mul3A_2693 : vector<16xf32>
        %add3A_2695 = arith.addf %add3A_2535, %get3A_2692 : vector<16xf32>
        %get3A_2696 = arith.constant 0 : i32
        %get3A_2697 = arith.constant 9 : i32
        %get3A_2698 = arith.constant 5 : i32
        %get3A_2699 = arith.index_cast %get3A_2696 : i32 to index
        %get3A_2700 = arith.index_cast %get3A_2697 : i32 to index
        %get3A_2701 = arith.index_cast %get3A_2698 : i32 to index
        %get3A_2702 = arith.index_cast %multiple_of3A : i32 to index
        %get3A_2703 = tpu.vector_load %arg5[%get3A_2699, %get3A_2700, %get3A_2701, %get3A_2702] {strides = array<i32>} : memref<2x12x8x256xf32, #tpu.memory_space<vmem>>, vector<1x1x1x16xf32>,
        %get3A_2704 = vector.shape_cast %get3A_2703 : vector<1x1x1x16xf32> to vector<16xf32>
        %mul3A_2705 = arith.mulf %get3A_2704, %select_n3A_2586 : vector<16xf32>
        %add3A_2706 = arith.addf %add3A_2546, %mul3A_2705 : vector<16xf32>
        %add3A_2707 = arith.addf %add3A_2547, %get3A_2704 : vector<16xf32>
        %get3A_2708 = arith.constant 0 : i32
        %get3A_2709 = arith.constant 10 : i32
        %get3A_2710 = arith.constant 5 : i32
        %get3A_2711 = arith.index_cast %get3A_2708 : i32 to index
        %get3A_2712 = arith.index_cast %get3A_2709 : i32 to index
        %get3A_2713 = arith.index_cast %get3A_2710 : i32 to index
        %get3A_2714 = arith.index_cast %multiple_of3A : i32 to index
        %get3A_2715 = tpu.vector_load %arg5[%get3A_2711, %get3A_2712, %get3A_2713, %get3A_2714] {strides = array<i32>} : memref<2x12x8x256xf32, #tpu.memory_space<vmem>>, vector<1x1x1x16xf32>,
        %get3A_2716 = vector.shape_cast %get3A_2715 : vector<1x1x1x16xf32> to vector<16xf32>
        %mul3A_2717 = arith.mulf %get3A_2716, %select_n3A_2586 : vector<16xf32>
        %add3A_2718 = arith.addf %add3A_2558, %mul3A_2717 : vector<16xf32>
        %add3A_2719 = arith.addf %add3A_2559, %get3A_2716 : vector<16xf32>
        %get3A_2720 = arith.constant 0 : i32
        %get3A_2721 = arith.constant 11 : i32
        %get3A_2722 = arith.constant 5 : i32
        %get3A_2723 = arith.index_cast %get3A_2720 : i32 to index
        %get3A_2724 = arith.index_cast %get3A_2721 : i32 to index
        %get3A_2725 = arith.index_cast %get3A_2722 : i32 to index
        %get3A_2726 = arith.index_cast %multiple_of3A : i32 to index
        %get3A_2727 = tpu.vector_load %arg5[%get3A_2723, %get3A_2724, %get3A_2725, %get3A_2726] {strides = array<i32>} : memref<2x12x8x256xf32, #tpu.memory_space<vmem>>, vector<1x1x1x16xf32>,
        %get3A_2728 = vector.shape_cast %get3A_2727 : vector<1x1x1x16xf32> to vector<16xf32>
        %mul3A_2729 = arith.mulf %get3A_2728, %select_n3A_2586 : vector<16xf32>
        %add3A_2730 = arith.addf %add3A_2570, %mul3A_2729 : vector<16xf32>
        %add3A_2731 = arith.addf %add3A_2571, %get3A_2728 : vector<16xf32>
        %get3A_2732 = arith.constant 0 : i32
        %get3A_2733 = arith.constant 6 : i32
        %get3A_2734 = arith.index_cast %get3A_2732 : i32 to index
        %get3A_2735 = arith.index_cast %get3A_2733 : i32 to index
        %get3A_2736 = arith.index_cast %multiple_of3A : i32 to index
        %get3A_2737 = tpu.vector_load %arg6[%get3A_2734, %get3A_2735, %get3A_2736] {strides = array<i32>} : memref<2x8x256xf32, #tpu.memory_space<vmem>>, vector<1x1x16xf32>,
        %get3A_2738 = vector.shape_cast %get3A_2737 : vector<1x1x16xf32> to vector<16xf32>
        %gt3A_2739 = arith.constant 5.000000e-01 : f32
        %gt3A_2740 = vector.broadcast %gt3A_2739 : f32 to vector<16xf32>
        %gt3A_2741 = arith.cmpf ogt, %get3A_2738, %gt3A_2740 : vector<16xf32>
        %jit3A_2742 = arith.constant 1.000000e+00 : f32
        %jit3A_2743 = arith.constant 0.000000e+00 : f32
        %broadcast_in_dim3A_2744 = vector.broadcast %jit3A_2742 : f32 to vector<16xf32>
        %broadcast_in_dim3A_2745 = vector.broadcast %jit3A_2743 : f32 to vector<16xf32>
        %select_n3A_2746 = arith.select %gt3A_2741, %broadcast_in_dim3A_2744, %broadcast_in_dim3A_2745 : vector<16xi1>, vector<16xf32>
        %add3A_2747 = arith.addf %add3A_2587, %select_n3A_2746 : vector<16xf32>
        %get3A_2748 = arith.constant 0 : i32
        %get3A_2749 = arith.constant 0 : i32
        %get3A_2750 = arith.constant 6 : i32
        %get3A_2751 = arith.index_cast %get3A_2748 : i32 to index
        %get3A_2752 = arith.index_cast %get3A_2749 : i32 to index
        %get3A_2753 = arith.index_cast %get3A_2750 : i32 to index
        %get3A_2754 = arith.index_cast %multiple_of3A : i32 to index
        %get3A_2755 = tpu.vector_load %arg5[%get3A_2751, %get3A_2752, %get3A_2753, %get3A_2754] {strides = array<i32>} : memref<2x12x8x256xf32, #tpu.memory_space<vmem>>, vector<1x1x1x16xf32>,
        %get3A_2756 = vector.shape_cast %get3A_2755 : vector<1x1x1x16xf32> to vector<16xf32>
        %mul3A_2757 = arith.mulf %get3A_2756, %select_n3A_2746 : vector<16xf32>
        %add3A_2758 = arith.addf %add3A_2598, %mul3A_2757 : vector<16xf32>
        %add3A_2759 = arith.addf %add3A_2599, %get3A_2756 : vector<16xf32>
        %get3A_2760 = arith.constant 0 : i32
        %get3A_2761 = arith.constant 1 : i32
        %get3A_2762 = arith.constant 6 : i32
        %get3A_2763 = arith.index_cast %get3A_2760 : i32 to index
        %get3A_2764 = arith.index_cast %get3A_2761 : i32 to index
        %get3A_2765 = arith.index_cast %get3A_2762 : i32 to index
        %get3A_2766 = arith.index_cast %multiple_of3A : i32 to index
        %get3A_2767 = tpu.vector_load %arg5[%get3A_2763, %get3A_2764, %get3A_2765, %get3A_2766] {strides = array<i32>} : memref<2x12x8x256xf32, #tpu.memory_space<vmem>>, vector<1x1x1x16xf32>,
        %get3A_2768 = vector.shape_cast %get3A_2767 : vector<1x1x1x16xf32> to vector<16xf32>
        %mul3A_2769 = arith.mulf %get3A_2768, %select_n3A_2746 : vector<16xf32>
        %add3A_2770 = arith.addf %add3A_2610, %mul3A_2769 : vector<16xf32>
        %add3A_2771 = arith.addf %add3A_2611, %get3A_2768 : vector<16xf32>
        %get3A_2772 = arith.constant 0 : i32
        %get3A_2773 = arith.constant 2 : i32
        %get3A_2774 = arith.constant 6 : i32
        %get3A_2775 = arith.index_cast %get3A_2772 : i32 to index
        %get3A_2776 = arith.index_cast %get3A_2773 : i32 to index
        %get3A_2777 = arith.index_cast %get3A_2774 : i32 to index
        %get3A_2778 = arith.index_cast %multiple_of3A : i32 to index
        %get3A_2779 = tpu.vector_load %arg5[%get3A_2775, %get3A_2776, %get3A_2777, %get3A_2778] {strides = array<i32>} : memref<2x12x8x256xf32, #tpu.memory_space<vmem>>, vector<1x1x1x16xf32>,
        %get3A_2780 = vector.shape_cast %get3A_2779 : vector<1x1x1x16xf32> to vector<16xf32>
        %mul3A_2781 = arith.mulf %get3A_2780, %select_n3A_2746 : vector<16xf32>
        %add3A_2782 = arith.addf %add3A_2622, %mul3A_2781 : vector<16xf32>
        %add3A_2783 = arith.addf %add3A_2623, %get3A_2780 : vector<16xf32>
        %get3A_2784 = arith.constant 0 : i32
        %get3A_2785 = arith.constant 3 : i32
        %get3A_2786 = arith.constant 6 : i32
        %get3A_2787 = arith.index_cast %get3A_2784 : i32 to index
        %get3A_2788 = arith.index_cast %get3A_2785 : i32 to index
        %get3A_2789 = arith.index_cast %get3A_2786 : i32 to index
        %get3A_2790 = arith.index_cast %multiple_of3A : i32 to index
        %get3A_2791 = tpu.vector_load %arg5[%get3A_2787, %get3A_2788, %get3A_2789, %get3A_2790] {strides = array<i32>} : memref<2x12x8x256xf32, #tpu.memory_space<vmem>>, vector<1x1x1x16xf32>,
        %get3A_2792 = vector.shape_cast %get3A_2791 : vector<1x1x1x16xf32> to vector<16xf32>
        %mul3A_2793 = arith.mulf %get3A_2792, %select_n3A_2746 : vector<16xf32>
        %add3A_2794 = arith.addf %add3A_2634, %mul3A_2793 : vector<16xf32>
        %add3A_2795 = arith.addf %add3A_2635, %get3A_2792 : vector<16xf32>
        %get3A_2796 = arith.constant 0 : i32
        %get3A_2797 = arith.constant 4 : i32
        %get3A_2798 = arith.constant 6 : i32
        %get3A_2799 = arith.index_cast %get3A_2796 : i32 to index
        %get3A_2800 = arith.index_cast %get3A_2797 : i32 to index
        %get3A_2801 = arith.index_cast %get3A_2798 : i32 to index
        %get3A_2802 = arith.index_cast %multiple_of3A : i32 to index
        %get3A_2803 = tpu.vector_load %arg5[%get3A_2799, %get3A_2800, %get3A_2801, %get3A_2802] {strides = array<i32>} : memref<2x12x8x256xf32, #tpu.memory_space<vmem>>, vector<1x1x1x16xf32>,
        %get3A_2804 = vector.shape_cast %get3A_2803 : vector<1x1x1x16xf32> to vector<16xf32>
        %mul3A_2805 = arith.mulf %get3A_2804, %select_n3A_2746 : vector<16xf32>
        %add3A_2806 = arith.addf %add3A_2646, %mul3A_2805 : vector<16xf32>
        %add3A_2807 = arith.addf %add3A_2647, %get3A_2804 : vector<16xf32>
        %get3A_2808 = arith.constant 0 : i32
        %get3A_2809 = arith.constant 5 : i32
        %get3A_2810 = arith.constant 6 : i32
        %get3A_2811 = arith.index_cast %get3A_2808 : i32 to index
        %get3A_2812 = arith.index_cast %get3A_2809 : i32 to index
        %get3A_2813 = arith.index_cast %get3A_2810 : i32 to index
        %get3A_2814 = arith.index_cast %multiple_of3A : i32 to index
        %get3A_2815 = tpu.vector_load %arg5[%get3A_2811, %get3A_2812, %get3A_2813, %get3A_2814] {strides = array<i32>} : memref<2x12x8x256xf32, #tpu.memory_space<vmem>>, vector<1x1x1x16xf32>,
        %get3A_2816 = vector.shape_cast %get3A_2815 : vector<1x1x1x16xf32> to vector<16xf32>
        %mul3A_2817 = arith.mulf %get3A_2816, %select_n3A_2746 : vector<16xf32>
        %add3A_2818 = arith.addf %add3A_2658, %mul3A_2817 : vector<16xf32>
        %add3A_2819 = arith.addf %add3A_2659, %get3A_2816 : vector<16xf32>
        %get3A_2820 = arith.constant 0 : i32
        %get3A_2821 = arith.constant 6 : i32
        %get3A_2822 = arith.constant 6 : i32
        %get3A_2823 = arith.index_cast %get3A_2820 : i32 to index
        %get3A_2824 = arith.index_cast %get3A_2821 : i32 to index
        %get3A_2825 = arith.index_cast %get3A_2822 : i32 to index
        %get3A_2826 = arith.index_cast %multiple_of3A : i32 to index
        %get3A_2827 = tpu.vector_load %arg5[%get3A_2823, %get3A_2824, %get3A_2825, %get3A_2826] {strides = array<i32>} : memref<2x12x8x256xf32, #tpu.memory_space<vmem>>, vector<1x1x1x16xf32>,
        %get3A_2828 = vector.shape_cast %get3A_2827 : vector<1x1x1x16xf32> to vector<16xf32>
        %mul3A_2829 = arith.mulf %get3A_2828, %select_n3A_2746 : vector<16xf32>
        %add3A_2830 = arith.addf %add3A_2670, %mul3A_2829 : vector<16xf32>
        %add3A_2831 = arith.addf %add3A_2671, %get3A_2828 : vector<16xf32>
        %get3A_2832 = arith.constant 0 : i32
        %get3A_2833 = arith.constant 7 : i32
        %get3A_2834 = arith.constant 6 : i32
        %get3A_2835 = arith.index_cast %get3A_2832 : i32 to index
        %get3A_2836 = arith.index_cast %get3A_2833 : i32 to index
        %get3A_2837 = arith.index_cast %get3A_2834 : i32 to index
        %get3A_2838 = arith.index_cast %multiple_of3A : i32 to index
        %get3A_2839 = tpu.vector_load %arg5[%get3A_2835, %get3A_2836, %get3A_2837, %get3A_2838] {strides = array<i32>} : memref<2x12x8x256xf32, #tpu.memory_space<vmem>>, vector<1x1x1x16xf32>,
        %get3A_2840 = vector.shape_cast %get3A_2839 : vector<1x1x1x16xf32> to vector<16xf32>
        %mul3A_2841 = arith.mulf %get3A_2840, %select_n3A_2746 : vector<16xf32>
        %add3A_2842 = arith.addf %add3A_2682, %mul3A_2841 : vector<16xf32>
        %add3A_2843 = arith.addf %add3A_2683, %get3A_2840 : vector<16xf32>
        %get3A_2844 = arith.constant 0 : i32
        %get3A_2845 = arith.constant 8 : i32
        %get3A_2846 = arith.constant 6 : i32
        %get3A_2847 = arith.index_cast %get3A_2844 : i32 to index
        %get3A_2848 = arith.index_cast %get3A_2845 : i32 to index
        %get3A_2849 = arith.index_cast %get3A_2846 : i32 to index
        %get3A_2850 = arith.index_cast %multiple_of3A : i32 to index
        %get3A_2851 = tpu.vector_load %arg5[%get3A_2847, %get3A_2848, %get3A_2849, %get3A_2850] {strides = array<i32>} : memref<2x12x8x256xf32, #tpu.memory_space<vmem>>, vector<1x1x1x16xf32>,
        %get3A_2852 = vector.shape_cast %get3A_2851 : vector<1x1x1x16xf32> to vector<16xf32>
        %mul3A_2853 = arith.mulf %get3A_2852, %select_n3A_2746 : vector<16xf32>
        %add3A_2854 = arith.addf %add3A_2694, %mul3A_2853 : vector<16xf32>
        %add3A_2855 = arith.addf %add3A_2695, %get3A_2852 : vector<16xf32>
        %get3A_2856 = arith.constant 0 : i32
        %get3A_2857 = arith.constant 9 : i32
        %get3A_2858 = arith.constant 6 : i32
        %get3A_2859 = arith.index_cast %get3A_2856 : i32 to index
        %get3A_2860 = arith.index_cast %get3A_2857 : i32 to index
        %get3A_2861 = arith.index_cast %get3A_2858 : i32 to index
        %get3A_2862 = arith.index_cast %multiple_of3A : i32 to index
        %get3A_2863 = tpu.vector_load %arg5[%get3A_2859, %get3A_2860, %get3A_2861, %get3A_2862] {strides = array<i32>} : memref<2x12x8x256xf32, #tpu.memory_space<vmem>>, vector<1x1x1x16xf32>,
        %get3A_2864 = vector.shape_cast %get3A_2863 : vector<1x1x1x16xf32> to vector<16xf32>
        %mul3A_2865 = arith.mulf %get3A_2864, %select_n3A_2746 : vector<16xf32>
        %add3A_2866 = arith.addf %add3A_2706, %mul3A_2865 : vector<16xf32>
        %add3A_2867 = arith.addf %add3A_2707, %get3A_2864 : vector<16xf32>
        %get3A_2868 = arith.constant 0 : i32
        %get3A_2869 = arith.constant 10 : i32
        %get3A_2870 = arith.constant 6 : i32
        %get3A_2871 = arith.index_cast %get3A_2868 : i32 to index
        %get3A_2872 = arith.index_cast %get3A_2869 : i32 to index
        %get3A_2873 = arith.index_cast %get3A_2870 : i32 to index
        %get3A_2874 = arith.index_cast %multiple_of3A : i32 to index
        %get3A_2875 = tpu.vector_load %arg5[%get3A_2871, %get3A_2872, %get3A_2873, %get3A_2874] {strides = array<i32>} : memref<2x12x8x256xf32, #tpu.memory_space<vmem>>, vector<1x1x1x16xf32>,
        %get3A_2876 = vector.shape_cast %get3A_2875 : vector<1x1x1x16xf32> to vector<16xf32>
        %mul3A_2877 = arith.mulf %get3A_2876, %select_n3A_2746 : vector<16xf32>
        %add3A_2878 = arith.addf %add3A_2718, %mul3A_2877 : vector<16xf32>
        %add3A_2879 = arith.addf %add3A_2719, %get3A_2876 : vector<16xf32>
        %get3A_2880 = arith.constant 0 : i32
        %get3A_2881 = arith.constant 11 : i32
        %get3A_2882 = arith.constant 6 : i32
        %get3A_2883 = arith.index_cast %get3A_2880 : i32 to index
        %get3A_2884 = arith.index_cast %get3A_2881 : i32 to index
        %get3A_2885 = arith.index_cast %get3A_2882 : i32 to index
        %get3A_2886 = arith.index_cast %multiple_of3A : i32 to index
        %get3A_2887 = tpu.vector_load %arg5[%get3A_2883, %get3A_2884, %get3A_2885, %get3A_2886] {strides = array<i32>} : memref<2x12x8x256xf32, #tpu.memory_space<vmem>>, vector<1x1x1x16xf32>,
        %get3A_2888 = vector.shape_cast %get3A_2887 : vector<1x1x1x16xf32> to vector<16xf32>
        %mul3A_2889 = arith.mulf %get3A_2888, %select_n3A_2746 : vector<16xf32>
        %add3A_2890 = arith.addf %add3A_2730, %mul3A_2889 : vector<16xf32>
        %add3A_2891 = arith.addf %add3A_2731, %get3A_2888 : vector<16xf32>
        %get3A_2892 = arith.constant 0 : i32
        %get3A_2893 = arith.constant 7 : i32
        %get3A_2894 = arith.index_cast %get3A_2892 : i32 to index
        %get3A_2895 = arith.index_cast %get3A_2893 : i32 to index
        %get3A_2896 = arith.index_cast %multiple_of3A : i32 to index
        %get3A_2897 = tpu.vector_load %arg6[%get3A_2894, %get3A_2895, %get3A_2896] {strides = array<i32>} : memref<2x8x256xf32, #tpu.memory_space<vmem>>, vector<1x1x16xf32>,
        %get3A_2898 = vector.shape_cast %get3A_2897 : vector<1x1x16xf32> to vector<16xf32>
        %gt3A_2899 = arith.constant 5.000000e-01 : f32
        %gt3A_2900 = vector.broadcast %gt3A_2899 : f32 to vector<16xf32>
        %gt3A_2901 = arith.cmpf ogt, %get3A_2898, %gt3A_2900 : vector<16xf32>
        %jit3A_2902 = arith.constant 1.000000e+00 : f32
        %jit3A_2903 = arith.constant 0.000000e+00 : f32
        %broadcast_in_dim3A_2904 = vector.broadcast %jit3A_2902 : f32 to vector<16xf32>
        %broadcast_in_dim3A_2905 = vector.broadcast %jit3A_2903 : f32 to vector<16xf32>
        %select_n3A_2906 = arith.select %gt3A_2901, %broadcast_in_dim3A_2904, %broadcast_in_dim3A_2905 : vector<16xi1>, vector<16xf32>
        %add3A_2907 = arith.addf %add3A_2747, %select_n3A_2906 : vector<16xf32>
        %get3A_2908 = arith.constant 0 : i32
        %get3A_2909 = arith.constant 0 : i32
        %get3A_2910 = arith.constant 7 : i32
        %get3A_2911 = arith.index_cast %get3A_2908 : i32 to index
        %get3A_2912 = arith.index_cast %get3A_2909 : i32 to index
        %get3A_2913 = arith.index_cast %get3A_2910 : i32 to index
        %get3A_2914 = arith.index_cast %multiple_of3A : i32 to index
        %get3A_2915 = tpu.vector_load %arg5[%get3A_2911, %get3A_2912, %get3A_2913, %get3A_2914] {strides = array<i32>} : memref<2x12x8x256xf32, #tpu.memory_space<vmem>>, vector<1x1x1x16xf32>,
        %get3A_2916 = vector.shape_cast %get3A_2915 : vector<1x1x1x16xf32> to vector<16xf32>
        %mul3A_2917 = arith.mulf %get3A_2916, %select_n3A_2906 : vector<16xf32>
        %add3A_2918 = arith.addf %add3A_2758, %mul3A_2917 : vector<16xf32>
        %add3A_2919 = arith.addf %add3A_2759, %get3A_2916 : vector<16xf32>
        %get3A_2920 = arith.constant 0 : i32
        %get3A_2921 = arith.constant 1 : i32
        %get3A_2922 = arith.constant 7 : i32
        %get3A_2923 = arith.index_cast %get3A_2920 : i32 to index
        %get3A_2924 = arith.index_cast %get3A_2921 : i32 to index
        %get3A_2925 = arith.index_cast %get3A_2922 : i32 to index
        %get3A_2926 = arith.index_cast %multiple_of3A : i32 to index
        %get3A_2927 = tpu.vector_load %arg5[%get3A_2923, %get3A_2924, %get3A_2925, %get3A_2926] {strides = array<i32>} : memref<2x12x8x256xf32, #tpu.memory_space<vmem>>, vector<1x1x1x16xf32>,
        %get3A_2928 = vector.shape_cast %get3A_2927 : vector<1x1x1x16xf32> to vector<16xf32>
        %mul3A_2929 = arith.mulf %get3A_2928, %select_n3A_2906 : vector<16xf32>
        %add3A_2930 = arith.addf %add3A_2770, %mul3A_2929 : vector<16xf32>
        %add3A_2931 = arith.addf %add3A_2771, %get3A_2928 : vector<16xf32>
        %get3A_2932 = arith.constant 0 : i32
        %get3A_2933 = arith.constant 2 : i32
        %get3A_2934 = arith.constant 7 : i32
        %get3A_2935 = arith.index_cast %get3A_2932 : i32 to index
        %get3A_2936 = arith.index_cast %get3A_2933 : i32 to index
        %get3A_2937 = arith.index_cast %get3A_2934 : i32 to index
        %get3A_2938 = arith.index_cast %multiple_of3A : i32 to index
        %get3A_2939 = tpu.vector_load %arg5[%get3A_2935, %get3A_2936, %get3A_2937, %get3A_2938] {strides = array<i32>} : memref<2x12x8x256xf32, #tpu.memory_space<vmem>>, vector<1x1x1x16xf32>,
        %get3A_2940 = vector.shape_cast %get3A_2939 : vector<1x1x1x16xf32> to vector<16xf32>
        %mul3A_2941 = arith.mulf %get3A_2940, %select_n3A_2906 : vector<16xf32>
        %add3A_2942 = arith.addf %add3A_2782, %mul3A_2941 : vector<16xf32>
        %add3A_2943 = arith.addf %add3A_2783, %get3A_2940 : vector<16xf32>
        %get3A_2944 = arith.constant 0 : i32
        %get3A_2945 = arith.constant 3 : i32
        %get3A_2946 = arith.constant 7 : i32
        %get3A_2947 = arith.index_cast %get3A_2944 : i32 to index
        %get3A_2948 = arith.index_cast %get3A_2945 : i32 to index
        %get3A_2949 = arith.index_cast %get3A_2946 : i32 to index
        %get3A_2950 = arith.index_cast %multiple_of3A : i32 to index
        %get3A_2951 = tpu.vector_load %arg5[%get3A_2947, %get3A_2948, %get3A_2949, %get3A_2950] {strides = array<i32>} : memref<2x12x8x256xf32, #tpu.memory_space<vmem>>, vector<1x1x1x16xf32>,
        %get3A_2952 = vector.shape_cast %get3A_2951 : vector<1x1x1x16xf32> to vector<16xf32>
        %mul3A_2953 = arith.mulf %get3A_2952, %select_n3A_2906 : vector<16xf32>
        %add3A_2954 = arith.addf %add3A_2794, %mul3A_2953 : vector<16xf32>
        %add3A_2955 = arith.addf %add3A_2795, %get3A_2952 : vector<16xf32>
        %get3A_2956 = arith.constant 0 : i32
        %get3A_2957 = arith.constant 4 : i32
        %get3A_2958 = arith.constant 7 : i32
        %get3A_2959 = arith.index_cast %get3A_2956 : i32 to index
        %get3A_2960 = arith.index_cast %get3A_2957 : i32 to index
        %get3A_2961 = arith.index_cast %get3A_2958 : i32 to index
        %get3A_2962 = arith.index_cast %multiple_of3A : i32 to index
        %get3A_2963 = tpu.vector_load %arg5[%get3A_2959, %get3A_2960, %get3A_2961, %get3A_2962] {strides = array<i32>} : memref<2x12x8x256xf32, #tpu.memory_space<vmem>>, vector<1x1x1x16xf32>,
        %get3A_2964 = vector.shape_cast %get3A_2963 : vector<1x1x1x16xf32> to vector<16xf32>
        %mul3A_2965 = arith.mulf %get3A_2964, %select_n3A_2906 : vector<16xf32>
        %add3A_2966 = arith.addf %add3A_2806, %mul3A_2965 : vector<16xf32>
        %add3A_2967 = arith.addf %add3A_2807, %get3A_2964 : vector<16xf32>
        %get3A_2968 = arith.constant 0 : i32
        %get3A_2969 = arith.constant 5 : i32
        %get3A_2970 = arith.constant 7 : i32
        %get3A_2971 = arith.index_cast %get3A_2968 : i32 to index
        %get3A_2972 = arith.index_cast %get3A_2969 : i32 to index
        %get3A_2973 = arith.index_cast %get3A_2970 : i32 to index
        %get3A_2974 = arith.index_cast %multiple_of3A : i32 to index
        %get3A_2975 = tpu.vector_load %arg5[%get3A_2971, %get3A_2972, %get3A_2973, %get3A_2974] {strides = array<i32>} : memref<2x12x8x256xf32, #tpu.memory_space<vmem>>, vector<1x1x1x16xf32>,
        %get3A_2976 = vector.shape_cast %get3A_2975 : vector<1x1x1x16xf32> to vector<16xf32>
        %mul3A_2977 = arith.mulf %get3A_2976, %select_n3A_2906 : vector<16xf32>
        %add3A_2978 = arith.addf %add3A_2818, %mul3A_2977 : vector<16xf32>
        %add3A_2979 = arith.addf %add3A_2819, %get3A_2976 : vector<16xf32>
        %get3A_2980 = arith.constant 0 : i32
        %get3A_2981 = arith.constant 6 : i32
        %get3A_2982 = arith.constant 7 : i32
        %get3A_2983 = arith.index_cast %get3A_2980 : i32 to index
        %get3A_2984 = arith.index_cast %get3A_2981 : i32 to index
        %get3A_2985 = arith.index_cast %get3A_2982 : i32 to index
        %get3A_2986 = arith.index_cast %multiple_of3A : i32 to index
        %get3A_2987 = tpu.vector_load %arg5[%get3A_2983, %get3A_2984, %get3A_2985, %get3A_2986] {strides = array<i32>} : memref<2x12x8x256xf32, #tpu.memory_space<vmem>>, vector<1x1x1x16xf32>,
        %get3A_2988 = vector.shape_cast %get3A_2987 : vector<1x1x1x16xf32> to vector<16xf32>
        %mul3A_2989 = arith.mulf %get3A_2988, %select_n3A_2906 : vector<16xf32>
        %add3A_2990 = arith.addf %add3A_2830, %mul3A_2989 : vector<16xf32>
        %add3A_2991 = arith.addf %add3A_2831, %get3A_2988 : vector<16xf32>
        %get3A_2992 = arith.constant 0 : i32
        %get3A_2993 = arith.constant 7 : i32
        %get3A_2994 = arith.constant 7 : i32
        %get3A_2995 = arith.index_cast %get3A_2992 : i32 to index
        %get3A_2996 = arith.index_cast %get3A_2993 : i32 to index
        %get3A_2997 = arith.index_cast %get3A_2994 : i32 to index
        %get3A_2998 = arith.index_cast %multiple_of3A : i32 to index
        %get3A_2999 = tpu.vector_load %arg5[%get3A_2995, %get3A_2996, %get3A_2997, %get3A_2998] {strides = array<i32>} : memref<2x12x8x256xf32, #tpu.memory_space<vmem>>, vector<1x1x1x16xf32>,
        %get3A_3000 = vector.shape_cast %get3A_2999 : vector<1x1x1x16xf32> to vector<16xf32>
        %mul3A_3001 = arith.mulf %get3A_3000, %select_n3A_2906 : vector<16xf32>
        %add3A_3002 = arith.addf %add3A_2842, %mul3A_3001 : vector<16xf32>
        %add3A_3003 = arith.addf %add3A_2843, %get3A_3000 : vector<16xf32>
        %get3A_3004 = arith.constant 0 : i32
        %get3A_3005 = arith.constant 8 : i32
        %get3A_3006 = arith.constant 7 : i32
        %get3A_3007 = arith.index_cast %get3A_3004 : i32 to index
        %get3A_3008 = arith.index_cast %get3A_3005 : i32 to index
        %get3A_3009 = arith.index_cast %get3A_3006 : i32 to index
        %get3A_3010 = arith.index_cast %multiple_of3A : i32 to index
        %get3A_3011 = tpu.vector_load %arg5[%get3A_3007, %get3A_3008, %get3A_3009, %get3A_3010] {strides = array<i32>} : memref<2x12x8x256xf32, #tpu.memory_space<vmem>>, vector<1x1x1x16xf32>,
        %get3A_3012 = vector.shape_cast %get3A_3011 : vector<1x1x1x16xf32> to vector<16xf32>
        %mul3A_3013 = arith.mulf %get3A_3012, %select_n3A_2906 : vector<16xf32>
        %add3A_3014 = arith.addf %add3A_2854, %mul3A_3013 : vector<16xf32>
        %add3A_3015 = arith.addf %add3A_2855, %get3A_3012 : vector<16xf32>
        %get3A_3016 = arith.constant 0 : i32
        %get3A_3017 = arith.constant 9 : i32
        %get3A_3018 = arith.constant 7 : i32
        %get3A_3019 = arith.index_cast %get3A_3016 : i32 to index
        %get3A_3020 = arith.index_cast %get3A_3017 : i32 to index
        %get3A_3021 = arith.index_cast %get3A_3018 : i32 to index
        %get3A_3022 = arith.index_cast %multiple_of3A : i32 to index
        %get3A_3023 = tpu.vector_load %arg5[%get3A_3019, %get3A_3020, %get3A_3021, %get3A_3022] {strides = array<i32>} : memref<2x12x8x256xf32, #tpu.memory_space<vmem>>, vector<1x1x1x16xf32>,
        %get3A_3024 = vector.shape_cast %get3A_3023 : vector<1x1x1x16xf32> to vector<16xf32>
        %mul3A_3025 = arith.mulf %get3A_3024, %select_n3A_2906 : vector<16xf32>
        %add3A_3026 = arith.addf %add3A_2866, %mul3A_3025 : vector<16xf32>
        %add3A_3027 = arith.addf %add3A_2867, %get3A_3024 : vector<16xf32>
        %get3A_3028 = arith.constant 0 : i32
        %get3A_3029 = arith.constant 10 : i32
        %get3A_3030 = arith.constant 7 : i32
        %get3A_3031 = arith.index_cast %get3A_3028 : i32 to index
        %get3A_3032 = arith.index_cast %get3A_3029 : i32 to index
        %get3A_3033 = arith.index_cast %get3A_3030 : i32 to index
        %get3A_3034 = arith.index_cast %multiple_of3A : i32 to index
        %get3A_3035 = tpu.vector_load %arg5[%get3A_3031, %get3A_3032, %get3A_3033, %get3A_3034] {strides = array<i32>} : memref<2x12x8x256xf32, #tpu.memory_space<vmem>>, vector<1x1x1x16xf32>,
        %get3A_3036 = vector.shape_cast %get3A_3035 : vector<1x1x1x16xf32> to vector<16xf32>
        %mul3A_3037 = arith.mulf %get3A_3036, %select_n3A_2906 : vector<16xf32>
        %add3A_3038 = arith.addf %add3A_2878, %mul3A_3037 : vector<16xf32>
        %add3A_3039 = arith.addf %add3A_2879, %get3A_3036 : vector<16xf32>
        %get3A_3040 = arith.constant 0 : i32
        %get3A_3041 = arith.constant 11 : i32
        %get3A_3042 = arith.constant 7 : i32
        %get3A_3043 = arith.index_cast %get3A_3040 : i32 to index
        %get3A_3044 = arith.index_cast %get3A_3041 : i32 to index
        %get3A_3045 = arith.index_cast %get3A_3042 : i32 to index
        %get3A_3046 = arith.index_cast %multiple_of3A : i32 to index
        %get3A_3047 = tpu.vector_load %arg5[%get3A_3043, %get3A_3044, %get3A_3045, %get3A_3046] {strides = array<i32>} : memref<2x12x8x256xf32, #tpu.memory_space<vmem>>, vector<1x1x1x16xf32>,
        %get3A_3048 = vector.shape_cast %get3A_3047 : vector<1x1x1x16xf32> to vector<16xf32>
        %mul3A_3049 = arith.mulf %get3A_3048, %select_n3A_2906 : vector<16xf32>
        %add3A_3050 = arith.addf %add3A_2890, %mul3A_3049 : vector<16xf32>
        %add3A_3051 = arith.addf %add3A_2891, %get3A_3048 : vector<16xf32>
        scf.yield %add3A_2907, %add3A_2918, %add3A_2930, %add3A_2942, %add3A_2954, %add3A_2966, %add3A_2978, %add3A_2990, %add3A_3002, %add3A_3014, %add3A_3026, %add3A_3038, %add3A_3050, %add3A_2919, %add3A_2931, %add3A_2943, %add3A_2955, %add3A_2967, %add3A_2979, %add3A_2991, %add3A_3003, %add3A_3015, %add3A_3027, %add3A_3039, %add3A_3051 : vector<16xf32>, vector<16xf32>, vector<16xf32>, vector<16xf32>, vector<16xf32>, vector<16xf32>, vector<16xf32>, vector<16xf32>, vector<16xf32>, vector<16xf32>, vector<16xf32>, vector<16xf32>, vector<16xf32>, vector<16xf32>, vector<16xf32>, vector<16xf32>, vector<16xf32>, vector<16xf32>, vector<16xf32>, vector<16xf32>, vector<16xf32>, vector<16xf32>, vector<16xf32>, vector<16xf32>, vector<16xf32>
      }
      %scan3A_1235 = arith.constant 16 : i32
      %mul3A_1236 = arith.constant 2 : i32
      %mul3A_1237 = arith.muli %mul3A_1236, %scan3A_700 : i32
      %add3A_1238 = arith.constant 2 : i32
      %add3A_1239 = arith.addi %mul3A_1237, %add3A_1238 : i32
      %rem3A_1240 = arith.constant 128 : i32
      %rem3A_1241 = arith.remsi %add3A_1239, %rem3A_1240 : i32
      %jit3A_1242 = arith.constant 2 : i32
      %div3A_1243 = arith.divsi %rem3A_1241, %jit3A_1242 : i32
      %sign3A_1244 = arith.constant 0 : i32
      %sign3A_1245 = arith.cmpi sgt, %rem3A_1241, %sign3A_1244 : i32
      %sign3A_1246 = arith.extui %sign3A_1245 : i1 to i32
      %sign3A_1247 = arith.constant 0 : i32
      %sign3A_1248 = arith.cmpi slt, %rem3A_1241, %sign3A_1247 : i32
      %sign3A_1249 = arith.extui %sign3A_1248 : i1 to i32
      %sign3A_1250 = arith.subi %sign3A_1246, %sign3A_1249 : i32
      %sign3A_1251 = arith.constant 0 : i32
      %sign3A_1252 = arith.cmpi sgt, %jit3A_1242, %sign3A_1251 : i32
      %sign3A_1253 = arith.extui %sign3A_1252 : i1 to i32
      %sign3A_1254 = arith.constant 0 : i32
      %sign3A_1255 = arith.cmpi slt, %jit3A_1242, %sign3A_1254 : i32
      %sign3A_1256 = arith.extui %sign3A_1255 : i1 to i32
      %sign3A_1257 = arith.subi %sign3A_1253, %sign3A_1256 : i32
      %ne3A_1258 = arith.cmpi ne, %sign3A_1250, %sign3A_1257 : i32
      %rem3A_1259 = arith.remsi %rem3A_1241, %jit3A_1242 : i32
      %ne3A_1260 = arith.constant 0 : i32
      %ne3A_1261 = arith.cmpi ne, %rem3A_1259, %ne3A_1260 : i32
      %and3A_1262 = arith.andi %ne3A_1258, %ne3A_1261 : i1
      %sub3A_1263 = arith.constant 1 : i32
      %sub3A_1264 = arith.subi %div3A_1243, %sub3A_1263 : i32
      %select_n3A_1265 = arith.select %and3A_1262, %sub3A_1264, %div3A_1243 : i32
      %mul3A_1266 = arith.constant 8 : i32
      %mul3A_1267 = arith.muli %select_n3A_1265, %mul3A_1266 : i32
      %jit3A_1268 = arith.constant 2 : i32
      %eq3A_1269 = arith.constant 0 : i32
      %eq3A_1270 = arith.cmpi eq, %jit3A_1268, %eq3A_1269 : i32
      %jit3A_1271 = arith.constant 1 : i32
      %select_n3A_1272 = arith.select %eq3A_1270, %jit3A_1271, %jit3A_1268 : i32
      %rem3A_1273 = arith.remsi %rem3A_1241, %select_n3A_1272 : i32
      %ne3A_1274 = arith.constant 0 : i32
      %ne3A_1275 = arith.cmpi ne, %rem3A_1273, %ne3A_1274 : i32
      %lt3A_1276 = arith.constant 0 : i32
      %lt3A_1277 = arith.cmpi slt, %rem3A_1273, %lt3A_1276 : i32
      %lt3A_1278 = arith.constant 0 : i32
      %lt3A_1279 = arith.cmpi slt, %select_n3A_1272, %lt3A_1278 : i32
      %ne3A_1280 = arith.xori %lt3A_1277, %lt3A_1279 : i1
      %and3A_1281 = arith.andi %ne3A_1280, %ne3A_1275 : i1
      %add3A_1282 = arith.addi %rem3A_1273, %select_n3A_1272 : i32
      %select_n3A_1283 = arith.select %and3A_1281, %add3A_1282, %rem3A_1273 : i32
      %mul3A_1284 = arith.constant 256 : i32
      %mul3A_1285 = arith.muli %select_n3A_1283, %mul3A_1284 : i32
      %add3A_1286 = arith.constant 0 : i32
      %add3A_1287 = arith.addi %mul3A_32, %add3A_1286 : i32
      %add3A_1288 = arith.constant 1 : i32
      %add3A_1289 = arith.addi %mul3A_32, %add3A_1288 : i32
      %add3A_1290 = arith.constant 2 : i32
      %add3A_1291 = arith.addi %mul3A_32, %add3A_1290 : i32
      %add3A_1292 = arith.constant 3 : i32
      %add3A_1293 = arith.addi %mul3A_32, %add3A_1292 : i32
      %add3A_1294 = arith.constant 4 : i32
      %add3A_1295 = arith.addi %mul3A_32, %add3A_1294 : i32
      %add3A_1296 = arith.constant 5 : i32
      %add3A_1297 = arith.addi %mul3A_32, %add3A_1296 : i32
      %add3A_1298 = arith.constant 6 : i32
      %add3A_1299 = arith.addi %mul3A_32, %add3A_1298 : i32
      %add3A_1300 = arith.constant 7 : i32
      %add3A_1301 = arith.addi %mul3A_32, %add3A_1300 : i32
      %add3A_1302 = arith.constant 8 : i32
      %add3A_1303 = arith.addi %mul3A_32, %add3A_1302 : i32
      %add3A_1304 = arith.constant 9 : i32
      %add3A_1305 = arith.addi %mul3A_32, %add3A_1304 : i32
      %add3A_1306 = arith.constant 10 : i32
      %add3A_1307 = arith.addi %mul3A_32, %add3A_1306 : i32
      %add3A_1308 = arith.constant 11 : i32
      %add3A_1309 = arith.addi %mul3A_32, %add3A_1308 : i32
      %dma_start3A_1310 = arith.constant 0 : i32
      %dma_start3A_1311 = arith.constant 0 : i32
      %dma_start3A_1312 = arith.constant 0 : i32
      %dma_start3A_1313 = tpu.memref_slice %arg6[%dma_start3A_1310, %dma_start3A_1311, %dma_start3A_1312] : memref<2x8x256xf32, #tpu.memory_space<vmem>> -> memref<1x8x256xf32, #tpu.memory_space<vmem>>
      %dma_start3A_1314 = tpu.memref_squeeze %dma_start3A_1313 : memref<1x8x256xf32, #tpu.memory_space<vmem>> -> memref<8x256xf32, #tpu.memory_space<vmem>>
      %dma_start3A_1315 = tpu.memref_slice %arg3[%select_n3A, %mul3A_1267, %mul3A_1285] : memref<4x512x512xf32, #tpu.memory_space<hbm>> -> memref<1x8x256xf32, #tpu.memory_space<hbm>>
      %dma_start3A_1316 = tpu.memref_squeeze %dma_start3A_1315 : memref<1x8x256xf32, #tpu.memory_space<hbm>> -> memref<8x256xf32, #tpu.memory_space<hbm>>
      %dma_start3A_1317 = arith.constant 0 : i32
      %dma_start3A_1318 = arith.constant 0 : i32
      %dma_start3A_1319 = tpu.memref_slice %arg6[%dma_start3A_1310, %dma_start3A_1317, %dma_start3A_1318] : memref<2x8x256xf32, #tpu.memory_space<vmem>> -> memref<1x8x256xf32, #tpu.memory_space<vmem>>
      %dma_start3A_1320 = tpu.memref_squeeze %dma_start3A_1319 : memref<1x8x256xf32, #tpu.memory_space<vmem>> -> memref<8x256xf32, #tpu.memory_space<vmem>>
      %dma_start3A_1321 = tpu.memref_slice %arg3[%select_n3A, %mul3A_1267, %mul3A_1285] : memref<4x512x512xf32, #tpu.memory_space<hbm>> -> memref<1x8x256xf32, #tpu.memory_space<hbm>>
      %dma_start3A_1322 = tpu.memref_squeeze %dma_start3A_1321 : memref<1x8x256xf32, #tpu.memory_space<hbm>> -> memref<8x256xf32, #tpu.memory_space<hbm>>
      tpu.enqueue_dma source(%dma_start3A_1322 : memref<8x256xf32, #tpu.memory_space<hbm>>) target(%dma_start3A_1320 : memref<8x256xf32, #tpu.memory_space<vmem>>) target_semaphore(%arg8 : memref<!tpu.dma_semaphore, #tpu.memory_space<semaphore_mem>>)
      %dma_start3A_1323 = arith.constant 0 : i32
      %dma_start3A_1324 = arith.constant 0 : i32
      %dma_start3A_1325 = arith.constant 0 : i32
      %dma_start3A_1326 = arith.constant 0 : i32
      %dma_start3A_1327 = tpu.memref_slice %arg5[%dma_start3A_1323, %dma_start3A_1324, %dma_start3A_1325, %dma_start3A_1326] : memref<2x12x8x256xf32, #tpu.memory_space<vmem>> -> memref<1x1x8x256xf32, #tpu.memory_space<vmem>>
      %dma_start3A_1328 = tpu.memref_squeeze %dma_start3A_1327 : memref<1x1x8x256xf32, #tpu.memory_space<vmem>> -> memref<8x256xf32, #tpu.memory_space<vmem>>
      %dma_start3A_1329 = tpu.memref_slice %arg2[%select_n3A, %add3A_1287, %mul3A_1267, %mul3A_1285] : memref<4x96x512x512xf32, #tpu.memory_space<hbm>> -> memref<1x1x8x256xf32, #tpu.memory_space<hbm>>
      %dma_start3A_1330 = tpu.memref_squeeze %dma_start3A_1329 : memref<1x1x8x256xf32, #tpu.memory_space<hbm>> -> memref<8x256xf32, #tpu.memory_space<hbm>>
      %dma_start3A_1331 = arith.constant 0 : i32
      %dma_start3A_1332 = arith.constant 0 : i32
      %dma_start3A_1333 = tpu.memref_slice %arg5[%dma_start3A_1323, %dma_start3A_1324, %dma_start3A_1331, %dma_start3A_1332] : memref<2x12x8x256xf32, #tpu.memory_space<vmem>> -> memref<1x1x8x256xf32, #tpu.memory_space<vmem>>
      %dma_start3A_1334 = tpu.memref_squeeze %dma_start3A_1333 : memref<1x1x8x256xf32, #tpu.memory_space<vmem>> -> memref<8x256xf32, #tpu.memory_space<vmem>>
      %dma_start3A_1335 = tpu.memref_slice %arg2[%select_n3A, %add3A_1287, %mul3A_1267, %mul3A_1285] : memref<4x96x512x512xf32, #tpu.memory_space<hbm>> -> memref<1x1x8x256xf32, #tpu.memory_space<hbm>>
      %dma_start3A_1336 = tpu.memref_squeeze %dma_start3A_1335 : memref<1x1x8x256xf32, #tpu.memory_space<hbm>> -> memref<8x256xf32, #tpu.memory_space<hbm>>
      tpu.enqueue_dma source(%dma_start3A_1336 : memref<8x256xf32, #tpu.memory_space<hbm>>) target(%dma_start3A_1334 : memref<8x256xf32, #tpu.memory_space<vmem>>) target_semaphore(%arg8 : memref<!tpu.dma_semaphore, #tpu.memory_space<semaphore_mem>>)
      %dma_start3A_1337 = arith.constant 0 : i32
      %dma_start3A_1338 = arith.constant 1 : i32
      %dma_start3A_1339 = arith.constant 0 : i32
      %dma_start3A_1340 = arith.constant 0 : i32
      %dma_start3A_1341 = tpu.memref_slice %arg5[%dma_start3A_1337, %dma_start3A_1338, %dma_start3A_1339, %dma_start3A_1340] : memref<2x12x8x256xf32, #tpu.memory_space<vmem>> -> memref<1x1x8x256xf32, #tpu.memory_space<vmem>>
      %dma_start3A_1342 = tpu.memref_squeeze %dma_start3A_1341 : memref<1x1x8x256xf32, #tpu.memory_space<vmem>> -> memref<8x256xf32, #tpu.memory_space<vmem>>
      %dma_start3A_1343 = tpu.memref_slice %arg2[%select_n3A, %add3A_1289, %mul3A_1267, %mul3A_1285] : memref<4x96x512x512xf32, #tpu.memory_space<hbm>> -> memref<1x1x8x256xf32, #tpu.memory_space<hbm>>
      %dma_start3A_1344 = tpu.memref_squeeze %dma_start3A_1343 : memref<1x1x8x256xf32, #tpu.memory_space<hbm>> -> memref<8x256xf32, #tpu.memory_space<hbm>>
      %dma_start3A_1345 = arith.constant 0 : i32
      %dma_start3A_1346 = arith.constant 0 : i32
      %dma_start3A_1347 = tpu.memref_slice %arg5[%dma_start3A_1337, %dma_start3A_1338, %dma_start3A_1345, %dma_start3A_1346] : memref<2x12x8x256xf32, #tpu.memory_space<vmem>> -> memref<1x1x8x256xf32, #tpu.memory_space<vmem>>
      %dma_start3A_1348 = tpu.memref_squeeze %dma_start3A_1347 : memref<1x1x8x256xf32, #tpu.memory_space<vmem>> -> memref<8x256xf32, #tpu.memory_space<vmem>>
      %dma_start3A_1349 = tpu.memref_slice %arg2[%select_n3A, %add3A_1289, %mul3A_1267, %mul3A_1285] : memref<4x96x512x512xf32, #tpu.memory_space<hbm>> -> memref<1x1x8x256xf32, #tpu.memory_space<hbm>>
      %dma_start3A_1350 = tpu.memref_squeeze %dma_start3A_1349 : memref<1x1x8x256xf32, #tpu.memory_space<hbm>> -> memref<8x256xf32, #tpu.memory_space<hbm>>
      tpu.enqueue_dma source(%dma_start3A_1350 : memref<8x256xf32, #tpu.memory_space<hbm>>) target(%dma_start3A_1348 : memref<8x256xf32, #tpu.memory_space<vmem>>) target_semaphore(%arg8 : memref<!tpu.dma_semaphore, #tpu.memory_space<semaphore_mem>>)
      %dma_start3A_1351 = arith.constant 0 : i32
      %dma_start3A_1352 = arith.constant 2 : i32
      %dma_start3A_1353 = arith.constant 0 : i32
      %dma_start3A_1354 = arith.constant 0 : i32
      %dma_start3A_1355 = tpu.memref_slice %arg5[%dma_start3A_1351, %dma_start3A_1352, %dma_start3A_1353, %dma_start3A_1354] : memref<2x12x8x256xf32, #tpu.memory_space<vmem>> -> memref<1x1x8x256xf32, #tpu.memory_space<vmem>>
      %dma_start3A_1356 = tpu.memref_squeeze %dma_start3A_1355 : memref<1x1x8x256xf32, #tpu.memory_space<vmem>> -> memref<8x256xf32, #tpu.memory_space<vmem>>
      %dma_start3A_1357 = tpu.memref_slice %arg2[%select_n3A, %add3A_1291, %mul3A_1267, %mul3A_1285] : memref<4x96x512x512xf32, #tpu.memory_space<hbm>> -> memref<1x1x8x256xf32, #tpu.memory_space<hbm>>
      %dma_start3A_1358 = tpu.memref_squeeze %dma_start3A_1357 : memref<1x1x8x256xf32, #tpu.memory_space<hbm>> -> memref<8x256xf32, #tpu.memory_space<hbm>>
      %dma_start3A_1359 = arith.constant 0 : i32
      %dma_start3A_1360 = arith.constant 0 : i32
      %dma_start3A_1361 = tpu.memref_slice %arg5[%dma_start3A_1351, %dma_start3A_1352, %dma_start3A_1359, %dma_start3A_1360] : memref<2x12x8x256xf32, #tpu.memory_space<vmem>> -> memref<1x1x8x256xf32, #tpu.memory_space<vmem>>
      %dma_start3A_1362 = tpu.memref_squeeze %dma_start3A_1361 : memref<1x1x8x256xf32, #tpu.memory_space<vmem>> -> memref<8x256xf32, #tpu.memory_space<vmem>>
      %dma_start3A_1363 = tpu.memref_slice %arg2[%select_n3A, %add3A_1291, %mul3A_1267, %mul3A_1285] : memref<4x96x512x512xf32, #tpu.memory_space<hbm>> -> memref<1x1x8x256xf32, #tpu.memory_space<hbm>>
      %dma_start3A_1364 = tpu.memref_squeeze %dma_start3A_1363 : memref<1x1x8x256xf32, #tpu.memory_space<hbm>> -> memref<8x256xf32, #tpu.memory_space<hbm>>
      tpu.enqueue_dma source(%dma_start3A_1364 : memref<8x256xf32, #tpu.memory_space<hbm>>) target(%dma_start3A_1362 : memref<8x256xf32, #tpu.memory_space<vmem>>) target_semaphore(%arg8 : memref<!tpu.dma_semaphore, #tpu.memory_space<semaphore_mem>>)
      %dma_start3A_1365 = arith.constant 0 : i32
      %dma_start3A_1366 = arith.constant 3 : i32
      %dma_start3A_1367 = arith.constant 0 : i32
      %dma_start3A_1368 = arith.constant 0 : i32
      %dma_start3A_1369 = tpu.memref_slice %arg5[%dma_start3A_1365, %dma_start3A_1366, %dma_start3A_1367, %dma_start3A_1368] : memref<2x12x8x256xf32, #tpu.memory_space<vmem>> -> memref<1x1x8x256xf32, #tpu.memory_space<vmem>>
      %dma_start3A_1370 = tpu.memref_squeeze %dma_start3A_1369 : memref<1x1x8x256xf32, #tpu.memory_space<vmem>> -> memref<8x256xf32, #tpu.memory_space<vmem>>
      %dma_start3A_1371 = tpu.memref_slice %arg2[%select_n3A, %add3A_1293, %mul3A_1267, %mul3A_1285] : memref<4x96x512x512xf32, #tpu.memory_space<hbm>> -> memref<1x1x8x256xf32, #tpu.memory_space<hbm>>
      %dma_start3A_1372 = tpu.memref_squeeze %dma_start3A_1371 : memref<1x1x8x256xf32, #tpu.memory_space<hbm>> -> memref<8x256xf32, #tpu.memory_space<hbm>>
      %dma_start3A_1373 = arith.constant 0 : i32
      %dma_start3A_1374 = arith.constant 0 : i32
      %dma_start3A_1375 = tpu.memref_slice %arg5[%dma_start3A_1365, %dma_start3A_1366, %dma_start3A_1373, %dma_start3A_1374] : memref<2x12x8x256xf32, #tpu.memory_space<vmem>> -> memref<1x1x8x256xf32, #tpu.memory_space<vmem>>
      %dma_start3A_1376 = tpu.memref_squeeze %dma_start3A_1375 : memref<1x1x8x256xf32, #tpu.memory_space<vmem>> -> memref<8x256xf32, #tpu.memory_space<vmem>>
      %dma_start3A_1377 = tpu.memref_slice %arg2[%select_n3A, %add3A_1293, %mul3A_1267, %mul3A_1285] : memref<4x96x512x512xf32, #tpu.memory_space<hbm>> -> memref<1x1x8x256xf32, #tpu.memory_space<hbm>>
      %dma_start3A_1378 = tpu.memref_squeeze %dma_start3A_1377 : memref<1x1x8x256xf32, #tpu.memory_space<hbm>> -> memref<8x256xf32, #tpu.memory_space<hbm>>
      tpu.enqueue_dma source(%dma_start3A_1378 : memref<8x256xf32, #tpu.memory_space<hbm>>) target(%dma_start3A_1376 : memref<8x256xf32, #tpu.memory_space<vmem>>) target_semaphore(%arg8 : memref<!tpu.dma_semaphore, #tpu.memory_space<semaphore_mem>>)
      %dma_start3A_1379 = arith.constant 0 : i32
      %dma_start3A_1380 = arith.constant 4 : i32
      %dma_start3A_1381 = arith.constant 0 : i32
      %dma_start3A_1382 = arith.constant 0 : i32
      %dma_start3A_1383 = tpu.memref_slice %arg5[%dma_start3A_1379, %dma_start3A_1380, %dma_start3A_1381, %dma_start3A_1382] : memref<2x12x8x256xf32, #tpu.memory_space<vmem>> -> memref<1x1x8x256xf32, #tpu.memory_space<vmem>>
      %dma_start3A_1384 = tpu.memref_squeeze %dma_start3A_1383 : memref<1x1x8x256xf32, #tpu.memory_space<vmem>> -> memref<8x256xf32, #tpu.memory_space<vmem>>
      %dma_start3A_1385 = tpu.memref_slice %arg2[%select_n3A, %add3A_1295, %mul3A_1267, %mul3A_1285] : memref<4x96x512x512xf32, #tpu.memory_space<hbm>> -> memref<1x1x8x256xf32, #tpu.memory_space<hbm>>
      %dma_start3A_1386 = tpu.memref_squeeze %dma_start3A_1385 : memref<1x1x8x256xf32, #tpu.memory_space<hbm>> -> memref<8x256xf32, #tpu.memory_space<hbm>>
      %dma_start3A_1387 = arith.constant 0 : i32
      %dma_start3A_1388 = arith.constant 0 : i32
      %dma_start3A_1389 = tpu.memref_slice %arg5[%dma_start3A_1379, %dma_start3A_1380, %dma_start3A_1387, %dma_start3A_1388] : memref<2x12x8x256xf32, #tpu.memory_space<vmem>> -> memref<1x1x8x256xf32, #tpu.memory_space<vmem>>
      %dma_start3A_1390 = tpu.memref_squeeze %dma_start3A_1389 : memref<1x1x8x256xf32, #tpu.memory_space<vmem>> -> memref<8x256xf32, #tpu.memory_space<vmem>>
      %dma_start3A_1391 = tpu.memref_slice %arg2[%select_n3A, %add3A_1295, %mul3A_1267, %mul3A_1285] : memref<4x96x512x512xf32, #tpu.memory_space<hbm>> -> memref<1x1x8x256xf32, #tpu.memory_space<hbm>>
      %dma_start3A_1392 = tpu.memref_squeeze %dma_start3A_1391 : memref<1x1x8x256xf32, #tpu.memory_space<hbm>> -> memref<8x256xf32, #tpu.memory_space<hbm>>
      tpu.enqueue_dma source(%dma_start3A_1392 : memref<8x256xf32, #tpu.memory_space<hbm>>) target(%dma_start3A_1390 : memref<8x256xf32, #tpu.memory_space<vmem>>) target_semaphore(%arg8 : memref<!tpu.dma_semaphore, #tpu.memory_space<semaphore_mem>>)
      %dma_start3A_1393 = arith.constant 0 : i32
      %dma_start3A_1394 = arith.constant 5 : i32
      %dma_start3A_1395 = arith.constant 0 : i32
      %dma_start3A_1396 = arith.constant 0 : i32
      %dma_start3A_1397 = tpu.memref_slice %arg5[%dma_start3A_1393, %dma_start3A_1394, %dma_start3A_1395, %dma_start3A_1396] : memref<2x12x8x256xf32, #tpu.memory_space<vmem>> -> memref<1x1x8x256xf32, #tpu.memory_space<vmem>>
      %dma_start3A_1398 = tpu.memref_squeeze %dma_start3A_1397 : memref<1x1x8x256xf32, #tpu.memory_space<vmem>> -> memref<8x256xf32, #tpu.memory_space<vmem>>
      %dma_start3A_1399 = tpu.memref_slice %arg2[%select_n3A, %add3A_1297, %mul3A_1267, %mul3A_1285] : memref<4x96x512x512xf32, #tpu.memory_space<hbm>> -> memref<1x1x8x256xf32, #tpu.memory_space<hbm>>
      %dma_start3A_1400 = tpu.memref_squeeze %dma_start3A_1399 : memref<1x1x8x256xf32, #tpu.memory_space<hbm>> -> memref<8x256xf32, #tpu.memory_space<hbm>>
      %dma_start3A_1401 = arith.constant 0 : i32
      %dma_start3A_1402 = arith.constant 0 : i32
      %dma_start3A_1403 = tpu.memref_slice %arg5[%dma_start3A_1393, %dma_start3A_1394, %dma_start3A_1401, %dma_start3A_1402] : memref<2x12x8x256xf32, #tpu.memory_space<vmem>> -> memref<1x1x8x256xf32, #tpu.memory_space<vmem>>
      %dma_start3A_1404 = tpu.memref_squeeze %dma_start3A_1403 : memref<1x1x8x256xf32, #tpu.memory_space<vmem>> -> memref<8x256xf32, #tpu.memory_space<vmem>>
      %dma_start3A_1405 = tpu.memref_slice %arg2[%select_n3A, %add3A_1297, %mul3A_1267, %mul3A_1285] : memref<4x96x512x512xf32, #tpu.memory_space<hbm>> -> memref<1x1x8x256xf32, #tpu.memory_space<hbm>>
      %dma_start3A_1406 = tpu.memref_squeeze %dma_start3A_1405 : memref<1x1x8x256xf32, #tpu.memory_space<hbm>> -> memref<8x256xf32, #tpu.memory_space<hbm>>
      tpu.enqueue_dma source(%dma_start3A_1406 : memref<8x256xf32, #tpu.memory_space<hbm>>) target(%dma_start3A_1404 : memref<8x256xf32, #tpu.memory_space<vmem>>) target_semaphore(%arg8 : memref<!tpu.dma_semaphore, #tpu.memory_space<semaphore_mem>>)
      %dma_start3A_1407 = arith.constant 0 : i32
      %dma_start3A_1408 = arith.constant 6 : i32
      %dma_start3A_1409 = arith.constant 0 : i32
      %dma_start3A_1410 = arith.constant 0 : i32
      %dma_start3A_1411 = tpu.memref_slice %arg5[%dma_start3A_1407, %dma_start3A_1408, %dma_start3A_1409, %dma_start3A_1410] : memref<2x12x8x256xf32, #tpu.memory_space<vmem>> -> memref<1x1x8x256xf32, #tpu.memory_space<vmem>>
      %dma_start3A_1412 = tpu.memref_squeeze %dma_start3A_1411 : memref<1x1x8x256xf32, #tpu.memory_space<vmem>> -> memref<8x256xf32, #tpu.memory_space<vmem>>
      %dma_start3A_1413 = tpu.memref_slice %arg2[%select_n3A, %add3A_1299, %mul3A_1267, %mul3A_1285] : memref<4x96x512x512xf32, #tpu.memory_space<hbm>> -> memref<1x1x8x256xf32, #tpu.memory_space<hbm>>
      %dma_start3A_1414 = tpu.memref_squeeze %dma_start3A_1413 : memref<1x1x8x256xf32, #tpu.memory_space<hbm>> -> memref<8x256xf32, #tpu.memory_space<hbm>>
      %dma_start3A_1415 = arith.constant 0 : i32
      %dma_start3A_1416 = arith.constant 0 : i32
      %dma_start3A_1417 = tpu.memref_slice %arg5[%dma_start3A_1407, %dma_start3A_1408, %dma_start3A_1415, %dma_start3A_1416] : memref<2x12x8x256xf32, #tpu.memory_space<vmem>> -> memref<1x1x8x256xf32, #tpu.memory_space<vmem>>
      %dma_start3A_1418 = tpu.memref_squeeze %dma_start3A_1417 : memref<1x1x8x256xf32, #tpu.memory_space<vmem>> -> memref<8x256xf32, #tpu.memory_space<vmem>>
      %dma_start3A_1419 = tpu.memref_slice %arg2[%select_n3A, %add3A_1299, %mul3A_1267, %mul3A_1285] : memref<4x96x512x512xf32, #tpu.memory_space<hbm>> -> memref<1x1x8x256xf32, #tpu.memory_space<hbm>>
      %dma_start3A_1420 = tpu.memref_squeeze %dma_start3A_1419 : memref<1x1x8x256xf32, #tpu.memory_space<hbm>> -> memref<8x256xf32, #tpu.memory_space<hbm>>
      tpu.enqueue_dma source(%dma_start3A_1420 : memref<8x256xf32, #tpu.memory_space<hbm>>) target(%dma_start3A_1418 : memref<8x256xf32, #tpu.memory_space<vmem>>) target_semaphore(%arg8 : memref<!tpu.dma_semaphore, #tpu.memory_space<semaphore_mem>>)
      %dma_start3A_1421 = arith.constant 0 : i32
      %dma_start3A_1422 = arith.constant 7 : i32
      %dma_start3A_1423 = arith.constant 0 : i32
      %dma_start3A_1424 = arith.constant 0 : i32
      %dma_start3A_1425 = tpu.memref_slice %arg5[%dma_start3A_1421, %dma_start3A_1422, %dma_start3A_1423, %dma_start3A_1424] : memref<2x12x8x256xf32, #tpu.memory_space<vmem>> -> memref<1x1x8x256xf32, #tpu.memory_space<vmem>>
      %dma_start3A_1426 = tpu.memref_squeeze %dma_start3A_1425 : memref<1x1x8x256xf32, #tpu.memory_space<vmem>> -> memref<8x256xf32, #tpu.memory_space<vmem>>
      %dma_start3A_1427 = tpu.memref_slice %arg2[%select_n3A, %add3A_1301, %mul3A_1267, %mul3A_1285] : memref<4x96x512x512xf32, #tpu.memory_space<hbm>> -> memref<1x1x8x256xf32, #tpu.memory_space<hbm>>
      %dma_start3A_1428 = tpu.memref_squeeze %dma_start3A_1427 : memref<1x1x8x256xf32, #tpu.memory_space<hbm>> -> memref<8x256xf32, #tpu.memory_space<hbm>>
      %dma_start3A_1429 = arith.constant 0 : i32
      %dma_start3A_1430 = arith.constant 0 : i32
      %dma_start3A_1431 = tpu.memref_slice %arg5[%dma_start3A_1421, %dma_start3A_1422, %dma_start3A_1429, %dma_start3A_1430] : memref<2x12x8x256xf32, #tpu.memory_space<vmem>> -> memref<1x1x8x256xf32, #tpu.memory_space<vmem>>
      %dma_start3A_1432 = tpu.memref_squeeze %dma_start3A_1431 : memref<1x1x8x256xf32, #tpu.memory_space<vmem>> -> memref<8x256xf32, #tpu.memory_space<vmem>>
      %dma_start3A_1433 = tpu.memref_slice %arg2[%select_n3A, %add3A_1301, %mul3A_1267, %mul3A_1285] : memref<4x96x512x512xf32, #tpu.memory_space<hbm>> -> memref<1x1x8x256xf32, #tpu.memory_space<hbm>>
      %dma_start3A_1434 = tpu.memref_squeeze %dma_start3A_1433 : memref<1x1x8x256xf32, #tpu.memory_space<hbm>> -> memref<8x256xf32, #tpu.memory_space<hbm>>
      tpu.enqueue_dma source(%dma_start3A_1434 : memref<8x256xf32, #tpu.memory_space<hbm>>) target(%dma_start3A_1432 : memref<8x256xf32, #tpu.memory_space<vmem>>) target_semaphore(%arg8 : memref<!tpu.dma_semaphore, #tpu.memory_space<semaphore_mem>>)
      %dma_start3A_1435 = arith.constant 0 : i32
      %dma_start3A_1436 = arith.constant 8 : i32
      %dma_start3A_1437 = arith.constant 0 : i32
      %dma_start3A_1438 = arith.constant 0 : i32
      %dma_start3A_1439 = tpu.memref_slice %arg5[%dma_start3A_1435, %dma_start3A_1436, %dma_start3A_1437, %dma_start3A_1438] : memref<2x12x8x256xf32, #tpu.memory_space<vmem>> -> memref<1x1x8x256xf32, #tpu.memory_space<vmem>>
      %dma_start3A_1440 = tpu.memref_squeeze %dma_start3A_1439 : memref<1x1x8x256xf32, #tpu.memory_space<vmem>> -> memref<8x256xf32, #tpu.memory_space<vmem>>
      %dma_start3A_1441 = tpu.memref_slice %arg2[%select_n3A, %add3A_1303, %mul3A_1267, %mul3A_1285] : memref<4x96x512x512xf32, #tpu.memory_space<hbm>> -> memref<1x1x8x256xf32, #tpu.memory_space<hbm>>
      %dma_start3A_1442 = tpu.memref_squeeze %dma_start3A_1441 : memref<1x1x8x256xf32, #tpu.memory_space<hbm>> -> memref<8x256xf32, #tpu.memory_space<hbm>>
      %dma_start3A_1443 = arith.constant 0 : i32
      %dma_start3A_1444 = arith.constant 0 : i32
      %dma_start3A_1445 = tpu.memref_slice %arg5[%dma_start3A_1435, %dma_start3A_1436, %dma_start3A_1443, %dma_start3A_1444] : memref<2x12x8x256xf32, #tpu.memory_space<vmem>> -> memref<1x1x8x256xf32, #tpu.memory_space<vmem>>
      %dma_start3A_1446 = tpu.memref_squeeze %dma_start3A_1445 : memref<1x1x8x256xf32, #tpu.memory_space<vmem>> -> memref<8x256xf32, #tpu.memory_space<vmem>>
      %dma_start3A_1447 = tpu.memref_slice %arg2[%select_n3A, %add3A_1303, %mul3A_1267, %mul3A_1285] : memref<4x96x512x512xf32, #tpu.memory_space<hbm>> -> memref<1x1x8x256xf32, #tpu.memory_space<hbm>>
      %dma_start3A_1448 = tpu.memref_squeeze %dma_start3A_1447 : memref<1x1x8x256xf32, #tpu.memory_space<hbm>> -> memref<8x256xf32, #tpu.memory_space<hbm>>
      tpu.enqueue_dma source(%dma_start3A_1448 : memref<8x256xf32, #tpu.memory_space<hbm>>) target(%dma_start3A_1446 : memref<8x256xf32, #tpu.memory_space<vmem>>) target_semaphore(%arg8 : memref<!tpu.dma_semaphore, #tpu.memory_space<semaphore_mem>>)
      %dma_start3A_1449 = arith.constant 0 : i32
      %dma_start3A_1450 = arith.constant 9 : i32
      %dma_start3A_1451 = arith.constant 0 : i32
      %dma_start3A_1452 = arith.constant 0 : i32
      %dma_start3A_1453 = tpu.memref_slice %arg5[%dma_start3A_1449, %dma_start3A_1450, %dma_start3A_1451, %dma_start3A_1452] : memref<2x12x8x256xf32, #tpu.memory_space<vmem>> -> memref<1x1x8x256xf32, #tpu.memory_space<vmem>>
      %dma_start3A_1454 = tpu.memref_squeeze %dma_start3A_1453 : memref<1x1x8x256xf32, #tpu.memory_space<vmem>> -> memref<8x256xf32, #tpu.memory_space<vmem>>
      %dma_start3A_1455 = tpu.memref_slice %arg2[%select_n3A, %add3A_1305, %mul3A_1267, %mul3A_1285] : memref<4x96x512x512xf32, #tpu.memory_space<hbm>> -> memref<1x1x8x256xf32, #tpu.memory_space<hbm>>
      %dma_start3A_1456 = tpu.memref_squeeze %dma_start3A_1455 : memref<1x1x8x256xf32, #tpu.memory_space<hbm>> -> memref<8x256xf32, #tpu.memory_space<hbm>>
      %dma_start3A_1457 = arith.constant 0 : i32
      %dma_start3A_1458 = arith.constant 0 : i32
      %dma_start3A_1459 = tpu.memref_slice %arg5[%dma_start3A_1449, %dma_start3A_1450, %dma_start3A_1457, %dma_start3A_1458] : memref<2x12x8x256xf32, #tpu.memory_space<vmem>> -> memref<1x1x8x256xf32, #tpu.memory_space<vmem>>
      %dma_start3A_1460 = tpu.memref_squeeze %dma_start3A_1459 : memref<1x1x8x256xf32, #tpu.memory_space<vmem>> -> memref<8x256xf32, #tpu.memory_space<vmem>>
      %dma_start3A_1461 = tpu.memref_slice %arg2[%select_n3A, %add3A_1305, %mul3A_1267, %mul3A_1285] : memref<4x96x512x512xf32, #tpu.memory_space<hbm>> -> memref<1x1x8x256xf32, #tpu.memory_space<hbm>>
      %dma_start3A_1462 = tpu.memref_squeeze %dma_start3A_1461 : memref<1x1x8x256xf32, #tpu.memory_space<hbm>> -> memref<8x256xf32, #tpu.memory_space<hbm>>
      tpu.enqueue_dma source(%dma_start3A_1462 : memref<8x256xf32, #tpu.memory_space<hbm>>) target(%dma_start3A_1460 : memref<8x256xf32, #tpu.memory_space<vmem>>) target_semaphore(%arg8 : memref<!tpu.dma_semaphore, #tpu.memory_space<semaphore_mem>>)
      %dma_start3A_1463 = arith.constant 0 : i32
      %dma_start3A_1464 = arith.constant 10 : i32
      %dma_start3A_1465 = arith.constant 0 : i32
      %dma_start3A_1466 = arith.constant 0 : i32
      %dma_start3A_1467 = tpu.memref_slice %arg5[%dma_start3A_1463, %dma_start3A_1464, %dma_start3A_1465, %dma_start3A_1466] : memref<2x12x8x256xf32, #tpu.memory_space<vmem>> -> memref<1x1x8x256xf32, #tpu.memory_space<vmem>>
      %dma_start3A_1468 = tpu.memref_squeeze %dma_start3A_1467 : memref<1x1x8x256xf32, #tpu.memory_space<vmem>> -> memref<8x256xf32, #tpu.memory_space<vmem>>
      %dma_start3A_1469 = tpu.memref_slice %arg2[%select_n3A, %add3A_1307, %mul3A_1267, %mul3A_1285] : memref<4x96x512x512xf32, #tpu.memory_space<hbm>> -> memref<1x1x8x256xf32, #tpu.memory_space<hbm>>
      %dma_start3A_1470 = tpu.memref_squeeze %dma_start3A_1469 : memref<1x1x8x256xf32, #tpu.memory_space<hbm>> -> memref<8x256xf32, #tpu.memory_space<hbm>>
      %dma_start3A_1471 = arith.constant 0 : i32
      %dma_start3A_1472 = arith.constant 0 : i32
      %dma_start3A_1473 = tpu.memref_slice %arg5[%dma_start3A_1463, %dma_start3A_1464, %dma_start3A_1471, %dma_start3A_1472] : memref<2x12x8x256xf32, #tpu.memory_space<vmem>> -> memref<1x1x8x256xf32, #tpu.memory_space<vmem>>
      %dma_start3A_1474 = tpu.memref_squeeze %dma_start3A_1473 : memref<1x1x8x256xf32, #tpu.memory_space<vmem>> -> memref<8x256xf32, #tpu.memory_space<vmem>>
      %dma_start3A_1475 = tpu.memref_slice %arg2[%select_n3A, %add3A_1307, %mul3A_1267, %mul3A_1285] : memref<4x96x512x512xf32, #tpu.memory_space<hbm>> -> memref<1x1x8x256xf32, #tpu.memory_space<hbm>>
      %dma_start3A_1476 = tpu.memref_squeeze %dma_start3A_1475 : memref<1x1x8x256xf32, #tpu.memory_space<hbm>> -> memref<8x256xf32, #tpu.memory_space<hbm>>
      tpu.enqueue_dma source(%dma_start3A_1476 : memref<8x256xf32, #tpu.memory_space<hbm>>) target(%dma_start3A_1474 : memref<8x256xf32, #tpu.memory_space<vmem>>) target_semaphore(%arg8 : memref<!tpu.dma_semaphore, #tpu.memory_space<semaphore_mem>>)
      %dma_start3A_1477 = arith.constant 0 : i32
      %dma_start3A_1478 = arith.constant 11 : i32
      %dma_start3A_1479 = arith.constant 0 : i32
      %dma_start3A_1480 = arith.constant 0 : i32
      %dma_start3A_1481 = tpu.memref_slice %arg5[%dma_start3A_1477, %dma_start3A_1478, %dma_start3A_1479, %dma_start3A_1480] : memref<2x12x8x256xf32, #tpu.memory_space<vmem>> -> memref<1x1x8x256xf32, #tpu.memory_space<vmem>>
      %dma_start3A_1482 = tpu.memref_squeeze %dma_start3A_1481 : memref<1x1x8x256xf32, #tpu.memory_space<vmem>> -> memref<8x256xf32, #tpu.memory_space<vmem>>
      %dma_start3A_1483 = tpu.memref_slice %arg2[%select_n3A, %add3A_1309, %mul3A_1267, %mul3A_1285] : memref<4x96x512x512xf32, #tpu.memory_space<hbm>> -> memref<1x1x8x256xf32, #tpu.memory_space<hbm>>
      %dma_start3A_1484 = tpu.memref_squeeze %dma_start3A_1483 : memref<1x1x8x256xf32, #tpu.memory_space<hbm>> -> memref<8x256xf32, #tpu.memory_space<hbm>>
      %dma_start3A_1485 = arith.constant 0 : i32
      %dma_start3A_1486 = arith.constant 0 : i32
      %dma_start3A_1487 = tpu.memref_slice %arg5[%dma_start3A_1477, %dma_start3A_1478, %dma_start3A_1485, %dma_start3A_1486] : memref<2x12x8x256xf32, #tpu.memory_space<vmem>> -> memref<1x1x8x256xf32, #tpu.memory_space<vmem>>
      %dma_start3A_1488 = tpu.memref_squeeze %dma_start3A_1487 : memref<1x1x8x256xf32, #tpu.memory_space<vmem>> -> memref<8x256xf32, #tpu.memory_space<vmem>>
      %dma_start3A_1489 = tpu.memref_slice %arg2[%select_n3A, %add3A_1309, %mul3A_1267, %mul3A_1285] : memref<4x96x512x512xf32, #tpu.memory_space<hbm>> -> memref<1x1x8x256xf32, #tpu.memory_space<hbm>>
      %dma_start3A_1490 = tpu.memref_squeeze %dma_start3A_1489 : memref<1x1x8x256xf32, #tpu.memory_space<hbm>> -> memref<8x256xf32, #tpu.memory_space<hbm>>
      tpu.enqueue_dma source(%dma_start3A_1490 : memref<8x256xf32, #tpu.memory_space<hbm>>) target(%dma_start3A_1488 : memref<8x256xf32, #tpu.memory_space<vmem>>) target_semaphore(%arg8 : memref<!tpu.dma_semaphore, #tpu.memory_space<semaphore_mem>>)
      %jit3A_1491 = arith.constant 2 : i32
      %div3A_1492 = arith.divsi %add3A_729, %jit3A_1491 : i32
      %sign3A_1493 = arith.constant 0 : i32
      %sign3A_1494 = arith.cmpi sgt, %add3A_729, %sign3A_1493 : i32
      %sign3A_1495 = arith.extui %sign3A_1494 : i1 to i32
      %sign3A_1496 = arith.constant 0 : i32
      %sign3A_1497 = arith.cmpi slt, %add3A_729, %sign3A_1496 : i32
      %sign3A_1498 = arith.extui %sign3A_1497 : i1 to i32
      %sign3A_1499 = arith.subi %sign3A_1495, %sign3A_1498 : i32
      %sign3A_1500 = arith.constant 0 : i32
      %sign3A_1501 = arith.cmpi sgt, %jit3A_1491, %sign3A_1500 : i32
      %sign3A_1502 = arith.extui %sign3A_1501 : i1 to i32
      %sign3A_1503 = arith.constant 0 : i32
      %sign3A_1504 = arith.cmpi slt, %jit3A_1491, %sign3A_1503 : i32
      %sign3A_1505 = arith.extui %sign3A_1504 : i1 to i32
      %sign3A_1506 = arith.subi %sign3A_1502, %sign3A_1505 : i32
      %ne3A_1507 = arith.cmpi ne, %sign3A_1499, %sign3A_1506 : i32
      %rem3A_1508 = arith.remsi %add3A_729, %jit3A_1491 : i32
      %ne3A_1509 = arith.constant 0 : i32
      %ne3A_1510 = arith.cmpi ne, %rem3A_1508, %ne3A_1509 : i32
      %and3A_1511 = arith.andi %ne3A_1507, %ne3A_1510 : i1
      %sub3A_1512 = arith.constant 1 : i32
      %sub3A_1513 = arith.subi %div3A_1492, %sub3A_1512 : i32
      %select_n3A_1514 = arith.select %and3A_1511, %sub3A_1513, %div3A_1492 : i32
      %mul3A_1515 = arith.constant 8 : i32
      %mul3A_1516 = arith.muli %select_n3A_1514, %mul3A_1515 : i32
      %jit3A_1517 = arith.constant 2 : i32
      %eq3A_1518 = arith.constant 0 : i32
      %eq3A_1519 = arith.cmpi eq, %jit3A_1517, %eq3A_1518 : i32
      %jit3A_1520 = arith.constant 1 : i32
      %select_n3A_1521 = arith.select %eq3A_1519, %jit3A_1520, %jit3A_1517 : i32
      %rem3A_1522 = arith.remsi %add3A_729, %select_n3A_1521 : i32
      %ne3A_1523 = arith.constant 0 : i32
      %ne3A_1524 = arith.cmpi ne, %rem3A_1522, %ne3A_1523 : i32
      %lt3A_1525 = arith.constant 0 : i32
      %lt3A_1526 = arith.cmpi slt, %rem3A_1522, %lt3A_1525 : i32
      %lt3A_1527 = arith.constant 0 : i32
      %lt3A_1528 = arith.cmpi slt, %select_n3A_1521, %lt3A_1527 : i32
      %ne3A_1529 = arith.xori %lt3A_1526, %lt3A_1528 : i1
      %and3A_1530 = arith.andi %ne3A_1529, %ne3A_1524 : i1
      %add3A_1531 = arith.addi %rem3A_1522, %select_n3A_1521 : i32
      %select_n3A_1532 = arith.select %and3A_1530, %add3A_1531, %rem3A_1522 : i32
      %mul3A_1533 = arith.constant 256 : i32
      %mul3A_1534 = arith.muli %select_n3A_1532, %mul3A_1533 : i32
      %add3A_1535 = arith.constant 0 : i32
      %add3A_1536 = arith.addi %mul3A_32, %add3A_1535 : i32
      %add3A_1537 = arith.constant 1 : i32
      %add3A_1538 = arith.addi %mul3A_32, %add3A_1537 : i32
      %add3A_1539 = arith.constant 2 : i32
      %add3A_1540 = arith.addi %mul3A_32, %add3A_1539 : i32
      %add3A_1541 = arith.constant 3 : i32
      %add3A_1542 = arith.addi %mul3A_32, %add3A_1541 : i32
      %add3A_1543 = arith.constant 4 : i32
      %add3A_1544 = arith.addi %mul3A_32, %add3A_1543 : i32
      %add3A_1545 = arith.constant 5 : i32
      %add3A_1546 = arith.addi %mul3A_32, %add3A_1545 : i32
      %add3A_1547 = arith.constant 6 : i32
      %add3A_1548 = arith.addi %mul3A_32, %add3A_1547 : i32
      %add3A_1549 = arith.constant 7 : i32
      %add3A_1550 = arith.addi %mul3A_32, %add3A_1549 : i32
      %add3A_1551 = arith.constant 8 : i32
      %add3A_1552 = arith.addi %mul3A_32, %add3A_1551 : i32
      %add3A_1553 = arith.constant 9 : i32
      %add3A_1554 = arith.addi %mul3A_32, %add3A_1553 : i32
      %add3A_1555 = arith.constant 10 : i32
      %add3A_1556 = arith.addi %mul3A_32, %add3A_1555 : i32
      %add3A_1557 = arith.constant 11 : i32
      %add3A_1558 = arith.addi %mul3A_32, %add3A_1557 : i32
      %dma_wait3A_1559 = arith.constant 1 : i32
      %dma_wait3A_1560 = arith.constant 0 : i32
      %dma_wait3A_1561 = arith.constant 0 : i32
      %dma_wait3A_1562 = tpu.memref_slice %arg6[%dma_wait3A_1559, %dma_wait3A_1560, %dma_wait3A_1561] : memref<2x8x256xf32, #tpu.memory_space<vmem>> -> memref<1x8x256xf32, #tpu.memory_space<vmem>>
      %dma_wait3A_1563 = tpu.memref_squeeze %dma_wait3A_1562 : memref<1x8x256xf32, #tpu.memory_space<vmem>> -> memref<8x256xf32, #tpu.memory_space<vmem>>
      %dma_wait3A_1564 = tpu.memref_slice %arg3[%select_n3A, %mul3A_1516, %mul3A_1534] : memref<4x512x512xf32, #tpu.memory_space<hbm>> -> memref<1x8x256xf32, #tpu.memory_space<hbm>>
      %dma_wait3A_1565 = tpu.memref_squeeze %dma_wait3A_1564 : memref<1x8x256xf32, #tpu.memory_space<hbm>> -> memref<8x256xf32, #tpu.memory_space<hbm>>
      %dma_wait3A_1566 = arith.constant 0 : i32
      %dma_wait3A_1567 = arith.constant 0 : i32
      %dma_wait3A_1568 = tpu.memref_slice %arg6[%dma_wait3A_1559, %dma_wait3A_1566, %dma_wait3A_1567] : memref<2x8x256xf32, #tpu.memory_space<vmem>> -> memref<1x8x256xf32, #tpu.memory_space<vmem>>
      %dma_wait3A_1569 = tpu.memref_squeeze %dma_wait3A_1568 : memref<1x8x256xf32, #tpu.memory_space<vmem>> -> memref<8x256xf32, #tpu.memory_space<vmem>>
      %dma_wait3A_1570 = tpu.memref_slice %arg3[%select_n3A, %mul3A_1516, %mul3A_1534] : memref<4x512x512xf32, #tpu.memory_space<hbm>> -> memref<1x8x256xf32, #tpu.memory_space<hbm>>
      %dma_wait3A_1571 = tpu.memref_squeeze %dma_wait3A_1570 : memref<1x8x256xf32, #tpu.memory_space<hbm>> -> memref<8x256xf32, #tpu.memory_space<hbm>>
      tpu.wait_dma2 semaphore(%arg9 : memref<!tpu.dma_semaphore, #tpu.memory_space<semaphore_mem>>) src(%dma_wait3A_1571 : memref<8x256xf32, #tpu.memory_space<hbm>>) dst(%dma_wait3A_1569 : memref<8x256xf32, #tpu.memory_space<vmem>>)
      %dma_wait3A_1572 = arith.constant 1 : i32
      %dma_wait3A_1573 = arith.constant 0 : i32
      %dma_wait3A_1574 = arith.constant 0 : i32
      %dma_wait3A_1575 = arith.constant 0 : i32
      %dma_wait3A_1576 = tpu.memref_slice %arg5[%dma_wait3A_1572, %dma_wait3A_1573, %dma_wait3A_1574, %dma_wait3A_1575] : memref<2x12x8x256xf32, #tpu.memory_space<vmem>> -> memref<1x1x8x256xf32, #tpu.memory_space<vmem>>
      %dma_wait3A_1577 = tpu.memref_squeeze %dma_wait3A_1576 : memref<1x1x8x256xf32, #tpu.memory_space<vmem>> -> memref<8x256xf32, #tpu.memory_space<vmem>>
      %dma_wait3A_1578 = tpu.memref_slice %arg2[%select_n3A, %add3A_1536, %mul3A_1516, %mul3A_1534] : memref<4x96x512x512xf32, #tpu.memory_space<hbm>> -> memref<1x1x8x256xf32, #tpu.memory_space<hbm>>
      %dma_wait3A_1579 = tpu.memref_squeeze %dma_wait3A_1578 : memref<1x1x8x256xf32, #tpu.memory_space<hbm>> -> memref<8x256xf32, #tpu.memory_space<hbm>>
      %dma_wait3A_1580 = arith.constant 0 : i32
      %dma_wait3A_1581 = arith.constant 0 : i32
      %dma_wait3A_1582 = tpu.memref_slice %arg5[%dma_wait3A_1572, %dma_wait3A_1573, %dma_wait3A_1580, %dma_wait3A_1581] : memref<2x12x8x256xf32, #tpu.memory_space<vmem>> -> memref<1x1x8x256xf32, #tpu.memory_space<vmem>>
      %dma_wait3A_1583 = tpu.memref_squeeze %dma_wait3A_1582 : memref<1x1x8x256xf32, #tpu.memory_space<vmem>> -> memref<8x256xf32, #tpu.memory_space<vmem>>
      %dma_wait3A_1584 = tpu.memref_slice %arg2[%select_n3A, %add3A_1536, %mul3A_1516, %mul3A_1534] : memref<4x96x512x512xf32, #tpu.memory_space<hbm>> -> memref<1x1x8x256xf32, #tpu.memory_space<hbm>>
      %dma_wait3A_1585 = tpu.memref_squeeze %dma_wait3A_1584 : memref<1x1x8x256xf32, #tpu.memory_space<hbm>> -> memref<8x256xf32, #tpu.memory_space<hbm>>
      tpu.wait_dma2 semaphore(%arg9 : memref<!tpu.dma_semaphore, #tpu.memory_space<semaphore_mem>>) src(%dma_wait3A_1585 : memref<8x256xf32, #tpu.memory_space<hbm>>) dst(%dma_wait3A_1583 : memref<8x256xf32, #tpu.memory_space<vmem>>)
      %dma_wait3A_1586 = arith.constant 1 : i32
      %dma_wait3A_1587 = arith.constant 1 : i32
      %dma_wait3A_1588 = arith.constant 0 : i32
      %dma_wait3A_1589 = arith.constant 0 : i32
      %dma_wait3A_1590 = tpu.memref_slice %arg5[%dma_wait3A_1586, %dma_wait3A_1587, %dma_wait3A_1588, %dma_wait3A_1589] : memref<2x12x8x256xf32, #tpu.memory_space<vmem>> -> memref<1x1x8x256xf32, #tpu.memory_space<vmem>>
      %dma_wait3A_1591 = tpu.memref_squeeze %dma_wait3A_1590 : memref<1x1x8x256xf32, #tpu.memory_space<vmem>> -> memref<8x256xf32, #tpu.memory_space<vmem>>
      %dma_wait3A_1592 = tpu.memref_slice %arg2[%select_n3A, %add3A_1538, %mul3A_1516, %mul3A_1534] : memref<4x96x512x512xf32, #tpu.memory_space<hbm>> -> memref<1x1x8x256xf32, #tpu.memory_space<hbm>>
      %dma_wait3A_1593 = tpu.memref_squeeze %dma_wait3A_1592 : memref<1x1x8x256xf32, #tpu.memory_space<hbm>> -> memref<8x256xf32, #tpu.memory_space<hbm>>
      %dma_wait3A_1594 = arith.constant 0 : i32
      %dma_wait3A_1595 = arith.constant 0 : i32
      %dma_wait3A_1596 = tpu.memref_slice %arg5[%dma_wait3A_1586, %dma_wait3A_1587, %dma_wait3A_1594, %dma_wait3A_1595] : memref<2x12x8x256xf32, #tpu.memory_space<vmem>> -> memref<1x1x8x256xf32, #tpu.memory_space<vmem>>
      %dma_wait3A_1597 = tpu.memref_squeeze %dma_wait3A_1596 : memref<1x1x8x256xf32, #tpu.memory_space<vmem>> -> memref<8x256xf32, #tpu.memory_space<vmem>>
      %dma_wait3A_1598 = tpu.memref_slice %arg2[%select_n3A, %add3A_1538, %mul3A_1516, %mul3A_1534] : memref<4x96x512x512xf32, #tpu.memory_space<hbm>> -> memref<1x1x8x256xf32, #tpu.memory_space<hbm>>
      %dma_wait3A_1599 = tpu.memref_squeeze %dma_wait3A_1598 : memref<1x1x8x256xf32, #tpu.memory_space<hbm>> -> memref<8x256xf32, #tpu.memory_space<hbm>>
      tpu.wait_dma2 semaphore(%arg9 : memref<!tpu.dma_semaphore, #tpu.memory_space<semaphore_mem>>) src(%dma_wait3A_1599 : memref<8x256xf32, #tpu.memory_space<hbm>>) dst(%dma_wait3A_1597 : memref<8x256xf32, #tpu.memory_space<vmem>>)
      %dma_wait3A_1600 = arith.constant 1 : i32
      %dma_wait3A_1601 = arith.constant 2 : i32
      %dma_wait3A_1602 = arith.constant 0 : i32
      %dma_wait3A_1603 = arith.constant 0 : i32
      %dma_wait3A_1604 = tpu.memref_slice %arg5[%dma_wait3A_1600, %dma_wait3A_1601, %dma_wait3A_1602, %dma_wait3A_1603] : memref<2x12x8x256xf32, #tpu.memory_space<vmem>> -> memref<1x1x8x256xf32, #tpu.memory_space<vmem>>
      %dma_wait3A_1605 = tpu.memref_squeeze %dma_wait3A_1604 : memref<1x1x8x256xf32, #tpu.memory_space<vmem>> -> memref<8x256xf32, #tpu.memory_space<vmem>>
      %dma_wait3A_1606 = tpu.memref_slice %arg2[%select_n3A, %add3A_1540, %mul3A_1516, %mul3A_1534] : memref<4x96x512x512xf32, #tpu.memory_space<hbm>> -> memref<1x1x8x256xf32, #tpu.memory_space<hbm>>
      %dma_wait3A_1607 = tpu.memref_squeeze %dma_wait3A_1606 : memref<1x1x8x256xf32, #tpu.memory_space<hbm>> -> memref<8x256xf32, #tpu.memory_space<hbm>>
      %dma_wait3A_1608 = arith.constant 0 : i32
      %dma_wait3A_1609 = arith.constant 0 : i32
      %dma_wait3A_1610 = tpu.memref_slice %arg5[%dma_wait3A_1600, %dma_wait3A_1601, %dma_wait3A_1608, %dma_wait3A_1609] : memref<2x12x8x256xf32, #tpu.memory_space<vmem>> -> memref<1x1x8x256xf32, #tpu.memory_space<vmem>>
      %dma_wait3A_1611 = tpu.memref_squeeze %dma_wait3A_1610 : memref<1x1x8x256xf32, #tpu.memory_space<vmem>> -> memref<8x256xf32, #tpu.memory_space<vmem>>
      %dma_wait3A_1612 = tpu.memref_slice %arg2[%select_n3A, %add3A_1540, %mul3A_1516, %mul3A_1534] : memref<4x96x512x512xf32, #tpu.memory_space<hbm>> -> memref<1x1x8x256xf32, #tpu.memory_space<hbm>>
      %dma_wait3A_1613 = tpu.memref_squeeze %dma_wait3A_1612 : memref<1x1x8x256xf32, #tpu.memory_space<hbm>> -> memref<8x256xf32, #tpu.memory_space<hbm>>
      tpu.wait_dma2 semaphore(%arg9 : memref<!tpu.dma_semaphore, #tpu.memory_space<semaphore_mem>>) src(%dma_wait3A_1613 : memref<8x256xf32, #tpu.memory_space<hbm>>) dst(%dma_wait3A_1611 : memref<8x256xf32, #tpu.memory_space<vmem>>)
      %dma_wait3A_1614 = arith.constant 1 : i32
      %dma_wait3A_1615 = arith.constant 3 : i32
      %dma_wait3A_1616 = arith.constant 0 : i32
      %dma_wait3A_1617 = arith.constant 0 : i32
      %dma_wait3A_1618 = tpu.memref_slice %arg5[%dma_wait3A_1614, %dma_wait3A_1615, %dma_wait3A_1616, %dma_wait3A_1617] : memref<2x12x8x256xf32, #tpu.memory_space<vmem>> -> memref<1x1x8x256xf32, #tpu.memory_space<vmem>>
      %dma_wait3A_1619 = tpu.memref_squeeze %dma_wait3A_1618 : memref<1x1x8x256xf32, #tpu.memory_space<vmem>> -> memref<8x256xf32, #tpu.memory_space<vmem>>
      %dma_wait3A_1620 = tpu.memref_slice %arg2[%select_n3A, %add3A_1542, %mul3A_1516, %mul3A_1534] : memref<4x96x512x512xf32, #tpu.memory_space<hbm>> -> memref<1x1x8x256xf32, #tpu.memory_space<hbm>>
      %dma_wait3A_1621 = tpu.memref_squeeze %dma_wait3A_1620 : memref<1x1x8x256xf32, #tpu.memory_space<hbm>> -> memref<8x256xf32, #tpu.memory_space<hbm>>
      %dma_wait3A_1622 = arith.constant 0 : i32
      %dma_wait3A_1623 = arith.constant 0 : i32
      %dma_wait3A_1624 = tpu.memref_slice %arg5[%dma_wait3A_1614, %dma_wait3A_1615, %dma_wait3A_1622, %dma_wait3A_1623] : memref<2x12x8x256xf32, #tpu.memory_space<vmem>> -> memref<1x1x8x256xf32, #tpu.memory_space<vmem>>
      %dma_wait3A_1625 = tpu.memref_squeeze %dma_wait3A_1624 : memref<1x1x8x256xf32, #tpu.memory_space<vmem>> -> memref<8x256xf32, #tpu.memory_space<vmem>>
      %dma_wait3A_1626 = tpu.memref_slice %arg2[%select_n3A, %add3A_1542, %mul3A_1516, %mul3A_1534] : memref<4x96x512x512xf32, #tpu.memory_space<hbm>> -> memref<1x1x8x256xf32, #tpu.memory_space<hbm>>
      %dma_wait3A_1627 = tpu.memref_squeeze %dma_wait3A_1626 : memref<1x1x8x256xf32, #tpu.memory_space<hbm>> -> memref<8x256xf32, #tpu.memory_space<hbm>>
      tpu.wait_dma2 semaphore(%arg9 : memref<!tpu.dma_semaphore, #tpu.memory_space<semaphore_mem>>) src(%dma_wait3A_1627 : memref<8x256xf32, #tpu.memory_space<hbm>>) dst(%dma_wait3A_1625 : memref<8x256xf32, #tpu.memory_space<vmem>>)
      %dma_wait3A_1628 = arith.constant 1 : i32
      %dma_wait3A_1629 = arith.constant 4 : i32
      %dma_wait3A_1630 = arith.constant 0 : i32
      %dma_wait3A_1631 = arith.constant 0 : i32
      %dma_wait3A_1632 = tpu.memref_slice %arg5[%dma_wait3A_1628, %dma_wait3A_1629, %dma_wait3A_1630, %dma_wait3A_1631] : memref<2x12x8x256xf32, #tpu.memory_space<vmem>> -> memref<1x1x8x256xf32, #tpu.memory_space<vmem>>
      %dma_wait3A_1633 = tpu.memref_squeeze %dma_wait3A_1632 : memref<1x1x8x256xf32, #tpu.memory_space<vmem>> -> memref<8x256xf32, #tpu.memory_space<vmem>>
      %dma_wait3A_1634 = tpu.memref_slice %arg2[%select_n3A, %add3A_1544, %mul3A_1516, %mul3A_1534] : memref<4x96x512x512xf32, #tpu.memory_space<hbm>> -> memref<1x1x8x256xf32, #tpu.memory_space<hbm>>
      %dma_wait3A_1635 = tpu.memref_squeeze %dma_wait3A_1634 : memref<1x1x8x256xf32, #tpu.memory_space<hbm>> -> memref<8x256xf32, #tpu.memory_space<hbm>>
      %dma_wait3A_1636 = arith.constant 0 : i32
      %dma_wait3A_1637 = arith.constant 0 : i32
      %dma_wait3A_1638 = tpu.memref_slice %arg5[%dma_wait3A_1628, %dma_wait3A_1629, %dma_wait3A_1636, %dma_wait3A_1637] : memref<2x12x8x256xf32, #tpu.memory_space<vmem>> -> memref<1x1x8x256xf32, #tpu.memory_space<vmem>>
      %dma_wait3A_1639 = tpu.memref_squeeze %dma_wait3A_1638 : memref<1x1x8x256xf32, #tpu.memory_space<vmem>> -> memref<8x256xf32, #tpu.memory_space<vmem>>
      %dma_wait3A_1640 = tpu.memref_slice %arg2[%select_n3A, %add3A_1544, %mul3A_1516, %mul3A_1534] : memref<4x96x512x512xf32, #tpu.memory_space<hbm>> -> memref<1x1x8x256xf32, #tpu.memory_space<hbm>>
      %dma_wait3A_1641 = tpu.memref_squeeze %dma_wait3A_1640 : memref<1x1x8x256xf32, #tpu.memory_space<hbm>> -> memref<8x256xf32, #tpu.memory_space<hbm>>
      tpu.wait_dma2 semaphore(%arg9 : memref<!tpu.dma_semaphore, #tpu.memory_space<semaphore_mem>>) src(%dma_wait3A_1641 : memref<8x256xf32, #tpu.memory_space<hbm>>) dst(%dma_wait3A_1639 : memref<8x256xf32, #tpu.memory_space<vmem>>)
      %dma_wait3A_1642 = arith.constant 1 : i32
      %dma_wait3A_1643 = arith.constant 5 : i32
      %dma_wait3A_1644 = arith.constant 0 : i32
      %dma_wait3A_1645 = arith.constant 0 : i32
      %dma_wait3A_1646 = tpu.memref_slice %arg5[%dma_wait3A_1642, %dma_wait3A_1643, %dma_wait3A_1644, %dma_wait3A_1645] : memref<2x12x8x256xf32, #tpu.memory_space<vmem>> -> memref<1x1x8x256xf32, #tpu.memory_space<vmem>>
      %dma_wait3A_1647 = tpu.memref_squeeze %dma_wait3A_1646 : memref<1x1x8x256xf32, #tpu.memory_space<vmem>> -> memref<8x256xf32, #tpu.memory_space<vmem>>
      %dma_wait3A_1648 = tpu.memref_slice %arg2[%select_n3A, %add3A_1546, %mul3A_1516, %mul3A_1534] : memref<4x96x512x512xf32, #tpu.memory_space<hbm>> -> memref<1x1x8x256xf32, #tpu.memory_space<hbm>>
      %dma_wait3A_1649 = tpu.memref_squeeze %dma_wait3A_1648 : memref<1x1x8x256xf32, #tpu.memory_space<hbm>> -> memref<8x256xf32, #tpu.memory_space<hbm>>
      %dma_wait3A_1650 = arith.constant 0 : i32
      %dma_wait3A_1651 = arith.constant 0 : i32
      %dma_wait3A_1652 = tpu.memref_slice %arg5[%dma_wait3A_1642, %dma_wait3A_1643, %dma_wait3A_1650, %dma_wait3A_1651] : memref<2x12x8x256xf32, #tpu.memory_space<vmem>> -> memref<1x1x8x256xf32, #tpu.memory_space<vmem>>
      %dma_wait3A_1653 = tpu.memref_squeeze %dma_wait3A_1652 : memref<1x1x8x256xf32, #tpu.memory_space<vmem>> -> memref<8x256xf32, #tpu.memory_space<vmem>>
      %dma_wait3A_1654 = tpu.memref_slice %arg2[%select_n3A, %add3A_1546, %mul3A_1516, %mul3A_1534] : memref<4x96x512x512xf32, #tpu.memory_space<hbm>> -> memref<1x1x8x256xf32, #tpu.memory_space<hbm>>
      %dma_wait3A_1655 = tpu.memref_squeeze %dma_wait3A_1654 : memref<1x1x8x256xf32, #tpu.memory_space<hbm>> -> memref<8x256xf32, #tpu.memory_space<hbm>>
      tpu.wait_dma2 semaphore(%arg9 : memref<!tpu.dma_semaphore, #tpu.memory_space<semaphore_mem>>) src(%dma_wait3A_1655 : memref<8x256xf32, #tpu.memory_space<hbm>>) dst(%dma_wait3A_1653 : memref<8x256xf32, #tpu.memory_space<vmem>>)
      %dma_wait3A_1656 = arith.constant 1 : i32
      %dma_wait3A_1657 = arith.constant 6 : i32
      %dma_wait3A_1658 = arith.constant 0 : i32
      %dma_wait3A_1659 = arith.constant 0 : i32
      %dma_wait3A_1660 = tpu.memref_slice %arg5[%dma_wait3A_1656, %dma_wait3A_1657, %dma_wait3A_1658, %dma_wait3A_1659] : memref<2x12x8x256xf32, #tpu.memory_space<vmem>> -> memref<1x1x8x256xf32, #tpu.memory_space<vmem>>
      %dma_wait3A_1661 = tpu.memref_squeeze %dma_wait3A_1660 : memref<1x1x8x256xf32, #tpu.memory_space<vmem>> -> memref<8x256xf32, #tpu.memory_space<vmem>>
      %dma_wait3A_1662 = tpu.memref_slice %arg2[%select_n3A, %add3A_1548, %mul3A_1516, %mul3A_1534] : memref<4x96x512x512xf32, #tpu.memory_space<hbm>> -> memref<1x1x8x256xf32, #tpu.memory_space<hbm>>
      %dma_wait3A_1663 = tpu.memref_squeeze %dma_wait3A_1662 : memref<1x1x8x256xf32, #tpu.memory_space<hbm>> -> memref<8x256xf32, #tpu.memory_space<hbm>>
      %dma_wait3A_1664 = arith.constant 0 : i32
      %dma_wait3A_1665 = arith.constant 0 : i32
      %dma_wait3A_1666 = tpu.memref_slice %arg5[%dma_wait3A_1656, %dma_wait3A_1657, %dma_wait3A_1664, %dma_wait3A_1665] : memref<2x12x8x256xf32, #tpu.memory_space<vmem>> -> memref<1x1x8x256xf32, #tpu.memory_space<vmem>>
      %dma_wait3A_1667 = tpu.memref_squeeze %dma_wait3A_1666 : memref<1x1x8x256xf32, #tpu.memory_space<vmem>> -> memref<8x256xf32, #tpu.memory_space<vmem>>
      %dma_wait3A_1668 = tpu.memref_slice %arg2[%select_n3A, %add3A_1548, %mul3A_1516, %mul3A_1534] : memref<4x96x512x512xf32, #tpu.memory_space<hbm>> -> memref<1x1x8x256xf32, #tpu.memory_space<hbm>>
      %dma_wait3A_1669 = tpu.memref_squeeze %dma_wait3A_1668 : memref<1x1x8x256xf32, #tpu.memory_space<hbm>> -> memref<8x256xf32, #tpu.memory_space<hbm>>
      tpu.wait_dma2 semaphore(%arg9 : memref<!tpu.dma_semaphore, #tpu.memory_space<semaphore_mem>>) src(%dma_wait3A_1669 : memref<8x256xf32, #tpu.memory_space<hbm>>) dst(%dma_wait3A_1667 : memref<8x256xf32, #tpu.memory_space<vmem>>)
      %dma_wait3A_1670 = arith.constant 1 : i32
      %dma_wait3A_1671 = arith.constant 7 : i32
      %dma_wait3A_1672 = arith.constant 0 : i32
      %dma_wait3A_1673 = arith.constant 0 : i32
      %dma_wait3A_1674 = tpu.memref_slice %arg5[%dma_wait3A_1670, %dma_wait3A_1671, %dma_wait3A_1672, %dma_wait3A_1673] : memref<2x12x8x256xf32, #tpu.memory_space<vmem>> -> memref<1x1x8x256xf32, #tpu.memory_space<vmem>>
      %dma_wait3A_1675 = tpu.memref_squeeze %dma_wait3A_1674 : memref<1x1x8x256xf32, #tpu.memory_space<vmem>> -> memref<8x256xf32, #tpu.memory_space<vmem>>
      %dma_wait3A_1676 = tpu.memref_slice %arg2[%select_n3A, %add3A_1550, %mul3A_1516, %mul3A_1534] : memref<4x96x512x512xf32, #tpu.memory_space<hbm>> -> memref<1x1x8x256xf32, #tpu.memory_space<hbm>>
      %dma_wait3A_1677 = tpu.memref_squeeze %dma_wait3A_1676 : memref<1x1x8x256xf32, #tpu.memory_space<hbm>> -> memref<8x256xf32, #tpu.memory_space<hbm>>
      %dma_wait3A_1678 = arith.constant 0 : i32
      %dma_wait3A_1679 = arith.constant 0 : i32
      %dma_wait3A_1680 = tpu.memref_slice %arg5[%dma_wait3A_1670, %dma_wait3A_1671, %dma_wait3A_1678, %dma_wait3A_1679] : memref<2x12x8x256xf32, #tpu.memory_space<vmem>> -> memref<1x1x8x256xf32, #tpu.memory_space<vmem>>
      %dma_wait3A_1681 = tpu.memref_squeeze %dma_wait3A_1680 : memref<1x1x8x256xf32, #tpu.memory_space<vmem>> -> memref<8x256xf32, #tpu.memory_space<vmem>>
      %dma_wait3A_1682 = tpu.memref_slice %arg2[%select_n3A, %add3A_1550, %mul3A_1516, %mul3A_1534] : memref<4x96x512x512xf32, #tpu.memory_space<hbm>> -> memref<1x1x8x256xf32, #tpu.memory_space<hbm>>
      %dma_wait3A_1683 = tpu.memref_squeeze %dma_wait3A_1682 : memref<1x1x8x256xf32, #tpu.memory_space<hbm>> -> memref<8x256xf32, #tpu.memory_space<hbm>>
      tpu.wait_dma2 semaphore(%arg9 : memref<!tpu.dma_semaphore, #tpu.memory_space<semaphore_mem>>) src(%dma_wait3A_1683 : memref<8x256xf32, #tpu.memory_space<hbm>>) dst(%dma_wait3A_1681 : memref<8x256xf32, #tpu.memory_space<vmem>>)
      %dma_wait3A_1684 = arith.constant 1 : i32
      %dma_wait3A_1685 = arith.constant 8 : i32
      %dma_wait3A_1686 = arith.constant 0 : i32
      %dma_wait3A_1687 = arith.constant 0 : i32
      %dma_wait3A_1688 = tpu.memref_slice %arg5[%dma_wait3A_1684, %dma_wait3A_1685, %dma_wait3A_1686, %dma_wait3A_1687] : memref<2x12x8x256xf32, #tpu.memory_space<vmem>> -> memref<1x1x8x256xf32, #tpu.memory_space<vmem>>
      %dma_wait3A_1689 = tpu.memref_squeeze %dma_wait3A_1688 : memref<1x1x8x256xf32, #tpu.memory_space<vmem>> -> memref<8x256xf32, #tpu.memory_space<vmem>>
      %dma_wait3A_1690 = tpu.memref_slice %arg2[%select_n3A, %add3A_1552, %mul3A_1516, %mul3A_1534] : memref<4x96x512x512xf32, #tpu.memory_space<hbm>> -> memref<1x1x8x256xf32, #tpu.memory_space<hbm>>
      %dma_wait3A_1691 = tpu.memref_squeeze %dma_wait3A_1690 : memref<1x1x8x256xf32, #tpu.memory_space<hbm>> -> memref<8x256xf32, #tpu.memory_space<hbm>>
      %dma_wait3A_1692 = arith.constant 0 : i32
      %dma_wait3A_1693 = arith.constant 0 : i32
      %dma_wait3A_1694 = tpu.memref_slice %arg5[%dma_wait3A_1684, %dma_wait3A_1685, %dma_wait3A_1692, %dma_wait3A_1693] : memref<2x12x8x256xf32, #tpu.memory_space<vmem>> -> memref<1x1x8x256xf32, #tpu.memory_space<vmem>>
      %dma_wait3A_1695 = tpu.memref_squeeze %dma_wait3A_1694 : memref<1x1x8x256xf32, #tpu.memory_space<vmem>> -> memref<8x256xf32, #tpu.memory_space<vmem>>
      %dma_wait3A_1696 = tpu.memref_slice %arg2[%select_n3A, %add3A_1552, %mul3A_1516, %mul3A_1534] : memref<4x96x512x512xf32, #tpu.memory_space<hbm>> -> memref<1x1x8x256xf32, #tpu.memory_space<hbm>>
      %dma_wait3A_1697 = tpu.memref_squeeze %dma_wait3A_1696 : memref<1x1x8x256xf32, #tpu.memory_space<hbm>> -> memref<8x256xf32, #tpu.memory_space<hbm>>
      tpu.wait_dma2 semaphore(%arg9 : memref<!tpu.dma_semaphore, #tpu.memory_space<semaphore_mem>>) src(%dma_wait3A_1697 : memref<8x256xf32, #tpu.memory_space<hbm>>) dst(%dma_wait3A_1695 : memref<8x256xf32, #tpu.memory_space<vmem>>)
      %dma_wait3A_1698 = arith.constant 1 : i32
      %dma_wait3A_1699 = arith.constant 9 : i32
      %dma_wait3A_1700 = arith.constant 0 : i32
      %dma_wait3A_1701 = arith.constant 0 : i32
      %dma_wait3A_1702 = tpu.memref_slice %arg5[%dma_wait3A_1698, %dma_wait3A_1699, %dma_wait3A_1700, %dma_wait3A_1701] : memref<2x12x8x256xf32, #tpu.memory_space<vmem>> -> memref<1x1x8x256xf32, #tpu.memory_space<vmem>>
      %dma_wait3A_1703 = tpu.memref_squeeze %dma_wait3A_1702 : memref<1x1x8x256xf32, #tpu.memory_space<vmem>> -> memref<8x256xf32, #tpu.memory_space<vmem>>
      %dma_wait3A_1704 = tpu.memref_slice %arg2[%select_n3A, %add3A_1554, %mul3A_1516, %mul3A_1534] : memref<4x96x512x512xf32, #tpu.memory_space<hbm>> -> memref<1x1x8x256xf32, #tpu.memory_space<hbm>>
      %dma_wait3A_1705 = tpu.memref_squeeze %dma_wait3A_1704 : memref<1x1x8x256xf32, #tpu.memory_space<hbm>> -> memref<8x256xf32, #tpu.memory_space<hbm>>
      %dma_wait3A_1706 = arith.constant 0 : i32
      %dma_wait3A_1707 = arith.constant 0 : i32
      %dma_wait3A_1708 = tpu.memref_slice %arg5[%dma_wait3A_1698, %dma_wait3A_1699, %dma_wait3A_1706, %dma_wait3A_1707] : memref<2x12x8x256xf32, #tpu.memory_space<vmem>> -> memref<1x1x8x256xf32, #tpu.memory_space<vmem>>
      %dma_wait3A_1709 = tpu.memref_squeeze %dma_wait3A_1708 : memref<1x1x8x256xf32, #tpu.memory_space<vmem>> -> memref<8x256xf32, #tpu.memory_space<vmem>>
      %dma_wait3A_1710 = tpu.memref_slice %arg2[%select_n3A, %add3A_1554, %mul3A_1516, %mul3A_1534] : memref<4x96x512x512xf32, #tpu.memory_space<hbm>> -> memref<1x1x8x256xf32, #tpu.memory_space<hbm>>
      %dma_wait3A_1711 = tpu.memref_squeeze %dma_wait3A_1710 : memref<1x1x8x256xf32, #tpu.memory_space<hbm>> -> memref<8x256xf32, #tpu.memory_space<hbm>>
      tpu.wait_dma2 semaphore(%arg9 : memref<!tpu.dma_semaphore, #tpu.memory_space<semaphore_mem>>) src(%dma_wait3A_1711 : memref<8x256xf32, #tpu.memory_space<hbm>>) dst(%dma_wait3A_1709 : memref<8x256xf32, #tpu.memory_space<vmem>>)
      %dma_wait3A_1712 = arith.constant 1 : i32
      %dma_wait3A_1713 = arith.constant 10 : i32
      %dma_wait3A_1714 = arith.constant 0 : i32
      %dma_wait3A_1715 = arith.constant 0 : i32
      %dma_wait3A_1716 = tpu.memref_slice %arg5[%dma_wait3A_1712, %dma_wait3A_1713, %dma_wait3A_1714, %dma_wait3A_1715] : memref<2x12x8x256xf32, #tpu.memory_space<vmem>> -> memref<1x1x8x256xf32, #tpu.memory_space<vmem>>
      %dma_wait3A_1717 = tpu.memref_squeeze %dma_wait3A_1716 : memref<1x1x8x256xf32, #tpu.memory_space<vmem>> -> memref<8x256xf32, #tpu.memory_space<vmem>>
      %dma_wait3A_1718 = tpu.memref_slice %arg2[%select_n3A, %add3A_1556, %mul3A_1516, %mul3A_1534] : memref<4x96x512x512xf32, #tpu.memory_space<hbm>> -> memref<1x1x8x256xf32, #tpu.memory_space<hbm>>
      %dma_wait3A_1719 = tpu.memref_squeeze %dma_wait3A_1718 : memref<1x1x8x256xf32, #tpu.memory_space<hbm>> -> memref<8x256xf32, #tpu.memory_space<hbm>>
      %dma_wait3A_1720 = arith.constant 0 : i32
      %dma_wait3A_1721 = arith.constant 0 : i32
      %dma_wait3A_1722 = tpu.memref_slice %arg5[%dma_wait3A_1712, %dma_wait3A_1713, %dma_wait3A_1720, %dma_wait3A_1721] : memref<2x12x8x256xf32, #tpu.memory_space<vmem>> -> memref<1x1x8x256xf32, #tpu.memory_space<vmem>>
      %dma_wait3A_1723 = tpu.memref_squeeze %dma_wait3A_1722 : memref<1x1x8x256xf32, #tpu.memory_space<vmem>> -> memref<8x256xf32, #tpu.memory_space<vmem>>
      %dma_wait3A_1724 = tpu.memref_slice %arg2[%select_n3A, %add3A_1556, %mul3A_1516, %mul3A_1534] : memref<4x96x512x512xf32, #tpu.memory_space<hbm>> -> memref<1x1x8x256xf32, #tpu.memory_space<hbm>>
      %dma_wait3A_1725 = tpu.memref_squeeze %dma_wait3A_1724 : memref<1x1x8x256xf32, #tpu.memory_space<hbm>> -> memref<8x256xf32, #tpu.memory_space<hbm>>
      tpu.wait_dma2 semaphore(%arg9 : memref<!tpu.dma_semaphore, #tpu.memory_space<semaphore_mem>>) src(%dma_wait3A_1725 : memref<8x256xf32, #tpu.memory_space<hbm>>) dst(%dma_wait3A_1723 : memref<8x256xf32, #tpu.memory_space<vmem>>)
      %dma_wait3A_1726 = arith.constant 1 : i32
      %dma_wait3A_1727 = arith.constant 11 : i32
      %dma_wait3A_1728 = arith.constant 0 : i32
      %dma_wait3A_1729 = arith.constant 0 : i32
      %dma_wait3A_1730 = tpu.memref_slice %arg5[%dma_wait3A_1726, %dma_wait3A_1727, %dma_wait3A_1728, %dma_wait3A_1729] : memref<2x12x8x256xf32, #tpu.memory_space<vmem>> -> memref<1x1x8x256xf32, #tpu.memory_space<vmem>>
      %dma_wait3A_1731 = tpu.memref_squeeze %dma_wait3A_1730 : memref<1x1x8x256xf32, #tpu.memory_space<vmem>> -> memref<8x256xf32, #tpu.memory_space<vmem>>
      %dma_wait3A_1732 = tpu.memref_slice %arg2[%select_n3A, %add3A_1558, %mul3A_1516, %mul3A_1534] : memref<4x96x512x512xf32, #tpu.memory_space<hbm>> -> memref<1x1x8x256xf32, #tpu.memory_space<hbm>>
      %dma_wait3A_1733 = tpu.memref_squeeze %dma_wait3A_1732 : memref<1x1x8x256xf32, #tpu.memory_space<hbm>> -> memref<8x256xf32, #tpu.memory_space<hbm>>
      %dma_wait3A_1734 = arith.constant 0 : i32
      %dma_wait3A_1735 = arith.constant 0 : i32
      %dma_wait3A_1736 = tpu.memref_slice %arg5[%dma_wait3A_1726, %dma_wait3A_1727, %dma_wait3A_1734, %dma_wait3A_1735] : memref<2x12x8x256xf32, #tpu.memory_space<vmem>> -> memref<1x1x8x256xf32, #tpu.memory_space<vmem>>
      %dma_wait3A_1737 = tpu.memref_squeeze %dma_wait3A_1736 : memref<1x1x8x256xf32, #tpu.memory_space<vmem>> -> memref<8x256xf32, #tpu.memory_space<vmem>>
      %dma_wait3A_1738 = tpu.memref_slice %arg2[%select_n3A, %add3A_1558, %mul3A_1516, %mul3A_1534] : memref<4x96x512x512xf32, #tpu.memory_space<hbm>> -> memref<1x1x8x256xf32, #tpu.memory_space<hbm>>
      %dma_wait3A_1739 = tpu.memref_squeeze %dma_wait3A_1738 : memref<1x1x8x256xf32, #tpu.memory_space<hbm>> -> memref<8x256xf32, #tpu.memory_space<hbm>>
      tpu.wait_dma2 semaphore(%arg9 : memref<!tpu.dma_semaphore, #tpu.memory_space<semaphore_mem>>) src(%dma_wait3A_1739 : memref<8x256xf32, #tpu.memory_space<hbm>>) dst(%dma_wait3A_1737 : memref<8x256xf32, #tpu.memory_space<vmem>>)
      %scan3A_1740 = arith.constant 0 : i32
      %scan3A_1741 = arith.constant 16 : i32
      %scan3A_1742 = arith.addi %scan3A_1740, %scan3A_1741 : i32
      %scan3A_1743 = arith.constant 1 : i32
      %scan3A_1744:25 = scf.for %scan3A_1746 = %scan3A_1740 to %scan3A_1742 step %scan3A_1743 iter_args(%scan3A_1747 = %scan3A_1234#0, %scan3A_1748 = %scan3A_1234#1, %scan3A_1749 = %scan3A_1234#2, %scan3A_1750 = %scan3A_1234#3, %scan3A_1751 = %scan3A_1234#4, %scan3A_1752 = %scan3A_1234#5, %scan3A_1753 = %scan3A_1234#6, %scan3A_1754 = %scan3A_1234#7, %scan3A_1755 = %scan3A_1234#8, %scan3A_1756 = %scan3A_1234#9, %scan3A_1757 = %scan3A_1234#10, %scan3A_1758 = %scan3A_1234#11, %scan3A_1759 = %scan3A_1234#12, %scan3A_1760 = %scan3A_1234#13, %scan3A_1761 = %scan3A_1234#14, %scan3A_1762 = %scan3A_1234#15, %scan3A_1763 = %scan3A_1234#16, %scan3A_1764 = %scan3A_1234#17, %scan3A_1765 = %scan3A_1234#18, %scan3A_1766 = %scan3A_1234#19, %scan3A_1767 = %scan3A_1234#20, %scan3A_1768 = %scan3A_1234#21, %scan3A_1769 = %scan3A_1234#22, %scan3A_1770 = %scan3A_1234#23, %scan3A_1771 = %scan3A_1234#24) -> (vector<16xf32>, vector<16xf32>, vector<16xf32>, vector<16xf32>, vector<16xf32>, vector<16xf32>, vector<16xf32>, vector<16xf32>, vector<16xf32>, vector<16xf32>, vector<16xf32>, vector<16xf32>, vector<16xf32>, vector<16xf32>, vector<16xf32>, vector<16xf32>, vector<16xf32>, vector<16xf32>, vector<16xf32>, vector<16xf32>, vector<16xf32>, vector<16xf32>, vector<16xf32>, vector<16xf32>, vector<16xf32>)  : i32 {
        %mul3A_1772 = arith.constant 16 : i32
        %mul3A_1773 = arith.muli %scan3A_1746, %mul3A_1772 : i32
        %multiple_of3A = tpu.assume_multiple %mul3A_1773, 16 : i32
        %get3A = arith.constant 1 : i32
        %get3A_1774 = arith.constant 0 : i32
        %get3A_1775 = arith.index_cast %get3A : i32 to index
        %get3A_1776 = arith.index_cast %get3A_1774 : i32 to index
        %get3A_1777 = arith.index_cast %multiple_of3A : i32 to index
        %get3A_1778 = tpu.vector_load %arg6[%get3A_1775, %get3A_1776, %get3A_1777] {strides = array<i32>} : memref<2x8x256xf32, #tpu.memory_space<vmem>>, vector<1x1x16xf32>,
        %get3A_1779 = vector.shape_cast %get3A_1778 : vector<1x1x16xf32> to vector<16xf32>
        %gt3A = arith.constant 5.000000e-01 : f32
        %gt3A_1780 = vector.broadcast %gt3A : f32 to vector<16xf32>
        %gt3A_1781 = arith.cmpf ogt, %get3A_1779, %gt3A_1780 : vector<16xf32>
        %jit3A_1782 = arith.constant 1.000000e+00 : f32
        %jit3A_1783 = arith.constant 0.000000e+00 : f32
        %broadcast_in_dim3A_1784 = vector.broadcast %jit3A_1782 : f32 to vector<16xf32>
        %broadcast_in_dim3A_1785 = vector.broadcast %jit3A_1783 : f32 to vector<16xf32>
        %select_n3A_1786 = arith.select %gt3A_1781, %broadcast_in_dim3A_1784, %broadcast_in_dim3A_1785 : vector<16xi1>, vector<16xf32>
        %add3A_1787 = arith.addf %scan3A_1747, %select_n3A_1786 : vector<16xf32>
        %get3A_1788 = arith.constant 1 : i32
        %get3A_1789 = arith.constant 0 : i32
        %get3A_1790 = arith.constant 0 : i32
        %get3A_1791 = arith.index_cast %get3A_1788 : i32 to index
        %get3A_1792 = arith.index_cast %get3A_1789 : i32 to index
        %get3A_1793 = arith.index_cast %get3A_1790 : i32 to index
        %get3A_1794 = arith.index_cast %multiple_of3A : i32 to index
        %get3A_1795 = tpu.vector_load %arg5[%get3A_1791, %get3A_1792, %get3A_1793, %get3A_1794] {strides = array<i32>} : memref<2x12x8x256xf32, #tpu.memory_space<vmem>>, vector<1x1x1x16xf32>,
        %get3A_1796 = vector.shape_cast %get3A_1795 : vector<1x1x1x16xf32> to vector<16xf32>
        %mul3A_1797 = arith.mulf %get3A_1796, %select_n3A_1786 : vector<16xf32>
        %add3A_1798 = arith.addf %scan3A_1748, %mul3A_1797 : vector<16xf32>
        %add3A_1799 = arith.addf %scan3A_1760, %get3A_1796 : vector<16xf32>
        %get3A_1800 = arith.constant 1 : i32
        %get3A_1801 = arith.constant 1 : i32
        %get3A_1802 = arith.constant 0 : i32
        %get3A_1803 = arith.index_cast %get3A_1800 : i32 to index
        %get3A_1804 = arith.index_cast %get3A_1801 : i32 to index
        %get3A_1805 = arith.index_cast %get3A_1802 : i32 to index
        %get3A_1806 = arith.index_cast %multiple_of3A : i32 to index
        %get3A_1807 = tpu.vector_load %arg5[%get3A_1803, %get3A_1804, %get3A_1805, %get3A_1806] {strides = array<i32>} : memref<2x12x8x256xf32, #tpu.memory_space<vmem>>, vector<1x1x1x16xf32>,
        %get3A_1808 = vector.shape_cast %get3A_1807 : vector<1x1x1x16xf32> to vector<16xf32>
        %mul3A_1809 = arith.mulf %get3A_1808, %select_n3A_1786 : vector<16xf32>
        %add3A_1810 = arith.addf %scan3A_1749, %mul3A_1809 : vector<16xf32>
        %add3A_1811 = arith.addf %scan3A_1761, %get3A_1808 : vector<16xf32>
        %get3A_1812 = arith.constant 1 : i32
        %get3A_1813 = arith.constant 2 : i32
        %get3A_1814 = arith.constant 0 : i32
        %get3A_1815 = arith.index_cast %get3A_1812 : i32 to index
        %get3A_1816 = arith.index_cast %get3A_1813 : i32 to index
        %get3A_1817 = arith.index_cast %get3A_1814 : i32 to index
        %get3A_1818 = arith.index_cast %multiple_of3A : i32 to index
        %get3A_1819 = tpu.vector_load %arg5[%get3A_1815, %get3A_1816, %get3A_1817, %get3A_1818] {strides = array<i32>} : memref<2x12x8x256xf32, #tpu.memory_space<vmem>>, vector<1x1x1x16xf32>,
        %get3A_1820 = vector.shape_cast %get3A_1819 : vector<1x1x1x16xf32> to vector<16xf32>
        %mul3A_1821 = arith.mulf %get3A_1820, %select_n3A_1786 : vector<16xf32>
        %add3A_1822 = arith.addf %scan3A_1750, %mul3A_1821 : vector<16xf32>
        %add3A_1823 = arith.addf %scan3A_1762, %get3A_1820 : vector<16xf32>
        %get3A_1824 = arith.constant 1 : i32
        %get3A_1825 = arith.constant 3 : i32
        %get3A_1826 = arith.constant 0 : i32
        %get3A_1827 = arith.index_cast %get3A_1824 : i32 to index
        %get3A_1828 = arith.index_cast %get3A_1825 : i32 to index
        %get3A_1829 = arith.index_cast %get3A_1826 : i32 to index
        %get3A_1830 = arith.index_cast %multiple_of3A : i32 to index
        %get3A_1831 = tpu.vector_load %arg5[%get3A_1827, %get3A_1828, %get3A_1829, %get3A_1830] {strides = array<i32>} : memref<2x12x8x256xf32, #tpu.memory_space<vmem>>, vector<1x1x1x16xf32>,
        %get3A_1832 = vector.shape_cast %get3A_1831 : vector<1x1x1x16xf32> to vector<16xf32>
        %mul3A_1833 = arith.mulf %get3A_1832, %select_n3A_1786 : vector<16xf32>
        %add3A_1834 = arith.addf %scan3A_1751, %mul3A_1833 : vector<16xf32>
        %add3A_1835 = arith.addf %scan3A_1763, %get3A_1832 : vector<16xf32>
        %get3A_1836 = arith.constant 1 : i32
        %get3A_1837 = arith.constant 4 : i32
        %get3A_1838 = arith.constant 0 : i32
        %get3A_1839 = arith.index_cast %get3A_1836 : i32 to index
        %get3A_1840 = arith.index_cast %get3A_1837 : i32 to index
        %get3A_1841 = arith.index_cast %get3A_1838 : i32 to index
        %get3A_1842 = arith.index_cast %multiple_of3A : i32 to index
        %get3A_1843 = tpu.vector_load %arg5[%get3A_1839, %get3A_1840, %get3A_1841, %get3A_1842] {strides = array<i32>} : memref<2x12x8x256xf32, #tpu.memory_space<vmem>>, vector<1x1x1x16xf32>,
        %get3A_1844 = vector.shape_cast %get3A_1843 : vector<1x1x1x16xf32> to vector<16xf32>
        %mul3A_1845 = arith.mulf %get3A_1844, %select_n3A_1786 : vector<16xf32>
        %add3A_1846 = arith.addf %scan3A_1752, %mul3A_1845 : vector<16xf32>
        %add3A_1847 = arith.addf %scan3A_1764, %get3A_1844 : vector<16xf32>
        %get3A_1848 = arith.constant 1 : i32
        %get3A_1849 = arith.constant 5 : i32
        %get3A_1850 = arith.constant 0 : i32
        %get3A_1851 = arith.index_cast %get3A_1848 : i32 to index
        %get3A_1852 = arith.index_cast %get3A_1849 : i32 to index
        %get3A_1853 = arith.index_cast %get3A_1850 : i32 to index
        %get3A_1854 = arith.index_cast %multiple_of3A : i32 to index
        %get3A_1855 = tpu.vector_load %arg5[%get3A_1851, %get3A_1852, %get3A_1853, %get3A_1854] {strides = array<i32>} : memref<2x12x8x256xf32, #tpu.memory_space<vmem>>, vector<1x1x1x16xf32>,
        %get3A_1856 = vector.shape_cast %get3A_1855 : vector<1x1x1x16xf32> to vector<16xf32>
        %mul3A_1857 = arith.mulf %get3A_1856, %select_n3A_1786 : vector<16xf32>
        %add3A_1858 = arith.addf %scan3A_1753, %mul3A_1857 : vector<16xf32>
        %add3A_1859 = arith.addf %scan3A_1765, %get3A_1856 : vector<16xf32>
        %get3A_1860 = arith.constant 1 : i32
        %get3A_1861 = arith.constant 6 : i32
        %get3A_1862 = arith.constant 0 : i32
        %get3A_1863 = arith.index_cast %get3A_1860 : i32 to index
        %get3A_1864 = arith.index_cast %get3A_1861 : i32 to index
        %get3A_1865 = arith.index_cast %get3A_1862 : i32 to index
        %get3A_1866 = arith.index_cast %multiple_of3A : i32 to index
        %get3A_1867 = tpu.vector_load %arg5[%get3A_1863, %get3A_1864, %get3A_1865, %get3A_1866] {strides = array<i32>} : memref<2x12x8x256xf32, #tpu.memory_space<vmem>>, vector<1x1x1x16xf32>,
        %get3A_1868 = vector.shape_cast %get3A_1867 : vector<1x1x1x16xf32> to vector<16xf32>
        %mul3A_1869 = arith.mulf %get3A_1868, %select_n3A_1786 : vector<16xf32>
        %add3A_1870 = arith.addf %scan3A_1754, %mul3A_1869 : vector<16xf32>
        %add3A_1871 = arith.addf %scan3A_1766, %get3A_1868 : vector<16xf32>
        %get3A_1872 = arith.constant 1 : i32
        %get3A_1873 = arith.constant 7 : i32
        %get3A_1874 = arith.constant 0 : i32
        %get3A_1875 = arith.index_cast %get3A_1872 : i32 to index
        %get3A_1876 = arith.index_cast %get3A_1873 : i32 to index
        %get3A_1877 = arith.index_cast %get3A_1874 : i32 to index
        %get3A_1878 = arith.index_cast %multiple_of3A : i32 to index
        %get3A_1879 = tpu.vector_load %arg5[%get3A_1875, %get3A_1876, %get3A_1877, %get3A_1878] {strides = array<i32>} : memref<2x12x8x256xf32, #tpu.memory_space<vmem>>, vector<1x1x1x16xf32>,
        %get3A_1880 = vector.shape_cast %get3A_1879 : vector<1x1x1x16xf32> to vector<16xf32>
        %mul3A_1881 = arith.mulf %get3A_1880, %select_n3A_1786 : vector<16xf32>
        %add3A_1882 = arith.addf %scan3A_1755, %mul3A_1881 : vector<16xf32>
        %add3A_1883 = arith.addf %scan3A_1767, %get3A_1880 : vector<16xf32>
        %get3A_1884 = arith.constant 1 : i32
        %get3A_1885 = arith.constant 8 : i32
        %get3A_1886 = arith.constant 0 : i32
        %get3A_1887 = arith.index_cast %get3A_1884 : i32 to index
        %get3A_1888 = arith.index_cast %get3A_1885 : i32 to index
        %get3A_1889 = arith.index_cast %get3A_1886 : i32 to index
        %get3A_1890 = arith.index_cast %multiple_of3A : i32 to index
        %get3A_1891 = tpu.vector_load %arg5[%get3A_1887, %get3A_1888, %get3A_1889, %get3A_1890] {strides = array<i32>} : memref<2x12x8x256xf32, #tpu.memory_space<vmem>>, vector<1x1x1x16xf32>,
        %get3A_1892 = vector.shape_cast %get3A_1891 : vector<1x1x1x16xf32> to vector<16xf32>
        %mul3A_1893 = arith.mulf %get3A_1892, %select_n3A_1786 : vector<16xf32>
        %add3A_1894 = arith.addf %scan3A_1756, %mul3A_1893 : vector<16xf32>
        %add3A_1895 = arith.addf %scan3A_1768, %get3A_1892 : vector<16xf32>
        %get3A_1896 = arith.constant 1 : i32
        %get3A_1897 = arith.constant 9 : i32
        %get3A_1898 = arith.constant 0 : i32
        %get3A_1899 = arith.index_cast %get3A_1896 : i32 to index
        %get3A_1900 = arith.index_cast %get3A_1897 : i32 to index
        %get3A_1901 = arith.index_cast %get3A_1898 : i32 to index
        %get3A_1902 = arith.index_cast %multiple_of3A : i32 to index
        %get3A_1903 = tpu.vector_load %arg5[%get3A_1899, %get3A_1900, %get3A_1901, %get3A_1902] {strides = array<i32>} : memref<2x12x8x256xf32, #tpu.memory_space<vmem>>, vector<1x1x1x16xf32>,
        %get3A_1904 = vector.shape_cast %get3A_1903 : vector<1x1x1x16xf32> to vector<16xf32>
        %mul3A_1905 = arith.mulf %get3A_1904, %select_n3A_1786 : vector<16xf32>
        %add3A_1906 = arith.addf %scan3A_1757, %mul3A_1905 : vector<16xf32>
        %add3A_1907 = arith.addf %scan3A_1769, %get3A_1904 : vector<16xf32>
        %get3A_1908 = arith.constant 1 : i32
        %get3A_1909 = arith.constant 10 : i32
        %get3A_1910 = arith.constant 0 : i32
        %get3A_1911 = arith.index_cast %get3A_1908 : i32 to index
        %get3A_1912 = arith.index_cast %get3A_1909 : i32 to index
        %get3A_1913 = arith.index_cast %get3A_1910 : i32 to index
        %get3A_1914 = arith.index_cast %multiple_of3A : i32 to index
        %get3A_1915 = tpu.vector_load %arg5[%get3A_1911, %get3A_1912, %get3A_1913, %get3A_1914] {strides = array<i32>} : memref<2x12x8x256xf32, #tpu.memory_space<vmem>>, vector<1x1x1x16xf32>,
        %get3A_1916 = vector.shape_cast %get3A_1915 : vector<1x1x1x16xf32> to vector<16xf32>
        %mul3A_1917 = arith.mulf %get3A_1916, %select_n3A_1786 : vector<16xf32>
        %add3A_1918 = arith.addf %scan3A_1758, %mul3A_1917 : vector<16xf32>
        %add3A_1919 = arith.addf %scan3A_1770, %get3A_1916 : vector<16xf32>
        %get3A_1920 = arith.constant 1 : i32
        %get3A_1921 = arith.constant 11 : i32
        %get3A_1922 = arith.constant 0 : i32
        %get3A_1923 = arith.index_cast %get3A_1920 : i32 to index
        %get3A_1924 = arith.index_cast %get3A_1921 : i32 to index
        %get3A_1925 = arith.index_cast %get3A_1922 : i32 to index
        %get3A_1926 = arith.index_cast %multiple_of3A : i32 to index
        %get3A_1927 = tpu.vector_load %arg5[%get3A_1923, %get3A_1924, %get3A_1925, %get3A_1926] {strides = array<i32>} : memref<2x12x8x256xf32, #tpu.memory_space<vmem>>, vector<1x1x1x16xf32>,
        %get3A_1928 = vector.shape_cast %get3A_1927 : vector<1x1x1x16xf32> to vector<16xf32>
        %mul3A_1929 = arith.mulf %get3A_1928, %select_n3A_1786 : vector<16xf32>
        %add3A_1930 = arith.addf %scan3A_1759, %mul3A_1929 : vector<16xf32>
        %add3A_1931 = arith.addf %scan3A_1771, %get3A_1928 : vector<16xf32>
        %get3A_1932 = arith.constant 1 : i32
        %get3A_1933 = arith.constant 1 : i32
        %get3A_1934 = arith.index_cast %get3A_1932 : i32 to index
        %get3A_1935 = arith.index_cast %get3A_1933 : i32 to index
        %get3A_1936 = arith.index_cast %multiple_of3A : i32 to index
        %get3A_1937 = tpu.vector_load %arg6[%get3A_1934, %get3A_1935, %get3A_1936] {strides = array<i32>} : memref<2x8x256xf32, #tpu.memory_space<vmem>>, vector<1x1x16xf32>,
        %get3A_1938 = vector.shape_cast %get3A_1937 : vector<1x1x16xf32> to vector<16xf32>
        %gt3A_1939 = arith.constant 5.000000e-01 : f32
        %gt3A_1940 = vector.broadcast %gt3A_1939 : f32 to vector<16xf32>
        %gt3A_1941 = arith.cmpf ogt, %get3A_1938, %gt3A_1940 : vector<16xf32>
        %jit3A_1942 = arith.constant 1.000000e+00 : f32
        %jit3A_1943 = arith.constant 0.000000e+00 : f32
        %broadcast_in_dim3A_1944 = vector.broadcast %jit3A_1942 : f32 to vector<16xf32>
        %broadcast_in_dim3A_1945 = vector.broadcast %jit3A_1943 : f32 to vector<16xf32>
        %select_n3A_1946 = arith.select %gt3A_1941, %broadcast_in_dim3A_1944, %broadcast_in_dim3A_1945 : vector<16xi1>, vector<16xf32>
        %add3A_1947 = arith.addf %add3A_1787, %select_n3A_1946 : vector<16xf32>
        %get3A_1948 = arith.constant 1 : i32
        %get3A_1949 = arith.constant 0 : i32
        %get3A_1950 = arith.constant 1 : i32
        %get3A_1951 = arith.index_cast %get3A_1948 : i32 to index
        %get3A_1952 = arith.index_cast %get3A_1949 : i32 to index
        %get3A_1953 = arith.index_cast %get3A_1950 : i32 to index
        %get3A_1954 = arith.index_cast %multiple_of3A : i32 to index
        %get3A_1955 = tpu.vector_load %arg5[%get3A_1951, %get3A_1952, %get3A_1953, %get3A_1954] {strides = array<i32>} : memref<2x12x8x256xf32, #tpu.memory_space<vmem>>, vector<1x1x1x16xf32>,
        %get3A_1956 = vector.shape_cast %get3A_1955 : vector<1x1x1x16xf32> to vector<16xf32>
        %mul3A_1957 = arith.mulf %get3A_1956, %select_n3A_1946 : vector<16xf32>
        %add3A_1958 = arith.addf %add3A_1798, %mul3A_1957 : vector<16xf32>
        %add3A_1959 = arith.addf %add3A_1799, %get3A_1956 : vector<16xf32>
        %get3A_1960 = arith.constant 1 : i32
        %get3A_1961 = arith.constant 1 : i32
        %get3A_1962 = arith.constant 1 : i32
        %get3A_1963 = arith.index_cast %get3A_1960 : i32 to index
        %get3A_1964 = arith.index_cast %get3A_1961 : i32 to index
        %get3A_1965 = arith.index_cast %get3A_1962 : i32 to index
        %get3A_1966 = arith.index_cast %multiple_of3A : i32 to index
        %get3A_1967 = tpu.vector_load %arg5[%get3A_1963, %get3A_1964, %get3A_1965, %get3A_1966] {strides = array<i32>} : memref<2x12x8x256xf32, #tpu.memory_space<vmem>>, vector<1x1x1x16xf32>,
        %get3A_1968 = vector.shape_cast %get3A_1967 : vector<1x1x1x16xf32> to vector<16xf32>
        %mul3A_1969 = arith.mulf %get3A_1968, %select_n3A_1946 : vector<16xf32>
        %add3A_1970 = arith.addf %add3A_1810, %mul3A_1969 : vector<16xf32>
        %add3A_1971 = arith.addf %add3A_1811, %get3A_1968 : vector<16xf32>
        %get3A_1972 = arith.constant 1 : i32
        %get3A_1973 = arith.constant 2 : i32
        %get3A_1974 = arith.constant 1 : i32
        %get3A_1975 = arith.index_cast %get3A_1972 : i32 to index
        %get3A_1976 = arith.index_cast %get3A_1973 : i32 to index
        %get3A_1977 = arith.index_cast %get3A_1974 : i32 to index
        %get3A_1978 = arith.index_cast %multiple_of3A : i32 to index
        %get3A_1979 = tpu.vector_load %arg5[%get3A_1975, %get3A_1976, %get3A_1977, %get3A_1978] {strides = array<i32>} : memref<2x12x8x256xf32, #tpu.memory_space<vmem>>, vector<1x1x1x16xf32>,
        %get3A_1980 = vector.shape_cast %get3A_1979 : vector<1x1x1x16xf32> to vector<16xf32>
        %mul3A_1981 = arith.mulf %get3A_1980, %select_n3A_1946 : vector<16xf32>
        %add3A_1982 = arith.addf %add3A_1822, %mul3A_1981 : vector<16xf32>
        %add3A_1983 = arith.addf %add3A_1823, %get3A_1980 : vector<16xf32>
        %get3A_1984 = arith.constant 1 : i32
        %get3A_1985 = arith.constant 3 : i32
        %get3A_1986 = arith.constant 1 : i32
        %get3A_1987 = arith.index_cast %get3A_1984 : i32 to index
        %get3A_1988 = arith.index_cast %get3A_1985 : i32 to index
        %get3A_1989 = arith.index_cast %get3A_1986 : i32 to index
        %get3A_1990 = arith.index_cast %multiple_of3A : i32 to index
        %get3A_1991 = tpu.vector_load %arg5[%get3A_1987, %get3A_1988, %get3A_1989, %get3A_1990] {strides = array<i32>} : memref<2x12x8x256xf32, #tpu.memory_space<vmem>>, vector<1x1x1x16xf32>,
        %get3A_1992 = vector.shape_cast %get3A_1991 : vector<1x1x1x16xf32> to vector<16xf32>
        %mul3A_1993 = arith.mulf %get3A_1992, %select_n3A_1946 : vector<16xf32>
        %add3A_1994 = arith.addf %add3A_1834, %mul3A_1993 : vector<16xf32>
        %add3A_1995 = arith.addf %add3A_1835, %get3A_1992 : vector<16xf32>
        %get3A_1996 = arith.constant 1 : i32
        %get3A_1997 = arith.constant 4 : i32
        %get3A_1998 = arith.constant 1 : i32
        %get3A_1999 = arith.index_cast %get3A_1996 : i32 to index
        %get3A_2000 = arith.index_cast %get3A_1997 : i32 to index
        %get3A_2001 = arith.index_cast %get3A_1998 : i32 to index
        %get3A_2002 = arith.index_cast %multiple_of3A : i32 to index
        %get3A_2003 = tpu.vector_load %arg5[%get3A_1999, %get3A_2000, %get3A_2001, %get3A_2002] {strides = array<i32>} : memref<2x12x8x256xf32, #tpu.memory_space<vmem>>, vector<1x1x1x16xf32>,
        %get3A_2004 = vector.shape_cast %get3A_2003 : vector<1x1x1x16xf32> to vector<16xf32>
        %mul3A_2005 = arith.mulf %get3A_2004, %select_n3A_1946 : vector<16xf32>
        %add3A_2006 = arith.addf %add3A_1846, %mul3A_2005 : vector<16xf32>
        %add3A_2007 = arith.addf %add3A_1847, %get3A_2004 : vector<16xf32>
        %get3A_2008 = arith.constant 1 : i32
        %get3A_2009 = arith.constant 5 : i32
        %get3A_2010 = arith.constant 1 : i32
        %get3A_2011 = arith.index_cast %get3A_2008 : i32 to index
        %get3A_2012 = arith.index_cast %get3A_2009 : i32 to index
        %get3A_2013 = arith.index_cast %get3A_2010 : i32 to index
        %get3A_2014 = arith.index_cast %multiple_of3A : i32 to index
        %get3A_2015 = tpu.vector_load %arg5[%get3A_2011, %get3A_2012, %get3A_2013, %get3A_2014] {strides = array<i32>} : memref<2x12x8x256xf32, #tpu.memory_space<vmem>>, vector<1x1x1x16xf32>,
        %get3A_2016 = vector.shape_cast %get3A_2015 : vector<1x1x1x16xf32> to vector<16xf32>
        %mul3A_2017 = arith.mulf %get3A_2016, %select_n3A_1946 : vector<16xf32>
        %add3A_2018 = arith.addf %add3A_1858, %mul3A_2017 : vector<16xf32>
        %add3A_2019 = arith.addf %add3A_1859, %get3A_2016 : vector<16xf32>
        %get3A_2020 = arith.constant 1 : i32
        %get3A_2021 = arith.constant 6 : i32
        %get3A_2022 = arith.constant 1 : i32
        %get3A_2023 = arith.index_cast %get3A_2020 : i32 to index
        %get3A_2024 = arith.index_cast %get3A_2021 : i32 to index
        %get3A_2025 = arith.index_cast %get3A_2022 : i32 to index
        %get3A_2026 = arith.index_cast %multiple_of3A : i32 to index
        %get3A_2027 = tpu.vector_load %arg5[%get3A_2023, %get3A_2024, %get3A_2025, %get3A_2026] {strides = array<i32>} : memref<2x12x8x256xf32, #tpu.memory_space<vmem>>, vector<1x1x1x16xf32>,
        %get3A_2028 = vector.shape_cast %get3A_2027 : vector<1x1x1x16xf32> to vector<16xf32>
        %mul3A_2029 = arith.mulf %get3A_2028, %select_n3A_1946 : vector<16xf32>
        %add3A_2030 = arith.addf %add3A_1870, %mul3A_2029 : vector<16xf32>
        %add3A_2031 = arith.addf %add3A_1871, %get3A_2028 : vector<16xf32>
        %get3A_2032 = arith.constant 1 : i32
        %get3A_2033 = arith.constant 7 : i32
        %get3A_2034 = arith.constant 1 : i32
        %get3A_2035 = arith.index_cast %get3A_2032 : i32 to index
        %get3A_2036 = arith.index_cast %get3A_2033 : i32 to index
        %get3A_2037 = arith.index_cast %get3A_2034 : i32 to index
        %get3A_2038 = arith.index_cast %multiple_of3A : i32 to index
        %get3A_2039 = tpu.vector_load %arg5[%get3A_2035, %get3A_2036, %get3A_2037, %get3A_2038] {strides = array<i32>} : memref<2x12x8x256xf32, #tpu.memory_space<vmem>>, vector<1x1x1x16xf32>,
        %get3A_2040 = vector.shape_cast %get3A_2039 : vector<1x1x1x16xf32> to vector<16xf32>
        %mul3A_2041 = arith.mulf %get3A_2040, %select_n3A_1946 : vector<16xf32>
        %add3A_2042 = arith.addf %add3A_1882, %mul3A_2041 : vector<16xf32>
        %add3A_2043 = arith.addf %add3A_1883, %get3A_2040 : vector<16xf32>
        %get3A_2044 = arith.constant 1 : i32
        %get3A_2045 = arith.constant 8 : i32
        %get3A_2046 = arith.constant 1 : i32
        %get3A_2047 = arith.index_cast %get3A_2044 : i32 to index
        %get3A_2048 = arith.index_cast %get3A_2045 : i32 to index
        %get3A_2049 = arith.index_cast %get3A_2046 : i32 to index
        %get3A_2050 = arith.index_cast %multiple_of3A : i32 to index
        %get3A_2051 = tpu.vector_load %arg5[%get3A_2047, %get3A_2048, %get3A_2049, %get3A_2050] {strides = array<i32>} : memref<2x12x8x256xf32, #tpu.memory_space<vmem>>, vector<1x1x1x16xf32>,
        %get3A_2052 = vector.shape_cast %get3A_2051 : vector<1x1x1x16xf32> to vector<16xf32>
        %mul3A_2053 = arith.mulf %get3A_2052, %select_n3A_1946 : vector<16xf32>
        %add3A_2054 = arith.addf %add3A_1894, %mul3A_2053 : vector<16xf32>
        %add3A_2055 = arith.addf %add3A_1895, %get3A_2052 : vector<16xf32>
        %get3A_2056 = arith.constant 1 : i32
        %get3A_2057 = arith.constant 9 : i32
        %get3A_2058 = arith.constant 1 : i32
        %get3A_2059 = arith.index_cast %get3A_2056 : i32 to index
        %get3A_2060 = arith.index_cast %get3A_2057 : i32 to index
        %get3A_2061 = arith.index_cast %get3A_2058 : i32 to index
        %get3A_2062 = arith.index_cast %multiple_of3A : i32 to index
        %get3A_2063 = tpu.vector_load %arg5[%get3A_2059, %get3A_2060, %get3A_2061, %get3A_2062] {strides = array<i32>} : memref<2x12x8x256xf32, #tpu.memory_space<vmem>>, vector<1x1x1x16xf32>,
        %get3A_2064 = vector.shape_cast %get3A_2063 : vector<1x1x1x16xf32> to vector<16xf32>
        %mul3A_2065 = arith.mulf %get3A_2064, %select_n3A_1946 : vector<16xf32>
        %add3A_2066 = arith.addf %add3A_1906, %mul3A_2065 : vector<16xf32>
        %add3A_2067 = arith.addf %add3A_1907, %get3A_2064 : vector<16xf32>
        %get3A_2068 = arith.constant 1 : i32
        %get3A_2069 = arith.constant 10 : i32
        %get3A_2070 = arith.constant 1 : i32
        %get3A_2071 = arith.index_cast %get3A_2068 : i32 to index
        %get3A_2072 = arith.index_cast %get3A_2069 : i32 to index
        %get3A_2073 = arith.index_cast %get3A_2070 : i32 to index
        %get3A_2074 = arith.index_cast %multiple_of3A : i32 to index
        %get3A_2075 = tpu.vector_load %arg5[%get3A_2071, %get3A_2072, %get3A_2073, %get3A_2074] {strides = array<i32>} : memref<2x12x8x256xf32, #tpu.memory_space<vmem>>, vector<1x1x1x16xf32>,
        %get3A_2076 = vector.shape_cast %get3A_2075 : vector<1x1x1x16xf32> to vector<16xf32>
        %mul3A_2077 = arith.mulf %get3A_2076, %select_n3A_1946 : vector<16xf32>
        %add3A_2078 = arith.addf %add3A_1918, %mul3A_2077 : vector<16xf32>
        %add3A_2079 = arith.addf %add3A_1919, %get3A_2076 : vector<16xf32>
        %get3A_2080 = arith.constant 1 : i32
        %get3A_2081 = arith.constant 11 : i32
        %get3A_2082 = arith.constant 1 : i32
        %get3A_2083 = arith.index_cast %get3A_2080 : i32 to index
        %get3A_2084 = arith.index_cast %get3A_2081 : i32 to index
        %get3A_2085 = arith.index_cast %get3A_2082 : i32 to index
        %get3A_2086 = arith.index_cast %multiple_of3A : i32 to index
        %get3A_2087 = tpu.vector_load %arg5[%get3A_2083, %get3A_2084, %get3A_2085, %get3A_2086] {strides = array<i32>} : memref<2x12x8x256xf32, #tpu.memory_space<vmem>>, vector<1x1x1x16xf32>,
        %get3A_2088 = vector.shape_cast %get3A_2087 : vector<1x1x1x16xf32> to vector<16xf32>
        %mul3A_2089 = arith.mulf %get3A_2088, %select_n3A_1946 : vector<16xf32>
        %add3A_2090 = arith.addf %add3A_1930, %mul3A_2089 : vector<16xf32>
        %add3A_2091 = arith.addf %add3A_1931, %get3A_2088 : vector<16xf32>
        %get3A_2092 = arith.constant 1 : i32
        %get3A_2093 = arith.constant 2 : i32
        %get3A_2094 = arith.index_cast %get3A_2092 : i32 to index
        %get3A_2095 = arith.index_cast %get3A_2093 : i32 to index
        %get3A_2096 = arith.index_cast %multiple_of3A : i32 to index
        %get3A_2097 = tpu.vector_load %arg6[%get3A_2094, %get3A_2095, %get3A_2096] {strides = array<i32>} : memref<2x8x256xf32, #tpu.memory_space<vmem>>, vector<1x1x16xf32>,
        %get3A_2098 = vector.shape_cast %get3A_2097 : vector<1x1x16xf32> to vector<16xf32>
        %gt3A_2099 = arith.constant 5.000000e-01 : f32
        %gt3A_2100 = vector.broadcast %gt3A_2099 : f32 to vector<16xf32>
        %gt3A_2101 = arith.cmpf ogt, %get3A_2098, %gt3A_2100 : vector<16xf32>
        %jit3A_2102 = arith.constant 1.000000e+00 : f32
        %jit3A_2103 = arith.constant 0.000000e+00 : f32
        %broadcast_in_dim3A_2104 = vector.broadcast %jit3A_2102 : f32 to vector<16xf32>
        %broadcast_in_dim3A_2105 = vector.broadcast %jit3A_2103 : f32 to vector<16xf32>
        %select_n3A_2106 = arith.select %gt3A_2101, %broadcast_in_dim3A_2104, %broadcast_in_dim3A_2105 : vector<16xi1>, vector<16xf32>
        %add3A_2107 = arith.addf %add3A_1947, %select_n3A_2106 : vector<16xf32>
        %get3A_2108 = arith.constant 1 : i32
        %get3A_2109 = arith.constant 0 : i32
        %get3A_2110 = arith.constant 2 : i32
        %get3A_2111 = arith.index_cast %get3A_2108 : i32 to index
        %get3A_2112 = arith.index_cast %get3A_2109 : i32 to index
        %get3A_2113 = arith.index_cast %get3A_2110 : i32 to index
        %get3A_2114 = arith.index_cast %multiple_of3A : i32 to index
        %get3A_2115 = tpu.vector_load %arg5[%get3A_2111, %get3A_2112, %get3A_2113, %get3A_2114] {strides = array<i32>} : memref<2x12x8x256xf32, #tpu.memory_space<vmem>>, vector<1x1x1x16xf32>,
        %get3A_2116 = vector.shape_cast %get3A_2115 : vector<1x1x1x16xf32> to vector<16xf32>
        %mul3A_2117 = arith.mulf %get3A_2116, %select_n3A_2106 : vector<16xf32>
        %add3A_2118 = arith.addf %add3A_1958, %mul3A_2117 : vector<16xf32>
        %add3A_2119 = arith.addf %add3A_1959, %get3A_2116 : vector<16xf32>
        %get3A_2120 = arith.constant 1 : i32
        %get3A_2121 = arith.constant 1 : i32
        %get3A_2122 = arith.constant 2 : i32
        %get3A_2123 = arith.index_cast %get3A_2120 : i32 to index
        %get3A_2124 = arith.index_cast %get3A_2121 : i32 to index
        %get3A_2125 = arith.index_cast %get3A_2122 : i32 to index
        %get3A_2126 = arith.index_cast %multiple_of3A : i32 to index
        %get3A_2127 = tpu.vector_load %arg5[%get3A_2123, %get3A_2124, %get3A_2125, %get3A_2126] {strides = array<i32>} : memref<2x12x8x256xf32, #tpu.memory_space<vmem>>, vector<1x1x1x16xf32>,
        %get3A_2128 = vector.shape_cast %get3A_2127 : vector<1x1x1x16xf32> to vector<16xf32>
        %mul3A_2129 = arith.mulf %get3A_2128, %select_n3A_2106 : vector<16xf32>
        %add3A_2130 = arith.addf %add3A_1970, %mul3A_2129 : vector<16xf32>
        %add3A_2131 = arith.addf %add3A_1971, %get3A_2128 : vector<16xf32>
        %get3A_2132 = arith.constant 1 : i32
        %get3A_2133 = arith.constant 2 : i32
        %get3A_2134 = arith.constant 2 : i32
        %get3A_2135 = arith.index_cast %get3A_2132 : i32 to index
        %get3A_2136 = arith.index_cast %get3A_2133 : i32 to index
        %get3A_2137 = arith.index_cast %get3A_2134 : i32 to index
        %get3A_2138 = arith.index_cast %multiple_of3A : i32 to index
        %get3A_2139 = tpu.vector_load %arg5[%get3A_2135, %get3A_2136, %get3A_2137, %get3A_2138] {strides = array<i32>} : memref<2x12x8x256xf32, #tpu.memory_space<vmem>>, vector<1x1x1x16xf32>,
        %get3A_2140 = vector.shape_cast %get3A_2139 : vector<1x1x1x16xf32> to vector<16xf32>
        %mul3A_2141 = arith.mulf %get3A_2140, %select_n3A_2106 : vector<16xf32>
        %add3A_2142 = arith.addf %add3A_1982, %mul3A_2141 : vector<16xf32>
        %add3A_2143 = arith.addf %add3A_1983, %get3A_2140 : vector<16xf32>
        %get3A_2144 = arith.constant 1 : i32
        %get3A_2145 = arith.constant 3 : i32
        %get3A_2146 = arith.constant 2 : i32
        %get3A_2147 = arith.index_cast %get3A_2144 : i32 to index
        %get3A_2148 = arith.index_cast %get3A_2145 : i32 to index
        %get3A_2149 = arith.index_cast %get3A_2146 : i32 to index
        %get3A_2150 = arith.index_cast %multiple_of3A : i32 to index
        %get3A_2151 = tpu.vector_load %arg5[%get3A_2147, %get3A_2148, %get3A_2149, %get3A_2150] {strides = array<i32>} : memref<2x12x8x256xf32, #tpu.memory_space<vmem>>, vector<1x1x1x16xf32>,
        %get3A_2152 = vector.shape_cast %get3A_2151 : vector<1x1x1x16xf32> to vector<16xf32>
        %mul3A_2153 = arith.mulf %get3A_2152, %select_n3A_2106 : vector<16xf32>
        %add3A_2154 = arith.addf %add3A_1994, %mul3A_2153 : vector<16xf32>
        %add3A_2155 = arith.addf %add3A_1995, %get3A_2152 : vector<16xf32>
        %get3A_2156 = arith.constant 1 : i32
        %get3A_2157 = arith.constant 4 : i32
        %get3A_2158 = arith.constant 2 : i32
        %get3A_2159 = arith.index_cast %get3A_2156 : i32 to index
        %get3A_2160 = arith.index_cast %get3A_2157 : i32 to index
        %get3A_2161 = arith.index_cast %get3A_2158 : i32 to index
        %get3A_2162 = arith.index_cast %multiple_of3A : i32 to index
        %get3A_2163 = tpu.vector_load %arg5[%get3A_2159, %get3A_2160, %get3A_2161, %get3A_2162] {strides = array<i32>} : memref<2x12x8x256xf32, #tpu.memory_space<vmem>>, vector<1x1x1x16xf32>,
        %get3A_2164 = vector.shape_cast %get3A_2163 : vector<1x1x1x16xf32> to vector<16xf32>
        %mul3A_2165 = arith.mulf %get3A_2164, %select_n3A_2106 : vector<16xf32>
        %add3A_2166 = arith.addf %add3A_2006, %mul3A_2165 : vector<16xf32>
        %add3A_2167 = arith.addf %add3A_2007, %get3A_2164 : vector<16xf32>
        %get3A_2168 = arith.constant 1 : i32
        %get3A_2169 = arith.constant 5 : i32
        %get3A_2170 = arith.constant 2 : i32
        %get3A_2171 = arith.index_cast %get3A_2168 : i32 to index
        %get3A_2172 = arith.index_cast %get3A_2169 : i32 to index
        %get3A_2173 = arith.index_cast %get3A_2170 : i32 to index
        %get3A_2174 = arith.index_cast %multiple_of3A : i32 to index
        %get3A_2175 = tpu.vector_load %arg5[%get3A_2171, %get3A_2172, %get3A_2173, %get3A_2174] {strides = array<i32>} : memref<2x12x8x256xf32, #tpu.memory_space<vmem>>, vector<1x1x1x16xf32>,
        %get3A_2176 = vector.shape_cast %get3A_2175 : vector<1x1x1x16xf32> to vector<16xf32>
        %mul3A_2177 = arith.mulf %get3A_2176, %select_n3A_2106 : vector<16xf32>
        %add3A_2178 = arith.addf %add3A_2018, %mul3A_2177 : vector<16xf32>
        %add3A_2179 = arith.addf %add3A_2019, %get3A_2176 : vector<16xf32>
        %get3A_2180 = arith.constant 1 : i32
        %get3A_2181 = arith.constant 6 : i32
        %get3A_2182 = arith.constant 2 : i32
        %get3A_2183 = arith.index_cast %get3A_2180 : i32 to index
        %get3A_2184 = arith.index_cast %get3A_2181 : i32 to index
        %get3A_2185 = arith.index_cast %get3A_2182 : i32 to index
        %get3A_2186 = arith.index_cast %multiple_of3A : i32 to index
        %get3A_2187 = tpu.vector_load %arg5[%get3A_2183, %get3A_2184, %get3A_2185, %get3A_2186] {strides = array<i32>} : memref<2x12x8x256xf32, #tpu.memory_space<vmem>>, vector<1x1x1x16xf32>,
        %get3A_2188 = vector.shape_cast %get3A_2187 : vector<1x1x1x16xf32> to vector<16xf32>
        %mul3A_2189 = arith.mulf %get3A_2188, %select_n3A_2106 : vector<16xf32>
        %add3A_2190 = arith.addf %add3A_2030, %mul3A_2189 : vector<16xf32>
        %add3A_2191 = arith.addf %add3A_2031, %get3A_2188 : vector<16xf32>
        %get3A_2192 = arith.constant 1 : i32
        %get3A_2193 = arith.constant 7 : i32
        %get3A_2194 = arith.constant 2 : i32
        %get3A_2195 = arith.index_cast %get3A_2192 : i32 to index
        %get3A_2196 = arith.index_cast %get3A_2193 : i32 to index
        %get3A_2197 = arith.index_cast %get3A_2194 : i32 to index
        %get3A_2198 = arith.index_cast %multiple_of3A : i32 to index
        %get3A_2199 = tpu.vector_load %arg5[%get3A_2195, %get3A_2196, %get3A_2197, %get3A_2198] {strides = array<i32>} : memref<2x12x8x256xf32, #tpu.memory_space<vmem>>, vector<1x1x1x16xf32>,
        %get3A_2200 = vector.shape_cast %get3A_2199 : vector<1x1x1x16xf32> to vector<16xf32>
        %mul3A_2201 = arith.mulf %get3A_2200, %select_n3A_2106 : vector<16xf32>
        %add3A_2202 = arith.addf %add3A_2042, %mul3A_2201 : vector<16xf32>
        %add3A_2203 = arith.addf %add3A_2043, %get3A_2200 : vector<16xf32>
        %get3A_2204 = arith.constant 1 : i32
        %get3A_2205 = arith.constant 8 : i32
        %get3A_2206 = arith.constant 2 : i32
        %get3A_2207 = arith.index_cast %get3A_2204 : i32 to index
        %get3A_2208 = arith.index_cast %get3A_2205 : i32 to index
        %get3A_2209 = arith.index_cast %get3A_2206 : i32 to index
        %get3A_2210 = arith.index_cast %multiple_of3A : i32 to index
        %get3A_2211 = tpu.vector_load %arg5[%get3A_2207, %get3A_2208, %get3A_2209, %get3A_2210] {strides = array<i32>} : memref<2x12x8x256xf32, #tpu.memory_space<vmem>>, vector<1x1x1x16xf32>,
        %get3A_2212 = vector.shape_cast %get3A_2211 : vector<1x1x1x16xf32> to vector<16xf32>
        %mul3A_2213 = arith.mulf %get3A_2212, %select_n3A_2106 : vector<16xf32>
        %add3A_2214 = arith.addf %add3A_2054, %mul3A_2213 : vector<16xf32>
        %add3A_2215 = arith.addf %add3A_2055, %get3A_2212 : vector<16xf32>
        %get3A_2216 = arith.constant 1 : i32
        %get3A_2217 = arith.constant 9 : i32
        %get3A_2218 = arith.constant 2 : i32
        %get3A_2219 = arith.index_cast %get3A_2216 : i32 to index
        %get3A_2220 = arith.index_cast %get3A_2217 : i32 to index
        %get3A_2221 = arith.index_cast %get3A_2218 : i32 to index
        %get3A_2222 = arith.index_cast %multiple_of3A : i32 to index
        %get3A_2223 = tpu.vector_load %arg5[%get3A_2219, %get3A_2220, %get3A_2221, %get3A_2222] {strides = array<i32>} : memref<2x12x8x256xf32, #tpu.memory_space<vmem>>, vector<1x1x1x16xf32>,
        %get3A_2224 = vector.shape_cast %get3A_2223 : vector<1x1x1x16xf32> to vector<16xf32>
        %mul3A_2225 = arith.mulf %get3A_2224, %select_n3A_2106 : vector<16xf32>
        %add3A_2226 = arith.addf %add3A_2066, %mul3A_2225 : vector<16xf32>
        %add3A_2227 = arith.addf %add3A_2067, %get3A_2224 : vector<16xf32>
        %get3A_2228 = arith.constant 1 : i32
        %get3A_2229 = arith.constant 10 : i32
        %get3A_2230 = arith.constant 2 : i32
        %get3A_2231 = arith.index_cast %get3A_2228 : i32 to index
        %get3A_2232 = arith.index_cast %get3A_2229 : i32 to index
        %get3A_2233 = arith.index_cast %get3A_2230 : i32 to index
        %get3A_2234 = arith.index_cast %multiple_of3A : i32 to index
        %get3A_2235 = tpu.vector_load %arg5[%get3A_2231, %get3A_2232, %get3A_2233, %get3A_2234] {strides = array<i32>} : memref<2x12x8x256xf32, #tpu.memory_space<vmem>>, vector<1x1x1x16xf32>,
        %get3A_2236 = vector.shape_cast %get3A_2235 : vector<1x1x1x16xf32> to vector<16xf32>
        %mul3A_2237 = arith.mulf %get3A_2236, %select_n3A_2106 : vector<16xf32>
        %add3A_2238 = arith.addf %add3A_2078, %mul3A_2237 : vector<16xf32>
        %add3A_2239 = arith.addf %add3A_2079, %get3A_2236 : vector<16xf32>
        %get3A_2240 = arith.constant 1 : i32
        %get3A_2241 = arith.constant 11 : i32
        %get3A_2242 = arith.constant 2 : i32
        %get3A_2243 = arith.index_cast %get3A_2240 : i32 to index
        %get3A_2244 = arith.index_cast %get3A_2241 : i32 to index
        %get3A_2245 = arith.index_cast %get3A_2242 : i32 to index
        %get3A_2246 = arith.index_cast %multiple_of3A : i32 to index
        %get3A_2247 = tpu.vector_load %arg5[%get3A_2243, %get3A_2244, %get3A_2245, %get3A_2246] {strides = array<i32>} : memref<2x12x8x256xf32, #tpu.memory_space<vmem>>, vector<1x1x1x16xf32>,
        %get3A_2248 = vector.shape_cast %get3A_2247 : vector<1x1x1x16xf32> to vector<16xf32>
        %mul3A_2249 = arith.mulf %get3A_2248, %select_n3A_2106 : vector<16xf32>
        %add3A_2250 = arith.addf %add3A_2090, %mul3A_2249 : vector<16xf32>
        %add3A_2251 = arith.addf %add3A_2091, %get3A_2248 : vector<16xf32>
        %get3A_2252 = arith.constant 1 : i32
        %get3A_2253 = arith.constant 3 : i32
        %get3A_2254 = arith.index_cast %get3A_2252 : i32 to index
        %get3A_2255 = arith.index_cast %get3A_2253 : i32 to index
        %get3A_2256 = arith.index_cast %multiple_of3A : i32 to index
        %get3A_2257 = tpu.vector_load %arg6[%get3A_2254, %get3A_2255, %get3A_2256] {strides = array<i32>} : memref<2x8x256xf32, #tpu.memory_space<vmem>>, vector<1x1x16xf32>,
        %get3A_2258 = vector.shape_cast %get3A_2257 : vector<1x1x16xf32> to vector<16xf32>
        %gt3A_2259 = arith.constant 5.000000e-01 : f32
        %gt3A_2260 = vector.broadcast %gt3A_2259 : f32 to vector<16xf32>
        %gt3A_2261 = arith.cmpf ogt, %get3A_2258, %gt3A_2260 : vector<16xf32>
        %jit3A_2262 = arith.constant 1.000000e+00 : f32
        %jit3A_2263 = arith.constant 0.000000e+00 : f32
        %broadcast_in_dim3A_2264 = vector.broadcast %jit3A_2262 : f32 to vector<16xf32>
        %broadcast_in_dim3A_2265 = vector.broadcast %jit3A_2263 : f32 to vector<16xf32>
        %select_n3A_2266 = arith.select %gt3A_2261, %broadcast_in_dim3A_2264, %broadcast_in_dim3A_2265 : vector<16xi1>, vector<16xf32>
        %add3A_2267 = arith.addf %add3A_2107, %select_n3A_2266 : vector<16xf32>
        %get3A_2268 = arith.constant 1 : i32
        %get3A_2269 = arith.constant 0 : i32
        %get3A_2270 = arith.constant 3 : i32
        %get3A_2271 = arith.index_cast %get3A_2268 : i32 to index
        %get3A_2272 = arith.index_cast %get3A_2269 : i32 to index
        %get3A_2273 = arith.index_cast %get3A_2270 : i32 to index
        %get3A_2274 = arith.index_cast %multiple_of3A : i32 to index
        %get3A_2275 = tpu.vector_load %arg5[%get3A_2271, %get3A_2272, %get3A_2273, %get3A_2274] {strides = array<i32>} : memref<2x12x8x256xf32, #tpu.memory_space<vmem>>, vector<1x1x1x16xf32>,
        %get3A_2276 = vector.shape_cast %get3A_2275 : vector<1x1x1x16xf32> to vector<16xf32>
        %mul3A_2277 = arith.mulf %get3A_2276, %select_n3A_2266 : vector<16xf32>
        %add3A_2278 = arith.addf %add3A_2118, %mul3A_2277 : vector<16xf32>
        %add3A_2279 = arith.addf %add3A_2119, %get3A_2276 : vector<16xf32>
        %get3A_2280 = arith.constant 1 : i32
        %get3A_2281 = arith.constant 1 : i32
        %get3A_2282 = arith.constant 3 : i32
        %get3A_2283 = arith.index_cast %get3A_2280 : i32 to index
        %get3A_2284 = arith.index_cast %get3A_2281 : i32 to index
        %get3A_2285 = arith.index_cast %get3A_2282 : i32 to index
        %get3A_2286 = arith.index_cast %multiple_of3A : i32 to index
        %get3A_2287 = tpu.vector_load %arg5[%get3A_2283, %get3A_2284, %get3A_2285, %get3A_2286] {strides = array<i32>} : memref<2x12x8x256xf32, #tpu.memory_space<vmem>>, vector<1x1x1x16xf32>,
        %get3A_2288 = vector.shape_cast %get3A_2287 : vector<1x1x1x16xf32> to vector<16xf32>
        %mul3A_2289 = arith.mulf %get3A_2288, %select_n3A_2266 : vector<16xf32>
        %add3A_2290 = arith.addf %add3A_2130, %mul3A_2289 : vector<16xf32>
        %add3A_2291 = arith.addf %add3A_2131, %get3A_2288 : vector<16xf32>
        %get3A_2292 = arith.constant 1 : i32
        %get3A_2293 = arith.constant 2 : i32
        %get3A_2294 = arith.constant 3 : i32
        %get3A_2295 = arith.index_cast %get3A_2292 : i32 to index
        %get3A_2296 = arith.index_cast %get3A_2293 : i32 to index
        %get3A_2297 = arith.index_cast %get3A_2294 : i32 to index
        %get3A_2298 = arith.index_cast %multiple_of3A : i32 to index
        %get3A_2299 = tpu.vector_load %arg5[%get3A_2295, %get3A_2296, %get3A_2297, %get3A_2298] {strides = array<i32>} : memref<2x12x8x256xf32, #tpu.memory_space<vmem>>, vector<1x1x1x16xf32>,
        %get3A_2300 = vector.shape_cast %get3A_2299 : vector<1x1x1x16xf32> to vector<16xf32>
        %mul3A_2301 = arith.mulf %get3A_2300, %select_n3A_2266 : vector<16xf32>
        %add3A_2302 = arith.addf %add3A_2142, %mul3A_2301 : vector<16xf32>
        %add3A_2303 = arith.addf %add3A_2143, %get3A_2300 : vector<16xf32>
        %get3A_2304 = arith.constant 1 : i32
        %get3A_2305 = arith.constant 3 : i32
        %get3A_2306 = arith.constant 3 : i32
        %get3A_2307 = arith.index_cast %get3A_2304 : i32 to index
        %get3A_2308 = arith.index_cast %get3A_2305 : i32 to index
        %get3A_2309 = arith.index_cast %get3A_2306 : i32 to index
        %get3A_2310 = arith.index_cast %multiple_of3A : i32 to index
        %get3A_2311 = tpu.vector_load %arg5[%get3A_2307, %get3A_2308, %get3A_2309, %get3A_2310] {strides = array<i32>} : memref<2x12x8x256xf32, #tpu.memory_space<vmem>>, vector<1x1x1x16xf32>,
        %get3A_2312 = vector.shape_cast %get3A_2311 : vector<1x1x1x16xf32> to vector<16xf32>
        %mul3A_2313 = arith.mulf %get3A_2312, %select_n3A_2266 : vector<16xf32>
        %add3A_2314 = arith.addf %add3A_2154, %mul3A_2313 : vector<16xf32>
        %add3A_2315 = arith.addf %add3A_2155, %get3A_2312 : vector<16xf32>
        %get3A_2316 = arith.constant 1 : i32
        %get3A_2317 = arith.constant 4 : i32
        %get3A_2318 = arith.constant 3 : i32
        %get3A_2319 = arith.index_cast %get3A_2316 : i32 to index
        %get3A_2320 = arith.index_cast %get3A_2317 : i32 to index
        %get3A_2321 = arith.index_cast %get3A_2318 : i32 to index
        %get3A_2322 = arith.index_cast %multiple_of3A : i32 to index
        %get3A_2323 = tpu.vector_load %arg5[%get3A_2319, %get3A_2320, %get3A_2321, %get3A_2322] {strides = array<i32>} : memref<2x12x8x256xf32, #tpu.memory_space<vmem>>, vector<1x1x1x16xf32>,
        %get3A_2324 = vector.shape_cast %get3A_2323 : vector<1x1x1x16xf32> to vector<16xf32>
        %mul3A_2325 = arith.mulf %get3A_2324, %select_n3A_2266 : vector<16xf32>
        %add3A_2326 = arith.addf %add3A_2166, %mul3A_2325 : vector<16xf32>
        %add3A_2327 = arith.addf %add3A_2167, %get3A_2324 : vector<16xf32>
        %get3A_2328 = arith.constant 1 : i32
        %get3A_2329 = arith.constant 5 : i32
        %get3A_2330 = arith.constant 3 : i32
        %get3A_2331 = arith.index_cast %get3A_2328 : i32 to index
        %get3A_2332 = arith.index_cast %get3A_2329 : i32 to index
        %get3A_2333 = arith.index_cast %get3A_2330 : i32 to index
        %get3A_2334 = arith.index_cast %multiple_of3A : i32 to index
        %get3A_2335 = tpu.vector_load %arg5[%get3A_2331, %get3A_2332, %get3A_2333, %get3A_2334] {strides = array<i32>} : memref<2x12x8x256xf32, #tpu.memory_space<vmem>>, vector<1x1x1x16xf32>,
        %get3A_2336 = vector.shape_cast %get3A_2335 : vector<1x1x1x16xf32> to vector<16xf32>
        %mul3A_2337 = arith.mulf %get3A_2336, %select_n3A_2266 : vector<16xf32>
        %add3A_2338 = arith.addf %add3A_2178, %mul3A_2337 : vector<16xf32>
        %add3A_2339 = arith.addf %add3A_2179, %get3A_2336 : vector<16xf32>
        %get3A_2340 = arith.constant 1 : i32
        %get3A_2341 = arith.constant 6 : i32
        %get3A_2342 = arith.constant 3 : i32
        %get3A_2343 = arith.index_cast %get3A_2340 : i32 to index
        %get3A_2344 = arith.index_cast %get3A_2341 : i32 to index
        %get3A_2345 = arith.index_cast %get3A_2342 : i32 to index
        %get3A_2346 = arith.index_cast %multiple_of3A : i32 to index
        %get3A_2347 = tpu.vector_load %arg5[%get3A_2343, %get3A_2344, %get3A_2345, %get3A_2346] {strides = array<i32>} : memref<2x12x8x256xf32, #tpu.memory_space<vmem>>, vector<1x1x1x16xf32>,
        %get3A_2348 = vector.shape_cast %get3A_2347 : vector<1x1x1x16xf32> to vector<16xf32>
        %mul3A_2349 = arith.mulf %get3A_2348, %select_n3A_2266 : vector<16xf32>
        %add3A_2350 = arith.addf %add3A_2190, %mul3A_2349 : vector<16xf32>
        %add3A_2351 = arith.addf %add3A_2191, %get3A_2348 : vector<16xf32>
        %get3A_2352 = arith.constant 1 : i32
        %get3A_2353 = arith.constant 7 : i32
        %get3A_2354 = arith.constant 3 : i32
        %get3A_2355 = arith.index_cast %get3A_2352 : i32 to index
        %get3A_2356 = arith.index_cast %get3A_2353 : i32 to index
        %get3A_2357 = arith.index_cast %get3A_2354 : i32 to index
        %get3A_2358 = arith.index_cast %multiple_of3A : i32 to index
        %get3A_2359 = tpu.vector_load %arg5[%get3A_2355, %get3A_2356, %get3A_2357, %get3A_2358] {strides = array<i32>} : memref<2x12x8x256xf32, #tpu.memory_space<vmem>>, vector<1x1x1x16xf32>,
        %get3A_2360 = vector.shape_cast %get3A_2359 : vector<1x1x1x16xf32> to vector<16xf32>
        %mul3A_2361 = arith.mulf %get3A_2360, %select_n3A_2266 : vector<16xf32>
        %add3A_2362 = arith.addf %add3A_2202, %mul3A_2361 : vector<16xf32>
        %add3A_2363 = arith.addf %add3A_2203, %get3A_2360 : vector<16xf32>
        %get3A_2364 = arith.constant 1 : i32
        %get3A_2365 = arith.constant 8 : i32
        %get3A_2366 = arith.constant 3 : i32
        %get3A_2367 = arith.index_cast %get3A_2364 : i32 to index
        %get3A_2368 = arith.index_cast %get3A_2365 : i32 to index
        %get3A_2369 = arith.index_cast %get3A_2366 : i32 to index
        %get3A_2370 = arith.index_cast %multiple_of3A : i32 to index
        %get3A_2371 = tpu.vector_load %arg5[%get3A_2367, %get3A_2368, %get3A_2369, %get3A_2370] {strides = array<i32>} : memref<2x12x8x256xf32, #tpu.memory_space<vmem>>, vector<1x1x1x16xf32>,
        %get3A_2372 = vector.shape_cast %get3A_2371 : vector<1x1x1x16xf32> to vector<16xf32>
        %mul3A_2373 = arith.mulf %get3A_2372, %select_n3A_2266 : vector<16xf32>
        %add3A_2374 = arith.addf %add3A_2214, %mul3A_2373 : vector<16xf32>
        %add3A_2375 = arith.addf %add3A_2215, %get3A_2372 : vector<16xf32>
        %get3A_2376 = arith.constant 1 : i32
        %get3A_2377 = arith.constant 9 : i32
        %get3A_2378 = arith.constant 3 : i32
        %get3A_2379 = arith.index_cast %get3A_2376 : i32 to index
        %get3A_2380 = arith.index_cast %get3A_2377 : i32 to index
        %get3A_2381 = arith.index_cast %get3A_2378 : i32 to index
        %get3A_2382 = arith.index_cast %multiple_of3A : i32 to index
        %get3A_2383 = tpu.vector_load %arg5[%get3A_2379, %get3A_2380, %get3A_2381, %get3A_2382] {strides = array<i32>} : memref<2x12x8x256xf32, #tpu.memory_space<vmem>>, vector<1x1x1x16xf32>,
        %get3A_2384 = vector.shape_cast %get3A_2383 : vector<1x1x1x16xf32> to vector<16xf32>
        %mul3A_2385 = arith.mulf %get3A_2384, %select_n3A_2266 : vector<16xf32>
        %add3A_2386 = arith.addf %add3A_2226, %mul3A_2385 : vector<16xf32>
        %add3A_2387 = arith.addf %add3A_2227, %get3A_2384 : vector<16xf32>
        %get3A_2388 = arith.constant 1 : i32
        %get3A_2389 = arith.constant 10 : i32
        %get3A_2390 = arith.constant 3 : i32
        %get3A_2391 = arith.index_cast %get3A_2388 : i32 to index
        %get3A_2392 = arith.index_cast %get3A_2389 : i32 to index
        %get3A_2393 = arith.index_cast %get3A_2390 : i32 to index
        %get3A_2394 = arith.index_cast %multiple_of3A : i32 to index
        %get3A_2395 = tpu.vector_load %arg5[%get3A_2391, %get3A_2392, %get3A_2393, %get3A_2394] {strides = array<i32>} : memref<2x12x8x256xf32, #tpu.memory_space<vmem>>, vector<1x1x1x16xf32>,
        %get3A_2396 = vector.shape_cast %get3A_2395 : vector<1x1x1x16xf32> to vector<16xf32>
        %mul3A_2397 = arith.mulf %get3A_2396, %select_n3A_2266 : vector<16xf32>
        %add3A_2398 = arith.addf %add3A_2238, %mul3A_2397 : vector<16xf32>
        %add3A_2399 = arith.addf %add3A_2239, %get3A_2396 : vector<16xf32>
        %get3A_2400 = arith.constant 1 : i32
        %get3A_2401 = arith.constant 11 : i32
        %get3A_2402 = arith.constant 3 : i32
        %get3A_2403 = arith.index_cast %get3A_2400 : i32 to index
        %get3A_2404 = arith.index_cast %get3A_2401 : i32 to index
        %get3A_2405 = arith.index_cast %get3A_2402 : i32 to index
        %get3A_2406 = arith.index_cast %multiple_of3A : i32 to index
        %get3A_2407 = tpu.vector_load %arg5[%get3A_2403, %get3A_2404, %get3A_2405, %get3A_2406] {strides = array<i32>} : memref<2x12x8x256xf32, #tpu.memory_space<vmem>>, vector<1x1x1x16xf32>,
        %get3A_2408 = vector.shape_cast %get3A_2407 : vector<1x1x1x16xf32> to vector<16xf32>
        %mul3A_2409 = arith.mulf %get3A_2408, %select_n3A_2266 : vector<16xf32>
        %add3A_2410 = arith.addf %add3A_2250, %mul3A_2409 : vector<16xf32>
        %add3A_2411 = arith.addf %add3A_2251, %get3A_2408 : vector<16xf32>
        %get3A_2412 = arith.constant 1 : i32
        %get3A_2413 = arith.constant 4 : i32
        %get3A_2414 = arith.index_cast %get3A_2412 : i32 to index
        %get3A_2415 = arith.index_cast %get3A_2413 : i32 to index
        %get3A_2416 = arith.index_cast %multiple_of3A : i32 to index
        %get3A_2417 = tpu.vector_load %arg6[%get3A_2414, %get3A_2415, %get3A_2416] {strides = array<i32>} : memref<2x8x256xf32, #tpu.memory_space<vmem>>, vector<1x1x16xf32>,
        %get3A_2418 = vector.shape_cast %get3A_2417 : vector<1x1x16xf32> to vector<16xf32>
        %gt3A_2419 = arith.constant 5.000000e-01 : f32
        %gt3A_2420 = vector.broadcast %gt3A_2419 : f32 to vector<16xf32>
        %gt3A_2421 = arith.cmpf ogt, %get3A_2418, %gt3A_2420 : vector<16xf32>
        %jit3A_2422 = arith.constant 1.000000e+00 : f32
        %jit3A_2423 = arith.constant 0.000000e+00 : f32
        %broadcast_in_dim3A_2424 = vector.broadcast %jit3A_2422 : f32 to vector<16xf32>
        %broadcast_in_dim3A_2425 = vector.broadcast %jit3A_2423 : f32 to vector<16xf32>
        %select_n3A_2426 = arith.select %gt3A_2421, %broadcast_in_dim3A_2424, %broadcast_in_dim3A_2425 : vector<16xi1>, vector<16xf32>
        %add3A_2427 = arith.addf %add3A_2267, %select_n3A_2426 : vector<16xf32>
        %get3A_2428 = arith.constant 1 : i32
        %get3A_2429 = arith.constant 0 : i32
        %get3A_2430 = arith.constant 4 : i32
        %get3A_2431 = arith.index_cast %get3A_2428 : i32 to index
        %get3A_2432 = arith.index_cast %get3A_2429 : i32 to index
        %get3A_2433 = arith.index_cast %get3A_2430 : i32 to index
        %get3A_2434 = arith.index_cast %multiple_of3A : i32 to index
        %get3A_2435 = tpu.vector_load %arg5[%get3A_2431, %get3A_2432, %get3A_2433, %get3A_2434] {strides = array<i32>} : memref<2x12x8x256xf32, #tpu.memory_space<vmem>>, vector<1x1x1x16xf32>,
        %get3A_2436 = vector.shape_cast %get3A_2435 : vector<1x1x1x16xf32> to vector<16xf32>
        %mul3A_2437 = arith.mulf %get3A_2436, %select_n3A_2426 : vector<16xf32>
        %add3A_2438 = arith.addf %add3A_2278, %mul3A_2437 : vector<16xf32>
        %add3A_2439 = arith.addf %add3A_2279, %get3A_2436 : vector<16xf32>
        %get3A_2440 = arith.constant 1 : i32
        %get3A_2441 = arith.constant 1 : i32
        %get3A_2442 = arith.constant 4 : i32
        %get3A_2443 = arith.index_cast %get3A_2440 : i32 to index
        %get3A_2444 = arith.index_cast %get3A_2441 : i32 to index
        %get3A_2445 = arith.index_cast %get3A_2442 : i32 to index
        %get3A_2446 = arith.index_cast %multiple_of3A : i32 to index
        %get3A_2447 = tpu.vector_load %arg5[%get3A_2443, %get3A_2444, %get3A_2445, %get3A_2446] {strides = array<i32>} : memref<2x12x8x256xf32, #tpu.memory_space<vmem>>, vector<1x1x1x16xf32>,
        %get3A_2448 = vector.shape_cast %get3A_2447 : vector<1x1x1x16xf32> to vector<16xf32>
        %mul3A_2449 = arith.mulf %get3A_2448, %select_n3A_2426 : vector<16xf32>
        %add3A_2450 = arith.addf %add3A_2290, %mul3A_2449 : vector<16xf32>
        %add3A_2451 = arith.addf %add3A_2291, %get3A_2448 : vector<16xf32>
        %get3A_2452 = arith.constant 1 : i32
        %get3A_2453 = arith.constant 2 : i32
        %get3A_2454 = arith.constant 4 : i32
        %get3A_2455 = arith.index_cast %get3A_2452 : i32 to index
        %get3A_2456 = arith.index_cast %get3A_2453 : i32 to index
        %get3A_2457 = arith.index_cast %get3A_2454 : i32 to index
        %get3A_2458 = arith.index_cast %multiple_of3A : i32 to index
        %get3A_2459 = tpu.vector_load %arg5[%get3A_2455, %get3A_2456, %get3A_2457, %get3A_2458] {strides = array<i32>} : memref<2x12x8x256xf32, #tpu.memory_space<vmem>>, vector<1x1x1x16xf32>,
        %get3A_2460 = vector.shape_cast %get3A_2459 : vector<1x1x1x16xf32> to vector<16xf32>
        %mul3A_2461 = arith.mulf %get3A_2460, %select_n3A_2426 : vector<16xf32>
        %add3A_2462 = arith.addf %add3A_2302, %mul3A_2461 : vector<16xf32>
        %add3A_2463 = arith.addf %add3A_2303, %get3A_2460 : vector<16xf32>
        %get3A_2464 = arith.constant 1 : i32
        %get3A_2465 = arith.constant 3 : i32
        %get3A_2466 = arith.constant 4 : i32
        %get3A_2467 = arith.index_cast %get3A_2464 : i32 to index
        %get3A_2468 = arith.index_cast %get3A_2465 : i32 to index
        %get3A_2469 = arith.index_cast %get3A_2466 : i32 to index
        %get3A_2470 = arith.index_cast %multiple_of3A : i32 to index
        %get3A_2471 = tpu.vector_load %arg5[%get3A_2467, %get3A_2468, %get3A_2469, %get3A_2470] {strides = array<i32>} : memref<2x12x8x256xf32, #tpu.memory_space<vmem>>, vector<1x1x1x16xf32>,
        %get3A_2472 = vector.shape_cast %get3A_2471 : vector<1x1x1x16xf32> to vector<16xf32>
        %mul3A_2473 = arith.mulf %get3A_2472, %select_n3A_2426 : vector<16xf32>
        %add3A_2474 = arith.addf %add3A_2314, %mul3A_2473 : vector<16xf32>
        %add3A_2475 = arith.addf %add3A_2315, %get3A_2472 : vector<16xf32>
        %get3A_2476 = arith.constant 1 : i32
        %get3A_2477 = arith.constant 4 : i32
        %get3A_2478 = arith.constant 4 : i32
        %get3A_2479 = arith.index_cast %get3A_2476 : i32 to index
        %get3A_2480 = arith.index_cast %get3A_2477 : i32 to index
        %get3A_2481 = arith.index_cast %get3A_2478 : i32 to index
        %get3A_2482 = arith.index_cast %multiple_of3A : i32 to index
        %get3A_2483 = tpu.vector_load %arg5[%get3A_2479, %get3A_2480, %get3A_2481, %get3A_2482] {strides = array<i32>} : memref<2x12x8x256xf32, #tpu.memory_space<vmem>>, vector<1x1x1x16xf32>,
        %get3A_2484 = vector.shape_cast %get3A_2483 : vector<1x1x1x16xf32> to vector<16xf32>
        %mul3A_2485 = arith.mulf %get3A_2484, %select_n3A_2426 : vector<16xf32>
        %add3A_2486 = arith.addf %add3A_2326, %mul3A_2485 : vector<16xf32>
        %add3A_2487 = arith.addf %add3A_2327, %get3A_2484 : vector<16xf32>
        %get3A_2488 = arith.constant 1 : i32
        %get3A_2489 = arith.constant 5 : i32
        %get3A_2490 = arith.constant 4 : i32
        %get3A_2491 = arith.index_cast %get3A_2488 : i32 to index
        %get3A_2492 = arith.index_cast %get3A_2489 : i32 to index
        %get3A_2493 = arith.index_cast %get3A_2490 : i32 to index
        %get3A_2494 = arith.index_cast %multiple_of3A : i32 to index
        %get3A_2495 = tpu.vector_load %arg5[%get3A_2491, %get3A_2492, %get3A_2493, %get3A_2494] {strides = array<i32>} : memref<2x12x8x256xf32, #tpu.memory_space<vmem>>, vector<1x1x1x16xf32>,
        %get3A_2496 = vector.shape_cast %get3A_2495 : vector<1x1x1x16xf32> to vector<16xf32>
        %mul3A_2497 = arith.mulf %get3A_2496, %select_n3A_2426 : vector<16xf32>
        %add3A_2498 = arith.addf %add3A_2338, %mul3A_2497 : vector<16xf32>
        %add3A_2499 = arith.addf %add3A_2339, %get3A_2496 : vector<16xf32>
        %get3A_2500 = arith.constant 1 : i32
        %get3A_2501 = arith.constant 6 : i32
        %get3A_2502 = arith.constant 4 : i32
        %get3A_2503 = arith.index_cast %get3A_2500 : i32 to index
        %get3A_2504 = arith.index_cast %get3A_2501 : i32 to index
        %get3A_2505 = arith.index_cast %get3A_2502 : i32 to index
        %get3A_2506 = arith.index_cast %multiple_of3A : i32 to index
        %get3A_2507 = tpu.vector_load %arg5[%get3A_2503, %get3A_2504, %get3A_2505, %get3A_2506] {strides = array<i32>} : memref<2x12x8x256xf32, #tpu.memory_space<vmem>>, vector<1x1x1x16xf32>,
        %get3A_2508 = vector.shape_cast %get3A_2507 : vector<1x1x1x16xf32> to vector<16xf32>
        %mul3A_2509 = arith.mulf %get3A_2508, %select_n3A_2426 : vector<16xf32>
        %add3A_2510 = arith.addf %add3A_2350, %mul3A_2509 : vector<16xf32>
        %add3A_2511 = arith.addf %add3A_2351, %get3A_2508 : vector<16xf32>
        %get3A_2512 = arith.constant 1 : i32
        %get3A_2513 = arith.constant 7 : i32
        %get3A_2514 = arith.constant 4 : i32
        %get3A_2515 = arith.index_cast %get3A_2512 : i32 to index
        %get3A_2516 = arith.index_cast %get3A_2513 : i32 to index
        %get3A_2517 = arith.index_cast %get3A_2514 : i32 to index
        %get3A_2518 = arith.index_cast %multiple_of3A : i32 to index
        %get3A_2519 = tpu.vector_load %arg5[%get3A_2515, %get3A_2516, %get3A_2517, %get3A_2518] {strides = array<i32>} : memref<2x12x8x256xf32, #tpu.memory_space<vmem>>, vector<1x1x1x16xf32>,
        %get3A_2520 = vector.shape_cast %get3A_2519 : vector<1x1x1x16xf32> to vector<16xf32>
        %mul3A_2521 = arith.mulf %get3A_2520, %select_n3A_2426 : vector<16xf32>
        %add3A_2522 = arith.addf %add3A_2362, %mul3A_2521 : vector<16xf32>
        %add3A_2523 = arith.addf %add3A_2363, %get3A_2520 : vector<16xf32>
        %get3A_2524 = arith.constant 1 : i32
        %get3A_2525 = arith.constant 8 : i32
        %get3A_2526 = arith.constant 4 : i32
        %get3A_2527 = arith.index_cast %get3A_2524 : i32 to index
        %get3A_2528 = arith.index_cast %get3A_2525 : i32 to index
        %get3A_2529 = arith.index_cast %get3A_2526 : i32 to index
        %get3A_2530 = arith.index_cast %multiple_of3A : i32 to index
        %get3A_2531 = tpu.vector_load %arg5[%get3A_2527, %get3A_2528, %get3A_2529, %get3A_2530] {strides = array<i32>} : memref<2x12x8x256xf32, #tpu.memory_space<vmem>>, vector<1x1x1x16xf32>,
        %get3A_2532 = vector.shape_cast %get3A_2531 : vector<1x1x1x16xf32> to vector<16xf32>
        %mul3A_2533 = arith.mulf %get3A_2532, %select_n3A_2426 : vector<16xf32>
        %add3A_2534 = arith.addf %add3A_2374, %mul3A_2533 : vector<16xf32>
        %add3A_2535 = arith.addf %add3A_2375, %get3A_2532 : vector<16xf32>
        %get3A_2536 = arith.constant 1 : i32
        %get3A_2537 = arith.constant 9 : i32
        %get3A_2538 = arith.constant 4 : i32
        %get3A_2539 = arith.index_cast %get3A_2536 : i32 to index
        %get3A_2540 = arith.index_cast %get3A_2537 : i32 to index
        %get3A_2541 = arith.index_cast %get3A_2538 : i32 to index
        %get3A_2542 = arith.index_cast %multiple_of3A : i32 to index
        %get3A_2543 = tpu.vector_load %arg5[%get3A_2539, %get3A_2540, %get3A_2541, %get3A_2542] {strides = array<i32>} : memref<2x12x8x256xf32, #tpu.memory_space<vmem>>, vector<1x1x1x16xf32>,
        %get3A_2544 = vector.shape_cast %get3A_2543 : vector<1x1x1x16xf32> to vector<16xf32>
        %mul3A_2545 = arith.mulf %get3A_2544, %select_n3A_2426 : vector<16xf32>
        %add3A_2546 = arith.addf %add3A_2386, %mul3A_2545 : vector<16xf32>
        %add3A_2547 = arith.addf %add3A_2387, %get3A_2544 : vector<16xf32>
        %get3A_2548 = arith.constant 1 : i32
        %get3A_2549 = arith.constant 10 : i32
        %get3A_2550 = arith.constant 4 : i32
        %get3A_2551 = arith.index_cast %get3A_2548 : i32 to index
        %get3A_2552 = arith.index_cast %get3A_2549 : i32 to index
        %get3A_2553 = arith.index_cast %get3A_2550 : i32 to index
        %get3A_2554 = arith.index_cast %multiple_of3A : i32 to index
        %get3A_2555 = tpu.vector_load %arg5[%get3A_2551, %get3A_2552, %get3A_2553, %get3A_2554] {strides = array<i32>} : memref<2x12x8x256xf32, #tpu.memory_space<vmem>>, vector<1x1x1x16xf32>,
        %get3A_2556 = vector.shape_cast %get3A_2555 : vector<1x1x1x16xf32> to vector<16xf32>
        %mul3A_2557 = arith.mulf %get3A_2556, %select_n3A_2426 : vector<16xf32>
        %add3A_2558 = arith.addf %add3A_2398, %mul3A_2557 : vector<16xf32>
        %add3A_2559 = arith.addf %add3A_2399, %get3A_2556 : vector<16xf32>
        %get3A_2560 = arith.constant 1 : i32
        %get3A_2561 = arith.constant 11 : i32
        %get3A_2562 = arith.constant 4 : i32
        %get3A_2563 = arith.index_cast %get3A_2560 : i32 to index
        %get3A_2564 = arith.index_cast %get3A_2561 : i32 to index
        %get3A_2565 = arith.index_cast %get3A_2562 : i32 to index
        %get3A_2566 = arith.index_cast %multiple_of3A : i32 to index
        %get3A_2567 = tpu.vector_load %arg5[%get3A_2563, %get3A_2564, %get3A_2565, %get3A_2566] {strides = array<i32>} : memref<2x12x8x256xf32, #tpu.memory_space<vmem>>, vector<1x1x1x16xf32>,
        %get3A_2568 = vector.shape_cast %get3A_2567 : vector<1x1x1x16xf32> to vector<16xf32>
        %mul3A_2569 = arith.mulf %get3A_2568, %select_n3A_2426 : vector<16xf32>
        %add3A_2570 = arith.addf %add3A_2410, %mul3A_2569 : vector<16xf32>
        %add3A_2571 = arith.addf %add3A_2411, %get3A_2568 : vector<16xf32>
        %get3A_2572 = arith.constant 1 : i32
        %get3A_2573 = arith.constant 5 : i32
        %get3A_2574 = arith.index_cast %get3A_2572 : i32 to index
        %get3A_2575 = arith.index_cast %get3A_2573 : i32 to index
        %get3A_2576 = arith.index_cast %multiple_of3A : i32 to index
        %get3A_2577 = tpu.vector_load %arg6[%get3A_2574, %get3A_2575, %get3A_2576] {strides = array<i32>} : memref<2x8x256xf32, #tpu.memory_space<vmem>>, vector<1x1x16xf32>,
        %get3A_2578 = vector.shape_cast %get3A_2577 : vector<1x1x16xf32> to vector<16xf32>
        %gt3A_2579 = arith.constant 5.000000e-01 : f32
        %gt3A_2580 = vector.broadcast %gt3A_2579 : f32 to vector<16xf32>
        %gt3A_2581 = arith.cmpf ogt, %get3A_2578, %gt3A_2580 : vector<16xf32>
        %jit3A_2582 = arith.constant 1.000000e+00 : f32
        %jit3A_2583 = arith.constant 0.000000e+00 : f32
        %broadcast_in_dim3A_2584 = vector.broadcast %jit3A_2582 : f32 to vector<16xf32>
        %broadcast_in_dim3A_2585 = vector.broadcast %jit3A_2583 : f32 to vector<16xf32>
        %select_n3A_2586 = arith.select %gt3A_2581, %broadcast_in_dim3A_2584, %broadcast_in_dim3A_2585 : vector<16xi1>, vector<16xf32>
        %add3A_2587 = arith.addf %add3A_2427, %select_n3A_2586 : vector<16xf32>
        %get3A_2588 = arith.constant 1 : i32
        %get3A_2589 = arith.constant 0 : i32
        %get3A_2590 = arith.constant 5 : i32
        %get3A_2591 = arith.index_cast %get3A_2588 : i32 to index
        %get3A_2592 = arith.index_cast %get3A_2589 : i32 to index
        %get3A_2593 = arith.index_cast %get3A_2590 : i32 to index
        %get3A_2594 = arith.index_cast %multiple_of3A : i32 to index
        %get3A_2595 = tpu.vector_load %arg5[%get3A_2591, %get3A_2592, %get3A_2593, %get3A_2594] {strides = array<i32>} : memref<2x12x8x256xf32, #tpu.memory_space<vmem>>, vector<1x1x1x16xf32>,
        %get3A_2596 = vector.shape_cast %get3A_2595 : vector<1x1x1x16xf32> to vector<16xf32>
        %mul3A_2597 = arith.mulf %get3A_2596, %select_n3A_2586 : vector<16xf32>
        %add3A_2598 = arith.addf %add3A_2438, %mul3A_2597 : vector<16xf32>
        %add3A_2599 = arith.addf %add3A_2439, %get3A_2596 : vector<16xf32>
        %get3A_2600 = arith.constant 1 : i32
        %get3A_2601 = arith.constant 1 : i32
        %get3A_2602 = arith.constant 5 : i32
        %get3A_2603 = arith.index_cast %get3A_2600 : i32 to index
        %get3A_2604 = arith.index_cast %get3A_2601 : i32 to index
        %get3A_2605 = arith.index_cast %get3A_2602 : i32 to index
        %get3A_2606 = arith.index_cast %multiple_of3A : i32 to index
        %get3A_2607 = tpu.vector_load %arg5[%get3A_2603, %get3A_2604, %get3A_2605, %get3A_2606] {strides = array<i32>} : memref<2x12x8x256xf32, #tpu.memory_space<vmem>>, vector<1x1x1x16xf32>,
        %get3A_2608 = vector.shape_cast %get3A_2607 : vector<1x1x1x16xf32> to vector<16xf32>
        %mul3A_2609 = arith.mulf %get3A_2608, %select_n3A_2586 : vector<16xf32>
        %add3A_2610 = arith.addf %add3A_2450, %mul3A_2609 : vector<16xf32>
        %add3A_2611 = arith.addf %add3A_2451, %get3A_2608 : vector<16xf32>
        %get3A_2612 = arith.constant 1 : i32
        %get3A_2613 = arith.constant 2 : i32
        %get3A_2614 = arith.constant 5 : i32
        %get3A_2615 = arith.index_cast %get3A_2612 : i32 to index
        %get3A_2616 = arith.index_cast %get3A_2613 : i32 to index
        %get3A_2617 = arith.index_cast %get3A_2614 : i32 to index
        %get3A_2618 = arith.index_cast %multiple_of3A : i32 to index
        %get3A_2619 = tpu.vector_load %arg5[%get3A_2615, %get3A_2616, %get3A_2617, %get3A_2618] {strides = array<i32>} : memref<2x12x8x256xf32, #tpu.memory_space<vmem>>, vector<1x1x1x16xf32>,
        %get3A_2620 = vector.shape_cast %get3A_2619 : vector<1x1x1x16xf32> to vector<16xf32>
        %mul3A_2621 = arith.mulf %get3A_2620, %select_n3A_2586 : vector<16xf32>
        %add3A_2622 = arith.addf %add3A_2462, %mul3A_2621 : vector<16xf32>
        %add3A_2623 = arith.addf %add3A_2463, %get3A_2620 : vector<16xf32>
        %get3A_2624 = arith.constant 1 : i32
        %get3A_2625 = arith.constant 3 : i32
        %get3A_2626 = arith.constant 5 : i32
        %get3A_2627 = arith.index_cast %get3A_2624 : i32 to index
        %get3A_2628 = arith.index_cast %get3A_2625 : i32 to index
        %get3A_2629 = arith.index_cast %get3A_2626 : i32 to index
        %get3A_2630 = arith.index_cast %multiple_of3A : i32 to index
        %get3A_2631 = tpu.vector_load %arg5[%get3A_2627, %get3A_2628, %get3A_2629, %get3A_2630] {strides = array<i32>} : memref<2x12x8x256xf32, #tpu.memory_space<vmem>>, vector<1x1x1x16xf32>,
        %get3A_2632 = vector.shape_cast %get3A_2631 : vector<1x1x1x16xf32> to vector<16xf32>
        %mul3A_2633 = arith.mulf %get3A_2632, %select_n3A_2586 : vector<16xf32>
        %add3A_2634 = arith.addf %add3A_2474, %mul3A_2633 : vector<16xf32>
        %add3A_2635 = arith.addf %add3A_2475, %get3A_2632 : vector<16xf32>
        %get3A_2636 = arith.constant 1 : i32
        %get3A_2637 = arith.constant 4 : i32
        %get3A_2638 = arith.constant 5 : i32
        %get3A_2639 = arith.index_cast %get3A_2636 : i32 to index
        %get3A_2640 = arith.index_cast %get3A_2637 : i32 to index
        %get3A_2641 = arith.index_cast %get3A_2638 : i32 to index
        %get3A_2642 = arith.index_cast %multiple_of3A : i32 to index
        %get3A_2643 = tpu.vector_load %arg5[%get3A_2639, %get3A_2640, %get3A_2641, %get3A_2642] {strides = array<i32>} : memref<2x12x8x256xf32, #tpu.memory_space<vmem>>, vector<1x1x1x16xf32>,
        %get3A_2644 = vector.shape_cast %get3A_2643 : vector<1x1x1x16xf32> to vector<16xf32>
        %mul3A_2645 = arith.mulf %get3A_2644, %select_n3A_2586 : vector<16xf32>
        %add3A_2646 = arith.addf %add3A_2486, %mul3A_2645 : vector<16xf32>
        %add3A_2647 = arith.addf %add3A_2487, %get3A_2644 : vector<16xf32>
        %get3A_2648 = arith.constant 1 : i32
        %get3A_2649 = arith.constant 5 : i32
        %get3A_2650 = arith.constant 5 : i32
        %get3A_2651 = arith.index_cast %get3A_2648 : i32 to index
        %get3A_2652 = arith.index_cast %get3A_2649 : i32 to index
        %get3A_2653 = arith.index_cast %get3A_2650 : i32 to index
        %get3A_2654 = arith.index_cast %multiple_of3A : i32 to index
        %get3A_2655 = tpu.vector_load %arg5[%get3A_2651, %get3A_2652, %get3A_2653, %get3A_2654] {strides = array<i32>} : memref<2x12x8x256xf32, #tpu.memory_space<vmem>>, vector<1x1x1x16xf32>,
        %get3A_2656 = vector.shape_cast %get3A_2655 : vector<1x1x1x16xf32> to vector<16xf32>
        %mul3A_2657 = arith.mulf %get3A_2656, %select_n3A_2586 : vector<16xf32>
        %add3A_2658 = arith.addf %add3A_2498, %mul3A_2657 : vector<16xf32>
        %add3A_2659 = arith.addf %add3A_2499, %get3A_2656 : vector<16xf32>
        %get3A_2660 = arith.constant 1 : i32
        %get3A_2661 = arith.constant 6 : i32
        %get3A_2662 = arith.constant 5 : i32
        %get3A_2663 = arith.index_cast %get3A_2660 : i32 to index
        %get3A_2664 = arith.index_cast %get3A_2661 : i32 to index
        %get3A_2665 = arith.index_cast %get3A_2662 : i32 to index
        %get3A_2666 = arith.index_cast %multiple_of3A : i32 to index
        %get3A_2667 = tpu.vector_load %arg5[%get3A_2663, %get3A_2664, %get3A_2665, %get3A_2666] {strides = array<i32>} : memref<2x12x8x256xf32, #tpu.memory_space<vmem>>, vector<1x1x1x16xf32>,
        %get3A_2668 = vector.shape_cast %get3A_2667 : vector<1x1x1x16xf32> to vector<16xf32>
        %mul3A_2669 = arith.mulf %get3A_2668, %select_n3A_2586 : vector<16xf32>
        %add3A_2670 = arith.addf %add3A_2510, %mul3A_2669 : vector<16xf32>
        %add3A_2671 = arith.addf %add3A_2511, %get3A_2668 : vector<16xf32>
        %get3A_2672 = arith.constant 1 : i32
        %get3A_2673 = arith.constant 7 : i32
        %get3A_2674 = arith.constant 5 : i32
        %get3A_2675 = arith.index_cast %get3A_2672 : i32 to index
        %get3A_2676 = arith.index_cast %get3A_2673 : i32 to index
        %get3A_2677 = arith.index_cast %get3A_2674 : i32 to index
        %get3A_2678 = arith.index_cast %multiple_of3A : i32 to index
        %get3A_2679 = tpu.vector_load %arg5[%get3A_2675, %get3A_2676, %get3A_2677, %get3A_2678] {strides = array<i32>} : memref<2x12x8x256xf32, #tpu.memory_space<vmem>>, vector<1x1x1x16xf32>,
        %get3A_2680 = vector.shape_cast %get3A_2679 : vector<1x1x1x16xf32> to vector<16xf32>
        %mul3A_2681 = arith.mulf %get3A_2680, %select_n3A_2586 : vector<16xf32>
        %add3A_2682 = arith.addf %add3A_2522, %mul3A_2681 : vector<16xf32>
        %add3A_2683 = arith.addf %add3A_2523, %get3A_2680 : vector<16xf32>
        %get3A_2684 = arith.constant 1 : i32
        %get3A_2685 = arith.constant 8 : i32
        %get3A_2686 = arith.constant 5 : i32
        %get3A_2687 = arith.index_cast %get3A_2684 : i32 to index
        %get3A_2688 = arith.index_cast %get3A_2685 : i32 to index
        %get3A_2689 = arith.index_cast %get3A_2686 : i32 to index
        %get3A_2690 = arith.index_cast %multiple_of3A : i32 to index
        %get3A_2691 = tpu.vector_load %arg5[%get3A_2687, %get3A_2688, %get3A_2689, %get3A_2690] {strides = array<i32>} : memref<2x12x8x256xf32, #tpu.memory_space<vmem>>, vector<1x1x1x16xf32>,
        %get3A_2692 = vector.shape_cast %get3A_2691 : vector<1x1x1x16xf32> to vector<16xf32>
        %mul3A_2693 = arith.mulf %get3A_2692, %select_n3A_2586 : vector<16xf32>
        %add3A_2694 = arith.addf %add3A_2534, %mul3A_2693 : vector<16xf32>
        %add3A_2695 = arith.addf %add3A_2535, %get3A_2692 : vector<16xf32>
        %get3A_2696 = arith.constant 1 : i32
        %get3A_2697 = arith.constant 9 : i32
        %get3A_2698 = arith.constant 5 : i32
        %get3A_2699 = arith.index_cast %get3A_2696 : i32 to index
        %get3A_2700 = arith.index_cast %get3A_2697 : i32 to index
        %get3A_2701 = arith.index_cast %get3A_2698 : i32 to index
        %get3A_2702 = arith.index_cast %multiple_of3A : i32 to index
        %get3A_2703 = tpu.vector_load %arg5[%get3A_2699, %get3A_2700, %get3A_2701, %get3A_2702] {strides = array<i32>} : memref<2x12x8x256xf32, #tpu.memory_space<vmem>>, vector<1x1x1x16xf32>,
        %get3A_2704 = vector.shape_cast %get3A_2703 : vector<1x1x1x16xf32> to vector<16xf32>
        %mul3A_2705 = arith.mulf %get3A_2704, %select_n3A_2586 : vector<16xf32>
        %add3A_2706 = arith.addf %add3A_2546, %mul3A_2705 : vector<16xf32>
        %add3A_2707 = arith.addf %add3A_2547, %get3A_2704 : vector<16xf32>
        %get3A_2708 = arith.constant 1 : i32
        %get3A_2709 = arith.constant 10 : i32
        %get3A_2710 = arith.constant 5 : i32
        %get3A_2711 = arith.index_cast %get3A_2708 : i32 to index
        %get3A_2712 = arith.index_cast %get3A_2709 : i32 to index
        %get3A_2713 = arith.index_cast %get3A_2710 : i32 to index
        %get3A_2714 = arith.index_cast %multiple_of3A : i32 to index
        %get3A_2715 = tpu.vector_load %arg5[%get3A_2711, %get3A_2712, %get3A_2713, %get3A_2714] {strides = array<i32>} : memref<2x12x8x256xf32, #tpu.memory_space<vmem>>, vector<1x1x1x16xf32>,
        %get3A_2716 = vector.shape_cast %get3A_2715 : vector<1x1x1x16xf32> to vector<16xf32>
        %mul3A_2717 = arith.mulf %get3A_2716, %select_n3A_2586 : vector<16xf32>
        %add3A_2718 = arith.addf %add3A_2558, %mul3A_2717 : vector<16xf32>
        %add3A_2719 = arith.addf %add3A_2559, %get3A_2716 : vector<16xf32>
        %get3A_2720 = arith.constant 1 : i32
        %get3A_2721 = arith.constant 11 : i32
        %get3A_2722 = arith.constant 5 : i32
        %get3A_2723 = arith.index_cast %get3A_2720 : i32 to index
        %get3A_2724 = arith.index_cast %get3A_2721 : i32 to index
        %get3A_2725 = arith.index_cast %get3A_2722 : i32 to index
        %get3A_2726 = arith.index_cast %multiple_of3A : i32 to index
        %get3A_2727 = tpu.vector_load %arg5[%get3A_2723, %get3A_2724, %get3A_2725, %get3A_2726] {strides = array<i32>} : memref<2x12x8x256xf32, #tpu.memory_space<vmem>>, vector<1x1x1x16xf32>,
        %get3A_2728 = vector.shape_cast %get3A_2727 : vector<1x1x1x16xf32> to vector<16xf32>
        %mul3A_2729 = arith.mulf %get3A_2728, %select_n3A_2586 : vector<16xf32>
        %add3A_2730 = arith.addf %add3A_2570, %mul3A_2729 : vector<16xf32>
        %add3A_2731 = arith.addf %add3A_2571, %get3A_2728 : vector<16xf32>
        %get3A_2732 = arith.constant 1 : i32
        %get3A_2733 = arith.constant 6 : i32
        %get3A_2734 = arith.index_cast %get3A_2732 : i32 to index
        %get3A_2735 = arith.index_cast %get3A_2733 : i32 to index
        %get3A_2736 = arith.index_cast %multiple_of3A : i32 to index
        %get3A_2737 = tpu.vector_load %arg6[%get3A_2734, %get3A_2735, %get3A_2736] {strides = array<i32>} : memref<2x8x256xf32, #tpu.memory_space<vmem>>, vector<1x1x16xf32>,
        %get3A_2738 = vector.shape_cast %get3A_2737 : vector<1x1x16xf32> to vector<16xf32>
        %gt3A_2739 = arith.constant 5.000000e-01 : f32
        %gt3A_2740 = vector.broadcast %gt3A_2739 : f32 to vector<16xf32>
        %gt3A_2741 = arith.cmpf ogt, %get3A_2738, %gt3A_2740 : vector<16xf32>
        %jit3A_2742 = arith.constant 1.000000e+00 : f32
        %jit3A_2743 = arith.constant 0.000000e+00 : f32
        %broadcast_in_dim3A_2744 = vector.broadcast %jit3A_2742 : f32 to vector<16xf32>
        %broadcast_in_dim3A_2745 = vector.broadcast %jit3A_2743 : f32 to vector<16xf32>
        %select_n3A_2746 = arith.select %gt3A_2741, %broadcast_in_dim3A_2744, %broadcast_in_dim3A_2745 : vector<16xi1>, vector<16xf32>
        %add3A_2747 = arith.addf %add3A_2587, %select_n3A_2746 : vector<16xf32>
        %get3A_2748 = arith.constant 1 : i32
        %get3A_2749 = arith.constant 0 : i32
        %get3A_2750 = arith.constant 6 : i32
        %get3A_2751 = arith.index_cast %get3A_2748 : i32 to index
        %get3A_2752 = arith.index_cast %get3A_2749 : i32 to index
        %get3A_2753 = arith.index_cast %get3A_2750 : i32 to index
        %get3A_2754 = arith.index_cast %multiple_of3A : i32 to index
        %get3A_2755 = tpu.vector_load %arg5[%get3A_2751, %get3A_2752, %get3A_2753, %get3A_2754] {strides = array<i32>} : memref<2x12x8x256xf32, #tpu.memory_space<vmem>>, vector<1x1x1x16xf32>,
        %get3A_2756 = vector.shape_cast %get3A_2755 : vector<1x1x1x16xf32> to vector<16xf32>
        %mul3A_2757 = arith.mulf %get3A_2756, %select_n3A_2746 : vector<16xf32>
        %add3A_2758 = arith.addf %add3A_2598, %mul3A_2757 : vector<16xf32>
        %add3A_2759 = arith.addf %add3A_2599, %get3A_2756 : vector<16xf32>
        %get3A_2760 = arith.constant 1 : i32
        %get3A_2761 = arith.constant 1 : i32
        %get3A_2762 = arith.constant 6 : i32
        %get3A_2763 = arith.index_cast %get3A_2760 : i32 to index
        %get3A_2764 = arith.index_cast %get3A_2761 : i32 to index
        %get3A_2765 = arith.index_cast %get3A_2762 : i32 to index
        %get3A_2766 = arith.index_cast %multiple_of3A : i32 to index
        %get3A_2767 = tpu.vector_load %arg5[%get3A_2763, %get3A_2764, %get3A_2765, %get3A_2766] {strides = array<i32>} : memref<2x12x8x256xf32, #tpu.memory_space<vmem>>, vector<1x1x1x16xf32>,
        %get3A_2768 = vector.shape_cast %get3A_2767 : vector<1x1x1x16xf32> to vector<16xf32>
        %mul3A_2769 = arith.mulf %get3A_2768, %select_n3A_2746 : vector<16xf32>
        %add3A_2770 = arith.addf %add3A_2610, %mul3A_2769 : vector<16xf32>
        %add3A_2771 = arith.addf %add3A_2611, %get3A_2768 : vector<16xf32>
        %get3A_2772 = arith.constant 1 : i32
        %get3A_2773 = arith.constant 2 : i32
        %get3A_2774 = arith.constant 6 : i32
        %get3A_2775 = arith.index_cast %get3A_2772 : i32 to index
        %get3A_2776 = arith.index_cast %get3A_2773 : i32 to index
        %get3A_2777 = arith.index_cast %get3A_2774 : i32 to index
        %get3A_2778 = arith.index_cast %multiple_of3A : i32 to index
        %get3A_2779 = tpu.vector_load %arg5[%get3A_2775, %get3A_2776, %get3A_2777, %get3A_2778] {strides = array<i32>} : memref<2x12x8x256xf32, #tpu.memory_space<vmem>>, vector<1x1x1x16xf32>,
        %get3A_2780 = vector.shape_cast %get3A_2779 : vector<1x1x1x16xf32> to vector<16xf32>
        %mul3A_2781 = arith.mulf %get3A_2780, %select_n3A_2746 : vector<16xf32>
        %add3A_2782 = arith.addf %add3A_2622, %mul3A_2781 : vector<16xf32>
        %add3A_2783 = arith.addf %add3A_2623, %get3A_2780 : vector<16xf32>
        %get3A_2784 = arith.constant 1 : i32
        %get3A_2785 = arith.constant 3 : i32
        %get3A_2786 = arith.constant 6 : i32
        %get3A_2787 = arith.index_cast %get3A_2784 : i32 to index
        %get3A_2788 = arith.index_cast %get3A_2785 : i32 to index
        %get3A_2789 = arith.index_cast %get3A_2786 : i32 to index
        %get3A_2790 = arith.index_cast %multiple_of3A : i32 to index
        %get3A_2791 = tpu.vector_load %arg5[%get3A_2787, %get3A_2788, %get3A_2789, %get3A_2790] {strides = array<i32>} : memref<2x12x8x256xf32, #tpu.memory_space<vmem>>, vector<1x1x1x16xf32>,
        %get3A_2792 = vector.shape_cast %get3A_2791 : vector<1x1x1x16xf32> to vector<16xf32>
        %mul3A_2793 = arith.mulf %get3A_2792, %select_n3A_2746 : vector<16xf32>
        %add3A_2794 = arith.addf %add3A_2634, %mul3A_2793 : vector<16xf32>
        %add3A_2795 = arith.addf %add3A_2635, %get3A_2792 : vector<16xf32>
        %get3A_2796 = arith.constant 1 : i32
        %get3A_2797 = arith.constant 4 : i32
        %get3A_2798 = arith.constant 6 : i32
        %get3A_2799 = arith.index_cast %get3A_2796 : i32 to index
        %get3A_2800 = arith.index_cast %get3A_2797 : i32 to index
        %get3A_2801 = arith.index_cast %get3A_2798 : i32 to index
        %get3A_2802 = arith.index_cast %multiple_of3A : i32 to index
        %get3A_2803 = tpu.vector_load %arg5[%get3A_2799, %get3A_2800, %get3A_2801, %get3A_2802] {strides = array<i32>} : memref<2x12x8x256xf32, #tpu.memory_space<vmem>>, vector<1x1x1x16xf32>,
        %get3A_2804 = vector.shape_cast %get3A_2803 : vector<1x1x1x16xf32> to vector<16xf32>
        %mul3A_2805 = arith.mulf %get3A_2804, %select_n3A_2746 : vector<16xf32>
        %add3A_2806 = arith.addf %add3A_2646, %mul3A_2805 : vector<16xf32>
        %add3A_2807 = arith.addf %add3A_2647, %get3A_2804 : vector<16xf32>
        %get3A_2808 = arith.constant 1 : i32
        %get3A_2809 = arith.constant 5 : i32
        %get3A_2810 = arith.constant 6 : i32
        %get3A_2811 = arith.index_cast %get3A_2808 : i32 to index
        %get3A_2812 = arith.index_cast %get3A_2809 : i32 to index
        %get3A_2813 = arith.index_cast %get3A_2810 : i32 to index
        %get3A_2814 = arith.index_cast %multiple_of3A : i32 to index
        %get3A_2815 = tpu.vector_load %arg5[%get3A_2811, %get3A_2812, %get3A_2813, %get3A_2814] {strides = array<i32>} : memref<2x12x8x256xf32, #tpu.memory_space<vmem>>, vector<1x1x1x16xf32>,
        %get3A_2816 = vector.shape_cast %get3A_2815 : vector<1x1x1x16xf32> to vector<16xf32>
        %mul3A_2817 = arith.mulf %get3A_2816, %select_n3A_2746 : vector<16xf32>
        %add3A_2818 = arith.addf %add3A_2658, %mul3A_2817 : vector<16xf32>
        %add3A_2819 = arith.addf %add3A_2659, %get3A_2816 : vector<16xf32>
        %get3A_2820 = arith.constant 1 : i32
        %get3A_2821 = arith.constant 6 : i32
        %get3A_2822 = arith.constant 6 : i32
        %get3A_2823 = arith.index_cast %get3A_2820 : i32 to index
        %get3A_2824 = arith.index_cast %get3A_2821 : i32 to index
        %get3A_2825 = arith.index_cast %get3A_2822 : i32 to index
        %get3A_2826 = arith.index_cast %multiple_of3A : i32 to index
        %get3A_2827 = tpu.vector_load %arg5[%get3A_2823, %get3A_2824, %get3A_2825, %get3A_2826] {strides = array<i32>} : memref<2x12x8x256xf32, #tpu.memory_space<vmem>>, vector<1x1x1x16xf32>,
        %get3A_2828 = vector.shape_cast %get3A_2827 : vector<1x1x1x16xf32> to vector<16xf32>
        %mul3A_2829 = arith.mulf %get3A_2828, %select_n3A_2746 : vector<16xf32>
        %add3A_2830 = arith.addf %add3A_2670, %mul3A_2829 : vector<16xf32>
        %add3A_2831 = arith.addf %add3A_2671, %get3A_2828 : vector<16xf32>
        %get3A_2832 = arith.constant 1 : i32
        %get3A_2833 = arith.constant 7 : i32
        %get3A_2834 = arith.constant 6 : i32
        %get3A_2835 = arith.index_cast %get3A_2832 : i32 to index
        %get3A_2836 = arith.index_cast %get3A_2833 : i32 to index
        %get3A_2837 = arith.index_cast %get3A_2834 : i32 to index
        %get3A_2838 = arith.index_cast %multiple_of3A : i32 to index
        %get3A_2839 = tpu.vector_load %arg5[%get3A_2835, %get3A_2836, %get3A_2837, %get3A_2838] {strides = array<i32>} : memref<2x12x8x256xf32, #tpu.memory_space<vmem>>, vector<1x1x1x16xf32>,
        %get3A_2840 = vector.shape_cast %get3A_2839 : vector<1x1x1x16xf32> to vector<16xf32>
        %mul3A_2841 = arith.mulf %get3A_2840, %select_n3A_2746 : vector<16xf32>
        %add3A_2842 = arith.addf %add3A_2682, %mul3A_2841 : vector<16xf32>
        %add3A_2843 = arith.addf %add3A_2683, %get3A_2840 : vector<16xf32>
        %get3A_2844 = arith.constant 1 : i32
        %get3A_2845 = arith.constant 8 : i32
        %get3A_2846 = arith.constant 6 : i32
        %get3A_2847 = arith.index_cast %get3A_2844 : i32 to index
        %get3A_2848 = arith.index_cast %get3A_2845 : i32 to index
        %get3A_2849 = arith.index_cast %get3A_2846 : i32 to index
        %get3A_2850 = arith.index_cast %multiple_of3A : i32 to index
        %get3A_2851 = tpu.vector_load %arg5[%get3A_2847, %get3A_2848, %get3A_2849, %get3A_2850] {strides = array<i32>} : memref<2x12x8x256xf32, #tpu.memory_space<vmem>>, vector<1x1x1x16xf32>,
        %get3A_2852 = vector.shape_cast %get3A_2851 : vector<1x1x1x16xf32> to vector<16xf32>
        %mul3A_2853 = arith.mulf %get3A_2852, %select_n3A_2746 : vector<16xf32>
        %add3A_2854 = arith.addf %add3A_2694, %mul3A_2853 : vector<16xf32>
        %add3A_2855 = arith.addf %add3A_2695, %get3A_2852 : vector<16xf32>
        %get3A_2856 = arith.constant 1 : i32
        %get3A_2857 = arith.constant 9 : i32
        %get3A_2858 = arith.constant 6 : i32
        %get3A_2859 = arith.index_cast %get3A_2856 : i32 to index
        %get3A_2860 = arith.index_cast %get3A_2857 : i32 to index
        %get3A_2861 = arith.index_cast %get3A_2858 : i32 to index
        %get3A_2862 = arith.index_cast %multiple_of3A : i32 to index
        %get3A_2863 = tpu.vector_load %arg5[%get3A_2859, %get3A_2860, %get3A_2861, %get3A_2862] {strides = array<i32>} : memref<2x12x8x256xf32, #tpu.memory_space<vmem>>, vector<1x1x1x16xf32>,
        %get3A_2864 = vector.shape_cast %get3A_2863 : vector<1x1x1x16xf32> to vector<16xf32>
        %mul3A_2865 = arith.mulf %get3A_2864, %select_n3A_2746 : vector<16xf32>
        %add3A_2866 = arith.addf %add3A_2706, %mul3A_2865 : vector<16xf32>
        %add3A_2867 = arith.addf %add3A_2707, %get3A_2864 : vector<16xf32>
        %get3A_2868 = arith.constant 1 : i32
        %get3A_2869 = arith.constant 10 : i32
        %get3A_2870 = arith.constant 6 : i32
        %get3A_2871 = arith.index_cast %get3A_2868 : i32 to index
        %get3A_2872 = arith.index_cast %get3A_2869 : i32 to index
        %get3A_2873 = arith.index_cast %get3A_2870 : i32 to index
        %get3A_2874 = arith.index_cast %multiple_of3A : i32 to index
        %get3A_2875 = tpu.vector_load %arg5[%get3A_2871, %get3A_2872, %get3A_2873, %get3A_2874] {strides = array<i32>} : memref<2x12x8x256xf32, #tpu.memory_space<vmem>>, vector<1x1x1x16xf32>,
        %get3A_2876 = vector.shape_cast %get3A_2875 : vector<1x1x1x16xf32> to vector<16xf32>
        %mul3A_2877 = arith.mulf %get3A_2876, %select_n3A_2746 : vector<16xf32>
        %add3A_2878 = arith.addf %add3A_2718, %mul3A_2877 : vector<16xf32>
        %add3A_2879 = arith.addf %add3A_2719, %get3A_2876 : vector<16xf32>
        %get3A_2880 = arith.constant 1 : i32
        %get3A_2881 = arith.constant 11 : i32
        %get3A_2882 = arith.constant 6 : i32
        %get3A_2883 = arith.index_cast %get3A_2880 : i32 to index
        %get3A_2884 = arith.index_cast %get3A_2881 : i32 to index
        %get3A_2885 = arith.index_cast %get3A_2882 : i32 to index
        %get3A_2886 = arith.index_cast %multiple_of3A : i32 to index
        %get3A_2887 = tpu.vector_load %arg5[%get3A_2883, %get3A_2884, %get3A_2885, %get3A_2886] {strides = array<i32>} : memref<2x12x8x256xf32, #tpu.memory_space<vmem>>, vector<1x1x1x16xf32>,
        %get3A_2888 = vector.shape_cast %get3A_2887 : vector<1x1x1x16xf32> to vector<16xf32>
        %mul3A_2889 = arith.mulf %get3A_2888, %select_n3A_2746 : vector<16xf32>
        %add3A_2890 = arith.addf %add3A_2730, %mul3A_2889 : vector<16xf32>
        %add3A_2891 = arith.addf %add3A_2731, %get3A_2888 : vector<16xf32>
        %get3A_2892 = arith.constant 1 : i32
        %get3A_2893 = arith.constant 7 : i32
        %get3A_2894 = arith.index_cast %get3A_2892 : i32 to index
        %get3A_2895 = arith.index_cast %get3A_2893 : i32 to index
        %get3A_2896 = arith.index_cast %multiple_of3A : i32 to index
        %get3A_2897 = tpu.vector_load %arg6[%get3A_2894, %get3A_2895, %get3A_2896] {strides = array<i32>} : memref<2x8x256xf32, #tpu.memory_space<vmem>>, vector<1x1x16xf32>,
        %get3A_2898 = vector.shape_cast %get3A_2897 : vector<1x1x16xf32> to vector<16xf32>
        %gt3A_2899 = arith.constant 5.000000e-01 : f32
        %gt3A_2900 = vector.broadcast %gt3A_2899 : f32 to vector<16xf32>
        %gt3A_2901 = arith.cmpf ogt, %get3A_2898, %gt3A_2900 : vector<16xf32>
        %jit3A_2902 = arith.constant 1.000000e+00 : f32
        %jit3A_2903 = arith.constant 0.000000e+00 : f32
        %broadcast_in_dim3A_2904 = vector.broadcast %jit3A_2902 : f32 to vector<16xf32>
        %broadcast_in_dim3A_2905 = vector.broadcast %jit3A_2903 : f32 to vector<16xf32>
        %select_n3A_2906 = arith.select %gt3A_2901, %broadcast_in_dim3A_2904, %broadcast_in_dim3A_2905 : vector<16xi1>, vector<16xf32>
        %add3A_2907 = arith.addf %add3A_2747, %select_n3A_2906 : vector<16xf32>
        %get3A_2908 = arith.constant 1 : i32
        %get3A_2909 = arith.constant 0 : i32
        %get3A_2910 = arith.constant 7 : i32
        %get3A_2911 = arith.index_cast %get3A_2908 : i32 to index
        %get3A_2912 = arith.index_cast %get3A_2909 : i32 to index
        %get3A_2913 = arith.index_cast %get3A_2910 : i32 to index
        %get3A_2914 = arith.index_cast %multiple_of3A : i32 to index
        %get3A_2915 = tpu.vector_load %arg5[%get3A_2911, %get3A_2912, %get3A_2913, %get3A_2914] {strides = array<i32>} : memref<2x12x8x256xf32, #tpu.memory_space<vmem>>, vector<1x1x1x16xf32>,
        %get3A_2916 = vector.shape_cast %get3A_2915 : vector<1x1x1x16xf32> to vector<16xf32>
        %mul3A_2917 = arith.mulf %get3A_2916, %select_n3A_2906 : vector<16xf32>
        %add3A_2918 = arith.addf %add3A_2758, %mul3A_2917 : vector<16xf32>
        %add3A_2919 = arith.addf %add3A_2759, %get3A_2916 : vector<16xf32>
        %get3A_2920 = arith.constant 1 : i32
        %get3A_2921 = arith.constant 1 : i32
        %get3A_2922 = arith.constant 7 : i32
        %get3A_2923 = arith.index_cast %get3A_2920 : i32 to index
        %get3A_2924 = arith.index_cast %get3A_2921 : i32 to index
        %get3A_2925 = arith.index_cast %get3A_2922 : i32 to index
        %get3A_2926 = arith.index_cast %multiple_of3A : i32 to index
        %get3A_2927 = tpu.vector_load %arg5[%get3A_2923, %get3A_2924, %get3A_2925, %get3A_2926] {strides = array<i32>} : memref<2x12x8x256xf32, #tpu.memory_space<vmem>>, vector<1x1x1x16xf32>,
        %get3A_2928 = vector.shape_cast %get3A_2927 : vector<1x1x1x16xf32> to vector<16xf32>
        %mul3A_2929 = arith.mulf %get3A_2928, %select_n3A_2906 : vector<16xf32>
        %add3A_2930 = arith.addf %add3A_2770, %mul3A_2929 : vector<16xf32>
        %add3A_2931 = arith.addf %add3A_2771, %get3A_2928 : vector<16xf32>
        %get3A_2932 = arith.constant 1 : i32
        %get3A_2933 = arith.constant 2 : i32
        %get3A_2934 = arith.constant 7 : i32
        %get3A_2935 = arith.index_cast %get3A_2932 : i32 to index
        %get3A_2936 = arith.index_cast %get3A_2933 : i32 to index
        %get3A_2937 = arith.index_cast %get3A_2934 : i32 to index
        %get3A_2938 = arith.index_cast %multiple_of3A : i32 to index
        %get3A_2939 = tpu.vector_load %arg5[%get3A_2935, %get3A_2936, %get3A_2937, %get3A_2938] {strides = array<i32>} : memref<2x12x8x256xf32, #tpu.memory_space<vmem>>, vector<1x1x1x16xf32>,
        %get3A_2940 = vector.shape_cast %get3A_2939 : vector<1x1x1x16xf32> to vector<16xf32>
        %mul3A_2941 = arith.mulf %get3A_2940, %select_n3A_2906 : vector<16xf32>
        %add3A_2942 = arith.addf %add3A_2782, %mul3A_2941 : vector<16xf32>
        %add3A_2943 = arith.addf %add3A_2783, %get3A_2940 : vector<16xf32>
        %get3A_2944 = arith.constant 1 : i32
        %get3A_2945 = arith.constant 3 : i32
        %get3A_2946 = arith.constant 7 : i32
        %get3A_2947 = arith.index_cast %get3A_2944 : i32 to index
        %get3A_2948 = arith.index_cast %get3A_2945 : i32 to index
        %get3A_2949 = arith.index_cast %get3A_2946 : i32 to index
        %get3A_2950 = arith.index_cast %multiple_of3A : i32 to index
        %get3A_2951 = tpu.vector_load %arg5[%get3A_2947, %get3A_2948, %get3A_2949, %get3A_2950] {strides = array<i32>} : memref<2x12x8x256xf32, #tpu.memory_space<vmem>>, vector<1x1x1x16xf32>,
        %get3A_2952 = vector.shape_cast %get3A_2951 : vector<1x1x1x16xf32> to vector<16xf32>
        %mul3A_2953 = arith.mulf %get3A_2952, %select_n3A_2906 : vector<16xf32>
        %add3A_2954 = arith.addf %add3A_2794, %mul3A_2953 : vector<16xf32>
        %add3A_2955 = arith.addf %add3A_2795, %get3A_2952 : vector<16xf32>
        %get3A_2956 = arith.constant 1 : i32
        %get3A_2957 = arith.constant 4 : i32
        %get3A_2958 = arith.constant 7 : i32
        %get3A_2959 = arith.index_cast %get3A_2956 : i32 to index
        %get3A_2960 = arith.index_cast %get3A_2957 : i32 to index
        %get3A_2961 = arith.index_cast %get3A_2958 : i32 to index
        %get3A_2962 = arith.index_cast %multiple_of3A : i32 to index
        %get3A_2963 = tpu.vector_load %arg5[%get3A_2959, %get3A_2960, %get3A_2961, %get3A_2962] {strides = array<i32>} : memref<2x12x8x256xf32, #tpu.memory_space<vmem>>, vector<1x1x1x16xf32>,
        %get3A_2964 = vector.shape_cast %get3A_2963 : vector<1x1x1x16xf32> to vector<16xf32>
        %mul3A_2965 = arith.mulf %get3A_2964, %select_n3A_2906 : vector<16xf32>
        %add3A_2966 = arith.addf %add3A_2806, %mul3A_2965 : vector<16xf32>
        %add3A_2967 = arith.addf %add3A_2807, %get3A_2964 : vector<16xf32>
        %get3A_2968 = arith.constant 1 : i32
        %get3A_2969 = arith.constant 5 : i32
        %get3A_2970 = arith.constant 7 : i32
        %get3A_2971 = arith.index_cast %get3A_2968 : i32 to index
        %get3A_2972 = arith.index_cast %get3A_2969 : i32 to index
        %get3A_2973 = arith.index_cast %get3A_2970 : i32 to index
        %get3A_2974 = arith.index_cast %multiple_of3A : i32 to index
        %get3A_2975 = tpu.vector_load %arg5[%get3A_2971, %get3A_2972, %get3A_2973, %get3A_2974] {strides = array<i32>} : memref<2x12x8x256xf32, #tpu.memory_space<vmem>>, vector<1x1x1x16xf32>,
        %get3A_2976 = vector.shape_cast %get3A_2975 : vector<1x1x1x16xf32> to vector<16xf32>
        %mul3A_2977 = arith.mulf %get3A_2976, %select_n3A_2906 : vector<16xf32>
        %add3A_2978 = arith.addf %add3A_2818, %mul3A_2977 : vector<16xf32>
        %add3A_2979 = arith.addf %add3A_2819, %get3A_2976 : vector<16xf32>
        %get3A_2980 = arith.constant 1 : i32
        %get3A_2981 = arith.constant 6 : i32
        %get3A_2982 = arith.constant 7 : i32
        %get3A_2983 = arith.index_cast %get3A_2980 : i32 to index
        %get3A_2984 = arith.index_cast %get3A_2981 : i32 to index
        %get3A_2985 = arith.index_cast %get3A_2982 : i32 to index
        %get3A_2986 = arith.index_cast %multiple_of3A : i32 to index
        %get3A_2987 = tpu.vector_load %arg5[%get3A_2983, %get3A_2984, %get3A_2985, %get3A_2986] {strides = array<i32>} : memref<2x12x8x256xf32, #tpu.memory_space<vmem>>, vector<1x1x1x16xf32>,
        %get3A_2988 = vector.shape_cast %get3A_2987 : vector<1x1x1x16xf32> to vector<16xf32>
        %mul3A_2989 = arith.mulf %get3A_2988, %select_n3A_2906 : vector<16xf32>
        %add3A_2990 = arith.addf %add3A_2830, %mul3A_2989 : vector<16xf32>
        %add3A_2991 = arith.addf %add3A_2831, %get3A_2988 : vector<16xf32>
        %get3A_2992 = arith.constant 1 : i32
        %get3A_2993 = arith.constant 7 : i32
        %get3A_2994 = arith.constant 7 : i32
        %get3A_2995 = arith.index_cast %get3A_2992 : i32 to index
        %get3A_2996 = arith.index_cast %get3A_2993 : i32 to index
        %get3A_2997 = arith.index_cast %get3A_2994 : i32 to index
        %get3A_2998 = arith.index_cast %multiple_of3A : i32 to index
        %get3A_2999 = tpu.vector_load %arg5[%get3A_2995, %get3A_2996, %get3A_2997, %get3A_2998] {strides = array<i32>} : memref<2x12x8x256xf32, #tpu.memory_space<vmem>>, vector<1x1x1x16xf32>,
        %get3A_3000 = vector.shape_cast %get3A_2999 : vector<1x1x1x16xf32> to vector<16xf32>
        %mul3A_3001 = arith.mulf %get3A_3000, %select_n3A_2906 : vector<16xf32>
        %add3A_3002 = arith.addf %add3A_2842, %mul3A_3001 : vector<16xf32>
        %add3A_3003 = arith.addf %add3A_2843, %get3A_3000 : vector<16xf32>
        %get3A_3004 = arith.constant 1 : i32
        %get3A_3005 = arith.constant 8 : i32
        %get3A_3006 = arith.constant 7 : i32
        %get3A_3007 = arith.index_cast %get3A_3004 : i32 to index
        %get3A_3008 = arith.index_cast %get3A_3005 : i32 to index
        %get3A_3009 = arith.index_cast %get3A_3006 : i32 to index
        %get3A_3010 = arith.index_cast %multiple_of3A : i32 to index
        %get3A_3011 = tpu.vector_load %arg5[%get3A_3007, %get3A_3008, %get3A_3009, %get3A_3010] {strides = array<i32>} : memref<2x12x8x256xf32, #tpu.memory_space<vmem>>, vector<1x1x1x16xf32>,
        %get3A_3012 = vector.shape_cast %get3A_3011 : vector<1x1x1x16xf32> to vector<16xf32>
        %mul3A_3013 = arith.mulf %get3A_3012, %select_n3A_2906 : vector<16xf32>
        %add3A_3014 = arith.addf %add3A_2854, %mul3A_3013 : vector<16xf32>
        %add3A_3015 = arith.addf %add3A_2855, %get3A_3012 : vector<16xf32>
        %get3A_3016 = arith.constant 1 : i32
        %get3A_3017 = arith.constant 9 : i32
        %get3A_3018 = arith.constant 7 : i32
        %get3A_3019 = arith.index_cast %get3A_3016 : i32 to index
        %get3A_3020 = arith.index_cast %get3A_3017 : i32 to index
        %get3A_3021 = arith.index_cast %get3A_3018 : i32 to index
        %get3A_3022 = arith.index_cast %multiple_of3A : i32 to index
        %get3A_3023 = tpu.vector_load %arg5[%get3A_3019, %get3A_3020, %get3A_3021, %get3A_3022] {strides = array<i32>} : memref<2x12x8x256xf32, #tpu.memory_space<vmem>>, vector<1x1x1x16xf32>,
        %get3A_3024 = vector.shape_cast %get3A_3023 : vector<1x1x1x16xf32> to vector<16xf32>
        %mul3A_3025 = arith.mulf %get3A_3024, %select_n3A_2906 : vector<16xf32>
        %add3A_3026 = arith.addf %add3A_2866, %mul3A_3025 : vector<16xf32>
        %add3A_3027 = arith.addf %add3A_2867, %get3A_3024 : vector<16xf32>
        %get3A_3028 = arith.constant 1 : i32
        %get3A_3029 = arith.constant 10 : i32
        %get3A_3030 = arith.constant 7 : i32
        %get3A_3031 = arith.index_cast %get3A_3028 : i32 to index
        %get3A_3032 = arith.index_cast %get3A_3029 : i32 to index
        %get3A_3033 = arith.index_cast %get3A_3030 : i32 to index
        %get3A_3034 = arith.index_cast %multiple_of3A : i32 to index
        %get3A_3035 = tpu.vector_load %arg5[%get3A_3031, %get3A_3032, %get3A_3033, %get3A_3034] {strides = array<i32>} : memref<2x12x8x256xf32, #tpu.memory_space<vmem>>, vector<1x1x1x16xf32>,
        %get3A_3036 = vector.shape_cast %get3A_3035 : vector<1x1x1x16xf32> to vector<16xf32>
        %mul3A_3037 = arith.mulf %get3A_3036, %select_n3A_2906 : vector<16xf32>
        %add3A_3038 = arith.addf %add3A_2878, %mul3A_3037 : vector<16xf32>
        %add3A_3039 = arith.addf %add3A_2879, %get3A_3036 : vector<16xf32>
        %get3A_3040 = arith.constant 1 : i32
        %get3A_3041 = arith.constant 11 : i32
        %get3A_3042 = arith.constant 7 : i32
        %get3A_3043 = arith.index_cast %get3A_3040 : i32 to index
        %get3A_3044 = arith.index_cast %get3A_3041 : i32 to index
        %get3A_3045 = arith.index_cast %get3A_3042 : i32 to index
        %get3A_3046 = arith.index_cast %multiple_of3A : i32 to index
        %get3A_3047 = tpu.vector_load %arg5[%get3A_3043, %get3A_3044, %get3A_3045, %get3A_3046] {strides = array<i32>} : memref<2x12x8x256xf32, #tpu.memory_space<vmem>>, vector<1x1x1x16xf32>,
        %get3A_3048 = vector.shape_cast %get3A_3047 : vector<1x1x1x16xf32> to vector<16xf32>
        %mul3A_3049 = arith.mulf %get3A_3048, %select_n3A_2906 : vector<16xf32>
        %add3A_3050 = arith.addf %add3A_2890, %mul3A_3049 : vector<16xf32>
        %add3A_3051 = arith.addf %add3A_2891, %get3A_3048 : vector<16xf32>
        scf.yield %add3A_2907, %add3A_2918, %add3A_2930, %add3A_2942, %add3A_2954, %add3A_2966, %add3A_2978, %add3A_2990, %add3A_3002, %add3A_3014, %add3A_3026, %add3A_3038, %add3A_3050, %add3A_2919, %add3A_2931, %add3A_2943, %add3A_2955, %add3A_2967, %add3A_2979, %add3A_2991, %add3A_3003, %add3A_3015, %add3A_3027, %add3A_3039, %add3A_3051 : vector<16xf32>, vector<16xf32>, vector<16xf32>, vector<16xf32>, vector<16xf32>, vector<16xf32>, vector<16xf32>, vector<16xf32>, vector<16xf32>, vector<16xf32>, vector<16xf32>, vector<16xf32>, vector<16xf32>, vector<16xf32>, vector<16xf32>, vector<16xf32>, vector<16xf32>, vector<16xf32>, vector<16xf32>, vector<16xf32>, vector<16xf32>, vector<16xf32>, vector<16xf32>, vector<16xf32>, vector<16xf32>
      }
      %scan3A_1745 = arith.constant 16 : i32
      scf.yield %scan3A_1744#0, %scan3A_1744#1, %scan3A_1744#2, %scan3A_1744#3, %scan3A_1744#4, %scan3A_1744#5, %scan3A_1744#6, %scan3A_1744#7, %scan3A_1744#8, %scan3A_1744#9, %scan3A_1744#10, %scan3A_1744#11, %scan3A_1744#12, %scan3A_1744#13, %scan3A_1744#14, %scan3A_1744#15, %scan3A_1744#16, %scan3A_1744#17, %scan3A_1744#18, %scan3A_1744#19, %scan3A_1744#20, %scan3A_1744#21, %scan3A_1744#22, %scan3A_1744#23, %scan3A_1744#24 : vector<16xf32>, vector<16xf32>, vector<16xf32>, vector<16xf32>, vector<16xf32>, vector<16xf32>, vector<16xf32>, vector<16xf32>, vector<16xf32>, vector<16xf32>, vector<16xf32>, vector<16xf32>, vector<16xf32>, vector<16xf32>, vector<16xf32>, vector<16xf32>, vector<16xf32>, vector<16xf32>, vector<16xf32>, vector<16xf32>, vector<16xf32>, vector<16xf32>, vector<16xf32>, vector<16xf32>, vector<16xf32>
    }
    %scan3A_294 = arith.constant 64 : i32
    %add3A_295 = arith.constant 0 : i32
    %add3A_296 = arith.addi %mul3A_32, %add3A_295 : i32
    %add3A_297 = arith.constant 1 : i32
    %add3A_298 = arith.addi %mul3A_32, %add3A_297 : i32
    %add3A_299 = arith.constant 2 : i32
    %add3A_300 = arith.addi %mul3A_32, %add3A_299 : i32
    %add3A_301 = arith.constant 3 : i32
    %add3A_302 = arith.addi %mul3A_32, %add3A_301 : i32
    %add3A_303 = arith.constant 4 : i32
    %add3A_304 = arith.addi %mul3A_32, %add3A_303 : i32
    %add3A_305 = arith.constant 5 : i32
    %add3A_306 = arith.addi %mul3A_32, %add3A_305 : i32
    %add3A_307 = arith.constant 6 : i32
    %add3A_308 = arith.addi %mul3A_32, %add3A_307 : i32
    %add3A_309 = arith.constant 7 : i32
    %add3A_310 = arith.addi %mul3A_32, %add3A_309 : i32
    %add3A_311 = arith.constant 8 : i32
    %add3A_312 = arith.addi %mul3A_32, %add3A_311 : i32
    %add3A_313 = arith.constant 9 : i32
    %add3A_314 = arith.addi %mul3A_32, %add3A_313 : i32
    %add3A_315 = arith.constant 10 : i32
    %add3A_316 = arith.addi %mul3A_32, %add3A_315 : i32
    %add3A_317 = arith.constant 11 : i32
    %add3A_318 = arith.addi %mul3A_32, %add3A_317 : i32
    %dma_wait3A = arith.constant 0 : i32
    %dma_wait3A_319 = arith.constant 0 : i32
    %dma_wait3A_320 = arith.constant 0 : i32
    %dma_wait3A_321 = tpu.memref_slice %arg6[%dma_wait3A, %dma_wait3A_319, %dma_wait3A_320] : memref<2x8x256xf32, #tpu.memory_space<vmem>> -> memref<1x8x256xf32, #tpu.memory_space<vmem>>
    %dma_wait3A_322 = tpu.memref_squeeze %dma_wait3A_321 : memref<1x8x256xf32, #tpu.memory_space<vmem>> -> memref<8x256xf32, #tpu.memory_space<vmem>>
    %dma_wait3A_323 = arith.constant 0 : i32
    %dma_wait3A_324 = arith.constant 0 : i32
    %dma_wait3A_325 = tpu.memref_slice %arg3[%select_n3A, %dma_wait3A_323, %dma_wait3A_324] : memref<4x512x512xf32, #tpu.memory_space<hbm>> -> memref<1x8x256xf32, #tpu.memory_space<hbm>>
    %dma_wait3A_326 = tpu.memref_squeeze %dma_wait3A_325 : memref<1x8x256xf32, #tpu.memory_space<hbm>> -> memref<8x256xf32, #tpu.memory_space<hbm>>
    %dma_wait3A_327 = arith.constant 0 : i32
    %dma_wait3A_328 = arith.constant 0 : i32
    %dma_wait3A_329 = tpu.memref_slice %arg6[%dma_wait3A, %dma_wait3A_327, %dma_wait3A_328] : memref<2x8x256xf32, #tpu.memory_space<vmem>> -> memref<1x8x256xf32, #tpu.memory_space<vmem>>
    %dma_wait3A_330 = tpu.memref_squeeze %dma_wait3A_329 : memref<1x8x256xf32, #tpu.memory_space<vmem>> -> memref<8x256xf32, #tpu.memory_space<vmem>>
    %dma_wait3A_331 = arith.constant 0 : i32
    %dma_wait3A_332 = arith.constant 0 : i32
    %dma_wait3A_333 = tpu.memref_slice %arg3[%select_n3A, %dma_wait3A_331, %dma_wait3A_332] : memref<4x512x512xf32, #tpu.memory_space<hbm>> -> memref<1x8x256xf32, #tpu.memory_space<hbm>>
    %dma_wait3A_334 = tpu.memref_squeeze %dma_wait3A_333 : memref<1x8x256xf32, #tpu.memory_space<hbm>> -> memref<8x256xf32, #tpu.memory_space<hbm>>
    tpu.wait_dma2 semaphore(%arg8 : memref<!tpu.dma_semaphore, #tpu.memory_space<semaphore_mem>>) src(%dma_wait3A_334 : memref<8x256xf32, #tpu.memory_space<hbm>>) dst(%dma_wait3A_330 : memref<8x256xf32, #tpu.memory_space<vmem>>)
    %dma_wait3A_335 = arith.constant 0 : i32
    %dma_wait3A_336 = arith.constant 0 : i32
    %dma_wait3A_337 = arith.constant 0 : i32
    %dma_wait3A_338 = arith.constant 0 : i32
    %dma_wait3A_339 = tpu.memref_slice %arg5[%dma_wait3A_335, %dma_wait3A_336, %dma_wait3A_337, %dma_wait3A_338] : memref<2x12x8x256xf32, #tpu.memory_space<vmem>> -> memref<1x1x8x256xf32, #tpu.memory_space<vmem>>
    %dma_wait3A_340 = tpu.memref_squeeze %dma_wait3A_339 : memref<1x1x8x256xf32, #tpu.memory_space<vmem>> -> memref<8x256xf32, #tpu.memory_space<vmem>>
    %dma_wait3A_341 = arith.constant 0 : i32
    %dma_wait3A_342 = arith.constant 0 : i32
    %dma_wait3A_343 = tpu.memref_slice %arg2[%select_n3A, %add3A_296, %dma_wait3A_341, %dma_wait3A_342] : memref<4x96x512x512xf32, #tpu.memory_space<hbm>> -> memref<1x1x8x256xf32, #tpu.memory_space<hbm>>
    %dma_wait3A_344 = tpu.memref_squeeze %dma_wait3A_343 : memref<1x1x8x256xf32, #tpu.memory_space<hbm>> -> memref<8x256xf32, #tpu.memory_space<hbm>>
    %dma_wait3A_345 = arith.constant 0 : i32
    %dma_wait3A_346 = arith.constant 0 : i32
    %dma_wait3A_347 = tpu.memref_slice %arg5[%dma_wait3A_335, %dma_wait3A_336, %dma_wait3A_345, %dma_wait3A_346] : memref<2x12x8x256xf32, #tpu.memory_space<vmem>> -> memref<1x1x8x256xf32, #tpu.memory_space<vmem>>
    %dma_wait3A_348 = tpu.memref_squeeze %dma_wait3A_347 : memref<1x1x8x256xf32, #tpu.memory_space<vmem>> -> memref<8x256xf32, #tpu.memory_space<vmem>>
    %dma_wait3A_349 = arith.constant 0 : i32
    %dma_wait3A_350 = arith.constant 0 : i32
    %dma_wait3A_351 = tpu.memref_slice %arg2[%select_n3A, %add3A_296, %dma_wait3A_349, %dma_wait3A_350] : memref<4x96x512x512xf32, #tpu.memory_space<hbm>> -> memref<1x1x8x256xf32, #tpu.memory_space<hbm>>
    %dma_wait3A_352 = tpu.memref_squeeze %dma_wait3A_351 : memref<1x1x8x256xf32, #tpu.memory_space<hbm>> -> memref<8x256xf32, #tpu.memory_space<hbm>>
    tpu.wait_dma2 semaphore(%arg8 : memref<!tpu.dma_semaphore, #tpu.memory_space<semaphore_mem>>) src(%dma_wait3A_352 : memref<8x256xf32, #tpu.memory_space<hbm>>) dst(%dma_wait3A_348 : memref<8x256xf32, #tpu.memory_space<vmem>>)
    %dma_wait3A_353 = arith.constant 0 : i32
    %dma_wait3A_354 = arith.constant 1 : i32
    %dma_wait3A_355 = arith.constant 0 : i32
    %dma_wait3A_356 = arith.constant 0 : i32
    %dma_wait3A_357 = tpu.memref_slice %arg5[%dma_wait3A_353, %dma_wait3A_354, %dma_wait3A_355, %dma_wait3A_356] : memref<2x12x8x256xf32, #tpu.memory_space<vmem>> -> memref<1x1x8x256xf32, #tpu.memory_space<vmem>>
    %dma_wait3A_358 = tpu.memref_squeeze %dma_wait3A_357 : memref<1x1x8x256xf32, #tpu.memory_space<vmem>> -> memref<8x256xf32, #tpu.memory_space<vmem>>
    %dma_wait3A_359 = arith.constant 0 : i32
    %dma_wait3A_360 = arith.constant 0 : i32
    %dma_wait3A_361 = tpu.memref_slice %arg2[%select_n3A, %add3A_298, %dma_wait3A_359, %dma_wait3A_360] : memref<4x96x512x512xf32, #tpu.memory_space<hbm>> -> memref<1x1x8x256xf32, #tpu.memory_space<hbm>>
    %dma_wait3A_362 = tpu.memref_squeeze %dma_wait3A_361 : memref<1x1x8x256xf32, #tpu.memory_space<hbm>> -> memref<8x256xf32, #tpu.memory_space<hbm>>
    %dma_wait3A_363 = arith.constant 0 : i32
    %dma_wait3A_364 = arith.constant 0 : i32
    %dma_wait3A_365 = tpu.memref_slice %arg5[%dma_wait3A_353, %dma_wait3A_354, %dma_wait3A_363, %dma_wait3A_364] : memref<2x12x8x256xf32, #tpu.memory_space<vmem>> -> memref<1x1x8x256xf32, #tpu.memory_space<vmem>>
    %dma_wait3A_366 = tpu.memref_squeeze %dma_wait3A_365 : memref<1x1x8x256xf32, #tpu.memory_space<vmem>> -> memref<8x256xf32, #tpu.memory_space<vmem>>
    %dma_wait3A_367 = arith.constant 0 : i32
    %dma_wait3A_368 = arith.constant 0 : i32
    %dma_wait3A_369 = tpu.memref_slice %arg2[%select_n3A, %add3A_298, %dma_wait3A_367, %dma_wait3A_368] : memref<4x96x512x512xf32, #tpu.memory_space<hbm>> -> memref<1x1x8x256xf32, #tpu.memory_space<hbm>>
    %dma_wait3A_370 = tpu.memref_squeeze %dma_wait3A_369 : memref<1x1x8x256xf32, #tpu.memory_space<hbm>> -> memref<8x256xf32, #tpu.memory_space<hbm>>
    tpu.wait_dma2 semaphore(%arg8 : memref<!tpu.dma_semaphore, #tpu.memory_space<semaphore_mem>>) src(%dma_wait3A_370 : memref<8x256xf32, #tpu.memory_space<hbm>>) dst(%dma_wait3A_366 : memref<8x256xf32, #tpu.memory_space<vmem>>)
    %dma_wait3A_371 = arith.constant 0 : i32
    %dma_wait3A_372 = arith.constant 2 : i32
    %dma_wait3A_373 = arith.constant 0 : i32
    %dma_wait3A_374 = arith.constant 0 : i32
    %dma_wait3A_375 = tpu.memref_slice %arg5[%dma_wait3A_371, %dma_wait3A_372, %dma_wait3A_373, %dma_wait3A_374] : memref<2x12x8x256xf32, #tpu.memory_space<vmem>> -> memref<1x1x8x256xf32, #tpu.memory_space<vmem>>
    %dma_wait3A_376 = tpu.memref_squeeze %dma_wait3A_375 : memref<1x1x8x256xf32, #tpu.memory_space<vmem>> -> memref<8x256xf32, #tpu.memory_space<vmem>>
    %dma_wait3A_377 = arith.constant 0 : i32
    %dma_wait3A_378 = arith.constant 0 : i32
    %dma_wait3A_379 = tpu.memref_slice %arg2[%select_n3A, %add3A_300, %dma_wait3A_377, %dma_wait3A_378] : memref<4x96x512x512xf32, #tpu.memory_space<hbm>> -> memref<1x1x8x256xf32, #tpu.memory_space<hbm>>
    %dma_wait3A_380 = tpu.memref_squeeze %dma_wait3A_379 : memref<1x1x8x256xf32, #tpu.memory_space<hbm>> -> memref<8x256xf32, #tpu.memory_space<hbm>>
    %dma_wait3A_381 = arith.constant 0 : i32
    %dma_wait3A_382 = arith.constant 0 : i32
    %dma_wait3A_383 = tpu.memref_slice %arg5[%dma_wait3A_371, %dma_wait3A_372, %dma_wait3A_381, %dma_wait3A_382] : memref<2x12x8x256xf32, #tpu.memory_space<vmem>> -> memref<1x1x8x256xf32, #tpu.memory_space<vmem>>
    %dma_wait3A_384 = tpu.memref_squeeze %dma_wait3A_383 : memref<1x1x8x256xf32, #tpu.memory_space<vmem>> -> memref<8x256xf32, #tpu.memory_space<vmem>>
    %dma_wait3A_385 = arith.constant 0 : i32
    %dma_wait3A_386 = arith.constant 0 : i32
    %dma_wait3A_387 = tpu.memref_slice %arg2[%select_n3A, %add3A_300, %dma_wait3A_385, %dma_wait3A_386] : memref<4x96x512x512xf32, #tpu.memory_space<hbm>> -> memref<1x1x8x256xf32, #tpu.memory_space<hbm>>
    %dma_wait3A_388 = tpu.memref_squeeze %dma_wait3A_387 : memref<1x1x8x256xf32, #tpu.memory_space<hbm>> -> memref<8x256xf32, #tpu.memory_space<hbm>>
    tpu.wait_dma2 semaphore(%arg8 : memref<!tpu.dma_semaphore, #tpu.memory_space<semaphore_mem>>) src(%dma_wait3A_388 : memref<8x256xf32, #tpu.memory_space<hbm>>) dst(%dma_wait3A_384 : memref<8x256xf32, #tpu.memory_space<vmem>>)
    %dma_wait3A_389 = arith.constant 0 : i32
    %dma_wait3A_390 = arith.constant 3 : i32
    %dma_wait3A_391 = arith.constant 0 : i32
    %dma_wait3A_392 = arith.constant 0 : i32
    %dma_wait3A_393 = tpu.memref_slice %arg5[%dma_wait3A_389, %dma_wait3A_390, %dma_wait3A_391, %dma_wait3A_392] : memref<2x12x8x256xf32, #tpu.memory_space<vmem>> -> memref<1x1x8x256xf32, #tpu.memory_space<vmem>>
    %dma_wait3A_394 = tpu.memref_squeeze %dma_wait3A_393 : memref<1x1x8x256xf32, #tpu.memory_space<vmem>> -> memref<8x256xf32, #tpu.memory_space<vmem>>
    %dma_wait3A_395 = arith.constant 0 : i32
    %dma_wait3A_396 = arith.constant 0 : i32
    %dma_wait3A_397 = tpu.memref_slice %arg2[%select_n3A, %add3A_302, %dma_wait3A_395, %dma_wait3A_396] : memref<4x96x512x512xf32, #tpu.memory_space<hbm>> -> memref<1x1x8x256xf32, #tpu.memory_space<hbm>>
    %dma_wait3A_398 = tpu.memref_squeeze %dma_wait3A_397 : memref<1x1x8x256xf32, #tpu.memory_space<hbm>> -> memref<8x256xf32, #tpu.memory_space<hbm>>
    %dma_wait3A_399 = arith.constant 0 : i32
    %dma_wait3A_400 = arith.constant 0 : i32
    %dma_wait3A_401 = tpu.memref_slice %arg5[%dma_wait3A_389, %dma_wait3A_390, %dma_wait3A_399, %dma_wait3A_400] : memref<2x12x8x256xf32, #tpu.memory_space<vmem>> -> memref<1x1x8x256xf32, #tpu.memory_space<vmem>>
    %dma_wait3A_402 = tpu.memref_squeeze %dma_wait3A_401 : memref<1x1x8x256xf32, #tpu.memory_space<vmem>> -> memref<8x256xf32, #tpu.memory_space<vmem>>
    %dma_wait3A_403 = arith.constant 0 : i32
    %dma_wait3A_404 = arith.constant 0 : i32
    %dma_wait3A_405 = tpu.memref_slice %arg2[%select_n3A, %add3A_302, %dma_wait3A_403, %dma_wait3A_404] : memref<4x96x512x512xf32, #tpu.memory_space<hbm>> -> memref<1x1x8x256xf32, #tpu.memory_space<hbm>>
    %dma_wait3A_406 = tpu.memref_squeeze %dma_wait3A_405 : memref<1x1x8x256xf32, #tpu.memory_space<hbm>> -> memref<8x256xf32, #tpu.memory_space<hbm>>
    tpu.wait_dma2 semaphore(%arg8 : memref<!tpu.dma_semaphore, #tpu.memory_space<semaphore_mem>>) src(%dma_wait3A_406 : memref<8x256xf32, #tpu.memory_space<hbm>>) dst(%dma_wait3A_402 : memref<8x256xf32, #tpu.memory_space<vmem>>)
    %dma_wait3A_407 = arith.constant 0 : i32
    %dma_wait3A_408 = arith.constant 4 : i32
    %dma_wait3A_409 = arith.constant 0 : i32
    %dma_wait3A_410 = arith.constant 0 : i32
    %dma_wait3A_411 = tpu.memref_slice %arg5[%dma_wait3A_407, %dma_wait3A_408, %dma_wait3A_409, %dma_wait3A_410] : memref<2x12x8x256xf32, #tpu.memory_space<vmem>> -> memref<1x1x8x256xf32, #tpu.memory_space<vmem>>
    %dma_wait3A_412 = tpu.memref_squeeze %dma_wait3A_411 : memref<1x1x8x256xf32, #tpu.memory_space<vmem>> -> memref<8x256xf32, #tpu.memory_space<vmem>>
    %dma_wait3A_413 = arith.constant 0 : i32
    %dma_wait3A_414 = arith.constant 0 : i32
    %dma_wait3A_415 = tpu.memref_slice %arg2[%select_n3A, %add3A_304, %dma_wait3A_413, %dma_wait3A_414] : memref<4x96x512x512xf32, #tpu.memory_space<hbm>> -> memref<1x1x8x256xf32, #tpu.memory_space<hbm>>
    %dma_wait3A_416 = tpu.memref_squeeze %dma_wait3A_415 : memref<1x1x8x256xf32, #tpu.memory_space<hbm>> -> memref<8x256xf32, #tpu.memory_space<hbm>>
    %dma_wait3A_417 = arith.constant 0 : i32
    %dma_wait3A_418 = arith.constant 0 : i32
    %dma_wait3A_419 = tpu.memref_slice %arg5[%dma_wait3A_407, %dma_wait3A_408, %dma_wait3A_417, %dma_wait3A_418] : memref<2x12x8x256xf32, #tpu.memory_space<vmem>> -> memref<1x1x8x256xf32, #tpu.memory_space<vmem>>
    %dma_wait3A_420 = tpu.memref_squeeze %dma_wait3A_419 : memref<1x1x8x256xf32, #tpu.memory_space<vmem>> -> memref<8x256xf32, #tpu.memory_space<vmem>>
    %dma_wait3A_421 = arith.constant 0 : i32
    %dma_wait3A_422 = arith.constant 0 : i32
    %dma_wait3A_423 = tpu.memref_slice %arg2[%select_n3A, %add3A_304, %dma_wait3A_421, %dma_wait3A_422] : memref<4x96x512x512xf32, #tpu.memory_space<hbm>> -> memref<1x1x8x256xf32, #tpu.memory_space<hbm>>
    %dma_wait3A_424 = tpu.memref_squeeze %dma_wait3A_423 : memref<1x1x8x256xf32, #tpu.memory_space<hbm>> -> memref<8x256xf32, #tpu.memory_space<hbm>>
    tpu.wait_dma2 semaphore(%arg8 : memref<!tpu.dma_semaphore, #tpu.memory_space<semaphore_mem>>) src(%dma_wait3A_424 : memref<8x256xf32, #tpu.memory_space<hbm>>) dst(%dma_wait3A_420 : memref<8x256xf32, #tpu.memory_space<vmem>>)
    %dma_wait3A_425 = arith.constant 0 : i32
    %dma_wait3A_426 = arith.constant 5 : i32
    %dma_wait3A_427 = arith.constant 0 : i32
    %dma_wait3A_428 = arith.constant 0 : i32
    %dma_wait3A_429 = tpu.memref_slice %arg5[%dma_wait3A_425, %dma_wait3A_426, %dma_wait3A_427, %dma_wait3A_428] : memref<2x12x8x256xf32, #tpu.memory_space<vmem>> -> memref<1x1x8x256xf32, #tpu.memory_space<vmem>>
    %dma_wait3A_430 = tpu.memref_squeeze %dma_wait3A_429 : memref<1x1x8x256xf32, #tpu.memory_space<vmem>> -> memref<8x256xf32, #tpu.memory_space<vmem>>
    %dma_wait3A_431 = arith.constant 0 : i32
    %dma_wait3A_432 = arith.constant 0 : i32
    %dma_wait3A_433 = tpu.memref_slice %arg2[%select_n3A, %add3A_306, %dma_wait3A_431, %dma_wait3A_432] : memref<4x96x512x512xf32, #tpu.memory_space<hbm>> -> memref<1x1x8x256xf32, #tpu.memory_space<hbm>>
    %dma_wait3A_434 = tpu.memref_squeeze %dma_wait3A_433 : memref<1x1x8x256xf32, #tpu.memory_space<hbm>> -> memref<8x256xf32, #tpu.memory_space<hbm>>
    %dma_wait3A_435 = arith.constant 0 : i32
    %dma_wait3A_436 = arith.constant 0 : i32
    %dma_wait3A_437 = tpu.memref_slice %arg5[%dma_wait3A_425, %dma_wait3A_426, %dma_wait3A_435, %dma_wait3A_436] : memref<2x12x8x256xf32, #tpu.memory_space<vmem>> -> memref<1x1x8x256xf32, #tpu.memory_space<vmem>>
    %dma_wait3A_438 = tpu.memref_squeeze %dma_wait3A_437 : memref<1x1x8x256xf32, #tpu.memory_space<vmem>> -> memref<8x256xf32, #tpu.memory_space<vmem>>
    %dma_wait3A_439 = arith.constant 0 : i32
    %dma_wait3A_440 = arith.constant 0 : i32
    %dma_wait3A_441 = tpu.memref_slice %arg2[%select_n3A, %add3A_306, %dma_wait3A_439, %dma_wait3A_440] : memref<4x96x512x512xf32, #tpu.memory_space<hbm>> -> memref<1x1x8x256xf32, #tpu.memory_space<hbm>>
    %dma_wait3A_442 = tpu.memref_squeeze %dma_wait3A_441 : memref<1x1x8x256xf32, #tpu.memory_space<hbm>> -> memref<8x256xf32, #tpu.memory_space<hbm>>
    tpu.wait_dma2 semaphore(%arg8 : memref<!tpu.dma_semaphore, #tpu.memory_space<semaphore_mem>>) src(%dma_wait3A_442 : memref<8x256xf32, #tpu.memory_space<hbm>>) dst(%dma_wait3A_438 : memref<8x256xf32, #tpu.memory_space<vmem>>)
    %dma_wait3A_443 = arith.constant 0 : i32
    %dma_wait3A_444 = arith.constant 6 : i32
    %dma_wait3A_445 = arith.constant 0 : i32
    %dma_wait3A_446 = arith.constant 0 : i32
    %dma_wait3A_447 = tpu.memref_slice %arg5[%dma_wait3A_443, %dma_wait3A_444, %dma_wait3A_445, %dma_wait3A_446] : memref<2x12x8x256xf32, #tpu.memory_space<vmem>> -> memref<1x1x8x256xf32, #tpu.memory_space<vmem>>
    %dma_wait3A_448 = tpu.memref_squeeze %dma_wait3A_447 : memref<1x1x8x256xf32, #tpu.memory_space<vmem>> -> memref<8x256xf32, #tpu.memory_space<vmem>>
    %dma_wait3A_449 = arith.constant 0 : i32
    %dma_wait3A_450 = arith.constant 0 : i32
    %dma_wait3A_451 = tpu.memref_slice %arg2[%select_n3A, %add3A_308, %dma_wait3A_449, %dma_wait3A_450] : memref<4x96x512x512xf32, #tpu.memory_space<hbm>> -> memref<1x1x8x256xf32, #tpu.memory_space<hbm>>
    %dma_wait3A_452 = tpu.memref_squeeze %dma_wait3A_451 : memref<1x1x8x256xf32, #tpu.memory_space<hbm>> -> memref<8x256xf32, #tpu.memory_space<hbm>>
    %dma_wait3A_453 = arith.constant 0 : i32
    %dma_wait3A_454 = arith.constant 0 : i32
    %dma_wait3A_455 = tpu.memref_slice %arg5[%dma_wait3A_443, %dma_wait3A_444, %dma_wait3A_453, %dma_wait3A_454] : memref<2x12x8x256xf32, #tpu.memory_space<vmem>> -> memref<1x1x8x256xf32, #tpu.memory_space<vmem>>
    %dma_wait3A_456 = tpu.memref_squeeze %dma_wait3A_455 : memref<1x1x8x256xf32, #tpu.memory_space<vmem>> -> memref<8x256xf32, #tpu.memory_space<vmem>>
    %dma_wait3A_457 = arith.constant 0 : i32
    %dma_wait3A_458 = arith.constant 0 : i32
    %dma_wait3A_459 = tpu.memref_slice %arg2[%select_n3A, %add3A_308, %dma_wait3A_457, %dma_wait3A_458] : memref<4x96x512x512xf32, #tpu.memory_space<hbm>> -> memref<1x1x8x256xf32, #tpu.memory_space<hbm>>
    %dma_wait3A_460 = tpu.memref_squeeze %dma_wait3A_459 : memref<1x1x8x256xf32, #tpu.memory_space<hbm>> -> memref<8x256xf32, #tpu.memory_space<hbm>>
    tpu.wait_dma2 semaphore(%arg8 : memref<!tpu.dma_semaphore, #tpu.memory_space<semaphore_mem>>) src(%dma_wait3A_460 : memref<8x256xf32, #tpu.memory_space<hbm>>) dst(%dma_wait3A_456 : memref<8x256xf32, #tpu.memory_space<vmem>>)
    %dma_wait3A_461 = arith.constant 0 : i32
    %dma_wait3A_462 = arith.constant 7 : i32
    %dma_wait3A_463 = arith.constant 0 : i32
    %dma_wait3A_464 = arith.constant 0 : i32
    %dma_wait3A_465 = tpu.memref_slice %arg5[%dma_wait3A_461, %dma_wait3A_462, %dma_wait3A_463, %dma_wait3A_464] : memref<2x12x8x256xf32, #tpu.memory_space<vmem>> -> memref<1x1x8x256xf32, #tpu.memory_space<vmem>>
    %dma_wait3A_466 = tpu.memref_squeeze %dma_wait3A_465 : memref<1x1x8x256xf32, #tpu.memory_space<vmem>> -> memref<8x256xf32, #tpu.memory_space<vmem>>
    %dma_wait3A_467 = arith.constant 0 : i32
    %dma_wait3A_468 = arith.constant 0 : i32
    %dma_wait3A_469 = tpu.memref_slice %arg2[%select_n3A, %add3A_310, %dma_wait3A_467, %dma_wait3A_468] : memref<4x96x512x512xf32, #tpu.memory_space<hbm>> -> memref<1x1x8x256xf32, #tpu.memory_space<hbm>>
    %dma_wait3A_470 = tpu.memref_squeeze %dma_wait3A_469 : memref<1x1x8x256xf32, #tpu.memory_space<hbm>> -> memref<8x256xf32, #tpu.memory_space<hbm>>
    %dma_wait3A_471 = arith.constant 0 : i32
    %dma_wait3A_472 = arith.constant 0 : i32
    %dma_wait3A_473 = tpu.memref_slice %arg5[%dma_wait3A_461, %dma_wait3A_462, %dma_wait3A_471, %dma_wait3A_472] : memref<2x12x8x256xf32, #tpu.memory_space<vmem>> -> memref<1x1x8x256xf32, #tpu.memory_space<vmem>>
    %dma_wait3A_474 = tpu.memref_squeeze %dma_wait3A_473 : memref<1x1x8x256xf32, #tpu.memory_space<vmem>> -> memref<8x256xf32, #tpu.memory_space<vmem>>
    %dma_wait3A_475 = arith.constant 0 : i32
    %dma_wait3A_476 = arith.constant 0 : i32
    %dma_wait3A_477 = tpu.memref_slice %arg2[%select_n3A, %add3A_310, %dma_wait3A_475, %dma_wait3A_476] : memref<4x96x512x512xf32, #tpu.memory_space<hbm>> -> memref<1x1x8x256xf32, #tpu.memory_space<hbm>>
    %dma_wait3A_478 = tpu.memref_squeeze %dma_wait3A_477 : memref<1x1x8x256xf32, #tpu.memory_space<hbm>> -> memref<8x256xf32, #tpu.memory_space<hbm>>
    tpu.wait_dma2 semaphore(%arg8 : memref<!tpu.dma_semaphore, #tpu.memory_space<semaphore_mem>>) src(%dma_wait3A_478 : memref<8x256xf32, #tpu.memory_space<hbm>>) dst(%dma_wait3A_474 : memref<8x256xf32, #tpu.memory_space<vmem>>)
    %dma_wait3A_479 = arith.constant 0 : i32
    %dma_wait3A_480 = arith.constant 8 : i32
    %dma_wait3A_481 = arith.constant 0 : i32
    %dma_wait3A_482 = arith.constant 0 : i32
    %dma_wait3A_483 = tpu.memref_slice %arg5[%dma_wait3A_479, %dma_wait3A_480, %dma_wait3A_481, %dma_wait3A_482] : memref<2x12x8x256xf32, #tpu.memory_space<vmem>> -> memref<1x1x8x256xf32, #tpu.memory_space<vmem>>
    %dma_wait3A_484 = tpu.memref_squeeze %dma_wait3A_483 : memref<1x1x8x256xf32, #tpu.memory_space<vmem>> -> memref<8x256xf32, #tpu.memory_space<vmem>>
    %dma_wait3A_485 = arith.constant 0 : i32
    %dma_wait3A_486 = arith.constant 0 : i32
    %dma_wait3A_487 = tpu.memref_slice %arg2[%select_n3A, %add3A_312, %dma_wait3A_485, %dma_wait3A_486] : memref<4x96x512x512xf32, #tpu.memory_space<hbm>> -> memref<1x1x8x256xf32, #tpu.memory_space<hbm>>
    %dma_wait3A_488 = tpu.memref_squeeze %dma_wait3A_487 : memref<1x1x8x256xf32, #tpu.memory_space<hbm>> -> memref<8x256xf32, #tpu.memory_space<hbm>>
    %dma_wait3A_489 = arith.constant 0 : i32
    %dma_wait3A_490 = arith.constant 0 : i32
    %dma_wait3A_491 = tpu.memref_slice %arg5[%dma_wait3A_479, %dma_wait3A_480, %dma_wait3A_489, %dma_wait3A_490] : memref<2x12x8x256xf32, #tpu.memory_space<vmem>> -> memref<1x1x8x256xf32, #tpu.memory_space<vmem>>
    %dma_wait3A_492 = tpu.memref_squeeze %dma_wait3A_491 : memref<1x1x8x256xf32, #tpu.memory_space<vmem>> -> memref<8x256xf32, #tpu.memory_space<vmem>>
    %dma_wait3A_493 = arith.constant 0 : i32
    %dma_wait3A_494 = arith.constant 0 : i32
    %dma_wait3A_495 = tpu.memref_slice %arg2[%select_n3A, %add3A_312, %dma_wait3A_493, %dma_wait3A_494] : memref<4x96x512x512xf32, #tpu.memory_space<hbm>> -> memref<1x1x8x256xf32, #tpu.memory_space<hbm>>
    %dma_wait3A_496 = tpu.memref_squeeze %dma_wait3A_495 : memref<1x1x8x256xf32, #tpu.memory_space<hbm>> -> memref<8x256xf32, #tpu.memory_space<hbm>>
    tpu.wait_dma2 semaphore(%arg8 : memref<!tpu.dma_semaphore, #tpu.memory_space<semaphore_mem>>) src(%dma_wait3A_496 : memref<8x256xf32, #tpu.memory_space<hbm>>) dst(%dma_wait3A_492 : memref<8x256xf32, #tpu.memory_space<vmem>>)
    %dma_wait3A_497 = arith.constant 0 : i32
    %dma_wait3A_498 = arith.constant 9 : i32
    %dma_wait3A_499 = arith.constant 0 : i32
    %dma_wait3A_500 = arith.constant 0 : i32
    %dma_wait3A_501 = tpu.memref_slice %arg5[%dma_wait3A_497, %dma_wait3A_498, %dma_wait3A_499, %dma_wait3A_500] : memref<2x12x8x256xf32, #tpu.memory_space<vmem>> -> memref<1x1x8x256xf32, #tpu.memory_space<vmem>>
    %dma_wait3A_502 = tpu.memref_squeeze %dma_wait3A_501 : memref<1x1x8x256xf32, #tpu.memory_space<vmem>> -> memref<8x256xf32, #tpu.memory_space<vmem>>
    %dma_wait3A_503 = arith.constant 0 : i32
    %dma_wait3A_504 = arith.constant 0 : i32
    %dma_wait3A_505 = tpu.memref_slice %arg2[%select_n3A, %add3A_314, %dma_wait3A_503, %dma_wait3A_504] : memref<4x96x512x512xf32, #tpu.memory_space<hbm>> -> memref<1x1x8x256xf32, #tpu.memory_space<hbm>>
    %dma_wait3A_506 = tpu.memref_squeeze %dma_wait3A_505 : memref<1x1x8x256xf32, #tpu.memory_space<hbm>> -> memref<8x256xf32, #tpu.memory_space<hbm>>
    %dma_wait3A_507 = arith.constant 0 : i32
    %dma_wait3A_508 = arith.constant 0 : i32
    %dma_wait3A_509 = tpu.memref_slice %arg5[%dma_wait3A_497, %dma_wait3A_498, %dma_wait3A_507, %dma_wait3A_508] : memref<2x12x8x256xf32, #tpu.memory_space<vmem>> -> memref<1x1x8x256xf32, #tpu.memory_space<vmem>>
    %dma_wait3A_510 = tpu.memref_squeeze %dma_wait3A_509 : memref<1x1x8x256xf32, #tpu.memory_space<vmem>> -> memref<8x256xf32, #tpu.memory_space<vmem>>
    %dma_wait3A_511 = arith.constant 0 : i32
    %dma_wait3A_512 = arith.constant 0 : i32
    %dma_wait3A_513 = tpu.memref_slice %arg2[%select_n3A, %add3A_314, %dma_wait3A_511, %dma_wait3A_512] : memref<4x96x512x512xf32, #tpu.memory_space<hbm>> -> memref<1x1x8x256xf32, #tpu.memory_space<hbm>>
    %dma_wait3A_514 = tpu.memref_squeeze %dma_wait3A_513 : memref<1x1x8x256xf32, #tpu.memory_space<hbm>> -> memref<8x256xf32, #tpu.memory_space<hbm>>
    tpu.wait_dma2 semaphore(%arg8 : memref<!tpu.dma_semaphore, #tpu.memory_space<semaphore_mem>>) src(%dma_wait3A_514 : memref<8x256xf32, #tpu.memory_space<hbm>>) dst(%dma_wait3A_510 : memref<8x256xf32, #tpu.memory_space<vmem>>)
    %dma_wait3A_515 = arith.constant 0 : i32
    %dma_wait3A_516 = arith.constant 10 : i32
    %dma_wait3A_517 = arith.constant 0 : i32
    %dma_wait3A_518 = arith.constant 0 : i32
    %dma_wait3A_519 = tpu.memref_slice %arg5[%dma_wait3A_515, %dma_wait3A_516, %dma_wait3A_517, %dma_wait3A_518] : memref<2x12x8x256xf32, #tpu.memory_space<vmem>> -> memref<1x1x8x256xf32, #tpu.memory_space<vmem>>
    %dma_wait3A_520 = tpu.memref_squeeze %dma_wait3A_519 : memref<1x1x8x256xf32, #tpu.memory_space<vmem>> -> memref<8x256xf32, #tpu.memory_space<vmem>>
    %dma_wait3A_521 = arith.constant 0 : i32
    %dma_wait3A_522 = arith.constant 0 : i32
    %dma_wait3A_523 = tpu.memref_slice %arg2[%select_n3A, %add3A_316, %dma_wait3A_521, %dma_wait3A_522] : memref<4x96x512x512xf32, #tpu.memory_space<hbm>> -> memref<1x1x8x256xf32, #tpu.memory_space<hbm>>
    %dma_wait3A_524 = tpu.memref_squeeze %dma_wait3A_523 : memref<1x1x8x256xf32, #tpu.memory_space<hbm>> -> memref<8x256xf32, #tpu.memory_space<hbm>>
    %dma_wait3A_525 = arith.constant 0 : i32
    %dma_wait3A_526 = arith.constant 0 : i32
    %dma_wait3A_527 = tpu.memref_slice %arg5[%dma_wait3A_515, %dma_wait3A_516, %dma_wait3A_525, %dma_wait3A_526] : memref<2x12x8x256xf32, #tpu.memory_space<vmem>> -> memref<1x1x8x256xf32, #tpu.memory_space<vmem>>
    %dma_wait3A_528 = tpu.memref_squeeze %dma_wait3A_527 : memref<1x1x8x256xf32, #tpu.memory_space<vmem>> -> memref<8x256xf32, #tpu.memory_space<vmem>>
    %dma_wait3A_529 = arith.constant 0 : i32
    %dma_wait3A_530 = arith.constant 0 : i32
    %dma_wait3A_531 = tpu.memref_slice %arg2[%select_n3A, %add3A_316, %dma_wait3A_529, %dma_wait3A_530] : memref<4x96x512x512xf32, #tpu.memory_space<hbm>> -> memref<1x1x8x256xf32, #tpu.memory_space<hbm>>
    %dma_wait3A_532 = tpu.memref_squeeze %dma_wait3A_531 : memref<1x1x8x256xf32, #tpu.memory_space<hbm>> -> memref<8x256xf32, #tpu.memory_space<hbm>>
    tpu.wait_dma2 semaphore(%arg8 : memref<!tpu.dma_semaphore, #tpu.memory_space<semaphore_mem>>) src(%dma_wait3A_532 : memref<8x256xf32, #tpu.memory_space<hbm>>) dst(%dma_wait3A_528 : memref<8x256xf32, #tpu.memory_space<vmem>>)
    %dma_wait3A_533 = arith.constant 0 : i32
    %dma_wait3A_534 = arith.constant 11 : i32
    %dma_wait3A_535 = arith.constant 0 : i32
    %dma_wait3A_536 = arith.constant 0 : i32
    %dma_wait3A_537 = tpu.memref_slice %arg5[%dma_wait3A_533, %dma_wait3A_534, %dma_wait3A_535, %dma_wait3A_536] : memref<2x12x8x256xf32, #tpu.memory_space<vmem>> -> memref<1x1x8x256xf32, #tpu.memory_space<vmem>>
    %dma_wait3A_538 = tpu.memref_squeeze %dma_wait3A_537 : memref<1x1x8x256xf32, #tpu.memory_space<vmem>> -> memref<8x256xf32, #tpu.memory_space<vmem>>
    %dma_wait3A_539 = arith.constant 0 : i32
    %dma_wait3A_540 = arith.constant 0 : i32
    %dma_wait3A_541 = tpu.memref_slice %arg2[%select_n3A, %add3A_318, %dma_wait3A_539, %dma_wait3A_540] : memref<4x96x512x512xf32, #tpu.memory_space<hbm>> -> memref<1x1x8x256xf32, #tpu.memory_space<hbm>>
    %dma_wait3A_542 = tpu.memref_squeeze %dma_wait3A_541 : memref<1x1x8x256xf32, #tpu.memory_space<hbm>> -> memref<8x256xf32, #tpu.memory_space<hbm>>
    %dma_wait3A_543 = arith.constant 0 : i32
    %dma_wait3A_544 = arith.constant 0 : i32
    %dma_wait3A_545 = tpu.memref_slice %arg5[%dma_wait3A_533, %dma_wait3A_534, %dma_wait3A_543, %dma_wait3A_544] : memref<2x12x8x256xf32, #tpu.memory_space<vmem>> -> memref<1x1x8x256xf32, #tpu.memory_space<vmem>>
    %dma_wait3A_546 = tpu.memref_squeeze %dma_wait3A_545 : memref<1x1x8x256xf32, #tpu.memory_space<vmem>> -> memref<8x256xf32, #tpu.memory_space<vmem>>
    %dma_wait3A_547 = arith.constant 0 : i32
    %dma_wait3A_548 = arith.constant 0 : i32
    %dma_wait3A_549 = tpu.memref_slice %arg2[%select_n3A, %add3A_318, %dma_wait3A_547, %dma_wait3A_548] : memref<4x96x512x512xf32, #tpu.memory_space<hbm>> -> memref<1x1x8x256xf32, #tpu.memory_space<hbm>>
    %dma_wait3A_550 = tpu.memref_squeeze %dma_wait3A_549 : memref<1x1x8x256xf32, #tpu.memory_space<hbm>> -> memref<8x256xf32, #tpu.memory_space<hbm>>
    tpu.wait_dma2 semaphore(%arg8 : memref<!tpu.dma_semaphore, #tpu.memory_space<semaphore_mem>>) src(%dma_wait3A_550 : memref<8x256xf32, #tpu.memory_space<hbm>>) dst(%dma_wait3A_546 : memref<8x256xf32, #tpu.memory_space<vmem>>)
    %swap3A = arith.constant 0 : i32
    %swap3A_551 = arith.index_cast %swap3A : i32 to index
    %swap3A_552 = arith.constant 0 : index
    %swap3A_553 = tpu.vector_load %arg7[%swap3A_551, %swap3A_552] {strides = array<i32>} : memref<25x16xf32, #tpu.memory_space<vmem>>, vector<1x16xf32>,
    %swap3A_554 = vector.shape_cast %swap3A_553 : vector<1x16xf32> to vector<16xf32>
    %swap3A_555 = vector.shape_cast %scan3A_293#0 : vector<16xf32> to vector<1x16xf32>
    tpu.vector_store %arg7[%swap3A_551, %swap3A_552], %swap3A_555 {strides = array<i32>} : memref<25x16xf32, #tpu.memory_space<vmem>>, vector<1x16xf32>,
    %swap3A_556 = arith.constant 1 : i32
    %swap3A_557 = arith.index_cast %swap3A_556 : i32 to index
    %swap3A_558 = arith.constant 0 : index
    %swap3A_559 = tpu.vector_load %arg7[%swap3A_557, %swap3A_558] {strides = array<i32>} : memref<25x16xf32, #tpu.memory_space<vmem>>, vector<1x16xf32>,
    %swap3A_560 = vector.shape_cast %swap3A_559 : vector<1x16xf32> to vector<16xf32>
    %swap3A_561 = vector.shape_cast %scan3A_293#1 : vector<16xf32> to vector<1x16xf32>
    tpu.vector_store %arg7[%swap3A_557, %swap3A_558], %swap3A_561 {strides = array<i32>} : memref<25x16xf32, #tpu.memory_space<vmem>>, vector<1x16xf32>,
    %swap3A_562 = arith.constant 2 : i32
    %swap3A_563 = arith.index_cast %swap3A_562 : i32 to index
    %swap3A_564 = arith.constant 0 : index
    %swap3A_565 = tpu.vector_load %arg7[%swap3A_563, %swap3A_564] {strides = array<i32>} : memref<25x16xf32, #tpu.memory_space<vmem>>, vector<1x16xf32>,
    %swap3A_566 = vector.shape_cast %swap3A_565 : vector<1x16xf32> to vector<16xf32>
    %swap3A_567 = vector.shape_cast %scan3A_293#2 : vector<16xf32> to vector<1x16xf32>
    tpu.vector_store %arg7[%swap3A_563, %swap3A_564], %swap3A_567 {strides = array<i32>} : memref<25x16xf32, #tpu.memory_space<vmem>>, vector<1x16xf32>,
    %swap3A_568 = arith.constant 3 : i32
    %swap3A_569 = arith.index_cast %swap3A_568 : i32 to index
    %swap3A_570 = arith.constant 0 : index
    %swap3A_571 = tpu.vector_load %arg7[%swap3A_569, %swap3A_570] {strides = array<i32>} : memref<25x16xf32, #tpu.memory_space<vmem>>, vector<1x16xf32>,
    %swap3A_572 = vector.shape_cast %swap3A_571 : vector<1x16xf32> to vector<16xf32>
    %swap3A_573 = vector.shape_cast %scan3A_293#3 : vector<16xf32> to vector<1x16xf32>
    tpu.vector_store %arg7[%swap3A_569, %swap3A_570], %swap3A_573 {strides = array<i32>} : memref<25x16xf32, #tpu.memory_space<vmem>>, vector<1x16xf32>,
    %swap3A_574 = arith.constant 4 : i32
    %swap3A_575 = arith.index_cast %swap3A_574 : i32 to index
    %swap3A_576 = arith.constant 0 : index
    %swap3A_577 = tpu.vector_load %arg7[%swap3A_575, %swap3A_576] {strides = array<i32>} : memref<25x16xf32, #tpu.memory_space<vmem>>, vector<1x16xf32>,
    %swap3A_578 = vector.shape_cast %swap3A_577 : vector<1x16xf32> to vector<16xf32>
    %swap3A_579 = vector.shape_cast %scan3A_293#4 : vector<16xf32> to vector<1x16xf32>
    tpu.vector_store %arg7[%swap3A_575, %swap3A_576], %swap3A_579 {strides = array<i32>} : memref<25x16xf32, #tpu.memory_space<vmem>>, vector<1x16xf32>,
    %swap3A_580 = arith.constant 5 : i32
    %swap3A_581 = arith.index_cast %swap3A_580 : i32 to index
    %swap3A_582 = arith.constant 0 : index
    %swap3A_583 = tpu.vector_load %arg7[%swap3A_581, %swap3A_582] {strides = array<i32>} : memref<25x16xf32, #tpu.memory_space<vmem>>, vector<1x16xf32>,
    %swap3A_584 = vector.shape_cast %swap3A_583 : vector<1x16xf32> to vector<16xf32>
    %swap3A_585 = vector.shape_cast %scan3A_293#5 : vector<16xf32> to vector<1x16xf32>
    tpu.vector_store %arg7[%swap3A_581, %swap3A_582], %swap3A_585 {strides = array<i32>} : memref<25x16xf32, #tpu.memory_space<vmem>>, vector<1x16xf32>,
    %swap3A_586 = arith.constant 6 : i32
    %swap3A_587 = arith.index_cast %swap3A_586 : i32 to index
    %swap3A_588 = arith.constant 0 : index
    %swap3A_589 = tpu.vector_load %arg7[%swap3A_587, %swap3A_588] {strides = array<i32>} : memref<25x16xf32, #tpu.memory_space<vmem>>, vector<1x16xf32>,
    %swap3A_590 = vector.shape_cast %swap3A_589 : vector<1x16xf32> to vector<16xf32>
    %swap3A_591 = vector.shape_cast %scan3A_293#6 : vector<16xf32> to vector<1x16xf32>
    tpu.vector_store %arg7[%swap3A_587, %swap3A_588], %swap3A_591 {strides = array<i32>} : memref<25x16xf32, #tpu.memory_space<vmem>>, vector<1x16xf32>,
    %swap3A_592 = arith.constant 7 : i32
    %swap3A_593 = arith.index_cast %swap3A_592 : i32 to index
    %swap3A_594 = arith.constant 0 : index
    %swap3A_595 = tpu.vector_load %arg7[%swap3A_593, %swap3A_594] {strides = array<i32>} : memref<25x16xf32, #tpu.memory_space<vmem>>, vector<1x16xf32>,
    %swap3A_596 = vector.shape_cast %swap3A_595 : vector<1x16xf32> to vector<16xf32>
    %swap3A_597 = vector.shape_cast %scan3A_293#7 : vector<16xf32> to vector<1x16xf32>
    tpu.vector_store %arg7[%swap3A_593, %swap3A_594], %swap3A_597 {strides = array<i32>} : memref<25x16xf32, #tpu.memory_space<vmem>>, vector<1x16xf32>,
    %swap3A_598 = arith.constant 8 : i32
    %swap3A_599 = arith.index_cast %swap3A_598 : i32 to index
    %swap3A_600 = arith.constant 0 : index
    %swap3A_601 = tpu.vector_load %arg7[%swap3A_599, %swap3A_600] {strides = array<i32>} : memref<25x16xf32, #tpu.memory_space<vmem>>, vector<1x16xf32>,
    %swap3A_602 = vector.shape_cast %swap3A_601 : vector<1x16xf32> to vector<16xf32>
    %swap3A_603 = vector.shape_cast %scan3A_293#8 : vector<16xf32> to vector<1x16xf32>
    tpu.vector_store %arg7[%swap3A_599, %swap3A_600], %swap3A_603 {strides = array<i32>} : memref<25x16xf32, #tpu.memory_space<vmem>>, vector<1x16xf32>,
    %swap3A_604 = arith.constant 9 : i32
    %swap3A_605 = arith.index_cast %swap3A_604 : i32 to index
    %swap3A_606 = arith.constant 0 : index
    %swap3A_607 = tpu.vector_load %arg7[%swap3A_605, %swap3A_606] {strides = array<i32>} : memref<25x16xf32, #tpu.memory_space<vmem>>, vector<1x16xf32>,
    %swap3A_608 = vector.shape_cast %swap3A_607 : vector<1x16xf32> to vector<16xf32>
    %swap3A_609 = vector.shape_cast %scan3A_293#9 : vector<16xf32> to vector<1x16xf32>
    tpu.vector_store %arg7[%swap3A_605, %swap3A_606], %swap3A_609 {strides = array<i32>} : memref<25x16xf32, #tpu.memory_space<vmem>>, vector<1x16xf32>,
    %swap3A_610 = arith.constant 10 : i32
    %swap3A_611 = arith.index_cast %swap3A_610 : i32 to index
    %swap3A_612 = arith.constant 0 : index
    %swap3A_613 = tpu.vector_load %arg7[%swap3A_611, %swap3A_612] {strides = array<i32>} : memref<25x16xf32, #tpu.memory_space<vmem>>, vector<1x16xf32>,
    %swap3A_614 = vector.shape_cast %swap3A_613 : vector<1x16xf32> to vector<16xf32>
    %swap3A_615 = vector.shape_cast %scan3A_293#10 : vector<16xf32> to vector<1x16xf32>
    tpu.vector_store %arg7[%swap3A_611, %swap3A_612], %swap3A_615 {strides = array<i32>} : memref<25x16xf32, #tpu.memory_space<vmem>>, vector<1x16xf32>,
    %swap3A_616 = arith.constant 11 : i32
    %swap3A_617 = arith.index_cast %swap3A_616 : i32 to index
    %swap3A_618 = arith.constant 0 : index
    %swap3A_619 = tpu.vector_load %arg7[%swap3A_617, %swap3A_618] {strides = array<i32>} : memref<25x16xf32, #tpu.memory_space<vmem>>, vector<1x16xf32>,
    %swap3A_620 = vector.shape_cast %swap3A_619 : vector<1x16xf32> to vector<16xf32>
    %swap3A_621 = vector.shape_cast %scan3A_293#11 : vector<16xf32> to vector<1x16xf32>
    tpu.vector_store %arg7[%swap3A_617, %swap3A_618], %swap3A_621 {strides = array<i32>} : memref<25x16xf32, #tpu.memory_space<vmem>>, vector<1x16xf32>,
    %swap3A_622 = arith.constant 12 : i32
    %swap3A_623 = arith.index_cast %swap3A_622 : i32 to index
    %swap3A_624 = arith.constant 0 : index
    %swap3A_625 = tpu.vector_load %arg7[%swap3A_623, %swap3A_624] {strides = array<i32>} : memref<25x16xf32, #tpu.memory_space<vmem>>, vector<1x16xf32>,
    %swap3A_626 = vector.shape_cast %swap3A_625 : vector<1x16xf32> to vector<16xf32>
    %swap3A_627 = vector.shape_cast %scan3A_293#12 : vector<16xf32> to vector<1x16xf32>
    tpu.vector_store %arg7[%swap3A_623, %swap3A_624], %swap3A_627 {strides = array<i32>} : memref<25x16xf32, #tpu.memory_space<vmem>>, vector<1x16xf32>,
    %swap3A_628 = arith.constant 13 : i32
    %swap3A_629 = arith.index_cast %swap3A_628 : i32 to index
    %swap3A_630 = arith.constant 0 : index
    %swap3A_631 = tpu.vector_load %arg7[%swap3A_629, %swap3A_630] {strides = array<i32>} : memref<25x16xf32, #tpu.memory_space<vmem>>, vector<1x16xf32>,
    %swap3A_632 = vector.shape_cast %swap3A_631 : vector<1x16xf32> to vector<16xf32>
    %swap3A_633 = vector.shape_cast %scan3A_293#13 : vector<16xf32> to vector<1x16xf32>
    tpu.vector_store %arg7[%swap3A_629, %swap3A_630], %swap3A_633 {strides = array<i32>} : memref<25x16xf32, #tpu.memory_space<vmem>>, vector<1x16xf32>,
    %swap3A_634 = arith.constant 14 : i32
    %swap3A_635 = arith.index_cast %swap3A_634 : i32 to index
    %swap3A_636 = arith.constant 0 : index
    %swap3A_637 = tpu.vector_load %arg7[%swap3A_635, %swap3A_636] {strides = array<i32>} : memref<25x16xf32, #tpu.memory_space<vmem>>, vector<1x16xf32>,
    %swap3A_638 = vector.shape_cast %swap3A_637 : vector<1x16xf32> to vector<16xf32>
    %swap3A_639 = vector.shape_cast %scan3A_293#14 : vector<16xf32> to vector<1x16xf32>
    tpu.vector_store %arg7[%swap3A_635, %swap3A_636], %swap3A_639 {strides = array<i32>} : memref<25x16xf32, #tpu.memory_space<vmem>>, vector<1x16xf32>,
    %swap3A_640 = arith.constant 15 : i32
    %swap3A_641 = arith.index_cast %swap3A_640 : i32 to index
    %swap3A_642 = arith.constant 0 : index
    %swap3A_643 = tpu.vector_load %arg7[%swap3A_641, %swap3A_642] {strides = array<i32>} : memref<25x16xf32, #tpu.memory_space<vmem>>, vector<1x16xf32>,
    %swap3A_644 = vector.shape_cast %swap3A_643 : vector<1x16xf32> to vector<16xf32>
    %swap3A_645 = vector.shape_cast %scan3A_293#15 : vector<16xf32> to vector<1x16xf32>
    tpu.vector_store %arg7[%swap3A_641, %swap3A_642], %swap3A_645 {strides = array<i32>} : memref<25x16xf32, #tpu.memory_space<vmem>>, vector<1x16xf32>,
    %swap3A_646 = arith.constant 16 : i32
    %swap3A_647 = arith.index_cast %swap3A_646 : i32 to index
    %swap3A_648 = arith.constant 0 : index
    %swap3A_649 = tpu.vector_load %arg7[%swap3A_647, %swap3A_648] {strides = array<i32>} : memref<25x16xf32, #tpu.memory_space<vmem>>, vector<1x16xf32>,
    %swap3A_650 = vector.shape_cast %swap3A_649 : vector<1x16xf32> to vector<16xf32>
    %swap3A_651 = vector.shape_cast %scan3A_293#16 : vector<16xf32> to vector<1x16xf32>
    tpu.vector_store %arg7[%swap3A_647, %swap3A_648], %swap3A_651 {strides = array<i32>} : memref<25x16xf32, #tpu.memory_space<vmem>>, vector<1x16xf32>,
    %swap3A_652 = arith.constant 17 : i32
    %swap3A_653 = arith.index_cast %swap3A_652 : i32 to index
    %swap3A_654 = arith.constant 0 : index
    %swap3A_655 = tpu.vector_load %arg7[%swap3A_653, %swap3A_654] {strides = array<i32>} : memref<25x16xf32, #tpu.memory_space<vmem>>, vector<1x16xf32>,
    %swap3A_656 = vector.shape_cast %swap3A_655 : vector<1x16xf32> to vector<16xf32>
    %swap3A_657 = vector.shape_cast %scan3A_293#17 : vector<16xf32> to vector<1x16xf32>
    tpu.vector_store %arg7[%swap3A_653, %swap3A_654], %swap3A_657 {strides = array<i32>} : memref<25x16xf32, #tpu.memory_space<vmem>>, vector<1x16xf32>,
    %swap3A_658 = arith.constant 18 : i32
    %swap3A_659 = arith.index_cast %swap3A_658 : i32 to index
    %swap3A_660 = arith.constant 0 : index
    %swap3A_661 = tpu.vector_load %arg7[%swap3A_659, %swap3A_660] {strides = array<i32>} : memref<25x16xf32, #tpu.memory_space<vmem>>, vector<1x16xf32>,
    %swap3A_662 = vector.shape_cast %swap3A_661 : vector<1x16xf32> to vector<16xf32>
    %swap3A_663 = vector.shape_cast %scan3A_293#18 : vector<16xf32> to vector<1x16xf32>
    tpu.vector_store %arg7[%swap3A_659, %swap3A_660], %swap3A_663 {strides = array<i32>} : memref<25x16xf32, #tpu.memory_space<vmem>>, vector<1x16xf32>,
    %swap3A_664 = arith.constant 19 : i32
    %swap3A_665 = arith.index_cast %swap3A_664 : i32 to index
    %swap3A_666 = arith.constant 0 : index
    %swap3A_667 = tpu.vector_load %arg7[%swap3A_665, %swap3A_666] {strides = array<i32>} : memref<25x16xf32, #tpu.memory_space<vmem>>, vector<1x16xf32>,
    %swap3A_668 = vector.shape_cast %swap3A_667 : vector<1x16xf32> to vector<16xf32>
    %swap3A_669 = vector.shape_cast %scan3A_293#19 : vector<16xf32> to vector<1x16xf32>
    tpu.vector_store %arg7[%swap3A_665, %swap3A_666], %swap3A_669 {strides = array<i32>} : memref<25x16xf32, #tpu.memory_space<vmem>>, vector<1x16xf32>,
    %swap3A_670 = arith.constant 20 : i32
    %swap3A_671 = arith.index_cast %swap3A_670 : i32 to index
    %swap3A_672 = arith.constant 0 : index
    %swap3A_673 = tpu.vector_load %arg7[%swap3A_671, %swap3A_672] {strides = array<i32>} : memref<25x16xf32, #tpu.memory_space<vmem>>, vector<1x16xf32>,
    %swap3A_674 = vector.shape_cast %swap3A_673 : vector<1x16xf32> to vector<16xf32>
    %swap3A_675 = vector.shape_cast %scan3A_293#20 : vector<16xf32> to vector<1x16xf32>
    tpu.vector_store %arg7[%swap3A_671, %swap3A_672], %swap3A_675 {strides = array<i32>} : memref<25x16xf32, #tpu.memory_space<vmem>>, vector<1x16xf32>,
    %swap3A_676 = arith.constant 21 : i32
    %swap3A_677 = arith.index_cast %swap3A_676 : i32 to index
    %swap3A_678 = arith.constant 0 : index
    %swap3A_679 = tpu.vector_load %arg7[%swap3A_677, %swap3A_678] {strides = array<i32>} : memref<25x16xf32, #tpu.memory_space<vmem>>, vector<1x16xf32>,
    %swap3A_680 = vector.shape_cast %swap3A_679 : vector<1x16xf32> to vector<16xf32>
    %swap3A_681 = vector.shape_cast %scan3A_293#21 : vector<16xf32> to vector<1x16xf32>
    tpu.vector_store %arg7[%swap3A_677, %swap3A_678], %swap3A_681 {strides = array<i32>} : memref<25x16xf32, #tpu.memory_space<vmem>>, vector<1x16xf32>,
    %swap3A_682 = arith.constant 22 : i32
    %swap3A_683 = arith.index_cast %swap3A_682 : i32 to index
    %swap3A_684 = arith.constant 0 : index
    %swap3A_685 = tpu.vector_load %arg7[%swap3A_683, %swap3A_684] {strides = array<i32>} : memref<25x16xf32, #tpu.memory_space<vmem>>, vector<1x16xf32>,
    %swap3A_686 = vector.shape_cast %swap3A_685 : vector<1x16xf32> to vector<16xf32>
    %swap3A_687 = vector.shape_cast %scan3A_293#22 : vector<16xf32> to vector<1x16xf32>
    tpu.vector_store %arg7[%swap3A_683, %swap3A_684], %swap3A_687 {strides = array<i32>} : memref<25x16xf32, #tpu.memory_space<vmem>>, vector<1x16xf32>,
    %swap3A_688 = arith.constant 23 : i32
    %swap3A_689 = arith.index_cast %swap3A_688 : i32 to index
    %swap3A_690 = arith.constant 0 : index
    %swap3A_691 = tpu.vector_load %arg7[%swap3A_689, %swap3A_690] {strides = array<i32>} : memref<25x16xf32, #tpu.memory_space<vmem>>, vector<1x16xf32>,
    %swap3A_692 = vector.shape_cast %swap3A_691 : vector<1x16xf32> to vector<16xf32>
    %swap3A_693 = vector.shape_cast %scan3A_293#23 : vector<16xf32> to vector<1x16xf32>
    tpu.vector_store %arg7[%swap3A_689, %swap3A_690], %swap3A_693 {strides = array<i32>} : memref<25x16xf32, #tpu.memory_space<vmem>>, vector<1x16xf32>,
    %swap3A_694 = arith.constant 24 : i32
    %swap3A_695 = arith.index_cast %swap3A_694 : i32 to index
    %swap3A_696 = arith.constant 0 : index
    %swap3A_697 = tpu.vector_load %arg7[%swap3A_695, %swap3A_696] {strides = array<i32>} : memref<25x16xf32, #tpu.memory_space<vmem>>, vector<1x16xf32>,
    %swap3A_698 = vector.shape_cast %swap3A_697 : vector<1x16xf32> to vector<16xf32>
    %swap3A_699 = vector.shape_cast %scan3A_293#24 : vector<16xf32> to vector<1x16xf32>
    tpu.vector_store %arg7[%swap3A_695, %swap3A_696], %swap3A_699 {strides = array<i32>} : memref<25x16xf32, #tpu.memory_space<vmem>>, vector<1x16xf32>,
    "tpu.region"() ({
      %run_scoped3A = tpu.sem_alloc : memref<!tpu.dma_semaphore, #tpu.memory_space<semaphore_mem>>
      %dma_start3A_700 = arith.constant 0 : i32
      %dma_start3A_701 = arith.constant 0 : i32
      %dma_start3A_702 = tpu.memref_slice %arg4[%add3A, %dma_start3A_700, %dma_start3A_701] : memref<32x25x16xf32, #tpu.memory_space<hbm>> -> memref<1x25x16xf32, #tpu.memory_space<hbm>>
      %dma_start3A_703 = tpu.memref_squeeze %dma_start3A_702 : memref<1x25x16xf32, #tpu.memory_space<hbm>> -> memref<25x16xf32, #tpu.memory_space<hbm>>
      %dma_start3A_704 = arith.constant 0 : i32
      %dma_start3A_705 = arith.constant 0 : i32
      %dma_start3A_706 = tpu.memref_slice %arg4[%add3A, %dma_start3A_704, %dma_start3A_705] : memref<32x25x16xf32, #tpu.memory_space<hbm>> -> memref<1x25x16xf32, #tpu.memory_space<hbm>>
      %dma_start3A_707 = tpu.memref_squeeze %dma_start3A_706 : memref<1x25x16xf32, #tpu.memory_space<hbm>> -> memref<25x16xf32, #tpu.memory_space<hbm>>
      tpu.enqueue_dma source(%arg7 : memref<25x16xf32, #tpu.memory_space<vmem>>) target(%dma_start3A_707 : memref<25x16xf32, #tpu.memory_space<hbm>>) target_semaphore(%run_scoped3A : memref<!tpu.dma_semaphore, #tpu.memory_space<semaphore_mem>>)
      %dma_wait3A_708 = arith.constant 0 : i32
      %dma_wait3A_709 = arith.constant 0 : i32
      %dma_wait3A_710 = tpu.memref_slice %arg4[%add3A, %dma_wait3A_708, %dma_wait3A_709] : memref<32x25x16xf32, #tpu.memory_space<hbm>> -> memref<1x25x16xf32, #tpu.memory_space<hbm>>
      %dma_wait3A_711 = tpu.memref_squeeze %dma_wait3A_710 : memref<1x25x16xf32, #tpu.memory_space<hbm>> -> memref<25x16xf32, #tpu.memory_space<hbm>>
      %dma_wait3A_712 = arith.constant 0 : i32
      %dma_wait3A_713 = arith.constant 0 : i32
      %dma_wait3A_714 = tpu.memref_slice %arg4[%add3A, %dma_wait3A_712, %dma_wait3A_713] : memref<32x25x16xf32, #tpu.memory_space<hbm>> -> memref<1x25x16xf32, #tpu.memory_space<hbm>>
      %dma_wait3A_715 = tpu.memref_squeeze %dma_wait3A_714 : memref<1x25x16xf32, #tpu.memory_space<hbm>> -> memref<25x16xf32, #tpu.memory_space<hbm>>
      tpu.wait_dma2 semaphore(%run_scoped3A : memref<!tpu.dma_semaphore, #tpu.memory_space<semaphore_mem>>) src(%arg7 : memref<25x16xf32, #tpu.memory_space<vmem>>) dst(%dma_wait3A_715 : memref<25x16xf32, #tpu.memory_space<hbm>>)
      tpu.yield
    }) : () -> ()
    return
  }
}

</mosaic_0001>

<sc_bundles>
// kernel: kernel.3.cloned.1.call-start
scs
__scs_entry_jumppad:
0x0: {  	(pc) =	sbr.rel $0x88, $3  }
0x1: {  	(tag) =	ssettag $0x0;
	lr =	simm.s32 $0x1  }
0x2: {  	[smem:$0x3F9B] =	sst lr;
	_ =	strace $0xD0000000  }
0x3: {  	_ = 	snop  }
0x4: {  	_ = 	snop  }
0x5: {  	_ = 	snop  }
0x6: {  	_ = 	snop  }
0x7: {  	_ = 	snop  }
__scs_overlays_trampoline_lowered:
0x8: {  	[smem:$0x3FAA] =	sst s0  }
0x9: {  	[smem:$0x3FAB] =	sst s1  }
0xa: {  	[smem:$0x3FAC] =	sst s2  }
0xb: {  	[smem:$0x3FAD] =	sst s3  }
0xc: {  	[smem:$0x3FAE] =	sst s4  }
0xd: {  	[smem:$0x3FAF] =	sst s5  }
0xe: {  	[smem:$0x3FB0] =	sst s6  }
0xf: {  	[smem:$0x3FB1] =	sst s7  }
0x10: {  	[smem:$0x3FB2] =	sst s8  }
0x11: {  	[smem:$0x3FB3] =	sst s9;
	s0 =	simm.s32 @!p0 $0x0  }
0x12: {  	s1 =	sld [smem:$0x3F99];
	s0 =	simm.s32 @p0 $0x1  }
0x13: {  	[smem:$0x3FB4] =	sst s0;
	s0 =	simm.s32 @!p1 $0x0  }
0x14: {  	s2 =	sld [smem:$0x3F98];
	s0 =	simm.s32 @p1 $0x1  }
0x15: {  	[smem:$0x3FB5] =	sst s0;
	s0 =	simm.s32 @!p2 $0x0  }
0x16: {  	s3 =	sld [smem:$0x3FDB];
	s0 =	simm.s32 @p2 $0x1  }
0x17: {  	s4 =	simm.s32 $0x1BF5;
	[smem:$0x3FB7] =	sst s0  }
0x18: {  	s0 =	sld [smem:$0x3F9A];
	_ =	swait.ge [sflag:s4], $0x0  }
0x19: {  	s7 =	sld [smem:$0x3F9B]  }
0x1a: {  	s8 =	sadd.s32 $0xFFFFE003, lr  }
0x1b: {  	s9 =	sadd.s32 $0xFFFFFEF7, lr;
	s5 =	simm.s32 $0xFFFFFFFF;
	p2 =	slt.u32 s8, $0xFFFFF086  }
0x1c: {  	p1 =	slt.u32 s9, $0xF7A;
	s5 =	simm.s32 @!p2 $0x0  }
0x1d: {  	s5 =	simm.s32 @p1 $0x1;
	p0 =	seq.s32 s7, s2  }
0x1e: {  	s7 =	smul.u32 @!p0 $0xF7A, s2;
	p2 =	seq.s32 @!p0 s5, $0x0  }
0x1f: {  	s9 =	smul.u32 $0xF7A, s1;
	s8 =	simm.s32 @!p0 $0x1BF5;
	p2 =	por !p2, p0  }
0x20: {  	[sflag:s8] =	ssyncset.s32 @!p0 $0xFFFFF086;
	s6 =	sadd.s32 @!p0 s3, s7;
	s7 =	simm.s32 @!p0 $0x108  }
0x21: {  	s3 =	sadd.s32 s3, s9;
	s6 =	sadd.s32 @!p0 $0x88, s6;
	s7 =	simm.s32 @p2 $0x1082  }
0x22: {  	[simem:s7], [sflag:s8] =	dma.local @!p0 [hbm:s6], $0xF7A  }
0x23: {  	s9 =	sor.u32 $0xD0000000, s2;
	s6 =	simm.s32 $0x108;
	_ =	swait.ge @!p0 [sflag:s8], $0x0  }
0x24: {  	s3 =	sadd.s32 $0x88, s3;
	s6 =	simm.s32 @!p1 $0x1082;
	[sflag:s4] =	ssyncset.s32 $0xFFFFF086  }
0x25: {  	[simem:s6], [sflag:s4] =	dma.local [hbm:s3], $0xF7A  }
0x26: {  	[smem:$0x3F9B] =	sst s1;
	(tag) =	ssettag s2;
	_ =	strace s9  }
0x27: {  	s1 =	sld [smem:$0x3FAB]  }
0x28: {  	s2 =	sld [smem:$0x3FAC]  }
0x29: {  	s4 =	sld [smem:$0x3FAE]  }
0x2a: {  	p0 =	seq.s32 s5, $0x0;
	s5 =	sld [smem:$0x3FAF]  }
0x2b: {  	s6 =	sld [smem:$0x3FB0]  }
0x2c: {  	s7 =	sld [smem:$0x3FB1]  }
0x2d: {  	s3 =	simm.s32 $0x108;
	s8 =	sld [smem:$0x3FB2]  }
0x2e: {  	s3 =	simm.s32 @!p0 $0x1082;
	s9 =	sld [smem:$0x3FB3]  }
0x2f: {  	lr =	sadd.s32 s0, s3;
	s0 =	sld [smem:$0x3FAA]  }
0x30: {  	s3 =	sld [smem:$0x3FAD]  }
0x31: {  	[smem:$0x3FB6] =	sst s10  }
0x32: {  	s10 =	sld [smem:$0x3FB4];
	_ =	sdelay $0x3  }
0x33: {  	p0 =	seq.s32 s10, $0x1;
	s10 =	sld [smem:$0x3FB6];
	_ =	sdelay $0x3  }
0x34: {  	[smem:$0x3FB6] =	sst s10  }
0x35: {  	s10 =	sld [smem:$0x3FB5];
	_ =	sdelay $0x3  }
0x36: {  	p1 =	seq.s32 s10, $0x1;
	s10 =	sld [smem:$0x3FB6];
	_ =	sdelay $0x3  }
0x37: {  	[smem:$0x3FB6] =	sst s10  }
0x38: {  	s10 =	sld [smem:$0x3FB7]  }
0x39: {  	_ = 	snop;
	(pc) =	sbr.ind lr, $3  }
0x3a: {  	_ = 	snop  }
0x3b: {  	_ = 	snop  }
0x3c: {  	p2 =	seq.s32 s10, $0x1;
	s10 =	sld [smem:$0x3FB6]  }
0x3d: {  	_ =	shalt  }
0x3e: {  	_ =	shalt  }
0x3f: {  	_ =	shalt  }
0x40: {  	_ =	shalt  }
0x41: {  	_ =	shalt  }
0x42: {  	_ =	shalt  }
0x43: {  	_ =	shalt  }
0x44: {  	_ =	shalt  }
0x45: {  	_ =	shalt  }
0x46: {  	_ =	shalt  }
0x47: {  	_ =	shalt  }
0x48: {  	_ =	shalt  }
0x49: {  	_ =	shalt  }
0x4a: {  	_ =	shalt  }
0x4b: {  	_ =	shalt  }
0x4c: {  	_ =	shalt  }
0x4d: {  	_ =	shalt  }
0x4e: {  	_ =	shalt  }
0x4f: {  	_ =	shalt  }
0x50: {  	_ =	shalt  }
0x51: {  	_ =	shalt  }
0x52: {  	_ =	shalt  }
0x53: {  	_ =	shalt  }
0x54: {  	_ =	shalt  }
0x55: {  	_ =	shalt  }
0x56: {  	_ =	shalt  }
0x57: {  	_ =	shalt  }
0x58: {  	_ =	shalt  }
0x59: {  	_ =	shalt  }
0x5a: {  	_ =	shalt  }
0x5b: {  	_ =	shalt  }
0x5c: {  	_ =	shalt  }
0x5d: {  	_ =	shalt  }
0x5e: {  	_ =	shalt  }
0x5f: {  	_ =	shalt  }
0x60: {  	_ =	shalt  }
0x61: {  	_ =	shalt  }
0x62: {  	_ =	shalt  }
0x63: {  	_ =	shalt  }
0x64: {  	_ =	shalt  }
0x65: {  	_ =	shalt  }
0x66: {  	_ =	shalt  }
0x67: {  	_ =	shalt  }
0x68: {  	_ =	shalt  }
0x69: {  	_ =	shalt  }
0x6a: {  	_ =	shalt  }
0x6b: {  	_ =	shalt  }
0x6c: {  	_ =	shalt  }
0x6d: {  	_ =	shalt  }
0x6e: {  	_ =	shalt  }
0x6f: {  	_ =	shalt  }
0x70: {  	_ =	shalt  }
0x71: {  	_ =	shalt  }
0x72: {  	_ =	shalt  }
0x73: {  	_ =	shalt  }
0x74: {  	_ =	shalt  }
0x75: {  	_ =	shalt  }
0x76: {  	_ =	shalt  }
0x77: {  	_ =	shalt  }
0x78: {  	_ =	shalt  }
0x79: {  	_ =	shalt  }
0x7a: {  	_ =	shalt  }
0x7b: {  	_ =	shalt  }
0x7c: {  	_ =	shalt  }
0x7d: {  	_ =	shalt  }
0x7e: {  	_ =	shalt  }
0x7f: {  	_ =	shalt  }
0x80: {  	_ =	shalt  }
0x81: {  	_ =	shalt  }
0x82: {  	_ =	shalt  }
0x83: {  	_ =	shalt  }
0x84: {  	_ =	shalt  }
0x85: {  	_ =	shalt  }
0x86: {  	_ =	shalt  }
0x87: {  	_ =	shalt  }
.Lfunc_end0:
.L_simem_size_0:
called_computation_lowered:
.L_overlay_start_0:
0x88: {  	s2 =	sld [smem:$0x3FD9]  }
0x89: {  	s3 =	sld [smem:$0x3FFE];
	_ =	sdelay $0x1  }
0x8a: {  	s1 =	srdreg.scid  }
0x8b: {  	s0 =	sand.u32 $0x1, s1  }
0x8c: {  	s17 =	sshll.u32 s0, $0xA;
	s2 =	sadd.s32 s3, s2  }
0x8d: {  	s2 =	sadd.s32 s2, s17  }
0x8e: {  	[smem:$0x3FC2] =	sst s2  }
0x8f: {  	_ = 	snop  }
0x90: {  	s2 =	sld [smem:$0x3FC9]  }
0x91: {  	s18 =	sld [smem:$0x3FC8];
	(tm) =	ssettm $0x1  }
0x92: {  	s4 =	sld [smem:$0x3FFB];
	_ =	sdelay $0x3  }
0x93: {  	_ =	strace s4  }
0x94: {  	s4 =	sld [smem:$0x3FFC];
	_ =	sdelay $0x3  }
0x95: {  	_ =	strace s4  }
0x96: {  	s4 =	sld [smem:$0x3FFD];
	_ =	sdelay $0x3  }
0x97: {  	_ =	strace s4  }
0x98: {  	_ =	strace $0x8FFFFFFF  }
0x99: {  	s19 =	sld [smem:$0x3FDB];
	_ =	sdelay $0x1  }
0x9a: {  	s5 =	simm.s32 $_scs_section_size  }
0x9b: {  	s6 =	simm.s32 $_size__tile_overlayer_lowered;
	s7 =	simm.s32 $_tile_overlayer_lowered  }
0x9c: {  	s22 =	simm.s32 $0x1BFF;
	s21 =	sshll.u32 s7, $0x1;
	s4 =	sadd.s32 s5, s19  }
0x9d: {  	s8 =	simm.s32 $0x0;
	s20 =	sshll.u32 s6, $0x1;
	s6 =	sadd.s32 s21, s4  }
0x9e: {  	[timem:s8], [sflag:s22] =	dma.local [hbm:s6], s20  }
0x9f: {  	_ =	swait.ge [sflag:s22], s20  }
0xa0: {  	s5 =	ssub.s32 $0x0, s20;
	[sflag:s22] =	ssyncset.done $0x0  }
0xa1: {  	[sflag:s22] =	ssyncadd.s32 s5;
	_ =	sdelay $0x1  }
0xa2: {  	s23 =	simm.s32 $0x1B8B  }
0xa3: {  	_ =	swait.ge [sflag:s23], $0x1  }
0xa4: {  	[sflag:s23] =	ssyncset.done $0x0  }
0xa5: {  	s25 =	simm.s32 $0x1B8E;
	s24 =	sld [smem:$0x3FFE];
	[sflag:s23] =	ssyncadd.s32 $0xFFFFFFFF  }
0xa6: {  	s26 =	simm.s32 $execute0_lowered;
	[smem:$0x3FD2] =	sst s25  }
0xa7: {  	s6 =	sshll.u32 s26, $0x1;
	_ =	strace $0x80000046;
	[dreg:$0x1] =	wrdreg $0xFFFFFFFF  }
0xa8: {  	s28 =	simm.s32 $_size_execute0_lowered;
	s4 =	sadd.s32 s4, s6;
	[dreg:$0x0] =	wrdreg $0x0  }
0xa9: {  	s6 =	sshll.u32 s28, $0x1;
	[dreg:$0x2] =	wrdreg s4  }
0xaa: {  	[dreg:$0x3] =	wrdreg s6  }
0xab: {  	[dreg:$0x4] =	wrdreg $0xC0  }
0xac: {  	_ =	task [dreg:s8], $0x5FFFF  }
0xad: {  	[dreg:$0x1] =	wrdreg $0xFFFFFFFF  }
0xae: {  	[dreg:$0x0] =	wrdreg $0x60  }
0xaf: {  	[dreg:$0x2] =	wrdreg s2  }
0xb0: {  	[dreg:$0x3] =	wrdreg s18  }
0xb1: {  	[dreg:$0x4] =	wrdreg s24  }
0xb2: {  	[dreg:$0x5] =	wrdreg $0x9  }
0xb3: {  	_ =	task.clear_ibuf [dreg:s8], $0x6FFFF;
	_ =	strace $0x90000046  }
0xb4: {  	s29 =	simm.s32 $0x9;
	_ =	strace $0x80000048  }
0xb5: {  	_ =	swait.ge [sflag:s29], $0x1  }
0xb6: {  	[sflag:s29] =	ssyncadd.s32 $0xFFFFFFFF  }
0xb7: {  	_ =	strace $0x90000048  }
0xb8: {  	_ =	sfence  }
0xb9: {  	s30 =	sld [smem:$0x0];
	_ =	sdelay $0x2  }
0xba: {  	s31 =	sshll.u32 s1, $0xD;
	s1 =	sshrl.u32 s1, $0x2  }
0xbb: {  	s3 =	sand.u32 $0x4000, s31;
	s1 =	sadd.s32 s1, s30  }
0xbc: {  	s0 =	sor.u32 s3, s0;
	s1 =	sshll.u32 s1, $0x11  }
0xbd: {  	s0 =	sor.u32 s1, s0  }
0xbe: {  	s0 =	sadd.s32 $0x8F2B, s0  }
0xbf: {  	[sflag:s0] =	ssyncadd.remote.s32 $0x1  }
0xc0: {  	_ =	sfence.sel $0xFFFF  }
0xc1: {  	[dreg:$0x0] =	wrdreg $0xFFFFFFFF;
	(pc) =	sbr.abs _section_cstart, $3  }
0xc2: {  	[dreg:$0x1] =	wrdreg $0xFFFFFFFF  }
0xc3: {  	_ =	task.clear_ibuf [dreg:s8], $0x2FFFF;
	_ =	strace $0x9FFFFFFF  }
0xc4: {  	(tm) =	ssettm $0x7FFFFFFF  }
0xc5: {  	_ =	shalt  }
tec
execute0_lowered:
.L_overlay_start_1:
0x0: {  	(tag) =	ssettag $0x1  }
0x1: {  	s1 =	rddreg [dreg:$0x0]  }
0x2: {  	s8 =	rddreg [dreg:$0x1];
	s0 =	srdreg.scid  }
0x3: {  	s4 =	stileid.u32;
	s2 =	rddreg [dreg:$0x2];
	s12 =	simm.s32 $0x0  }
0x4: {  	s30 =	simm.s32 $0x4800;
	s31 =	simm.s32 $0x5000;
	s0 =	sand.u32 $0x1, s0  }
0x5: {  	s3 =	sshll.u32 s4, $0x1;
	s4 =	sshrl.u32 s4, $0x2;
	[smem:$0x7FF] =	sst s12  }
0x6: {  	s3 =	sor.u32 s0, s3;
	s6 =	smul.u32 $0x1800000, s4;
	s0 =	ssub.s32 $0x2, s0  }
0x7: {  	_ =	strace $0x80000047;
	s17 =	sshll.u32 s4, $0xF;
	s5 =	sand.u32 $0x7, s3  }
0x8: {  	s7 =	sshrl.u32 s0, $0x1;
	s18 =	sadd.s32 s8, s17;
	s3 =	sshll.u32 s3, $0x9  }
0x9: {  	s5 =	smul.u32 $0x300000, s5;
	[dreg:$0x4] =	wrdreg s18;
	s2 =	sadd.s32 s2, s3  }
0xa: {  	s0 =	ssub.s32 s0, s7;
	s3 =	simm.s32 $0x2;
	[dreg:$0xb] =	wrdreg s2  }
0xb: {  	s0 =	smax.u32 s0, $0x1;
	s5 =	sadd.s32 s6, s5;
	s6 =	sshll.u32 s4, $0x12  }
0xc: {  	[dreg:$0x12] =	wrdreg s0;
	s19 =	sshrl.u32 s5, $0x3;
	s9 =	sor.u32 $0x40000, s5  }
0xd: {  	s10 =	sor.u32 $0x80000, s5;
	s11 =	sor.u32 $0xC0000, s5;
	s15 =	sadd.s32 $0x100000, s5  }
0xe: {  	s16 =	sadd.s32 $0x140000, s5;
	s17 =	sadd.s32 $0x180000, s5;
	s28 =	sadd.s32 $0x280000, s5  }
0xf: {  	s29 =	sadd.s32 $0x2C0000, s5;
	s4 =	sadd.s32 s1, s19;
	s20 =	sshrl.u32 s9, $0x3  }
0x10: {  	s21 =	sshrl.u32 s10, $0x3;
	s23 =	sshrl.u32 s11, $0x3;
	s24 =	sshrl.u32 s15, $0x3  }
0x11: {  	s25 =	sshrl.u32 s16, $0x3;
	[dreg:$0x5] =	wrdreg s4;
	s4 =	sadd.s32 s1, s20  }
0x12: {  	s7 =	sshrl.u32 s17, $0x3;
	s22 =	sadd.s32 s1, s21;
	[dreg:$0x6] =	wrdreg s4  }
0x13: {  	s26 =	sadd.s32 s1, s25;
	s20 =	sadd.s32 $0x1C0000, s5;
	[dreg:$0x7] =	wrdreg s22  }
0x14: {  	s21 =	sadd.s32 $0x200000, s5;
	s4 =	sadd.s32 s1, s23;
	[dreg:$0xa] =	wrdreg s26  }
0x15: {  	s13 =	sshrl.u32 s20, $0x3;
	s14 =	sshrl.u32 s21, $0x3;
	s26 =	sadd.s32 $0x240000, s5  }
0x16: {  	s22 =	sshrl.u32 s28, $0x3;
	[dreg:$0x8] =	wrdreg s4;
	s4 =	sadd.s32 s1, s24  }
0x17: {  	s23 =	sshrl.u32 s29, $0x3;
	s2 =	sadd.s32 s1, s13;
	[dreg:$0x9] =	wrdreg s4  }
0x18: {  	s18 =	sadd.s32 s1, s14;
	s19 =	sshrl.u32 s26, $0x3;
	[dreg:$0xd] =	wrdreg s2  }
0x19: {  	s24 =	sadd.s32 s1, s22;
	s25 =	sadd.s32 s1, s23;
	[dreg:$0xe] =	wrdreg s18  }
0x1a: {  	s14 =	simm.s32 $0x0;
	s4 =	sadd.s32 s1, s7;
	[dreg:$0x10] =	wrdreg s24  }
0x1b: {  	s2 =	sadd.s32 s1, s19;
	[dreg:$0x11] =	wrdreg s25;
	s7 =	sadd.s32 $0x100, s8  }
0x1c: {  	s8 =	sadd.s32 $0x100, s1;
	s25 =	simm.s32 $0x4000;
	[dreg:$0xc] =	wrdreg s4  }
0x1d: {  	v0 =	vimm.f32 $0.0e+00;
	[dreg:$0xf] =	wrdreg s2;
	s2 =	simm.s32 $0x5800;
	s4 =	simm.s32 $0x1  }
.LBB2_1:
0x1e: {  	[dreg:$0x13] =	wrdreg s14  }
0x1f: {  	s0 =	rddreg [dreg:$0x4];
	s13 =	simm.s32 $0xC000  }
0x20: {  	[tilespmem:s13], [sflag:$0x1] =	stream.linear.gather [hbm4b:s0+s12], $0x800, $0x38;
	[tilespmem:$0xE000] =	vst v63  }
0x21: {  	s13 =	rddreg [dreg:$0x5]  }
0x22: {  	[tilespmem:s12], [sflag:$0x1] =	stream.linear.gather [hbm4b:s13+s12], $0x800, $0x38;
	[tilespmem:$0xE000] =	vst v63  }
0x23: {  	s14 =	rddreg [dreg:$0x6];
	s18 =	simm.s32 $0x800  }
0x24: {  	[tilespmem:s18], [sflag:$0x1] =	stream.linear.gather [hbm4b:s14+s12], $0x800, $0x38;
	[tilespmem:$0xE000] =	vst v63  }
0x25: {  	s19 =	rddreg [dreg:$0x7];
	s22 =	simm.s32 $0x1000  }
0x26: {  	[tilespmem:s22], [sflag:$0x1] =	stream.linear.gather [hbm4b:s19+s12], $0x800, $0x38;
	[tilespmem:$0xE000] =	vst v63  }
0x27: {  	s23 =	rddreg [dreg:$0x8];
	s24 =	simm.s32 $0x1800  }
0x28: {  	[tilespmem:s24], [sflag:$0x1] =	stream.linear.gather [hbm4b:s23+s12], $0x800, $0x38;
	[tilespmem:$0xE000] =	vst v63  }
0x29: {  	s14 =	rddreg [dreg:$0x9];
	s18 =	simm.s32 $0x2000  }
0x2a: {  	[tilespmem:s18], [sflag:$0x1] =	stream.linear.gather [hbm4b:s14+s12], $0x800, $0x38;
	[tilespmem:$0xE000] =	vst v63  }
0x2b: {  	s19 =	rddreg [dreg:$0xa];
	s22 =	simm.s32 $0x2800  }
0x2c: {  	[tilespmem:s22], [sflag:$0x1] =	stream.linear.gather [hbm4b:s19+s12], $0x800, $0x38;
	[tilespmem:$0xE000] =	vst v63  }
0x2d: {  	s23 =	rddreg [dreg:$0xc];
	s24 =	simm.s32 $0x3000  }
0x2e: {  	[tilespmem:s24], [sflag:$0x1] =	stream.linear.gather [hbm4b:s23+s12], $0x800, $0x38;
	[tilespmem:$0xE000] =	vst v63  }
0x2f: {  	s14 =	rddreg [dreg:$0xd];
	s18 =	simm.s32 $0x3800  }
0x30: {  	v1 =	vimm.f32 $0.0e+00;
	[tilespmem:s18], [sflag:$0x1] =	stream.linear.gather [hbm4b:s14+s12], $0x800, $0x38;
	[tilespmem:$0xE000] =	vst v63  }
0x31: {  	v2 =	vimm.f32 $0.0e+00;
	v30 =	vimm.f32 $0.0e+00;
	v31 =	vimm.f32 $0.0e+00;
	s19 =	rddreg [dreg:$0xe]  }
0x32: {  	v6 =	vimm.f32 $0.0e+00;
	v7 =	vimm.f32 $0.0e+00;
	v8 =	vimm.f32 $0.0e+00;
	[tilespmem:s25], [sflag:$0x1] =	stream.linear.gather [hbm4b:s19+s12], $0x800, $0x38;
	[tilespmem:$0xE000] =	vst v63  }
0x33: {  	v9 =	vimm.f32 $0.0e+00;
	v10 =	vimm.f32 $0.0e+00;
	v11 =	vimm.f32 $0.0e+00;
	s22 =	rddreg [dreg:$0xf]  }
0x34: {  	v12 =	vimm.f32 $0.0e+00;
	v13 =	vimm.f32 $0.0e+00;
	v3 =	vimm.f32 $0.0e+00;
	[tilespmem:s30], [sflag:$0x1] =	stream.linear.gather [hbm4b:s22+s12], $0x800, $0x38;
	[tilespmem:$0xE000] =	vst v63  }
0x35: {  	v4 =	vimm.f32 $0.0e+00;
	v32 =	vimm.f32 $0.0e+00;
	v33 =	vimm.f32 $0.0e+00;
	s23 =	rddreg [dreg:$0x10]  }
0x36: {  	v14 =	vimm.f32 $0.0e+00;
	v15 =	vimm.f32 $0.0e+00;
	v16 =	vimm.f32 $0.0e+00;
	[tilespmem:s31], [sflag:$0x1] =	stream.linear.gather [hbm4b:s23+s12], $0x800, $0x38;
	[tilespmem:$0xE000] =	vst v63  }
0x37: {  	v17 =	vimm.f32 $0.0e+00;
	v18 =	vimm.f32 $0.0e+00;
	v19 =	vimm.f32 $0.0e+00;
	s0 =	simm.s32 $0x0;
	s24 =	rddreg [dreg:$0x11]  }
0x38: {  	v20 =	vimm.f32 $0.0e+00;
	v21 =	vimm.f32 $0.0e+00;
	v5 =	vimm.f32 $0.0e+00;
	[tilespmem:s2], [sflag:$0x1] =	stream.linear.gather [hbm4b:s24+s12], $0x800, $0x38;
	[tilespmem:$0xE000] =	vst v63  }
.LBB2_2:
0x39: {  	s12 =	sshll.u32 s0, $0xC  }
0x3a: {  	s13 =	sor.u32 s6, s12  }
0x3b: {  	s18 =	simm.s32 $0xC800;
	s13 =	sshrl.u32 s13, $0x3  }
0x3c: {  	s23 =	sor.u32 s5, s12;
	s14 =	sadd.s32 s13, s7;
	s13 =	simm.s32 $0x0  }
0x3d: {  	[tilespmem:s18], [sflag:$0x2] =	stream.linear.gather [hbm4b:s14+s13], $0x800, $0x38;
	[tilespmem:$0xE000] =	vst v63  }
0x3e: {  	s14 =	sshrl.u32 s23, $0x3  }
0x3f: {  	s24 =	simm.s32 $0x6000;
	s19 =	sor.u32 s9, s12;
	s14 =	sadd.s32 s14, s8  }
0x40: {  	[tilespmem:s24], [sflag:$0x2] =	stream.linear.gather [hbm4b:s14+s13], $0x800, $0x38;
	[tilespmem:$0xE000] =	vst v63  }
0x41: {  	s14 =	sshrl.u32 s19, $0x3  }
0x42: {  	s22 =	simm.s32 $0x6800;
	s23 =	sor.u32 s10, s12;
	s14 =	sadd.s32 s14, s8  }
0x43: {  	[tilespmem:s22], [sflag:$0x2] =	stream.linear.gather [hbm4b:s14+s13], $0x800, $0x38;
	[tilespmem:$0xE000] =	vst v63  }
0x44: {  	s14 =	sshrl.u32 s23, $0x3  }
0x45: {  	s24 =	simm.s32 $0x7000;
	s19 =	sor.u32 s11, s12;
	s14 =	sadd.s32 s14, s8  }
0x46: {  	[tilespmem:s24], [sflag:$0x2] =	stream.linear.gather [hbm4b:s14+s13], $0x800, $0x38;
	[tilespmem:$0xE000] =	vst v63  }
0x47: {  	s14 =	sshrl.u32 s19, $0x3  }
0x48: {  	s22 =	simm.s32 $0x7800;
	s23 =	sor.u32 s15, s12;
	s14 =	sadd.s32 s14, s8  }
0x49: {  	[tilespmem:s22], [sflag:$0x2] =	stream.linear.gather [hbm4b:s14+s13], $0x800, $0x38;
	[tilespmem:$0xE000] =	vst v63  }
0x4a: {  	s14 =	sshrl.u32 s23, $0x3  }
0x4b: {  	s24 =	simm.s32 $0x8000;
	s19 =	sor.u32 s16, s12;
	s14 =	sadd.s32 s14, s8  }
0x4c: {  	[tilespmem:s24], [sflag:$0x2] =	stream.linear.gather [hbm4b:s14+s13], $0x800, $0x38;
	[tilespmem:$0xE000] =	vst v63  }
0x4d: {  	s14 =	sshrl.u32 s19, $0x3  }
0x4e: {  	s22 =	simm.s32 $0x8800;
	s23 =	sor.u32 s17, s12;
	s14 =	sadd.s32 s14, s8  }
0x4f: {  	[tilespmem:s22], [sflag:$0x2] =	stream.linear.gather [hbm4b:s14+s13], $0x800, $0x38;
	[tilespmem:$0xE000] =	vst v63  }
0x50: {  	s14 =	sshrl.u32 s23, $0x3  }
0x51: {  	s24 =	simm.s32 $0x9000;
	s19 =	sor.u32 s20, s12;
	s14 =	sadd.s32 s14, s8  }
0x52: {  	[tilespmem:s24], [sflag:$0x2] =	stream.linear.gather [hbm4b:s14+s13], $0x800, $0x38;
	[tilespmem:$0xE000] =	vst v63  }
0x53: {  	s14 =	sshrl.u32 s19, $0x3  }
0x54: {  	s22 =	simm.s32 $0x9800;
	s23 =	sor.u32 s21, s12;
	s14 =	sadd.s32 s14, s8  }
0x55: {  	[tilespmem:s22], [sflag:$0x2] =	stream.linear.gather [hbm4b:s14+s13], $0x800, $0x38;
	[tilespmem:$0xE000] =	vst v63  }
0x56: {  	s14 =	sshrl.u32 s23, $0x3  }
0x57: {  	s24 =	simm.s32 $0xA000;
	s19 =	sor.u32 s26, s12;
	s14 =	sadd.s32 s14, s8  }
0x58: {  	[tilespmem:s24], [sflag:$0x2] =	stream.linear.gather [hbm4b:s14+s13], $0x800, $0x38;
	[tilespmem:$0xE000] =	vst v63  }
0x59: {  	s14 =	sshrl.u32 s19, $0x3  }
0x5a: {  	s22 =	simm.s32 $0xA800;
	s23 =	sor.u32 s28, s12;
	s14 =	sadd.s32 s14, s8  }
0x5b: {  	[tilespmem:s22], [sflag:$0x2] =	stream.linear.gather [hbm4b:s14+s13], $0x800, $0x38;
	[tilespmem:$0xE000] =	vst v63  }
0x5c: {  	s14 =	sshrl.u32 s23, $0x3  }
0x5d: {  	s18 =	sor.u32 s29, s12;
	s24 =	simm.s32 $0xB000;
	s14 =	sadd.s32 s14, s8  }
0x5e: {  	[tilespmem:s24], [sflag:$0x2] =	stream.linear.gather [hbm4b:s14+s13], $0x800, $0x38;
	[tilespmem:$0xE000] =	vst v63  }
0x5f: {  	s14 =	sshrl.u32 s18, $0x3  }
0x60: {  	s19 =	simm.s32 $0xB800;
	s14 =	sadd.s32 s14, s8  }
0x61: {  	[tilespmem:s19], [sflag:$0x2] =	stream.linear.gather [hbm4b:s14+s13], $0x800, $0x38;
	[tilespmem:$0xE000] =	vst v63  }
0x62: {  	_ =	swait.ge [sflag:s4], $0x800  }
0x63: {  	[sflag:s4] =	ssyncset.done $0x0  }
0x64: {  	[sflag:s4] =	ssyncadd.s32 $0xFFFFF800  }
0x65: {  	_ =	swait.ge [sflag:s4], $0x800  }
0x66: {  	[sflag:s4] =	ssyncset.done $0x0  }
0x67: {  	[sflag:s4] =	ssyncadd.s32 $0xFFFFF800  }
0x68: {  	_ =	swait.ge [sflag:s4], $0x800  }
0x69: {  	[sflag:s4] =	ssyncset.done $0x0  }
0x6a: {  	[sflag:s4] =	ssyncadd.s32 $0xFFFFF800  }
0x6b: {  	_ =	swait.ge [sflag:s4], $0x800  }
0x6c: {  	[sflag:s4] =	ssyncset.done $0x0  }
0x6d: {  	[sflag:s4] =	ssyncadd.s32 $0xFFFFF800  }
0x6e: {  	_ =	swait.ge [sflag:s4], $0x800  }
0x6f: {  	[sflag:s4] =	ssyncset.done $0x0  }
0x70: {  	[sflag:s4] =	ssyncadd.s32 $0xFFFFF800  }
0x71: {  	_ =	swait.ge [sflag:s4], $0x800  }
0x72: {  	[sflag:s4] =	ssyncset.done $0x0  }
0x73: {  	[sflag:s4] =	ssyncadd.s32 $0xFFFFF800  }
0x74: {  	_ =	swait.ge [sflag:s4], $0x800  }
0x75: {  	[sflag:s4] =	ssyncset.done $0x0  }
0x76: {  	[sflag:s4] =	ssyncadd.s32 $0xFFFFF800  }
0x77: {  	_ =	swait.ge [sflag:s4], $0x800  }
0x78: {  	[sflag:s4] =	ssyncset.done $0x0  }
0x79: {  	[sflag:s4] =	ssyncadd.s32 $0xFFFFF800  }
0x7a: {  	_ =	swait.ge [sflag:s4], $0x800  }
0x7b: {  	[sflag:s4] =	ssyncset.done $0x0  }
0x7c: {  	[sflag:s4] =	ssyncadd.s32 $0xFFFFF800  }
0x7d: {  	_ =	swait.ge [sflag:s4], $0x800  }
0x7e: {  	[sflag:s4] =	ssyncset.done $0x0  }
0x7f: {  	[sflag:s4] =	ssyncadd.s32 $0xFFFFF800  }
0x80: {  	_ =	swait.ge [sflag:s4], $0x800  }
0x81: {  	[sflag:s4] =	ssyncset.done $0x0  }
0x82: {  	[sflag:s4] =	ssyncadd.s32 $0xFFFFF800  }
0x83: {  	_ =	swait.ge [sflag:s4], $0x800  }
0x84: {  	[sflag:s4] =	ssyncset.done $0x0  }
0x85: {  	[sflag:s4] =	ssyncadd.s32 $0xFFFFF800  }
0x86: {  	s22 =	sand.u32 $0x70, s13;
	_ =	swait.ge [sflag:s4], $0x800  }
0x87: {  	s23 =	sand.u32 $0x400, s13;
	s19 =	sand.u32 $0xFFFFFC00, s13;
	[sflag:s4] =	ssyncset.done $0x0  }
0x88: {  	s14 =	sor.u32 s22, s23;
	s24 =	sadd.s32 $0x0, s19;
	[sflag:s4] =	ssyncadd.s32 $0xFFFFF800  }
0x89: {  	s19 =	sor.u32 $0x80, s24;
	v22 =	vld [tilespmem:s14+$0xC000]  }
0x8a: {  	v23 =	vld [tilespmem:s19+$0xC000]  }
0x8b: {  	v24 =	vld [tilespmem:s14+$0xC100]  }
0x8c: {  	v35 =	vld [tilespmem:s14+$0x0]  }
0x8d: {  	v36 =	vld [tilespmem:s14+$0x800]  }
0x8e: {  	v55 =	vld [tilespmem:s14+$0x1000]  }
0x8f: {  	v37 =	vld [tilespmem:s19+$0x0]  }
0x90: {  	v38 =	vld [tilespmem:s14+$0x880]  }
0x91: {  	v39 =	vld [tilespmem:s14+$0x100];
	vm0 =	vgt.f32 v22, $5.000000000e-01  }
0x92: {  	s22 =	sor.u32 $0x180, s24;
	v40 =	vld [tilespmem:s14+$0x900];
	vm9 =	vgt.f32 v23, $5.000000000e-01;
	vm10 =	vgt.f32 v24, $5.000000000e-01;
	v13 =	vadd.f32 v35, v13  }
0x93: {  	v22 =	vld [tilespmem:s22+$0xC000];
	v12 =	vadd.f32 v36, v12;
	v11 =	vadd.f32 v55, v11;
	v29 =	vsel vm0, $0x3F800000, v0  }
0x94: {  	s18 =	sor.u32 $0x280, s24;
	v23 =	vld [tilespmem:s14+$0xC200];
	v28 =	vsel vm9, $0x3F800000, v0;
	v27 =	vsel vm10, $0x3F800000, v0;
	v57 =	vmul.f32 v29, v35  }
0x95: {  	v24 =	vld [tilespmem:s18+$0xC000];
	v5 =	vadd.f32 v29, v5;
	v42 =	vmul.f32 v29, v36;
	v58 =	vmul.f32 v28, v37  }
0x96: {  	v41 =	vld [tilespmem:s22+$0x0];
	v60 =	vmul.f32 v28, v38;
	v13 =	vadd.f32 v37, v13;
	v12 =	vadd.f32 v38, v12  }
0x97: {  	v59 =	vld [tilespmem:s14+$0x980];
	v62 =	vmul.f32 v27, v39;
	v5 =	vadd.f32 v28, v5;
	v21 =	vadd.f32 v57, v21  }
0x98: {  	v61 =	vld [tilespmem:s14+$0x200];
	v44 =	vmul.f32 v27, v40;
	v20 =	vadd.f32 v42, v20;
	v13 =	vadd.f32 v39, v13  }
0x99: {  	v63 =	vld [tilespmem:s14+$0xA00];
	v12 =	vadd.f32 v40, v12;
	vm11 =	vgt.f32 v22, $5.000000000e-01;
	vm12 =	vgt.f32 v23, $5.000000000e-01  }
0x9a: {  	v43 =	vld [tilespmem:s18+$0x0];
	vm13 =	vgt.f32 v24, $5.000000000e-01;
	v5 =	vadd.f32 v27, v5;
	v26 =	vsel vm11, $0x3F800000, v0  }
0x9b: {  	v57 =	vld [tilespmem:s14+$0x1800];
	v25 =	vsel vm12, $0x3F800000, v0;
	v21 =	vadd.f32 v58, v21;
	v20 =	vadd.f32 v60, v20  }
0x9c: {  	v46 =	vld [tilespmem:s14+$0xA80];
	v23 =	vsel vm13, $0x3F800000, v0;
	v13 =	vadd.f32 v41, v13;
	v12 =	vadd.f32 v59, v12  }
0x9d: {  	v48 =	vld [tilespmem:s14+$0x300];
	v45 =	vmul.f32 v26, v41;
	v47 =	vmul.f32 v26, v59;
	v5 =	vadd.f32 v26, v5  }
0x9e: {  	v22 =	vld [tilespmem:s14+$0xC300];
	v49 =	vmul.f32 v25, v61;
	v21 =	vadd.f32 v62, v21;
	v20 =	vadd.f32 v44, v20  }
0x9f: {  	v50 =	vld [tilespmem:s14+$0xB00];
	v51 =	vmul.f32 v25, v63;
	v13 =	vadd.f32 v61, v13;
	v12 =	vadd.f32 v63, v12  }
0xa0: {  	s23 =	sor.u32 s13, s13;
	v53 =	vmul.f32 v23, v43;
	v59 =	vld [tilespmem:s14+$0x1080];
	v10 =	vadd.f32 v57, v10;
	v5 =	vadd.f32 v25, v5  }
0xa1: {  	s23 =	sor.u32 $0x380, s23;
	v61 =	vld [tilespmem:s14+$0x1880];
	v44 =	vmul.f32 v55, v29;
	v21 =	vadd.f32 v45, v21;
	v20 =	vadd.f32 v47, v20  }
0xa2: {  	v34 =	vld [tilespmem:s23+$0xC000];
	v56 =	vmul.f32 v23, v46;
	v13 =	vadd.f32 v43, v13;
	v12 =	vadd.f32 v46, v12  }
0xa3: {  	v52 =	vld [tilespmem:s23+$0x0];
	vm14 =	vgt.f32 v22, $5.000000000e-01;
	v19 =	vadd.f32 v44, v19;
	v5 =	vadd.f32 v23, v5  }
0xa4: {  	v63 =	vld [tilespmem:s14+$0x1100];
	v22 =	vsel vm14, $0x3F800000, v0;
	v21 =	vadd.f32 v49, v21;
	v20 =	vadd.f32 v51, v20  }
0xa5: {  	v45 =	vld [tilespmem:s14+$0x1900];
	v58 =	vmul.f32 v22, v48;
	v13 =	vadd.f32 v48, v13;
	v48 =	vadd.f32 v50, v12  }
0xa6: {  	v54 =	vld [tilespmem:s14+$0xB80];
	v60 =	vmul.f32 v22, v50;
	v11 =	vadd.f32 v59, v11;
	v10 =	vadd.f32 v61, v10  }
0xa7: {  	v55 =	vld [tilespmem:s14+$0x1200];
	v50 =	vmul.f32 v57, v29;
	v24 =	vadd.f32 v22, v5;
	v21 =	vadd.f32 v53, v21  }
0xa8: {  	vm15 =	vgt.f32 v34, $5.000000000e-01;
	v51 =	vld [tilespmem:s14+$0x1180];
	v20 =	vadd.f32 v56, v20;
	v13 =	vadd.f32 v52, v13  }
0xa9: {  	v46 =	vld [tilespmem:s14+$0x1B00];
	v5 =	vsel vm15, $0x3F800000, v0;
	v18 =	vadd.f32 v50, v18;
	v11 =	vadd.f32 v63, v11  }
0xaa: {  	v53 =	vld [tilespmem:s14+$0x1980];
	v62 =	vmul.f32 v5, v52;
	v52 =	vmul.f32 v59, v28;
	v10 =	vadd.f32 v45, v10  }
0xab: {  	v57 =	vld [tilespmem:s14+$0x1A00];
	v56 =	vmul.f32 v63, v27;
	v24 =	vadd.f32 v5, v24;
	v21 =	vadd.f32 v58, v21  }
0xac: {  	v63 =	vld [tilespmem:s14+$0x1300];
	v49 =	vmul.f32 v5, v54;
	v20 =	vadd.f32 v60, v20;
	v19 =	vadd.f32 v52, v19  }
0xad: {  	v59 =	vld [tilespmem:s14+$0x1280];
	v60 =	vmul.f32 v51, v26;
	v11 =	vadd.f32 v51, v11;
	v12 =	vadd.f32 v62, v21  }
0xae: {  	v51 =	vld [tilespmem:s14+$0x2000];
	v20 =	vadd.f32 v49, v20;
	v21 =	vadd.f32 v54, v48;
	v54 =	vmul.f32 v61, v28  }
0xaf: {  	v58 =	vmul.f32 v45, v27;
	v61 =	vld [tilespmem:s14+$0x1A80];
	v19 =	vadd.f32 v56, v19;
	v10 =	vadd.f32 v53, v10  }
0xb0: {  	v62 =	vmul.f32 v53, v26;
	v11 =	vadd.f32 v55, v11;
	v53 =	vld [tilespmem:s14+$0x2800];
	v18 =	vadd.f32 v54, v18  }
0xb1: {  	v45 =	vmul.f32 v55, v25;
	v55 =	vld [tilespmem:s14+$0x2080];
	v19 =	vadd.f32 v60, v19;
	v10 =	vadd.f32 v57, v10  }
0xb2: {  	v47 =	vmul.f32 v57, v25;
	v48 =	vld [tilespmem:s14+$0x1380];
	v11 =	vadd.f32 v59, v11;
	v18 =	vadd.f32 v58, v18  }
0xb3: {  	v56 =	vmul.f32 v46, v22;
	v57 =	vld [tilespmem:s14+$0x2880];
	v9 =	vadd.f32 v51, v9;
	v19 =	vadd.f32 v45, v19  }
0xb4: {  	v49 =	vmul.f32 v59, v23;
	v59 =	vld [tilespmem:s14+$0x2100];
	v10 =	vadd.f32 v61, v10;
	v11 =	vadd.f32 v63, v11  }
0xb5: {  	v50 =	vld [tilespmem:s14+$0x1B80];
	v54 =	vmul.f32 v63, v22;
	v18 =	vadd.f32 v62, v18;
	v8 =	vadd.f32 v53, v8  }
0xb6: {  	v63 =	vld [tilespmem:s14+$0x2900];
	v62 =	vmul.f32 v51, v29;
	v9 =	vadd.f32 v55, v9;
	v19 =	vadd.f32 v49, v19  }
0xb7: {  	v58 =	vmul.f32 v48, v5;
	v51 =	vld [tilespmem:s14+$0x2980];
	v60 =	vadd.f32 v46, v10;
	v11 =	vadd.f32 v48, v11  }
0xb8: {  	v48 =	vmul.f32 v53, v29;
	v49 =	vld [tilespmem:s14+$0x2180];
	v18 =	vadd.f32 v47, v18;
	v17 =	vadd.f32 v62, v17  }
0xb9: {  	v52 =	vmul.f32 v61, v23;
	v53 =	vld [tilespmem:s14+$0x2200];
	v8 =	vadd.f32 v57, v8;
	v9 =	vadd.f32 v59, v9  }
0xba: {  	v19 =	vadd.f32 v54, v19;
	v16 =	vadd.f32 v48, v16;
	v54 =	vmul.f32 v59, v27;
	v59 =	vld [tilespmem:s14+$0x2A80]  }
0xbb: {  	v48 =	vld [tilespmem:s14+$0x2380];
	v18 =	vadd.f32 v52, v18;
	v52 =	vmul.f32 v57, v28;
	v8 =	vadd.f32 v63, v8  }
0xbc: {  	v61 =	vmul.f32 v50, v5;
	v57 =	vld [tilespmem:s14+$0x2280];
	v10 =	vadd.f32 v58, v19;
	v19 =	vadd.f32 v50, v60  }
0xbd: {  	v50 =	vmul.f32 v55, v28;
	v55 =	vld [tilespmem:s14+$0x2A00];
	v18 =	vadd.f32 v56, v18;
	v16 =	vadd.f32 v52, v16  }
0xbe: {  	v56 =	vmul.f32 v63, v27;
	v58 =	vmul.f32 v49, v26;
	v9 =	vadd.f32 v49, v9;
	v49 =	vld [tilespmem:s14+$0x3000]  }
0xbf: {  	v60 =	vmul.f32 v51, v26;
	v8 =	vadd.f32 v51, v8;
	v51 =	vld [tilespmem:s14+$0x3800];
	v17 =	vadd.f32 v50, v17  }
0xc0: {  	v45 =	vmul.f32 v53, v25;
	v18 =	vadd.f32 v61, v18;
	v16 =	vadd.f32 v56, v16  }
0xc1: {  	v61 =	vld [tilespmem:s14+$0x2300];
	v9 =	vadd.f32 v53, v9;
	v50 =	vmul.f32 v59, v23;
	v17 =	vadd.f32 v54, v17  }
0xc2: {  	v53 =	vld [tilespmem:s14+$0x3080];
	v56 =	vmul.f32 v48, v5;
	v16 =	vadd.f32 v60, v16;
	v8 =	vadd.f32 v55, v8  }
0xc3: {  	v46 =	vld [tilespmem:s14+$0x2B00];
	v47 =	vmul.f32 v55, v25;
	v9 =	vadd.f32 v57, v9;
	v17 =	vadd.f32 v58, v17  }
0xc4: {  	v62 =	vmul.f32 v57, v23;
	v7 =	vadd.f32 v49, v7;
	v6 =	vadd.f32 v51, v6  }
0xc5: {  	v55 =	vld [tilespmem:s14+$0x3880];
	v60 =	vmul.f32 v49, v29;
	v16 =	vadd.f32 v47, v16;
	v8 =	vadd.f32 v59, v8  }
0xc6: {  	v57 =	vld [tilespmem:s14+$0x3100];
	v47 =	vmul.f32 v51, v29;
	v17 =	vadd.f32 v45, v17;
	v9 =	vadd.f32 v61, v9  }
0xc7: {  	v63 =	vld [tilespmem:s14+$0x2B80];
	v52 =	vmul.f32 v61, v22;
	v15 =	vadd.f32 v60, v15;
	v7 =	vadd.f32 v53, v7  }
0xc8: {  	v61 =	vld [tilespmem:s14+$0x3900];
	v49 =	vmul.f32 v53, v28;
	v16 =	vadd.f32 v50, v16;
	v58 =	vadd.f32 v46, v8  }
0xc9: {  	v54 =	vmul.f32 v46, v22;
	v50 =	vld [tilespmem:s14+$0x3980];
	v14 =	vadd.f32 v47, v14;
	v17 =	vadd.f32 v62, v17  }
0xca: {  	v46 =	vld [tilespmem:s14+$0x3300];
	v9 =	vadd.f32 v48, v9;
	v51 =	vmul.f32 v55, v28;
	v15 =	vadd.f32 v49, v15  }
0xcb: {  	v48 =	vld [tilespmem:s14+$0x3180];
	v53 =	vmul.f32 v57, v27;
	v6 =	vadd.f32 v55, v6;
	v7 =	vadd.f32 v57, v7  }
0xcc: {  	v59 =	vmul.f32 v63, v5;
	v16 =	vadd.f32 v54, v16;
	v54 =	vld [tilespmem:s14+$0x3A00];
	v17 =	vadd.f32 v52, v17  }
0xcd: {  	v52 =	vld [tilespmem:s14+$0x3200];
	v14 =	vadd.f32 v51, v14;
	v15 =	vadd.f32 v53, v15  }
0xce: {  	v16 =	vadd.f32 v59, v16;
	v55 =	vmul.f32 v61, v27;
	v6 =	vadd.f32 v61, v6;
	v59 =	vld [tilespmem:s14+$0x4000]  }
0xcf: {  	v8 =	vadd.f32 v56, v17;
	v17 =	vadd.f32 v63, v58;
	v56 =	vld [tilespmem:s14+$0x3280]  }
0xd0: {  	v63 =	vld [tilespmem:s14+$0x3A80];
	v45 =	vmul.f32 v50, v26;
	v62 =	vmul.f32 v48, v26;
	v14 =	vadd.f32 v55, v14  }
0xd1: {  	v58 =	vld [tilespmem:s14+$0x3B80];
	v51 =	vmul.f32 v46, v22;
	v7 =	vadd.f32 v48, v7;
	v6 =	vadd.f32 v50, v6  }
0xd2: {  	v48 =	vld [tilespmem:s14+$0x3B00];
	v15 =	vadd.f32 v62, v15;
	v47 =	vmul.f32 v52, v25;
	v14 =	vadd.f32 v45, v14  }
0xd3: {  	v49 =	vmul.f32 v54, v25;
	v7 =	vadd.f32 v52, v7;
	v6 =	vadd.f32 v54, v6;
	v52 =	vld [tilespmem:s14+$0x4080]  }
0xd4: {  	v50 =	vld [tilespmem:s14+$0x3380];
	v31 =	vadd.f32 v59, v31;
	v15 =	vadd.f32 v47, v15;
	v57 =	vmul.f32 v56, v23  }
0xd5: {  	v61 =	vld [tilespmem:s14+$0x4800];
	v14 =	vadd.f32 v49, v14;
	v60 =	vmul.f32 v63, v23;
	v7 =	vadd.f32 v56, v7  }
0xd6: {  	v6 =	vadd.f32 v63, v6;
	v63 =	vmul.f32 v58, v5;
	v15 =	vadd.f32 v57, v15  }
0xd7: {  	v54 =	vld [tilespmem:s14+$0x4880];
	v53 =	vmul.f32 v48, v22;
	v14 =	vadd.f32 v60, v14;
	v7 =	vadd.f32 v46, v7  }
0xd8: {  	v56 =	vld [tilespmem:s14+$0x4100];
	v62 =	vadd.f32 v48, v6;
	v48 =	vmul.f32 v59, v29;
	v60 =	vadd.f32 v52, v31  }
0xd9: {  	v49 =	vld [tilespmem:s14+$0x4900];
	v55 =	vmul.f32 v50, v5;
	v15 =	vadd.f32 v51, v15;
	v14 =	vadd.f32 v53, v14  }
0xda: {  	v7 =	vadd.f32 v50, v7;
	v50 =	vmul.f32 v61, v29;
	v51 =	vld [tilespmem:s14+$0x4180];
	v33 =	vadd.f32 v48, v33  }
0xdb: {  	v42 =	vld [tilespmem:s14+$0x4980];
	v57 =	vmul.f32 v52, v28;
	v6 =	vadd.f32 v55, v15;
	v15 =	vadd.f32 v58, v62  }
0xdc: {  	v43 =	vld [tilespmem:s14+$0x4200];
	v59 =	vmul.f32 v54, v28;
	v32 =	vadd.f32 v50, v32;
	v58 =	vadd.f32 v61, v30  }
0xdd: {  	v34 =	vadd.f32 v56, v60;
	v33 =	vadd.f32 v57, v33;
	v61 =	vmul.f32 v56, v27;
	v30 =	vld [tilespmem:s14+$0x4A00]  }
0xde: {  	v31 =	vld [tilespmem:s14+$0x4280];
	v62 =	vmul.f32 v49, v27;
	v36 =	vadd.f32 v59, v32;
	v35 =	vadd.f32 v54, v58  }
0xdf: {  	v14 =	vadd.f32 v63, v14;
	v38 =	vadd.f32 v61, v33;
	v32 =	vld [tilespmem:s14+$0x4A80];
	v63 =	vmul.f32 v51, v26  }
0xe0: {  	v59 =	vmul.f32 v42, v26;
	v33 =	vld [tilespmem:s14+$0x4300];
	v55 =	vadd.f32 v62, v36;
	v56 =	vadd.f32 v49, v35  }
0xe1: {  	s18 =	simm.s32 $0x10;
	v41 =	vld [tilespmem:s14+$0x4B00];
	v60 =	vmul.f32 v43, v25;
	v58 =	vadd.f32 v51, v34;
	v57 =	vadd.f32 v63, v38  }
.LBB2_3:
0xe2: {  	p0 =	sne.s32 s18, $0xF0;
	v34 =	vadd.f32 v59, v55;
	v35 =	vadd.f32 v42, v56;
	v36 =	vmul.f32 v30, v25;
	v37 =	vld [tilespmem:s14+$0x4380]  }
0xe3: {  	v38 =	vadd.f32 v60, v57;
	v39 =	vadd.f32 v43, v58;
	v40 =	vmul.f32 v31, v23;
	v42 =	vld [tilespmem:s14+$0x4B80]  }
0xe4: {  	v43 =	vld [tilespmem:s14+$0x5000];
	v34 =	vadd.f32 v36, v34;
	v30 =	vadd.f32 v30, v35;
	v35 =	vmul.f32 v32, v23  }
0xe5: {  	v36 =	vld [tilespmem:s14+$0x5800];
	v38 =	vadd.f32 v40, v38;
	v31 =	vadd.f32 v31, v39;
	v39 =	vmul.f32 v33, v22  }
0xe6: {  	v40 =	vld [tilespmem:s14+$0x5080];
	v34 =	vadd.f32 v35, v34;
	v30 =	vadd.f32 v32, v30;
	v32 =	vmul.f32 v41, v22  }
0xe7: {  	v35 =	vld [tilespmem:s14+$0x5880];
	v38 =	vadd.f32 v39, v38;
	v31 =	vadd.f32 v33, v31;
	v33 =	vmul.f32 v37, v5  }
0xe8: {  	v39 =	vld [tilespmem:s14+$0x5100];
	v32 =	vadd.f32 v32, v34;
	v34 =	vadd.f32 v41, v30;
	v41 =	vmul.f32 v42, v5  }
0xe9: {  	v44 =	vmul.f32 v43, v29;
	v45 =	vld [tilespmem:s14+$0x5900];
	v30 =	vadd.f32 v33, v38;
	v31 =	vadd.f32 v37, v31  }
0xea: {  	v29 =	vmul.f32 v36, v29;
	v37 =	vld [tilespmem:s14+$0x5180];
	v32 =	vadd.f32 v41, v32;
	v33 =	vadd.f32 v42, v34  }
0xeb: {  	v2 =	vadd.f32 v43, v2;
	v4 =	vadd.f32 v44, v4;
	v34 =	vmul.f32 v40, v28;
	v38 =	vld [tilespmem:s14+$0x5980]  }
0xec: {  	v1 =	vadd.f32 v36, v1;
	v3 =	vadd.f32 v29, v3;
	v28 =	vmul.f32 v35, v28;
	v29 =	vld [tilespmem:s14+$0x5200]  }
0xed: {  	v2 =	vadd.f32 v40, v2;
	v4 =	vadd.f32 v34, v4;
	v34 =	vmul.f32 v39, v27;
	v36 =	vld [tilespmem:s14+$0x5A00]  }
0xee: {  	v1 =	vadd.f32 v35, v1;
	v3 =	vadd.f32 v28, v3;
	v27 =	vmul.f32 v45, v27;
	v28 =	vld [tilespmem:s14+$0x5280]  }
0xef: {  	v2 =	vadd.f32 v39, v2;
	v4 =	vadd.f32 v34, v4;
	v34 =	vmul.f32 v37, v26;
	v35 =	vld [tilespmem:s14+$0x5A80]  }
0xf0: {  	v1 =	vadd.f32 v45, v1;
	v3 =	vadd.f32 v27, v3;
	v26 =	vmul.f32 v38, v26;
	v27 =	vld [tilespmem:s14+$0x5300]  }
0xf1: {  	s13 =	sadd.s32 $0x80, s13;
	v2 =	vadd.f32 v37, v2;
	v4 =	vadd.f32 v34, v4;
	v34 =	vmul.f32 v29, v25;
	v37 =	vld [tilespmem:s14+$0x5B00]  }
0xf2: {  	s19 =	sand.u32 $0x70, s18;
	s22 =	sand.u32 $0x400, s13;
	v1 =	vadd.f32 v38, v1;
	v3 =	vadd.f32 v26, v3;
	v25 =	vmul.f32 v36, v25;
	v26 =	vld [tilespmem:s14+$0x5380]  }
0xf3: {  	s23 =	sand.u32 $0xFFFFFC00, s13;
	v2 =	vadd.f32 v29, v2;
	v4 =	vadd.f32 v34, v4;
	v29 =	vmul.f32 v28, v23;
	v34 =	vld [tilespmem:s14+$0x5B80];
	s14 =	sor.u32 s19, s22  }
0xf4: {  	v1 =	vadd.f32 v36, v1;
	s19 =	sadd.s32 s23, s18;
	v38 =	vld [tilespmem:s14+$0xC000];
	v3 =	vadd.f32 v25, v3;
	v23 =	vmul.f32 v35, v23  }
0xf5: {  	v2 =	vadd.f32 v28, v2;
	s22 =	sor.u32 $0x80, s19;
	v4 =	vadd.f32 v29, v4;
	v25 =	vmul.f32 v27, v22  }
0xf6: {  	v1 =	vadd.f32 v35, v1;
	v28 =	vld [tilespmem:s22+$0xC000];
	v3 =	vadd.f32 v23, v3;
	v22 =	vmul.f32 v37, v22  }
0xf7: {  	v2 =	vadd.f32 v27, v2;
	v4 =	vadd.f32 v25, v4;
	v23 =	vmul.f32 v26, v5  }
0xf8: {  	v1 =	vadd.f32 v37, v1;
	v25 =	vld [tilespmem:s14+$0xC100];
	v3 =	vadd.f32 v22, v3;
	v5 =	vmul.f32 v34, v5  }
0xf9: {  	s24 =	sor.u32 $0x180, s19;
	v2 =	vadd.f32 v26, v2;
	vm0 =	vgt.f32 v38, $5.000000000e-01;
	v4 =	vadd.f32 v23, v4  }
0xfa: {  	v1 =	vadd.f32 v34, v1;
	v29 =	vsel vm0, $0x3F800000, v0;
	v22 =	vld [tilespmem:s24+$0xC000];
	v3 =	vadd.f32 v5, v3  }
0xfb: {  	v5 =	vadd.f32 v29, v24;
	vm0 =	vgt.f32 v28, $5.000000000e-01  }
0xfc: {  	v28 =	vsel vm0, $0x3F800000, v0;
	v23 =	vld [tilespmem:s14+$0xC200]  }
0xfd: {  	s23 =	sor.u32 $0x280, s19;
	v5 =	vadd.f32 v28, v5;
	vm0 =	vgt.f32 v25, $5.000000000e-01  }
0xfe: {  	v27 =	vsel vm0, $0x3F800000, v0;
	v24 =	vld [tilespmem:s23+$0xC000]  }
0xff: {  	v5 =	vadd.f32 v27, v5;
	vm0 =	vgt.f32 v22, $5.000000000e-01  }
0x100: {  	s19 =	sor.u32 s13, s18;
	v26 =	vsel vm0, $0x3F800000, v0;
	v22 =	vld [tilespmem:s14+$0xC300]  }
0x101: {  	s19 =	sor.u32 $0x380, s19;
	v5 =	vadd.f32 v26, v5;
	vm0 =	vgt.f32 v23, $5.000000000e-01  }
0x102: {  	v25 =	vsel vm0, $0x3F800000, v0;
	v34 =	vld [tilespmem:s19+$0xC000]  }
0x103: {  	v35 =	vld [tilespmem:s14+$0x0];
	v5 =	vadd.f32 v25, v5;
	vm0 =	vgt.f32 v24, $5.000000000e-01  }
0x104: {  	v36 =	vld [tilespmem:s14+$0x800];
	v23 =	vsel vm0, $0x3F800000, v0  }
0x105: {  	v37 =	vld [tilespmem:s22+$0x0];
	v5 =	vadd.f32 v23, v5;
	vm0 =	vgt.f32 v22, $5.000000000e-01  }
0x106: {  	v38 =	vld [tilespmem:s14+$0x880];
	v22 =	vsel vm0, $0x3F800000, v0  }
0x107: {  	v39 =	vld [tilespmem:s14+$0x100];
	v24 =	vadd.f32 v22, v5;
	vm0 =	vgt.f32 v34, $5.000000000e-01  }
0x108: {  	v34 =	vmul.f32 v29, v35;
	v40 =	vld [tilespmem:s14+$0x900];
	v5 =	vsel vm0, $0x3F800000, v0  }
0x109: {  	v41 =	vmul.f32 v29, v36;
	v42 =	vld [tilespmem:s24+$0x0];
	v24 =	vadd.f32 v5, v24  }
0x10a: {  	v13 =	vadd.f32 v35, v13;
	v12 =	vadd.f32 v34, v12;
	v34 =	vmul.f32 v28, v37;
	v35 =	vld [tilespmem:s14+$0x980]  }
0x10b: {  	v21 =	vadd.f32 v36, v21;
	v20 =	vadd.f32 v41, v20;
	v36 =	vmul.f32 v28, v38;
	v41 =	vld [tilespmem:s14+$0x200]  }
0x10c: {  	v13 =	vadd.f32 v37, v13;
	v12 =	vadd.f32 v34, v12;
	v34 =	vmul.f32 v27, v39;
	v37 =	vld [tilespmem:s14+$0xA00]  }
0x10d: {  	v21 =	vadd.f32 v38, v21;
	v20 =	vadd.f32 v36, v20;
	v36 =	vmul.f32 v27, v40;
	v38 =	vld [tilespmem:s23+$0x0]  }
0x10e: {  	v13 =	vadd.f32 v39, v13;
	v12 =	vadd.f32 v34, v12;
	v34 =	vmul.f32 v26, v42;
	v39 =	vld [tilespmem:s14+$0xA80]  }
0x10f: {  	v21 =	vadd.f32 v40, v21;
	v20 =	vadd.f32 v36, v20;
	v36 =	vmul.f32 v26, v35;
	v40 =	vld [tilespmem:s14+$0x300]  }
0x110: {  	v13 =	vadd.f32 v42, v13;
	v12 =	vadd.f32 v34, v12;
	v34 =	vmul.f32 v25, v41;
	v42 =	vld [tilespmem:s14+$0xB00]  }
0x111: {  	v21 =	vadd.f32 v35, v21;
	v20 =	vadd.f32 v36, v20;
	v35 =	vmul.f32 v25, v37;
	v36 =	vld [tilespmem:s19+$0x0]  }
0x112: {  	v13 =	vadd.f32 v41, v13;
	v12 =	vadd.f32 v34, v12;
	v34 =	vmul.f32 v23, v38;
	v41 =	vld [tilespmem:s14+$0xB80]  }
0x113: {  	v21 =	vadd.f32 v37, v21;
	v43 =	vld [tilespmem:s14+$0x1000];
	v20 =	vadd.f32 v35, v20;
	v35 =	vmul.f32 v23, v39  }
0x114: {  	v13 =	vadd.f32 v38, v13;
	v37 =	vld [tilespmem:s14+$0x1800];
	v12 =	vadd.f32 v34, v12;
	v34 =	vmul.f32 v22, v40  }
0x115: {  	v21 =	vadd.f32 v39, v21;
	v38 =	vld [tilespmem:s14+$0x1080];
	v20 =	vadd.f32 v35, v20;
	v35 =	vmul.f32 v22, v42  }
0x116: {  	v13 =	vadd.f32 v40, v13;
	v39 =	vld [tilespmem:s14+$0x1880];
	v12 =	vadd.f32 v34, v12;
	v34 =	vmul.f32 v5, v36  }
0x117: {  	v21 =	vadd.f32 v42, v21;
	v40 =	vld [tilespmem:s14+$0x1100];
	v20 =	vadd.f32 v35, v20;
	v35 =	vmul.f32 v5, v41  }
0x118: {  	v13 =	vadd.f32 v36, v13;
	v42 =	vmul.f32 v43, v29;
	v44 =	vld [tilespmem:s14+$0x1900];
	v12 =	vadd.f32 v34, v12  }
0x119: {  	v21 =	vadd.f32 v41, v21;
	v34 =	vmul.f32 v37, v29;
	v36 =	vld [tilespmem:s14+$0x1180];
	v20 =	vadd.f32 v35, v20  }
0x11a: {  	v11 =	vadd.f32 v43, v11;
	v10 =	vadd.f32 v42, v10;
	v35 =	vmul.f32 v38, v28;
	v41 =	vld [tilespmem:s14+$0x1980]  }
0x11b: {  	v19 =	vadd.f32 v37, v19;
	v18 =	vadd.f32 v34, v18;
	v34 =	vmul.f32 v39, v28;
	v37 =	vld [tilespmem:s14+$0x1200]  }
0x11c: {  	v11 =	vadd.f32 v38, v11;
	v10 =	vadd.f32 v35, v10;
	v35 =	vmul.f32 v40, v27;
	v38 =	vld [tilespmem:s14+$0x1A00]  }
0x11d: {  	v19 =	vadd.f32 v39, v19;
	v18 =	vadd.f32 v34, v18;
	v34 =	vmul.f32 v44, v27;
	v39 =	vld [tilespmem:s14+$0x1280]  }
0x11e: {  	v11 =	vadd.f32 v40, v11;
	v10 =	vadd.f32 v35, v10;
	v35 =	vmul.f32 v36, v26;
	v40 =	vld [tilespmem:s14+$0x1A80]  }
0x11f: {  	v19 =	vadd.f32 v44, v19;
	v18 =	vadd.f32 v34, v18;
	v34 =	vmul.f32 v41, v26;
	v42 =	vld [tilespmem:s14+$0x1300]  }
0x120: {  	v11 =	vadd.f32 v36, v11;
	v10 =	vadd.f32 v35, v10;
	v35 =	vmul.f32 v37, v25;
	v36 =	vld [tilespmem:s14+$0x1B00]  }
0x121: {  	v19 =	vadd.f32 v41, v19;
	v18 =	vadd.f32 v34, v18;
	v34 =	vmul.f32 v38, v25;
	v41 =	vld [tilespmem:s14+$0x1380]  }
0x122: {  	v11 =	vadd.f32 v37, v11;
	v10 =	vadd.f32 v35, v10;
	v35 =	vmul.f32 v39, v23;
	v37 =	vld [tilespmem:s14+$0x1B80]  }
0x123: {  	v19 =	vadd.f32 v38, v19;
	v43 =	vld [tilespmem:s14+$0x2000];
	v18 =	vadd.f32 v34, v18;
	v34 =	vmul.f32 v40, v23  }
0x124: {  	v11 =	vadd.f32 v39, v11;
	v38 =	vld [tilespmem:s14+$0x2800];
	v10 =	vadd.f32 v35, v10;
	v35 =	vmul.f32 v42, v22  }
0x125: {  	v19 =	vadd.f32 v40, v19;
	v39 =	vld [tilespmem:s14+$0x2080];
	v18 =	vadd.f32 v34, v18;
	v34 =	vmul.f32 v36, v22  }
0x126: {  	v11 =	vadd.f32 v42, v11;
	v40 =	vld [tilespmem:s14+$0x2880];
	v10 =	vadd.f32 v35, v10;
	v35 =	vmul.f32 v41, v5  }
0x127: {  	v19 =	vadd.f32 v36, v19;
	v42 =	vld [tilespmem:s14+$0x2100];
	v18 =	vadd.f32 v34, v18;
	v34 =	vmul.f32 v37, v5  }
0x128: {  	v11 =	vadd.f32 v41, v11;
	v36 =	vmul.f32 v43, v29;
	v44 =	vld [tilespmem:s14+$0x2900];
	v10 =	vadd.f32 v35, v10  }
0x129: {  	v19 =	vadd.f32 v37, v19;
	v35 =	vmul.f32 v38, v29;
	v41 =	vld [tilespmem:s14+$0x2180];
	v18 =	vadd.f32 v34, v18  }
0x12a: {  	v9 =	vadd.f32 v43, v9;
	v8 =	vadd.f32 v36, v8;
	v34 =	vmul.f32 v39, v28;
	v36 =	vld [tilespmem:s14+$0x2980]  }
0x12b: {  	v17 =	vadd.f32 v38, v17;
	v16 =	vadd.f32 v35, v16;
	v35 =	vmul.f32 v40, v28;
	v37 =	vld [tilespmem:s14+$0x2200]  }
0x12c: {  	v9 =	vadd.f32 v39, v9;
	v8 =	vadd.f32 v34, v8;
	v34 =	vmul.f32 v42, v27;
	v38 =	vld [tilespmem:s14+$0x2A00]  }
0x12d: {  	v17 =	vadd.f32 v40, v17;
	v16 =	vadd.f32 v35, v16;
	v35 =	vmul.f32 v44, v27;
	v39 =	vld [tilespmem:s14+$0x2280]  }
0x12e: {  	v9 =	vadd.f32 v42, v9;
	v8 =	vadd.f32 v34, v8;
	v34 =	vmul.f32 v41, v26;
	v40 =	vld [tilespmem:s14+$0x2A80]  }
0x12f: {  	v17 =	vadd.f32 v44, v17;
	v16 =	vadd.f32 v35, v16;
	v35 =	vmul.f32 v36, v26;
	v42 =	vld [tilespmem:s14+$0x2300]  }
0x130: {  	v9 =	vadd.f32 v41, v9;
	v8 =	vadd.f32 v34, v8;
	v34 =	vmul.f32 v37, v25;
	v41 =	vld [tilespmem:s14+$0x2B00]  }
0x131: {  	v17 =	vadd.f32 v36, v17;
	v16 =	vadd.f32 v35, v16;
	v35 =	vmul.f32 v38, v25;
	v36 =	vld [tilespmem:s14+$0x2380]  }
0x132: {  	v9 =	vadd.f32 v37, v9;
	v8 =	vadd.f32 v34, v8;
	v34 =	vmul.f32 v39, v23;
	v37 =	vld [tilespmem:s14+$0x2B80]  }
0x133: {  	v17 =	vadd.f32 v38, v17;
	v43 =	vld [tilespmem:s14+$0x3000];
	v16 =	vadd.f32 v35, v16;
	v35 =	vmul.f32 v40, v23  }
0x134: {  	v9 =	vadd.f32 v39, v9;
	v38 =	vld [tilespmem:s14+$0x3800];
	v8 =	vadd.f32 v34, v8;
	v34 =	vmul.f32 v42, v22  }
0x135: {  	v17 =	vadd.f32 v40, v17;
	v39 =	vld [tilespmem:s14+$0x3080];
	v16 =	vadd.f32 v35, v16;
	v35 =	vmul.f32 v41, v22  }
0x136: {  	v9 =	vadd.f32 v42, v9;
	v40 =	vld [tilespmem:s14+$0x3880];
	v8 =	vadd.f32 v34, v8;
	v34 =	vmul.f32 v36, v5  }
0x137: {  	v17 =	vadd.f32 v41, v17;
	v42 =	vld [tilespmem:s14+$0x3100];
	v16 =	vadd.f32 v35, v16;
	v35 =	vmul.f32 v37, v5  }
0x138: {  	v9 =	vadd.f32 v36, v9;
	v41 =	vmul.f32 v43, v29;
	v44 =	vld [tilespmem:s14+$0x3900];
	v8 =	vadd.f32 v34, v8  }
0x139: {  	v17 =	vadd.f32 v37, v17;
	v34 =	vmul.f32 v38, v29;
	v36 =	vld [tilespmem:s14+$0x3180];
	v16 =	vadd.f32 v35, v16  }
0x13a: {  	v7 =	vadd.f32 v43, v7;
	v6 =	vadd.f32 v41, v6;
	v35 =	vmul.f32 v39, v28;
	v37 =	vld [tilespmem:s14+$0x3980]  }
0x13b: {  	v15 =	vadd.f32 v38, v15;
	v14 =	vadd.f32 v34, v14;
	v34 =	vmul.f32 v40, v28;
	v38 =	vld [tilespmem:s14+$0x3200]  }
0x13c: {  	v7 =	vadd.f32 v39, v7;
	v6 =	vadd.f32 v35, v6;
	v35 =	vmul.f32 v42, v27;
	v39 =	vld [tilespmem:s14+$0x3A00]  }
0x13d: {  	v15 =	vadd.f32 v40, v15;
	v14 =	vadd.f32 v34, v14;
	v34 =	vmul.f32 v44, v27;
	v40 =	vld [tilespmem:s14+$0x3280]  }
0x13e: {  	v7 =	vadd.f32 v42, v7;
	v6 =	vadd.f32 v35, v6;
	v35 =	vmul.f32 v36, v26;
	v41 =	vld [tilespmem:s14+$0x3A80]  }
0x13f: {  	v15 =	vadd.f32 v44, v15;
	v14 =	vadd.f32 v34, v14;
	v34 =	vmul.f32 v37, v26;
	v42 =	vld [tilespmem:s14+$0x3300]  }
0x140: {  	v7 =	vadd.f32 v36, v7;
	v6 =	vadd.f32 v35, v6;
	v35 =	vmul.f32 v38, v25;
	v36 =	vld [tilespmem:s14+$0x3B00]  }
0x141: {  	v15 =	vadd.f32 v37, v15;
	v14 =	vadd.f32 v34, v14;
	v34 =	vmul.f32 v39, v25;
	v37 =	vld [tilespmem:s14+$0x3380]  }
0x142: {  	v7 =	vadd.f32 v38, v7;
	v6 =	vadd.f32 v35, v6;
	v35 =	vmul.f32 v40, v23;
	v38 =	vld [tilespmem:s14+$0x3B80]  }
0x143: {  	v15 =	vadd.f32 v39, v15;
	v43 =	vld [tilespmem:s14+$0x4000];
	v14 =	vadd.f32 v34, v14;
	v34 =	vmul.f32 v41, v23  }
0x144: {  	v7 =	vadd.f32 v40, v7;
	v39 =	vld [tilespmem:s14+$0x4800];
	v6 =	vadd.f32 v35, v6;
	v35 =	vmul.f32 v42, v22  }
0x145: {  	v15 =	vadd.f32 v41, v15;
	v40 =	vld [tilespmem:s14+$0x4080];
	v14 =	vadd.f32 v34, v14;
	v34 =	vmul.f32 v36, v22  }
0x146: {  	v7 =	vadd.f32 v42, v7;
	v41 =	vld [tilespmem:s14+$0x4880];
	v6 =	vadd.f32 v35, v6;
	v35 =	vmul.f32 v37, v5  }
0x147: {  	v15 =	vadd.f32 v36, v15;
	v44 =	vld [tilespmem:s14+$0x4100];
	v14 =	vadd.f32 v34, v14;
	v34 =	vmul.f32 v38, v5  }
0x148: {  	v7 =	vadd.f32 v37, v7;
	v36 =	vmul.f32 v43, v29;
	v45 =	vld [tilespmem:s14+$0x4900];
	v6 =	vadd.f32 v35, v6  }
0x149: {  	v15 =	vadd.f32 v38, v15;
	v35 =	vmul.f32 v39, v29;
	v37 =	vld [tilespmem:s14+$0x4180];
	v14 =	vadd.f32 v34, v14  }
0x14a: {  	v31 =	vadd.f32 v43, v31;
	v30 =	vadd.f32 v36, v30;
	v34 =	vmul.f32 v40, v28;
	v42 =	vld [tilespmem:s14+$0x4980]  }
0x14b: {  	v33 =	vadd.f32 v39, v33;
	v32 =	vadd.f32 v35, v32;
	v35 =	vmul.f32 v41, v28;
	v43 =	vld [tilespmem:s14+$0x4200]  }
.Ltmp0:
0x14c: {  	v36 =	vadd.f32 v40, v31;
	v34 =	vadd.f32 v34, v30;
	v38 =	vmul.f32 v44, v27;
	v30 =	vld [tilespmem:s14+$0x4A00];
	(pc) =	sbr.rel @p0 .LBB2_3-.Ltmp0, $4  }
0x14d: {  	v33 =	vadd.f32 v41, v33;
	v35 =	vadd.f32 v35, v32;
	v39 =	vmul.f32 v45, v27;
	v31 =	vld [tilespmem:s14+$0x4280]  }
0x14e: {  	v36 =	vadd.f32 v44, v36;
	v34 =	vadd.f32 v38, v34;
	v38 =	vmul.f32 v37, v26;
	v32 =	vld [tilespmem:s14+$0x4A80]  }
0x14f: {  	v56 =	vadd.f32 v45, v33;
	v55 =	vadd.f32 v39, v35;
	v59 =	vmul.f32 v42, v26;
	v33 =	vld [tilespmem:s14+$0x4300]  }
0x150: {  	s18 =	sadd.s32 $0x10, s18;
	v58 =	vadd.f32 v37, v36;
	v57 =	vadd.f32 v38, v34;
	v60 =	vmul.f32 v43, v25;
	v41 =	vld [tilespmem:s14+$0x4B00]  }
0x151: {  	v54 =	vld [tilespmem:s14+$0x4380]  }
0x152: {  	v53 =	vld [tilespmem:s14+$0x4B80]  }
0x153: {  	v52 =	vld [tilespmem:s14+$0x5000]  }
0x154: {  	v51 =	vld [tilespmem:s14+$0x5800]  }
0x155: {  	v50 =	vld [tilespmem:s14+$0x5080]  }
0x156: {  	v49 =	vld [tilespmem:s14+$0x5880]  }
0x157: {  	v48 =	vld [tilespmem:s14+$0x5100]  }
0x158: {  	v47 =	vld [tilespmem:s14+$0x5900]  }
0x159: {  	v46 =	vld [tilespmem:s14+$0x5180]  }
0x15a: {  	v45 =	vld [tilespmem:s14+$0x5980]  }
0x15b: {  	v44 =	vld [tilespmem:s14+$0x5200]  }
0x15c: {  	v40 =	vld [tilespmem:s14+$0x5A00]  }
0x15d: {  	v39 =	vld [tilespmem:s14+$0x5280]  }
0x15e: {  	v38 =	vld [tilespmem:s14+$0x5A80];
	s12 =	sadd.s32 $0x1000, s12  }
0x15f: {  	v37 =	vld [tilespmem:s14+$0x5300];
	s13 =	sand.u32 $0x3F000, s12  }
0x160: {  	v36 =	vld [tilespmem:s14+$0x5B00];
	s12 =	sor.u32 s6, s13  }
0x161: {  	v35 =	vld [tilespmem:s14+$0x5380];
	s19 =	rddreg [dreg:$0x1];
	s18 =	simm.s32 $0xC000;
	s12 =	sshrl.u32 s12, $0x3  }
0x162: {  	v34 =	vld [tilespmem:s14+$0x5B80];
	s22 =	sor.u32 s5, s13;
	s14 =	sadd.s32 s19, s12;
	s12 =	simm.s32 $0x0  }
0x163: {  	[tilespmem:s18], [sflag:$0x1] =	stream.linear.gather [hbm4b:s14+s12], $0x800, $0x38;
	[tilespmem:$0xE000] =	vst v63  }
0x164: {  	s14 =	sshrl.u32 s22, $0x3  }
0x165: {  	s23 =	sor.u32 s9, s13;
	s14 =	sadd.s32 s1, s14  }
0x166: {  	[tilespmem:s12], [sflag:$0x1] =	stream.linear.gather [hbm4b:s14+s12], $0x800, $0x38;
	[tilespmem:$0xE000] =	vst v63  }
0x167: {  	s14 =	sshrl.u32 s23, $0x3  }
0x168: {  	s24 =	simm.s32 $0x800;
	s19 =	sor.u32 s10, s13;
	s14 =	sadd.s32 s1, s14  }
0x169: {  	[tilespmem:s24], [sflag:$0x1] =	stream.linear.gather [hbm4b:s14+s12], $0x800, $0x38;
	[tilespmem:$0xE000] =	vst v63  }
0x16a: {  	s14 =	sshrl.u32 s19, $0x3  }
0x16b: {  	s22 =	simm.s32 $0x1000;
	s23 =	sor.u32 s11, s13;
	s14 =	sadd.s32 s1, s14  }
0x16c: {  	[tilespmem:s22], [sflag:$0x1] =	stream.linear.gather [hbm4b:s14+s12], $0x800, $0x38;
	[tilespmem:$0xE000] =	vst v63  }
0x16d: {  	s14 =	sshrl.u32 s23, $0x3  }
0x16e: {  	s24 =	simm.s32 $0x1800;
	s19 =	sor.u32 s15, s13;
	s14 =	sadd.s32 s1, s14  }
0x16f: {  	[tilespmem:s24], [sflag:$0x1] =	stream.linear.gather [hbm4b:s14+s12], $0x800, $0x38;
	[tilespmem:$0xE000] =	vst v63  }
0x170: {  	s14 =	sshrl.u32 s19, $0x3  }
0x171: {  	s22 =	simm.s32 $0x2000;
	s23 =	sor.u32 s16, s13;
	s14 =	sadd.s32 s1, s14  }
0x172: {  	[tilespmem:s22], [sflag:$0x1] =	stream.linear.gather [hbm4b:s14+s12], $0x800, $0x38;
	[tilespmem:$0xE000] =	vst v63  }
0x173: {  	s14 =	sshrl.u32 s23, $0x3  }
0x174: {  	s24 =	simm.s32 $0x2800;
	s19 =	sor.u32 s17, s13;
	s14 =	sadd.s32 s1, s14  }
0x175: {  	[tilespmem:s24], [sflag:$0x1] =	stream.linear.gather [hbm4b:s14+s12], $0x800, $0x38;
	[tilespmem:$0xE000] =	vst v63  }
0x176: {  	s14 =	sshrl.u32 s19, $0x3  }
0x177: {  	s22 =	simm.s32 $0x3000;
	s23 =	sor.u32 s20, s13;
	s14 =	sadd.s32 s1, s14  }
0x178: {  	[tilespmem:s22], [sflag:$0x1] =	stream.linear.gather [hbm4b:s14+s12], $0x800, $0x38;
	[tilespmem:$0xE000] =	vst v63  }
0x179: {  	s14 =	sshrl.u32 s23, $0x3  }
0x17a: {  	s18 =	sor.u32 s21, s13;
	s24 =	simm.s32 $0x3800;
	s14 =	sadd.s32 s1, s14  }
0x17b: {  	[tilespmem:s24], [sflag:$0x1] =	stream.linear.gather [hbm4b:s14+s12], $0x800, $0x38;
	[tilespmem:$0xE000] =	vst v63  }
0x17c: {  	s14 =	sshrl.u32 s18, $0x3  }
0x17d: {  	s19 =	sor.u32 s26, s13;
	s14 =	sadd.s32 s1, s14  }
0x17e: {  	[tilespmem:s25], [sflag:$0x1] =	stream.linear.gather [hbm4b:s14+s12], $0x800, $0x38;
	[tilespmem:$0xE000] =	vst v63  }
0x17f: {  	s14 =	sshrl.u32 s19, $0x3  }
0x180: {  	s22 =	sor.u32 s28, s13;
	s14 =	sadd.s32 s1, s14  }
0x181: {  	[tilespmem:s30], [sflag:$0x1] =	stream.linear.gather [hbm4b:s14+s12], $0x800, $0x38;
	[tilespmem:$0xE000] =	vst v63  }
0x182: {  	s13 =	sor.u32 s29, s13;
	s14 =	sshrl.u32 s22, $0x3  }
0x183: {  	s13 =	sshrl.u32 s13, $0x3;
	s14 =	sadd.s32 s1, s14  }
0x184: {  	[tilespmem:s31], [sflag:$0x1] =	stream.linear.gather [hbm4b:s14+s12], $0x800, $0x38;
	[tilespmem:$0xE000] =	vst v63  }
0x185: {  	s13 =	sadd.s32 s1, s13  }
0x186: {  	[tilespmem:s2], [sflag:$0x1] =	stream.linear.gather [hbm4b:s13+s12], $0x800, $0x38;
	[tilespmem:$0xE000] =	vst v63  }
0x187: {  	_ =	swait.ge [sflag:s3], $0x800  }
0x188: {  	[sflag:s3] =	ssyncset.done $0x0  }
0x189: {  	[sflag:s3] =	ssyncadd.s32 $0xFFFFF800  }
0x18a: {  	_ =	swait.ge [sflag:s3], $0x800  }
0x18b: {  	[sflag:s3] =	ssyncset.done $0x0  }
0x18c: {  	[sflag:s3] =	ssyncadd.s32 $0xFFFFF800  }
0x18d: {  	_ =	swait.ge [sflag:s3], $0x800  }
0x18e: {  	[sflag:s3] =	ssyncset.done $0x0  }
0x18f: {  	[sflag:s3] =	ssyncadd.s32 $0xFFFFF800  }
0x190: {  	_ =	swait.ge [sflag:s3], $0x800  }
0x191: {  	[sflag:s3] =	ssyncset.done $0x0  }
0x192: {  	[sflag:s3] =	ssyncadd.s32 $0xFFFFF800  }
0x193: {  	_ =	swait.ge [sflag:s3], $0x800  }
0x194: {  	[sflag:s3] =	ssyncset.done $0x0  }
0x195: {  	[sflag:s3] =	ssyncadd.s32 $0xFFFFF800  }
0x196: {  	_ =	swait.ge [sflag:s3], $0x800  }
0x197: {  	[sflag:s3] =	ssyncset.done $0x0  }
0x198: {  	[sflag:s3] =	ssyncadd.s32 $0xFFFFF800  }
0x199: {  	_ =	swait.ge [sflag:s3], $0x800  }
0x19a: {  	[sflag:s3] =	ssyncset.done $0x0  }
0x19b: {  	[sflag:s3] =	ssyncadd.s32 $0xFFFFF800  }
0x19c: {  	_ =	swait.ge [sflag:s3], $0x800  }
0x19d: {  	[sflag:s3] =	ssyncset.done $0x0  }
0x19e: {  	[sflag:s3] =	ssyncadd.s32 $0xFFFFF800  }
0x19f: {  	_ =	swait.ge [sflag:s3], $0x800  }
0x1a0: {  	[sflag:s3] =	ssyncset.done $0x0  }
0x1a1: {  	[sflag:s3] =	ssyncadd.s32 $0xFFFFF800  }
0x1a2: {  	v55 =	vadd.f32 v59, v55;
	v42 =	vadd.f32 v42, v56;
	v63 =	vmul.f32 v30, v25;
	_ =	swait.ge [sflag:s3], $0x800  }
0x1a3: {  	v57 =	vadd.f32 v60, v57;
	v43 =	vadd.f32 v43, v58;
	v61 =	vmul.f32 v31, v23;
	[sflag:s3] =	ssyncset.done $0x0  }
0x1a4: {  	v55 =	vadd.f32 v63, v55;
	v30 =	vadd.f32 v30, v42;
	v62 =	vmul.f32 v32, v23;
	[sflag:s3] =	ssyncadd.s32 $0xFFFFF800  }
0x1a5: {  	v63 =	vadd.f32 v61, v57;
	v31 =	vadd.f32 v31, v43;
	v57 =	vmul.f32 v33, v22;
	_ =	swait.ge [sflag:s3], $0x800  }
0x1a6: {  	v42 =	vadd.f32 v62, v55;
	v30 =	vadd.f32 v32, v30;
	v58 =	vmul.f32 v41, v22;
	[sflag:s3] =	ssyncset.done $0x0  }
0x1a7: {  	v43 =	vadd.f32 v57, v63;
	v31 =	vadd.f32 v33, v31;
	v62 =	vmul.f32 v52, v29;
	[sflag:s3] =	ssyncadd.s32 $0xFFFFF800  }
0x1a8: {  	v59 =	vmul.f32 v54, v5;
	v29 =	vmul.f32 v51, v29;
	v2 =	vadd.f32 v52, v2;
	_ =	swait.ge [sflag:s3], $0x800  }
0x1a9: {  	v63 =	vmul.f32 v50, v28;
	v1 =	vadd.f32 v51, v1;
	v4 =	vadd.f32 v62, v4;
	[sflag:s3] =	ssyncset.done $0x0  }
0x1aa: {  	v28 =	vmul.f32 v49, v28;
	v32 =	vadd.f32 v58, v42;
	v60 =	vadd.f32 v41, v30;
	[sflag:s3] =	ssyncadd.s32 $0xFFFFF800  }
0x1ab: {  	v3 =	vadd.f32 v29, v3;
	v29 =	vmul.f32 v48, v27;
	v4 =	vadd.f32 v63, v4;
	_ =	swait.ge [sflag:s3], $0x800  }
0x1ac: {  	v30 =	vadd.f32 v59, v43;
	v2 =	vadd.f32 v50, v2;
	v27 =	vmul.f32 v47, v27;
	s23 =	sand.u32 $0x70, s12;
	s24 =	sand.u32 $0x400, s12;
	[sflag:s3] =	ssyncset.done $0x0  }
0x1ad: {  	v3 =	vadd.f32 v28, v3;
	v28 =	vmul.f32 v46, v26;
	v4 =	vadd.f32 v29, v4;
	s13 =	sor.u32 s23, s24;
	[sflag:s3] =	ssyncadd.s32 $0xFFFFF800  }
0x1ae: {  	v1 =	vadd.f32 v49, v1;
	v2 =	vadd.f32 v48, v2;
	v52 =	vld [tilespmem:s13+$0xC800]  }
0x1af: {  	v3 =	vadd.f32 v27, v3;
	v27 =	vmul.f32 v44, v25;
	v4 =	vadd.f32 v28, v4;
	v29 =	vld [tilespmem:s13+$0xC880]  }
0x1b0: {  	v31 =	vadd.f32 v54, v31;
	v1 =	vadd.f32 v47, v1;
	v28 =	vld [tilespmem:s13+$0xC900]  }
0x1b1: {  	v26 =	vmul.f32 v45, v26;
	v2 =	vadd.f32 v46, v2;
	v4 =	vadd.f32 v27, v4;
	v27 =	vld [tilespmem:s13+$0xC980]  }
0x1b2: {  	v61 =	vmul.f32 v53, v5;
	v33 =	vadd.f32 v53, v60;
	v1 =	vadd.f32 v45, v1;
	v53 =	vld [tilespmem:s13+$0xCA00]  }
0x1b3: {  	v25 =	vmul.f32 v40, v25;
	v3 =	vadd.f32 v26, v3;
	v2 =	vadd.f32 v44, v2;
	v55 =	vld [tilespmem:s13+$0xCB00]  }
0x1b4: {  	v32 =	vadd.f32 v61, v32;
	v1 =	vadd.f32 v40, v1;
	v56 =	vld [tilespmem:s13+$0x6000]  }
0x1b5: {  	v3 =	vadd.f32 v25, v3;
	v2 =	vadd.f32 v39, v2;
	v57 =	vld [tilespmem:s13+$0x6800];
	vm0 =	vgt.f32 v52, $5.000000000e-01  }
0x1b6: {  	vm9 =	vgt.f32 v29, $5.000000000e-01;
	v29 =	vmul.f32 v39, v23;
	vm10 =	vgt.f32 v28, $5.000000000e-01  }
0x1b7: {  	v58 =	vld [tilespmem:s13+$0x6080];
	v23 =	vmul.f32 v38, v23;
	vm11 =	vgt.f32 v27, $5.000000000e-01;
	v27 =	vmul.f32 v37, v22  }
0x1b8: {  	v60 =	vld [tilespmem:s13+$0x6880];
	v38 =	vadd.f32 v38, v1;
	vm12 =	vgt.f32 v53, $5.000000000e-01;
	v22 =	vmul.f32 v36, v22  }
0x1b9: {  	v61 =	vld [tilespmem:s13+$0x6100];
	v37 =	vadd.f32 v37, v2;
	v13 =	vadd.f32 v56, v13;
	v26 =	vsel vm0, $0x3F800000, v0  }
0x1ba: {  	v47 =	vld [tilespmem:s13+$0x6180];
	vm14 =	vgt.f32 v55, $5.000000000e-01;
	v21 =	vadd.f32 v57, v21;
	v24 =	vadd.f32 v26, v24  }
0x1bb: {  	v45 =	vld [tilespmem:s13+$0x6900];
	v25 =	vsel vm9, $0x3F800000, v0;
	v4 =	vadd.f32 v29, v4;
	v3 =	vadd.f32 v23, v3  }
0x1bc: {  	v28 =	vld [tilespmem:s13+$0xCA80];
	v23 =	vsel vm11, $0x3F800000, v0;
	v36 =	vadd.f32 v36, v38;
	v63 =	vmul.f32 v26, v56  }
0x1bd: {  	v46 =	vmul.f32 v26, v57;
	v48 =	vmul.f32 v25, v58;
	v13 =	vadd.f32 v58, v13  }
0x1be: {  	v50 =	vmul.f32 v25, v60;
	v21 =	vadd.f32 v60, v21;
	v54 =	vadd.f32 v25, v24  }
0x1bf: {  	v49 =	vld [tilespmem:s13+$0x6980];
	v56 =	vmul.f32 v23, v47;
	v27 =	vadd.f32 v27, v4;
	v3 =	vadd.f32 v22, v3  }
0x1c0: {  	v24 =	vsel vm10, $0x3F800000, v0;
	v12 =	vadd.f32 v63, v12;
	v20 =	vadd.f32 v46, v20  }
0x1c1: {  	v13 =	vadd.f32 v61, v13;
	v21 =	vadd.f32 v45, v21;
	vm13 =	vgt.f32 v28, $5.000000000e-01  }
0x1c2: {  	v51 =	vld [tilespmem:s13+$0x6200];
	v28 =	vmul.f32 v35, v5;
	v29 =	vadd.f32 v24, v54;
	v12 =	vadd.f32 v48, v12  }
0x1c3: {  	v53 =	vld [tilespmem:s13+$0x6A00];
	v5 =	vmul.f32 v34, v5;
	v20 =	vadd.f32 v50, v20;
	v13 =	vadd.f32 v47, v13  }
0x1c4: {  	v55 =	vld [tilespmem:s13+$0x6280];
	v52 =	vmul.f32 v24, v61;
	v21 =	vadd.f32 v49, v21;
	v22 =	vadd.f32 v28, v27  }
0x1c5: {  	v57 =	vld [tilespmem:s13+$0x6A80];
	v54 =	vmul.f32 v24, v45;
	v27 =	vadd.f32 v35, v37;
	v28 =	vadd.f32 v5, v3  }
0x1c6: {  	v58 =	vmul.f32 v23, v49;
	v61 =	vld [tilespmem:s13+$0x6B00];
	v1 =	vadd.f32 v23, v29;
	v12 =	vadd.f32 v52, v12  }
0x1c7: {  	v4 =	vsel vm12, $0x3F800000, v0;
	v49 =	vld [tilespmem:s13+$0x7000];
	v20 =	vadd.f32 v54, v20;
	v13 =	vadd.f32 v51, v13  }
0x1c8: {  	v29 =	vld [tilespmem:s13+$0xCB80];
	v21 =	vadd.f32 v53, v21;
	v2 =	vadd.f32 v4, v1  }
0x1c9: {  	v60 =	vmul.f32 v4, v51;
	v51 =	vld [tilespmem:s13+$0x7800];
	v12 =	vadd.f32 v56, v12;
	v20 =	vadd.f32 v58, v20  }
0x1ca: {  	v63 =	vld [tilespmem:s13+$0x6380];
	v1 =	vsel vm13, $0x3F800000, v0;
	v13 =	vadd.f32 v55, v13;
	v21 =	vadd.f32 v57, v21  }
0x1cb: {  	v47 =	vmul.f32 v1, v55;
	v55 =	vld [tilespmem:s13+$0x7880];
	v59 =	vadd.f32 v1, v2;
	v2 =	vsel vm14, $0x3F800000, v0  }
0x1cc: {  	v11 =	vadd.f32 v49, v11;
	v58 =	vadd.f32 v61, v21;
	v54 =	vmul.f32 v2, v61;
	v61 =	vld [tilespmem:s13+$0x7900]  }
0x1cd: {  	v12 =	vadd.f32 v60, v12;
	vm15 =	vgt.f32 v29, $5.000000000e-01;
	v62 =	vadd.f32 v2, v59;
	v59 =	vld [tilespmem:s13+$0x6300]  }
0x1ce: {  	v46 =	vld [tilespmem:s13+$0x7980];
	v60 =	vmul.f32 v49, v26;
	v19 =	vadd.f32 v51, v19;
	v3 =	vsel vm15, $0x3F800000, v0  }
0x1cf: {  	v48 =	vld [tilespmem:s13+$0x6B80];
	v29 =	vadd.f32 v34, v36;
	v5 =	vadd.f32 v3, v62;
	v62 =	vmul.f32 v4, v53  }
0x1d0: {  	v50 =	vmul.f32 v1, v57;
	v12 =	vadd.f32 v47, v12;
	v53 =	vld [tilespmem:s13+$0x7080];
	v19 =	vadd.f32 v55, v19  }
0x1d1: {  	v57 =	vld [tilespmem:s13+$0x7100];
	v10 =	vadd.f32 v60, v10;
	v20 =	vadd.f32 v62, v20;
	v62 =	vmul.f32 v51, v26  }
0x1d2: {  	v60 =	vld [tilespmem:s13+$0x7380];
	v19 =	vadd.f32 v61, v19;
	v52 =	vmul.f32 v2, v59;
	v13 =	vadd.f32 v59, v13  }
0x1d3: {  	v56 =	vmul.f32 v3, v63;
	v20 =	vadd.f32 v50, v20;
	v18 =	vadd.f32 v62, v18;
	v50 =	vld [tilespmem:s13+$0x7A00]  }
0x1d4: {  	v47 =	vmul.f32 v55, v25;
	v19 =	vadd.f32 v46, v19;
	v62 =	vld [tilespmem:s13+$0x7B80];
	v12 =	vadd.f32 v52, v12  }
0x1d5: {  	v51 =	vmul.f32 v61, v24;
	v13 =	vadd.f32 v63, v13;
	v63 =	vld [tilespmem:s13+$0x7180];
	v11 =	vadd.f32 v53, v11  }
0x1d6: {  	v44 =	vmul.f32 v53, v25;
	v52 =	vld [tilespmem:s13+$0x7280];
	v20 =	vadd.f32 v54, v20;
	v18 =	vadd.f32 v47, v18  }
0x1d7: {  	v59 =	vmul.f32 v3, v48;
	v54 =	vld [tilespmem:s13+$0x7A80];
	v21 =	vadd.f32 v56, v12;
	v12 =	vadd.f32 v48, v58  }
0x1d8: {  	v49 =	vmul.f32 v57, v24;
	v48 =	vld [tilespmem:s13+$0x7200];
	v10 =	vadd.f32 v44, v10;
	v11 =	vadd.f32 v57, v11  }
0x1d9: {  	v56 =	vld [tilespmem:s13+$0x7300];
	v20 =	vadd.f32 v59, v20;
	v18 =	vadd.f32 v51, v18  }
0x1da: {  	v55 =	vmul.f32 v46, v23;
	v58 =	vld [tilespmem:s13+$0x7B00];
	v10 =	vadd.f32 v49, v10;
	v19 =	vadd.f32 v50, v19  }
0x1db: {  	v59 =	vmul.f32 v50, v4;
	v49 =	vld [tilespmem:s13+$0x8800];
	v53 =	vmul.f32 v63, v23;
	v11 =	vadd.f32 v63, v11  }
0x1dc: {  	v18 =	vadd.f32 v55, v18;
	v61 =	vmul.f32 v52, v1;
	v63 =	vld [tilespmem:s13+$0x8000];
	v19 =	vadd.f32 v54, v19  }
0x1dd: {  	v55 =	vld [tilespmem:s13+$0x8100];
	v10 =	vadd.f32 v53, v10;
	v57 =	vmul.f32 v48, v4;
	v11 =	vadd.f32 v48, v11  }
0x1de: {  	v51 =	vld [tilespmem:s13+$0x8080];
	v18 =	vadd.f32 v59, v18;
	v48 =	vmul.f32 v54, v1;
	v50 =	vmul.f32 v56, v2  }
0x1df: {  	v53 =	vld [tilespmem:s13+$0x8880];
	v54 =	vmul.f32 v60, v3;
	v10 =	vadd.f32 v57, v10;
	v11 =	vadd.f32 v52, v11  }
0x1e0: {  	v46 =	vld [tilespmem:s13+$0x8200];
	v18 =	vadd.f32 v48, v18;
	v52 =	vmul.f32 v58, v2;
	v17 =	vadd.f32 v49, v17  }
0x1e1: {  	v59 =	vld [tilespmem:s13+$0x8900];
	v57 =	vmul.f32 v62, v3;
	v9 =	vadd.f32 v63, v9;
	v10 =	vadd.f32 v61, v10  }
0x1e2: {  	v48 =	vld [tilespmem:s13+$0x8A00];
	v47 =	vmul.f32 v55, v24;
	v11 =	vadd.f32 v56, v11;
	v18 =	vadd.f32 v52, v18  }
0x1e3: {  	v56 =	vadd.f32 v58, v19;
	v58 =	vmul.f32 v63, v26;
	v61 =	vld [tilespmem:s13+$0x8180];
	v9 =	vadd.f32 v51, v9  }
0x1e4: {  	v63 =	vld [tilespmem:s13+$0x8980];
	v44 =	vmul.f32 v53, v25;
	v17 =	vadd.f32 v53, v17;
	v10 =	vadd.f32 v50, v10  }
0x1e5: {  	v52 =	vld [tilespmem:s13+$0x8A80];
	v11 =	vadd.f32 v60, v11;
	v60 =	vmul.f32 v49, v26;
	v18 =	vadd.f32 v57, v18  }
0x1e6: {  	v8 =	vadd.f32 v58, v8;
	v49 =	vmul.f32 v59, v24;
	v50 =	vld [tilespmem:s13+$0x8280];
	v9 =	vadd.f32 v55, v9  }
0x1e7: {  	v17 =	vadd.f32 v59, v17;
	v55 =	vmul.f32 v46, v4;
	v19 =	vadd.f32 v54, v10;
	v54 =	vld [tilespmem:s13+$0x8300]  }
0x1e8: {  	v10 =	vadd.f32 v62, v56;
	v62 =	vmul.f32 v51, v25;
	v16 =	vadd.f32 v60, v16;
	v56 =	vld [tilespmem:s13+$0x8B00]  }
0x1e9: {  	v51 =	vmul.f32 v61, v23;
	v9 =	vadd.f32 v61, v9;
	v17 =	vadd.f32 v63, v17;
	v61 =	vld [tilespmem:s13+$0x9000]  }
0x1ea: {  	v53 =	vmul.f32 v63, v23;
	v63 =	vld [tilespmem:s13+$0x9800];
	v8 =	vadd.f32 v62, v8;
	v16 =	vadd.f32 v44, v16  }
0x1eb: {  	v57 =	vmul.f32 v48, v4;
	v9 =	vadd.f32 v46, v9;
	v17 =	vadd.f32 v48, v17  }
0x1ec: {  	v58 =	vld [tilespmem:s13+$0x8380];
	v62 =	vmul.f32 v52, v1;
	v8 =	vadd.f32 v47, v8;
	v16 =	vadd.f32 v49, v16  }
0x1ed: {  	v60 =	vld [tilespmem:s13+$0x8B80];
	v59 =	vmul.f32 v50, v1;
	v9 =	vadd.f32 v50, v9;
	v17 =	vadd.f32 v52, v17  }
0x1ee: {  	v49 =	vld [tilespmem:s13+$0x9080];
	v48 =	vmul.f32 v54, v2;
	v8 =	vadd.f32 v51, v8;
	v16 =	vadd.f32 v53, v16  }
0x1ef: {  	v46 =	vld [tilespmem:s13+$0x9A00];
	v50 =	vmul.f32 v56, v2;
	v7 =	vadd.f32 v61, v7;
	v15 =	vadd.f32 v63, v15  }
0x1f0: {  	v51 =	vld [tilespmem:s13+$0x9880];
	v9 =	vadd.f32 v54, v9;
	v54 =	vadd.f32 v56, v17;
	v56 =	vmul.f32 v61, v26  }
0x1f1: {  	v52 =	vmul.f32 v58, v3;
	v53 =	vld [tilespmem:s13+$0x9100];
	v8 =	vadd.f32 v55, v8;
	v16 =	vadd.f32 v57, v16  }
0x1f2: {  	v61 =	vld [tilespmem:s13+$0x9980];
	v9 =	vadd.f32 v58, v9;
	v58 =	vmul.f32 v63, v26;
	v6 =	vadd.f32 v56, v6  }
0x1f3: {  	v57 =	vld [tilespmem:s13+$0x9900];
	v7 =	vadd.f32 v49, v7;
	v8 =	vadd.f32 v59, v8  }
0x1f4: {  	v55 =	vmul.f32 v60, v3;
	v63 =	vld [tilespmem:s13+$0x9200];
	v16 =	vadd.f32 v62, v16;
	v14 =	vadd.f32 v58, v14  }
0x1f5: {  	v59 =	vld [tilespmem:s13+$0x9180];
	v62 =	vmul.f32 v51, v25;
	v15 =	vadd.f32 v51, v15;
	v8 =	vadd.f32 v48, v8  }
0x1f6: {  	v44 =	vmul.f32 v53, v24;
	v7 =	vadd.f32 v53, v7;
	v16 =	vadd.f32 v50, v16;
	v48 =	vld [tilespmem:s13+$0x9280]  }
0x1f7: {  	v50 =	vld [tilespmem:s13+$0x9A80];
	v17 =	vadd.f32 v52, v8;
	v8 =	vadd.f32 v60, v54;
	v60 =	vmul.f32 v49, v25  }
0x1f8: {  	v14 =	vadd.f32 v62, v14;
	v47 =	vmul.f32 v57, v24;
	v15 =	vadd.f32 v57, v15;
	v52 =	vld [tilespmem:s13+$0x9300]  }
0x1f9: {  	v51 =	vmul.f32 v61, v23;
	v16 =	vadd.f32 v55, v16;
	v54 =	vld [tilespmem:s13+$0x9B00];
	v6 =	vadd.f32 v60, v6  }
0x1fa: {  	v49 =	vmul.f32 v59, v23;
	v14 =	vadd.f32 v47, v14;
	v7 =	vadd.f32 v59, v7;
	v59 =	vld [tilespmem:s13+$0xA000]  }
0x1fb: {  	v53 =	vmul.f32 v63, v4;
	v15 =	vadd.f32 v61, v15;
	v61 =	vld [tilespmem:s13+$0xA800];
	v6 =	vadd.f32 v44, v6  }
0x1fc: {  	v56 =	vld [tilespmem:s13+$0x9380];
	v55 =	vmul.f32 v46, v4;
	v14 =	vadd.f32 v51, v14;
	v7 =	vadd.f32 v63, v7  }
0x1fd: {  	v58 =	vld [tilespmem:s13+$0x9B80];
	v57 =	vmul.f32 v48, v1;
	v15 =	vadd.f32 v46, v15;
	v6 =	vadd.f32 v49, v6  }
0x1fe: {  	v60 =	vmul.f32 v50, v1;
	v63 =	vld [tilespmem:s13+$0xA080];
	v14 =	vadd.f32 v55, v14;
	v7 =	vadd.f32 v48, v7  }
0x1ff: {  	v62 =	vmul.f32 v52, v2;
	v15 =	vadd.f32 v50, v15;
	v6 =	vadd.f32 v53, v6  }
0x200: {  	v48 =	vmul.f32 v54, v2;
	v31 =	vadd.f32 v59, v31;
	v33 =	vadd.f32 v61, v33  }
0x201: {  	v50 =	vmul.f32 v56, v3;
	v49 =	vld [tilespmem:s13+$0xA880];
	v14 =	vadd.f32 v60, v14;
	v6 =	vadd.f32 v57, v6  }
0x202: {  	v51 =	vld [tilespmem:s13+$0xA100];
	v7 =	vadd.f32 v52, v7;
	v52 =	vadd.f32 v54, v15;
	v54 =	vmul.f32 v59, v26  }
0x203: {  	v55 =	vld [tilespmem:s13+$0xA900];
	v53 =	vmul.f32 v58, v3;
	v60 =	vadd.f32 v63, v31;
	v6 =	vadd.f32 v62, v6  }
0x204: {  	v7 =	vadd.f32 v56, v7;
	v56 =	vmul.f32 v61, v26;
	v30 =	vadd.f32 v54, v30;
	v57 =	vld [tilespmem:s13+$0xA180]  }
0x205: {  	v35 =	vld [tilespmem:s13+$0xA980];
	v15 =	vadd.f32 v50, v6;
	v6 =	vadd.f32 v58, v52;
	v58 =	vmul.f32 v63, v25  }
0x206: {  	v36 =	vld [tilespmem:s13+$0xA200];
	v14 =	vadd.f32 v48, v14;
	v32 =	vadd.f32 v56, v32;
	v59 =	vmul.f32 v49, v25  }
0x207: {  	v61 =	vmul.f32 v51, v24;
	v42 =	vadd.f32 v51, v60;
	v37 =	vadd.f32 v58, v30;
	v30 =	vld [tilespmem:s13+$0xAA00]  }
0x208: {  	v31 =	vld [tilespmem:s13+$0xA280];
	v33 =	vadd.f32 v49, v33;
	v62 =	vmul.f32 v55, v24;
	v34 =	vadd.f32 v59, v32  }
0x209: {  	v14 =	vadd.f32 v53, v14;
	v32 =	vld [tilespmem:s13+$0xAA80];
	v63 =	vmul.f32 v57, v23;
	v39 =	vadd.f32 v61, v37  }
0x20a: {  	v41 =	vmul.f32 v35, v23;
	v38 =	vadd.f32 v55, v33;
	v33 =	vld [tilespmem:s13+$0xA300];
	v37 =	vadd.f32 v62, v34  }
0x20b: {  	s14 =	simm.s32 $0x10;
	v40 =	vadd.f32 v57, v42;
	v42 =	vmul.f32 v36, v4;
	v34 =	vld [tilespmem:s13+$0xAB00];
	v39 =	vadd.f32 v63, v39  }
.LBB2_5:
0x20c: {  	p0 =	sne.s32 s14, $0xF0;
	v37 =	vadd.f32 v41, v37;
	v35 =	vadd.f32 v35, v38;
	v38 =	vmul.f32 v30, v4;
	v41 =	vld [tilespmem:s13+$0xA380]  }
0x20d: {  	v39 =	vadd.f32 v42, v39;
	v36 =	vadd.f32 v36, v40;
	v40 =	vmul.f32 v31, v1;
	v42 =	vld [tilespmem:s13+$0xAB80]  }
0x20e: {  	v43 =	vld [tilespmem:s13+$0xB000];
	v37 =	vadd.f32 v38, v37;
	v30 =	vadd.f32 v30, v35;
	v35 =	vmul.f32 v32, v1  }
0x20f: {  	v38 =	vld [tilespmem:s13+$0xB800];
	v39 =	vadd.f32 v40, v39;
	v31 =	vadd.f32 v31, v36;
	v36 =	vmul.f32 v33, v2  }
0x210: {  	v40 =	vld [tilespmem:s13+$0xB080];
	v35 =	vadd.f32 v35, v37;
	v30 =	vadd.f32 v32, v30;
	v32 =	vmul.f32 v34, v2  }
0x211: {  	v37 =	vld [tilespmem:s13+$0xB880];
	v36 =	vadd.f32 v36, v39;
	v31 =	vadd.f32 v33, v31;
	v33 =	vmul.f32 v41, v3  }
0x212: {  	v39 =	vld [tilespmem:s13+$0xB100];
	v32 =	vadd.f32 v32, v35;
	v34 =	vadd.f32 v34, v30;
	v35 =	vmul.f32 v42, v3  }
0x213: {  	v44 =	vmul.f32 v43, v26;
	v45 =	vld [tilespmem:s13+$0xB900];
	v30 =	vadd.f32 v33, v36;
	v31 =	vadd.f32 v41, v31  }
0x214: {  	v26 =	vmul.f32 v38, v26;
	v36 =	vld [tilespmem:s13+$0xB180];
	v32 =	vadd.f32 v35, v32;
	v33 =	vadd.f32 v42, v34  }
0x215: {  	v27 =	vadd.f32 v43, v27;
	v22 =	vadd.f32 v44, v22;
	v34 =	vmul.f32 v40, v25;
	v35 =	vld [tilespmem:s13+$0xB980]  }
0x216: {  	v26 =	vadd.f32 v26, v28;
	v28 =	vadd.f32 v38, v29;
	v25 =	vmul.f32 v37, v25;
	v29 =	vld [tilespmem:s13+$0xB200]  }
0x217: {  	v27 =	vadd.f32 v40, v27;
	v22 =	vadd.f32 v34, v22;
	v34 =	vmul.f32 v39, v24;
	v38 =	vld [tilespmem:s13+$0xBA00]  }
0x218: {  	v25 =	vadd.f32 v25, v26;
	v26 =	vadd.f32 v37, v28;
	v24 =	vmul.f32 v45, v24;
	v28 =	vld [tilespmem:s13+$0xB280]  }
0x219: {  	v27 =	vadd.f32 v39, v27;
	v22 =	vadd.f32 v34, v22;
	v34 =	vmul.f32 v36, v23;
	v37 =	vld [tilespmem:s13+$0xBA80]  }
0x21a: {  	v24 =	vadd.f32 v24, v25;
	v25 =	vadd.f32 v45, v26;
	v23 =	vmul.f32 v35, v23;
	v26 =	vld [tilespmem:s13+$0xB300]  }
0x21b: {  	s12 =	sadd.s32 $0x80, s12;
	v27 =	vadd.f32 v36, v27;
	v22 =	vadd.f32 v34, v22;
	v34 =	vmul.f32 v29, v4;
	v36 =	vld [tilespmem:s13+$0xBB00]  }
0x21c: {  	s18 =	sand.u32 $0x70, s14;
	s19 =	sand.u32 $0x400, s12;
	v23 =	vadd.f32 v23, v24;
	v24 =	vadd.f32 v35, v25;
	v4 =	vmul.f32 v38, v4;
	v25 =	vld [tilespmem:s13+$0xB380]  }
0x21d: {  	v27 =	vadd.f32 v29, v27;
	v22 =	vadd.f32 v34, v22;
	v29 =	vmul.f32 v28, v1;
	v34 =	vld [tilespmem:s13+$0xBB80];
	s13 =	sor.u32 s18, s19  }
0x21e: {  	v35 =	vld [tilespmem:s13+$0xC800];
	v4 =	vadd.f32 v4, v23;
	v23 =	vadd.f32 v38, v24;
	v1 =	vmul.f32 v37, v1  }
0x21f: {  	v24 =	vadd.f32 v28, v27;
	v22 =	vadd.f32 v29, v22;
	v27 =	vmul.f32 v26, v2  }
0x220: {  	v38 =	vld [tilespmem:s13+$0xC880];
	v1 =	vadd.f32 v1, v4;
	v4 =	vadd.f32 v37, v23;
	v2 =	vmul.f32 v36, v2  }
0x221: {  	v23 =	vadd.f32 v26, v24;
	v22 =	vadd.f32 v27, v22;
	v24 =	vmul.f32 v25, v3  }
0x222: {  	v37 =	vld [tilespmem:s13+$0xC900];
	v1 =	vadd.f32 v2, v1;
	v2 =	vadd.f32 v36, v4;
	v3 =	vmul.f32 v34, v3  }
0x223: {  	v27 =	vadd.f32 v25, v23;
	vm0 =	vgt.f32 v35, $5.000000000e-01;
	v22 =	vadd.f32 v24, v22  }
0x224: {  	v26 =	vsel vm0, $0x3F800000, v0;
	v4 =	vld [tilespmem:s13+$0xC980];
	v28 =	vadd.f32 v3, v1;
	v29 =	vadd.f32 v34, v2  }
0x225: {  	v1 =	vadd.f32 v26, v5;
	vm0 =	vgt.f32 v38, $5.000000000e-01  }
0x226: {  	v25 =	vsel vm0, $0x3F800000, v0;
	v2 =	vld [tilespmem:s13+$0xCA00]  }
0x227: {  	v1 =	vadd.f32 v25, v1;
	vm0 =	vgt.f32 v37, $5.000000000e-01  }
0x228: {  	v24 =	vsel vm0, $0x3F800000, v0;
	v3 =	vld [tilespmem:s13+$0xCA80]  }
0x229: {  	v1 =	vadd.f32 v24, v1;
	vm0 =	vgt.f32 v4, $5.000000000e-01  }
0x22a: {  	v23 =	vsel vm0, $0x3F800000, v0;
	v5 =	vld [tilespmem:s13+$0xCB00]  }
0x22b: {  	v1 =	vadd.f32 v23, v1;
	vm0 =	vgt.f32 v2, $5.000000000e-01  }
0x22c: {  	v4 =	vsel vm0, $0x3F800000, v0;
	v34 =	vld [tilespmem:s13+$0xCB80]  }
0x22d: {  	v35 =	vld [tilespmem:s13+$0x6000];
	v2 =	vadd.f32 v4, v1;
	vm0 =	vgt.f32 v3, $5.000000000e-01  }
0x22e: {  	v36 =	vld [tilespmem:s13+$0x6800];
	v1 =	vsel vm0, $0x3F800000, v0  }
0x22f: {  	v37 =	vld [tilespmem:s13+$0x6080];
	v3 =	vadd.f32 v1, v2;
	vm0 =	vgt.f32 v5, $5.000000000e-01  }
0x230: {  	v38 =	vld [tilespmem:s13+$0x6880];
	v2 =	vsel vm0, $0x3F800000, v0  }
0x231: {  	v39 =	vld [tilespmem:s13+$0x6100];
	v5 =	vadd.f32 v2, v3;
	vm0 =	vgt.f32 v34, $5.000000000e-01  }
0x232: {  	v34 =	vmul.f32 v26, v35;
	v40 =	vld [tilespmem:s13+$0x6900];
	v3 =	vsel vm0, $0x3F800000, v0  }
0x233: {  	v41 =	vmul.f32 v26, v36;
	v42 =	vld [tilespmem:s13+$0x6180];
	v5 =	vadd.f32 v3, v5  }
0x234: {  	v13 =	vadd.f32 v35, v13;
	v21 =	vadd.f32 v34, v21;
	v34 =	vmul.f32 v25, v37;
	v35 =	vld [tilespmem:s13+$0x6980]  }
0x235: {  	v12 =	vadd.f32 v36, v12;
	v20 =	vadd.f32 v41, v20;
	v36 =	vmul.f32 v25, v38;
	v41 =	vld [tilespmem:s13+$0x6200]  }
0x236: {  	v13 =	vadd.f32 v37, v13;
	v21 =	vadd.f32 v34, v21;
	v34 =	vmul.f32 v24, v39;
	v37 =	vld [tilespmem:s13+$0x6A00]  }
0x237: {  	v12 =	vadd.f32 v38, v12;
	v20 =	vadd.f32 v36, v20;
	v36 =	vmul.f32 v24, v40;
	v38 =	vld [tilespmem:s13+$0x6280]  }
0x238: {  	v13 =	vadd.f32 v39, v13;
	v21 =	vadd.f32 v34, v21;
	v34 =	vmul.f32 v23, v42;
	v39 =	vld [tilespmem:s13+$0x6A80]  }
0x239: {  	v12 =	vadd.f32 v40, v12;
	v20 =	vadd.f32 v36, v20;
	v36 =	vmul.f32 v23, v35;
	v40 =	vld [tilespmem:s13+$0x6300]  }
0x23a: {  	v13 =	vadd.f32 v42, v13;
	v21 =	vadd.f32 v34, v21;
	v34 =	vmul.f32 v4, v41;
	v42 =	vld [tilespmem:s13+$0x6B00]  }
0x23b: {  	v12 =	vadd.f32 v35, v12;
	v20 =	vadd.f32 v36, v20;
	v35 =	vmul.f32 v4, v37;
	v36 =	vld [tilespmem:s13+$0x6380]  }
0x23c: {  	v13 =	vadd.f32 v41, v13;
	v21 =	vadd.f32 v34, v21;
	v34 =	vmul.f32 v1, v38;
	v41 =	vld [tilespmem:s13+$0x6B80]  }
0x23d: {  	v12 =	vadd.f32 v37, v12;
	v43 =	vld [tilespmem:s13+$0x7000];
	v20 =	vadd.f32 v35, v20;
	v35 =	vmul.f32 v1, v39  }
0x23e: {  	v13 =	vadd.f32 v38, v13;
	v37 =	vld [tilespmem:s13+$0x7800];
	v21 =	vadd.f32 v34, v21;
	v34 =	vmul.f32 v2, v40  }
0x23f: {  	v12 =	vadd.f32 v39, v12;
	v38 =	vld [tilespmem:s13+$0x7080];
	v20 =	vadd.f32 v35, v20;
	v35 =	vmul.f32 v2, v42  }
0x240: {  	v13 =	vadd.f32 v40, v13;
	v39 =	vld [tilespmem:s13+$0x7880];
	v21 =	vadd.f32 v34, v21;
	v34 =	vmul.f32 v3, v36  }
0x241: {  	v12 =	vadd.f32 v42, v12;
	v40 =	vld [tilespmem:s13+$0x7100];
	v20 =	vadd.f32 v35, v20;
	v35 =	vmul.f32 v3, v41  }
0x242: {  	v13 =	vadd.f32 v36, v13;
	v42 =	vmul.f32 v43, v26;
	v44 =	vld [tilespmem:s13+$0x7900];
	v21 =	vadd.f32 v34, v21  }
0x243: {  	v12 =	vadd.f32 v41, v12;
	v34 =	vmul.f32 v37, v26;
	v36 =	vld [tilespmem:s13+$0x7180];
	v20 =	vadd.f32 v35, v20  }
0x244: {  	v11 =	vadd.f32 v43, v11;
	v19 =	vadd.f32 v42, v19;
	v35 =	vmul.f32 v38, v25;
	v41 =	vld [tilespmem:s13+$0x7980]  }
0x245: {  	v10 =	vadd.f32 v37, v10;
	v18 =	vadd.f32 v34, v18;
	v34 =	vmul.f32 v39, v25;
	v37 =	vld [tilespmem:s13+$0x7200]  }
0x246: {  	v11 =	vadd.f32 v38, v11;
	v19 =	vadd.f32 v35, v19;
	v35 =	vmul.f32 v40, v24;
	v38 =	vld [tilespmem:s13+$0x7A00]  }
0x247: {  	v10 =	vadd.f32 v39, v10;
	v18 =	vadd.f32 v34, v18;
	v34 =	vmul.f32 v44, v24;
	v39 =	vld [tilespmem:s13+$0x7280]  }
0x248: {  	v11 =	vadd.f32 v40, v11;
	v19 =	vadd.f32 v35, v19;
	v35 =	vmul.f32 v36, v23;
	v40 =	vld [tilespmem:s13+$0x7A80]  }
0x249: {  	v10 =	vadd.f32 v44, v10;
	v18 =	vadd.f32 v34, v18;
	v34 =	vmul.f32 v41, v23;
	v42 =	vld [tilespmem:s13+$0x7300]  }
0x24a: {  	v11 =	vadd.f32 v36, v11;
	v19 =	vadd.f32 v35, v19;
	v35 =	vmul.f32 v37, v4;
	v36 =	vld [tilespmem:s13+$0x7B00]  }
0x24b: {  	v10 =	vadd.f32 v41, v10;
	v18 =	vadd.f32 v34, v18;
	v34 =	vmul.f32 v38, v4;
	v41 =	vld [tilespmem:s13+$0x7380]  }
0x24c: {  	v11 =	vadd.f32 v37, v11;
	v19 =	vadd.f32 v35, v19;
	v35 =	vmul.f32 v39, v1;
	v37 =	vld [tilespmem:s13+$0x7B80]  }
0x24d: {  	v10 =	vadd.f32 v38, v10;
	v43 =	vld [tilespmem:s13+$0x8000];
	v18 =	vadd.f32 v34, v18;
	v34 =	vmul.f32 v40, v1  }
0x24e: {  	v11 =	vadd.f32 v39, v11;
	v38 =	vld [tilespmem:s13+$0x8800];
	v19 =	vadd.f32 v35, v19;
	v35 =	vmul.f32 v42, v2  }
0x24f: {  	v10 =	vadd.f32 v40, v10;
	v39 =	vld [tilespmem:s13+$0x8080];
	v18 =	vadd.f32 v34, v18;
	v34 =	vmul.f32 v36, v2  }
0x250: {  	v11 =	vadd.f32 v42, v11;
	v40 =	vld [tilespmem:s13+$0x8880];
	v19 =	vadd.f32 v35, v19;
	v35 =	vmul.f32 v41, v3  }
0x251: {  	v10 =	vadd.f32 v36, v10;
	v42 =	vld [tilespmem:s13+$0x8100];
	v18 =	vadd.f32 v34, v18;
	v34 =	vmul.f32 v37, v3  }
0x252: {  	v11 =	vadd.f32 v41, v11;
	v36 =	vmul.f32 v43, v26;
	v44 =	vld [tilespmem:s13+$0x8900];
	v19 =	vadd.f32 v35, v19  }
0x253: {  	v10 =	vadd.f32 v37, v10;
	v35 =	vmul.f32 v38, v26;
	v41 =	vld [tilespmem:s13+$0x8180];
	v18 =	vadd.f32 v34, v18  }
0x254: {  	v9 =	vadd.f32 v43, v9;
	v17 =	vadd.f32 v36, v17;
	v34 =	vmul.f32 v39, v25;
	v36 =	vld [tilespmem:s13+$0x8980]  }
0x255: {  	v8 =	vadd.f32 v38, v8;
	v16 =	vadd.f32 v35, v16;
	v35 =	vmul.f32 v40, v25;
	v37 =	vld [tilespmem:s13+$0x8200]  }
0x256: {  	v9 =	vadd.f32 v39, v9;
	v17 =	vadd.f32 v34, v17;
	v34 =	vmul.f32 v42, v24;
	v38 =	vld [tilespmem:s13+$0x8A00]  }
0x257: {  	v8 =	vadd.f32 v40, v8;
	v16 =	vadd.f32 v35, v16;
	v35 =	vmul.f32 v44, v24;
	v39 =	vld [tilespmem:s13+$0x8280]  }
0x258: {  	v9 =	vadd.f32 v42, v9;
	v17 =	vadd.f32 v34, v17;
	v34 =	vmul.f32 v41, v23;
	v40 =	vld [tilespmem:s13+$0x8A80]  }
0x259: {  	v8 =	vadd.f32 v44, v8;
	v16 =	vadd.f32 v35, v16;
	v35 =	vmul.f32 v36, v23;
	v42 =	vld [tilespmem:s13+$0x8300]  }
0x25a: {  	v9 =	vadd.f32 v41, v9;
	v17 =	vadd.f32 v34, v17;
	v34 =	vmul.f32 v37, v4;
	v41 =	vld [tilespmem:s13+$0x8B00]  }
0x25b: {  	v8 =	vadd.f32 v36, v8;
	v16 =	vadd.f32 v35, v16;
	v35 =	vmul.f32 v38, v4;
	v36 =	vld [tilespmem:s13+$0x8380]  }
0x25c: {  	v9 =	vadd.f32 v37, v9;
	v17 =	vadd.f32 v34, v17;
	v34 =	vmul.f32 v39, v1;
	v37 =	vld [tilespmem:s13+$0x8B80]  }
0x25d: {  	v8 =	vadd.f32 v38, v8;
	v43 =	vld [tilespmem:s13+$0x9000];
	v16 =	vadd.f32 v35, v16;
	v35 =	vmul.f32 v40, v1  }
0x25e: {  	v9 =	vadd.f32 v39, v9;
	v38 =	vld [tilespmem:s13+$0x9800];
	v17 =	vadd.f32 v34, v17;
	v34 =	vmul.f32 v42, v2  }
0x25f: {  	v8 =	vadd.f32 v40, v8;
	v39 =	vld [tilespmem:s13+$0x9080];
	v16 =	vadd.f32 v35, v16;
	v35 =	vmul.f32 v41, v2  }
0x260: {  	v9 =	vadd.f32 v42, v9;
	v40 =	vld [tilespmem:s13+$0x9880];
	v17 =	vadd.f32 v34, v17;
	v34 =	vmul.f32 v36, v3  }
0x261: {  	v8 =	vadd.f32 v41, v8;
	v42 =	vld [tilespmem:s13+$0x9100];
	v16 =	vadd.f32 v35, v16;
	v35 =	vmul.f32 v37, v3  }
0x262: {  	v9 =	vadd.f32 v36, v9;
	v41 =	vmul.f32 v43, v26;
	v44 =	vld [tilespmem:s13+$0x9900];
	v17 =	vadd.f32 v34, v17  }
0x263: {  	v8 =	vadd.f32 v37, v8;
	v34 =	vmul.f32 v38, v26;
	v36 =	vld [tilespmem:s13+$0x9180];
	v16 =	vadd.f32 v35, v16  }
0x264: {  	v7 =	vadd.f32 v43, v7;
	v15 =	vadd.f32 v41, v15;
	v35 =	vmul.f32 v39, v25;
	v37 =	vld [tilespmem:s13+$0x9980]  }
0x265: {  	v6 =	vadd.f32 v38, v6;
	v14 =	vadd.f32 v34, v14;
	v34 =	vmul.f32 v40, v25;
	v38 =	vld [tilespmem:s13+$0x9200]  }
0x266: {  	v7 =	vadd.f32 v39, v7;
	v15 =	vadd.f32 v35, v15;
	v35 =	vmul.f32 v42, v24;
	v39 =	vld [tilespmem:s13+$0x9A00]  }
0x267: {  	v6 =	vadd.f32 v40, v6;
	v14 =	vadd.f32 v34, v14;
	v34 =	vmul.f32 v44, v24;
	v40 =	vld [tilespmem:s13+$0x9280]  }
0x268: {  	v7 =	vadd.f32 v42, v7;
	v15 =	vadd.f32 v35, v15;
	v35 =	vmul.f32 v36, v23;
	v41 =	vld [tilespmem:s13+$0x9A80]  }
0x269: {  	v6 =	vadd.f32 v44, v6;
	v14 =	vadd.f32 v34, v14;
	v34 =	vmul.f32 v37, v23;
	v42 =	vld [tilespmem:s13+$0x9300]  }
0x26a: {  	v7 =	vadd.f32 v36, v7;
	v15 =	vadd.f32 v35, v15;
	v35 =	vmul.f32 v38, v4;
	v36 =	vld [tilespmem:s13+$0x9B00]  }
0x26b: {  	v6 =	vadd.f32 v37, v6;
	v14 =	vadd.f32 v34, v14;
	v34 =	vmul.f32 v39, v4;
	v37 =	vld [tilespmem:s13+$0x9380]  }
0x26c: {  	v7 =	vadd.f32 v38, v7;
	v15 =	vadd.f32 v35, v15;
	v35 =	vmul.f32 v40, v1;
	v38 =	vld [tilespmem:s13+$0x9B80]  }
0x26d: {  	v6 =	vadd.f32 v39, v6;
	v43 =	vld [tilespmem:s13+$0xA000];
	v14 =	vadd.f32 v34, v14;
	v34 =	vmul.f32 v41, v1  }
0x26e: {  	v7 =	vadd.f32 v40, v7;
	v39 =	vld [tilespmem:s13+$0xA800];
	v15 =	vadd.f32 v35, v15;
	v35 =	vmul.f32 v42, v2  }
0x26f: {  	v6 =	vadd.f32 v41, v6;
	v40 =	vld [tilespmem:s13+$0xA080];
	v14 =	vadd.f32 v34, v14;
	v34 =	vmul.f32 v36, v2  }
0x270: {  	v7 =	vadd.f32 v42, v7;
	v41 =	vld [tilespmem:s13+$0xA880];
	v15 =	vadd.f32 v35, v15;
	v35 =	vmul.f32 v37, v3  }
0x271: {  	v6 =	vadd.f32 v36, v6;
	v42 =	vld [tilespmem:s13+$0xA100];
	v14 =	vadd.f32 v34, v14;
	v34 =	vmul.f32 v38, v3  }
0x272: {  	v7 =	vadd.f32 v37, v7;
	v36 =	vmul.f32 v43, v26;
	v44 =	vld [tilespmem:s13+$0xA900];
	v15 =	vadd.f32 v35, v15  }
0x273: {  	v6 =	vadd.f32 v38, v6;
	v37 =	vmul.f32 v39, v26;
	v45 =	vld [tilespmem:s13+$0xA180];
	v14 =	vadd.f32 v34, v14  }
0x274: {  	v31 =	vadd.f32 v43, v31;
	v30 =	vadd.f32 v36, v30;
	v34 =	vmul.f32 v40, v25;
	v35 =	vld [tilespmem:s13+$0xA980]  }
0x275: {  	v33 =	vadd.f32 v39, v33;
	v32 =	vadd.f32 v37, v32;
	v37 =	vmul.f32 v41, v25;
	v36 =	vld [tilespmem:s13+$0xA200]  }
.Ltmp1:
0x276: {  	v38 =	vadd.f32 v40, v31;
	v34 =	vadd.f32 v34, v30;
	v39 =	vmul.f32 v42, v24;
	v30 =	vld [tilespmem:s13+$0xAA00];
	(pc) =	sbr.rel @p0 .LBB2_5-.Ltmp1, $4  }
0x277: {  	v33 =	vadd.f32 v41, v33;
	v37 =	vadd.f32 v37, v32;
	v40 =	vmul.f32 v44, v24;
	v31 =	vld [tilespmem:s13+$0xA280]  }
0x278: {  	v42 =	vadd.f32 v42, v38;
	v34 =	vadd.f32 v39, v34;
	v39 =	vmul.f32 v45, v23;
	v32 =	vld [tilespmem:s13+$0xAA80]  }
0x279: {  	v38 =	vadd.f32 v44, v33;
	v37 =	vadd.f32 v40, v37;
	v41 =	vmul.f32 v35, v23;
	v33 =	vld [tilespmem:s13+$0xA300]  }
0x27a: {  	s14 =	sadd.s32 $0x10, s14;
	v40 =	vadd.f32 v45, v42;
	v39 =	vadd.f32 v39, v34;
	v42 =	vmul.f32 v36, v4;
	v34 =	vld [tilespmem:s13+$0xAB00]  }
0x27b: {  	v37 =	vadd.f32 v41, v37;
	v35 =	vadd.f32 v35, v38;
	v49 =	vmul.f32 v30, v4;
	v50 =	vld [tilespmem:s13+$0xA380]  }
0x27c: {  	v43 =	vld [tilespmem:s13+$0xB000];
	v39 =	vadd.f32 v42, v39;
	v36 =	vadd.f32 v36, v40;
	v51 =	vmul.f32 v31, v1  }
0x27d: {  	v54 =	vld [tilespmem:s13+$0xB800];
	v37 =	vadd.f32 v49, v37;
	v30 =	vadd.f32 v30, v35;
	v53 =	vmul.f32 v32, v1  }
0x27e: {  	v52 =	vld [tilespmem:s13+$0xAB80];
	v39 =	vadd.f32 v51, v39;
	v31 =	vadd.f32 v31, v36;
	v55 =	vmul.f32 v33, v2  }
0x27f: {  	v56 =	vld [tilespmem:s13+$0xB080];
	v35 =	vadd.f32 v53, v37;
	v30 =	vadd.f32 v32, v30;
	v57 =	vmul.f32 v34, v2  }
0x280: {  	v58 =	vld [tilespmem:s13+$0xB880];
	v36 =	vadd.f32 v55, v39;
	v31 =	vadd.f32 v33, v31;
	v59 =	vmul.f32 v50, v3  }
0x281: {  	v60 =	vld [tilespmem:s13+$0xB100];
	v62 =	vmul.f32 v43, v26;
	v27 =	vadd.f32 v43, v27;
	v32 =	vadd.f32 v57, v35  }
0x282: {  	v44 =	vld [tilespmem:s13+$0xB900];
	v63 =	vmul.f32 v54, v26;
	v30 =	vadd.f32 v34, v30;
	v33 =	vadd.f32 v59, v36  }
0x283: {  	v41 =	vld [tilespmem:s13+$0xB180];
	v61 =	vmul.f32 v52, v3;
	v31 =	vadd.f32 v50, v31;
	v22 =	vadd.f32 v62, v22  }
0x284: {  	v45 =	vld [tilespmem:s13+$0xB980];
	v43 =	vmul.f32 v56, v25;
	v26 =	vadd.f32 v63, v28;
	v28 =	vadd.f32 v54, v29  }
0x285: {  	v46 =	vmul.f32 v58, v25;
	v29 =	vld [tilespmem:s13+$0xB200];
	v27 =	vadd.f32 v56, v27;
	v32 =	vadd.f32 v61, v32  }
0x286: {  	v48 =	vld [tilespmem:s13+$0xBA00];
	v47 =	vmul.f32 v60, v24;
	v30 =	vadd.f32 v52, v30;
	v22 =	vadd.f32 v43, v22  }
0x287: {  	v50 =	vmul.f32 v44, v24;
	v25 =	vadd.f32 v46, v26;
	v49 =	vadd.f32 v58, v28;
	v28 =	vld [tilespmem:s13+$0xB280]  }
0x288: {  	v51 =	vmul.f32 v41, v23;
	v52 =	vld [tilespmem:s13+$0xBA80];
	v27 =	vadd.f32 v60, v27;
	v22 =	vadd.f32 v47, v22  }
0x289: {  	v23 =	vmul.f32 v45, v23;
	v54 =	vld [tilespmem:s13+$0xB300];
	v24 =	vadd.f32 v50, v25;
	v53 =	vadd.f32 v44, v49  }
0x28a: {  	v56 =	vld [tilespmem:s13+$0xBB00];
	v27 =	vadd.f32 v41, v27;
	v55 =	vmul.f32 v29, v4;
	v22 =	vadd.f32 v51, v22  }
0x28b: {  	v58 =	vld [tilespmem:s13+$0xB380];
	v4 =	vmul.f32 v48, v4;
	v23 =	vadd.f32 v23, v24;
	v57 =	vadd.f32 v45, v53  }
0x28c: {  	v59 =	vld [tilespmem:s13+$0xBB80];
	v27 =	vadd.f32 v29, v27;
	v29 =	vmul.f32 v28, v1;
	v22 =	vadd.f32 v55, v22  }
0x28d: {  	s0 =	sadd.s32 $0x1, s0;
	v1 =	vmul.f32 v52, v1;
	v4 =	vadd.f32 v4, v23;
	v23 =	vadd.f32 v48, v57  }
0x28e: {  	p0 =	sne.s32 s0, $0x40;
	v61 =	vmul.f32 v54, v2;
	v60 =	vadd.f32 v28, v27;
	v22 =	vadd.f32 v29, v22  }
.Ltmp2:
0x28f: {  	v2 =	vmul.f32 v56, v2;
	v1 =	vadd.f32 v1, v4;
	v4 =	vadd.f32 v52, v23;
	(pc) =	sbr.rel @p0 .LBB2_2-.Ltmp2, $4  }
0x290: {  	v62 =	vmul.f32 v58, v3;
	v23 =	vadd.f32 v54, v60;
	v22 =	vadd.f32 v61, v22  }
0x291: {  	v3 =	vmul.f32 v59, v3;
	v1 =	vadd.f32 v2, v1;
	v63 =	vadd.f32 v56, v4  }
0x292: {  	v2 =	vadd.f32 v58, v23;
	v4 =	vadd.f32 v62, v22  }
0x293: {  	v3 =	vadd.f32 v3, v1;
	v1 =	vadd.f32 v59, v63  }
0x294: {  	_ =	swait.ge [sflag:s4], $0x800  }
0x295: {  	[sflag:s4] =	ssyncset.done $0x0  }
0x296: {  	[sflag:s4] =	ssyncadd.s32 $0xFFFFF800  }
0x297: {  	_ =	swait.ge [sflag:s4], $0x800  }
0x298: {  	[sflag:s4] =	ssyncset.done $0x0  }
0x299: {  	[sflag:s4] =	ssyncadd.s32 $0xFFFFF800  }
0x29a: {  	_ =	swait.ge [sflag:s4], $0x800  }
0x29b: {  	[sflag:s4] =	ssyncset.done $0x0  }
0x29c: {  	[sflag:s4] =	ssyncadd.s32 $0xFFFFF800  }
0x29d: {  	_ =	swait.ge [sflag:s4], $0x800  }
0x29e: {  	[sflag:s4] =	ssyncset.done $0x0  }
0x29f: {  	[sflag:s4] =	ssyncadd.s32 $0xFFFFF800  }
0x2a0: {  	_ =	swait.ge [sflag:s4], $0x800  }
0x2a1: {  	[sflag:s4] =	ssyncset.done $0x0  }
0x2a2: {  	[sflag:s4] =	ssyncadd.s32 $0xFFFFF800  }
0x2a3: {  	_ =	swait.ge [sflag:s4], $0x800  }
0x2a4: {  	[sflag:s4] =	ssyncset.done $0x0  }
0x2a5: {  	[sflag:s4] =	ssyncadd.s32 $0xFFFFF800  }
0x2a6: {  	_ =	swait.ge [sflag:s4], $0x800  }
0x2a7: {  	[sflag:s4] =	ssyncset.done $0x0  }
0x2a8: {  	[sflag:s4] =	ssyncadd.s32 $0xFFFFF800  }
0x2a9: {  	_ =	swait.ge [sflag:s4], $0x800  }
0x2aa: {  	[sflag:s4] =	ssyncset.done $0x0  }
0x2ab: {  	[sflag:s4] =	ssyncadd.s32 $0xFFFFF800  }
0x2ac: {  	_ =	swait.ge [sflag:s4], $0x800  }
0x2ad: {  	[sflag:s4] =	ssyncset.done $0x0  }
0x2ae: {  	[sflag:s4] =	ssyncadd.s32 $0xFFFFF800  }
0x2af: {  	_ =	swait.ge [sflag:s4], $0x800  }
0x2b0: {  	[sflag:s4] =	ssyncset.done $0x0  }
0x2b1: {  	[sflag:s4] =	ssyncadd.s32 $0xFFFFF800  }
0x2b2: {  	_ =	swait.ge [sflag:s4], $0x800  }
0x2b3: {  	[sflag:s4] =	ssyncset.done $0x0  }
0x2b4: {  	[sflag:s4] =	ssyncadd.s32 $0xFFFFF800  }
0x2b5: {  	_ =	swait.ge [sflag:s4], $0x800  }
0x2b6: {  	[sflag:s4] =	ssyncset.done $0x0  }
0x2b7: {  	[sflag:s4] =	ssyncadd.s32 $0xFFFFF800  }
0x2b8: {  	_ =	swait.ge [sflag:s4], $0x800  }
0x2b9: {  	[sflag:s4] =	ssyncset.done $0x0  }
0x2ba: {  	[sflag:s4] =	ssyncadd.s32 $0xFFFFF800  }
0x2bb: {  	[tilespmem:$0xD000] =	vst v5  }
0x2bc: {  	[tilespmem:$0xD080] =	vst v21  }
0x2bd: {  	[tilespmem:$0xD100] =	vst v20  }
0x2be: {  	[tilespmem:$0xD180] =	vst v19  }
0x2bf: {  	[tilespmem:$0xD200] =	vst v18  }
0x2c0: {  	[tilespmem:$0xD280] =	vst v17  }
0x2c1: {  	[tilespmem:$0xD300] =	vst v16  }
0x2c2: {  	[tilespmem:$0xD380] =	vst v15  }
0x2c3: {  	[tilespmem:$0xD400] =	vst v14  }
0x2c4: {  	[tilespmem:$0xD480] =	vst v33  }
0x2c5: {  	[tilespmem:$0xD500] =	vst v32  }
0x2c6: {  	[tilespmem:$0xD580] =	vst v4  }
0x2c7: {  	[tilespmem:$0xD600] =	vst v3  }
0x2c8: {  	[tilespmem:$0xD680] =	vst v13  }
0x2c9: {  	[tilespmem:$0xD700] =	vst v12  }
0x2ca: {  	[tilespmem:$0xD780] =	vst v11  }
0x2cb: {  	[tilespmem:$0xD800] =	vst v10  }
0x2cc: {  	[tilespmem:$0xD880] =	vst v9  }
0x2cd: {  	[tilespmem:$0xD900] =	vst v8  }
0x2ce: {  	[tilespmem:$0xD980] =	vst v7  }
0x2cf: {  	[tilespmem:$0xDA00] =	vst v6  }
0x2d0: {  	[tilespmem:$0xDA80] =	vst v31  }
0x2d1: {  	[tilespmem:$0xDB00] =	vst v30  }
0x2d2: {  	s12 =	simm.s32 $0x0;
	[tilespmem:$0xDB80] =	vst v2  }
0x2d3: {  	s13 =	simm.s32 $0xD000;
	s23 =	simm.s32 $0x3;
	s0 =	rddreg [dreg:$0xb];
	[tilespmem:$0xDC00] =	vst v1  }
0x2d4: {  	[hbm4b:s0+s12] =	stream.linear.scatter [tilespmem:s13], [sflag:$0x3], $0xC80, $0x38;
	[tilespmem:$0xE000] =	vst v63  }
0x2d5: {  	_ =	swait.ge [sflag:s23], $0xC80  }
0x2d6: {  	s14 =	rddreg [dreg:$0x13]  }
0x2d7: {  	s24 =	rddreg [dreg:$0x12];
	s14 =	sadd.s32 $0x1, s14  }
0x2d8: {  	p0 =	sne.s32 s14, s24  }
.Ltmp3:
0x2d9: {  	_ = 	snop;
	(pc) =	sbr.rel @p0 .LBB2_1-.Ltmp3, $3  }
0x2da: {  	_ =	sdelay $0x1  }
0x2db: {  	[sflag:s23] =	ssyncset.done $0x0  }
0x2dc: {  	[sflag:s23] =	ssyncadd.s32 $0xFFFFF380  }
0x2dd: {  	_ =	sfence.sel $0x180000  }
0x2de: {  	[bflag:$0x0] =	sbarrier.arrive $0xFFFF  }
0x2df: {  	_ =	strace $0x90000047  }
0x2e0: {  	s0 =	stileid.u32;
	[bflag:$0x2] =	sbarrier.arrive $0xFFFF  }
0x2e1: {  	p0 =	sne.s32 s0, $0x0;
	s0 =	rddreg [dreg:$0x3]  }
0x2e2: {  	s0 =	sadd.s32 @!p0 $0x100000, s0  }
0x2e3: {  	[sflag:s0] =	ssyncadd.tile.s32 @!p0 $0x1;
	_ =	shalt  }
.Lfunc_end2:
_tile_overlayer_lowered:
.L_overlay_start_2:
0x2e4: {  	(tag) =	ssettag $0x2  }
0x2e5: {  	s0 =	rddreg [dreg:$0x0];
	s2 =	stileid.u32  }
0x2e6: {  	s1 =	rddreg [dreg:$0x1];
	p0 =	sne.s32 s2, $0x0  }
0x2e7: {  	s3 =	rddreg [dreg:$0x2];
	[bflag:$0x3] =	sbarrier.arrive $0xFFFF;
	s2 =	simm.s32 @!p0 $0x1C03  }
0x2e8: {  	[timem:s3], [sflag:s2] =	dma.local @!p0 [hbm:s0], s1  }
0x2e9: {  	s0 =	simm.s32 @!p0 $0x3  }
0x2ea: {  	_ =	swait.ge @!p0 [sflag:s0], s1  }
0x2eb: {  	s1 =	ssub.s32 @!p0 $0x0, s1;
	[sflag:s0] =	ssyncset.done @!p0 $0x0  }
0x2ec: {  	[sflag:s0] =	ssyncadd.s32 @!p0 s1  }
0x2ed: {  	[bflag:$0x3] =	sbarrier.arrive $0xFFFF  }
0x2ee: {  	_ =	shalt  }

</sc_bundles>
